<compile_context>
chip_gen: v7x
topology: tpu7x:2x2x1
jax: 0.10.2.dev20260603
libtpu: 0.0.44.dev20260713+nightly
codegen_flags: <defaults>
</compile_context>

<pallas_src>
import dataclasses
import functools

import jax
import jax.numpy as jnp
from jax import lax
from jax.experimental import pallas as pl
from jax.experimental.pallas import tpu as pltpu
from jax.experimental.pallas import tpu_sc as plsc

NC = 2
NS = 16
LANES = 16
B = 96


def _split_chunks(per_worker):
    n_full = per_worker // B
    tail = per_worker - n_full * B
    if tail % 8:
        raise ValueError(f"edge split {per_worker} not 8-aligned with B={B}")
    return n_full, tail


def _sc_compiler_params():
    cp = pltpu.CompilerParams()
    if "needs_layout_passes" in pltpu.CompilerParams.__dataclass_fields__:
        cp = dataclasses.replace(cp, needs_layout_passes=False)
    return cp


def _scale_rows(gath, lvb, n_rows, d):

    @pl.loop(0, n_rows)
    def _(r):
        lvs = lvb[r]
        for j in range(d // LANES):
            sl = pl.ds(j * LANES, LANES)
            gath[r, sl] = gath[r, sl] * lvs


def _zero_fill(zbuf, zrows, d):
    @pl.loop(0, zrows)
    def _(i):
        for j in range(d // LANES):
            zbuf[i, pl.ds(j * LANES, LANES)] = jnp.zeros((LANES,), jnp.float32)


def _pad_rows(n):
    return ((n + NS * 128 - 1) // (NS * 128)) * (NS * 128)


@functools.lru_cache(maxsize=None)
def _spmm_coeffs(n, d, e):
    ew = e // (NC * NS)
    n_full, tail = _split_chunks(ew)
    npad = _pad_rows(n)
    rows_per_sub = npad // NS
    zrows = 64
    mesh = plsc.VectorSubcoreMesh(core_axis_name="c", subcore_axis_name="s")

    scratch = [
        pltpu.VMEM_SHARED((npad, d), jnp.float32),
        pltpu.VMEM((B, d), jnp.float32),
        pltpu.VMEM((B,), jnp.int32),
        pltpu.VMEM((B,), jnp.int32),
        pltpu.VMEM((B, LANES), jnp.float32),
        pltpu.SemaphoreType.DMA,
        pltpu.VMEM((B,), jnp.int32),
        pltpu.VMEM((B,), jnp.int32),
        pltpu.VMEM((B, LANES), jnp.float32),
    ]
    if tail:
        scratch += [
            pltpu.VMEM((tail, d), jnp.float32),
            pltpu.VMEM((tail,), jnp.int32),
            pltpu.VMEM((tail,), jnp.int32),
            pltpu.VMEM((tail, LANES), jnp.float32),
        ]

    @functools.partial(
        pl.kernel,
        mesh=mesh,
        compiler_params=_sc_compiler_params(),
        out_type=jax.ShapeDtypeStruct((NC, npad, d), jnp.float32),
        scratch_types=scratch,
    )
    def k(x_hbm, row_hbm, col_hbm, lvx_hbm, out_hbm, acc, gath, ridx, cidx,
          lvb, sem, ridx2, cidx2, lvb2, *tbufs):
        c = lax.axis_index("c")
        s = lax.axis_index("s")
        wid = s * NC + c
        _zero_fill(gath, zrows, d)
        for t in range(rows_per_sub // zrows):
            pltpu.sync_copy(gath.at[pl.ds(0, zrows)],
                            acc.at[pl.ds(s * rows_per_sub + t * zrows,
                                         zrows)])
        plsc.subcore_barrier()

        base = wid * ew
        set_a = (ridx, cidx, lvb)
        set_b = (ridx2, cidx2, lvb2)

        def issue(bufs, i):
            off = base + i * B
            pltpu.async_copy(row_hbm.at[pl.ds(off, B)], bufs[0], sem)
            pltpu.async_copy(col_hbm.at[pl.ds(off, B)], bufs[1], sem)
            pltpu.async_copy(lvx_hbm.at[pl.ds(off, B)], bufs[2], sem)

        def drain(bufs):
            pltpu.make_async_copy(row_hbm.at[pl.ds(0, B)], bufs[0], sem).wait()
            pltpu.make_async_copy(col_hbm.at[pl.ds(0, B)], bufs[1], sem).wait()
            pltpu.make_async_copy(lvx_hbm.at[pl.ds(0, B)], bufs[2], sem).wait()

        start = n_full % 2
        if start:
            pltpu.sync_copy(row_hbm.at[pl.ds(base, B)], ridx)
            pltpu.sync_copy(col_hbm.at[pl.ds(base, B)], cidx)
            pltpu.sync_copy(lvx_hbm.at[pl.ds(base, B)], lvb)
            pltpu.sync_copy(x_hbm.at[ridx], gath)
            _scale_rows(gath, lvb, B, d)
            pltpu.sync_copy(gath, acc.at[cidx], add=True)
        if n_full > start:
            issue(set_a, start)

            @pl.loop(0, (n_full - start) // 2)
            def _(j):
                for p, (cur, nxt) in enumerate(((set_a, set_b),
                                                (set_b, set_a))):
                    i = start + j * 2 + p
                    drain(cur)
                    issue(nxt, jnp.minimum(i + 1, n_full - 1))
                    pltpu.sync_copy(x_hbm.at[cur[0]], gath)
                    _scale_rows(gath, cur[2], B, d)
                    pltpu.sync_copy(gath, acc.at[cur[1]], add=True)

            drain(set_a)

        if tail:
            gath_t, ridx_t, cidx_t, lvb_t = tbufs
            off = base + n_full * B
            pltpu.sync_copy(row_hbm.at[pl.ds(off, tail)], ridx_t)
            pltpu.sync_copy(col_hbm.at[pl.ds(off, tail)], cidx_t)
            pltpu.sync_copy(lvx_hbm.at[pl.ds(off, tail)], lvb_t)
            pltpu.sync_copy(x_hbm.at[ridx_t], gath_t)
            _scale_rows(gath_t, lvb_t, tail, d)
            pltpu.sync_copy(gath_t, acc.at[cidx_t], add=True)

        plsc.subcore_barrier()
        for t in range(rows_per_sub // zrows):
            r0 = s * rows_per_sub + t * zrows
            pltpu.sync_copy(acc.at[pl.ds(r0, zrows)],
                            out_hbm.at[c, pl.ds(r0, zrows)])

    return k


@functools.lru_cache(maxsize=None)
def _spmm_out(n, d, e, kf_total):
    es = e // NS
    n_full, tail = _split_chunks(es)
    npad = _pad_rows(n)
    rows_per_sub = npad // NS
    zrows = 64
    sweeps = kf_total // NC
    mesh = plsc.VectorSubcoreMesh(core_axis_name="c", subcore_axis_name="s")

    scratch = [
        pltpu.VMEM_SHARED((npad, d), jnp.float32),
        pltpu.VMEM((B, d), jnp.float32),
        pltpu.VMEM((B,), jnp.int32),
        pltpu.VMEM((B,), jnp.int32),
        pltpu.VMEM((B, LANES), jnp.float32),
        pltpu.SemaphoreType.DMA,
        pltpu.VMEM((B,), jnp.int32),
        pltpu.VMEM((B,), jnp.int32),
        pltpu.VMEM((B, LANES), jnp.float32),
    ]
    if tail:
        scratch += [
            pltpu.VMEM((tail, d), jnp.float32),
            pltpu.VMEM((tail,), jnp.int32),
            pltpu.VMEM((tail,), jnp.int32),
            pltpu.VMEM((tail, LANES), jnp.float32),
        ]

    @functools.partial(
        pl.kernel,
        mesh=mesh,
        compiler_params=_sc_compiler_params(),
        out_type=jax.ShapeDtypeStruct((kf_total, npad, d), jnp.float32),
        scratch_types=scratch,
    )
    def k(m_hbm, row_hbm, col_hbm, lvx_hbm, out_hbm, acc, gath, ridx, cidx,
          lvb, sem, ridx2, cidx2, lvb2, *tbufs):
        c = lax.axis_index("c")
        s = lax.axis_index("s")
        base = s * es
        set_a = (ridx, cidx, lvb)
        set_b = (ridx2, cidx2, lvb2)

        def issue(bufs, i):
            off = base + i * B
            pltpu.async_copy(row_hbm.at[pl.ds(off, B)], bufs[0], sem)
            pltpu.async_copy(col_hbm.at[pl.ds(off, B)], bufs[1], sem)
            pltpu.async_copy(lvx_hbm.at[pl.ds(off, B)], bufs[2], sem)

        def drain(bufs):
            pltpu.make_async_copy(row_hbm.at[pl.ds(0, B)], bufs[0], sem).wait()
            pltpu.make_async_copy(col_hbm.at[pl.ds(0, B)], bufs[1], sem).wait()
            pltpu.make_async_copy(lvx_hbm.at[pl.ds(0, B)], bufs[2], sem).wait()

        def consume(cur, kf):
            @pl.loop(0, B // LANES)
            def _(g):
                sl = pl.ds(g * LANES, LANES)
                cur[1][sl] = cur[1][sl] + jnp.full((LANES,), kf * n,
                                                   jnp.int32)

            pltpu.sync_copy(m_hbm.at[cur[1]], gath)
            _scale_rows(gath, cur[2], B, d)
            pltpu.sync_copy(gath, acc.at[cur[0]], add=True)

        start = n_full % 2
        for t in range(sweeps):
            kf = c * sweeps + t
            _zero_fill(gath, zrows, d)
            for tz in range(rows_per_sub // zrows):
                pltpu.sync_copy(
                    gath.at[pl.ds(0, zrows)],
                    acc.at[pl.ds(s * rows_per_sub + tz * zrows, zrows)])
            plsc.subcore_barrier()

            if start:
                pltpu.sync_copy(row_hbm.at[pl.ds(base, B)], ridx)
                pltpu.sync_copy(col_hbm.at[pl.ds(base, B)], cidx)
                pltpu.sync_copy(lvx_hbm.at[pl.ds(base, B)], lvb)
                consume(set_a, kf)
            if n_full > start:
                issue(set_a, start)

                @pl.loop(0, (n_full - start) // 2)
                def _(j):
                    for p, (cur, nxt) in enumerate(((set_a, set_b),
                                                    (set_b, set_a))):
                        i = start + j * 2 + p
                        drain(cur)
                        issue(nxt, jnp.minimum(i + 1, n_full - 1))
                        consume(cur, kf)

                drain(set_a)

            if tail:
                gath_t, ridx_t, cidx_t, lvb_t = tbufs
                off = base + n_full * B
                pltpu.sync_copy(row_hbm.at[pl.ds(off, tail)], ridx_t)
                pltpu.sync_copy(col_hbm.at[pl.ds(off, tail)], cidx_t)
                pltpu.sync_copy(lvx_hbm.at[pl.ds(off, tail)], lvb_t)

                @pl.loop(0, tail // LANES)
                def _(g):
                    sl = pl.ds(g * LANES, LANES)
                    cidx_t[sl] = cidx_t[sl] + jnp.full((LANES,), kf * n,
                                                       jnp.int32)

                pltpu.sync_copy(m_hbm.at[cidx_t], gath_t)
                _scale_rows(gath_t, lvb_t, tail, d)
                pltpu.sync_copy(gath_t, acc.at[ridx_t], add=True)

            plsc.subcore_barrier()
            for tz in range(rows_per_sub // zrows):
                r0 = s * rows_per_sub + tz * zrows
                pltpu.sync_copy(acc.at[pl.ds(r0, zrows)],
                                out_hbm.at[kf, pl.ds(r0, zrows)])
            plsc.subcore_barrier()

    return k


@functools.lru_cache(maxsize=None)
def _weights_tc(n, d, kf, p_ord, nb):

    def body(cp0_ref, cp1_ref, eig_ref, a2_ref, m_ref):
        csum = cp0_ref[...] + cp1_ref[...]
        ex = jnp.exp(-eig_ref[...])
        pw = jnp.ones_like(ex)
        w = [None] * kf
        for pp in range(p_ord):
            for kk in range(kf):
                term = pw * a2_ref[kk, pp, :][None, :]
                w[kk] = term if pp == 0 else w[kk] + term
            pw = pw * ex
        for kk in range(kf):
            m_ref[kk] = csum * w[kk]

    return pl.pallas_call(
        body,
        grid=(n // nb,),
        in_specs=[
            pl.BlockSpec((nb, d), lambda i: (i, 0)),
            pl.BlockSpec((nb, d), lambda i: (i, 0)),
            pl.BlockSpec((nb, 1), lambda i: (i, 0)),
            pl.BlockSpec((kf, p_ord, d), lambda i: (0, 0, 0)),
        ],
        out_specs=pl.BlockSpec((kf, nb, d), lambda i: (0, i, 0)),
        out_shape=jax.ShapeDtypeStruct((kf, n, d), jnp.float32),
    )


def kernel(x, L_i, L_v, node_attr_eig, alpha):
    n, d = x.shape
    e = L_v.shape[0]
    _, kf, p_ord = alpha.shape
    row = L_i[0].astype(jnp.int32)
    col = L_i[1].astype(jnp.int32)
    lvx = jnp.broadcast_to(L_v.astype(jnp.float32)[:, None], (e, LANES))

    c_part = _spmm_coeffs(n, d, e)(x, row, col, lvx)[:, :n]
    a2 = jnp.transpose(alpha, (1, 2, 0))
    m = _weights_tc(n, d, kf, p_ord, 1000)(
        c_part[0], c_part[1], node_attr_eig.reshape(n, 1), a2)
    outk = _spmm_out(n, d, e, kf)(m.reshape(kf * n, d), row, col, lvx)
    return jnp.transpose(outk[:, :n], (1, 2, 0))

# --- scband reference (transcript-rebuilt; emitter-appended) ---
"""Pipeline reference for scband-mnnfilter-42356967473548 (READ-ONLY COPY).

The authoritative reference and input builder live on the scoring server;
editing this copy changes nothing except your own understanding.
"""

import jax, jax.numpy as jnp
import numpy as np

N = 10000
E = 320000
D = 128
K = 4
P = 5

def setup_inputs(seed: int = 0) -> dict:
    key = jax.random.key(seed)
    k1, k2, k3, k4, k5, k6 = jax.random.split(key, 6)
    x = jax.random.normal(k1, (N, D), dtype=jnp.float32)
    row = jax.random.randint(k2, (E,), 0, N, dtype=jnp.int64)
    col = jax.random.randint(k3, (E,), 0, N, dtype=jnp.int64)
    L_i = jnp.stack([row, col], axis=0)
    L_v = jax.random.normal(k4, (E,), dtype=jnp.float32)
    node_attr_eig = jax.random.uniform(k5, (N,), dtype=jnp.float32)
    # learned params: alpha_k of ExpPolyFilter for each (input_dim, num_filters) pair
    alpha = jax.random.normal(k6, (D, K, P), dtype=jnp.float32)
    return {"x": x, "L_i": L_i, "L_v": L_v, "node_attr_eig": node_attr_eig, "alpha": alpha}

def reference(x, L_i, L_v, node_attr_eig, alpha):
    n, d = x.shape
    _, k_f, p = alpha.shape
    row = L_i[0]
    col = L_i[1]
    # coeffs = x.T @ L  (sparse L as COO). coeffsT[j, :] = sum_{edges (i,j)} L_v * x[i, :]
    coeffsT = jnp.zeros((n, d), dtype=x.dtype).at[col].add(x[row] * L_v[:, None])
    # ExpPolyFilter applied per input dim and filter: w[i, k, node] = sum_p alpha[i,k,p] * exp(-eig)^p
    e = jnp.exp(-node_attr_eig)  # [N]
    powers = e[None, :] ** jnp.arange(p, dtype=x.dtype)[:, None]  # [P, N]
    outs = []
    for kk in range(k_f):
        w = jnp.einsum('ip,pn->in', alpha[:, kk, :], powers)  # [D, N]
        M = coeffsT * w.T  # (coeffs * w).T -> [N, D]
        # filtered_output = L @ M : out[i, :] = sum_{edges (i,j)} L_v * M[j, :]
        fo = jnp.zeros((n, d), dtype=x.dtype).at[row].add(L_v[:, None] * M[col])
        outs.append(fo)
    return jnp.stack(outs, axis=-1)  # [N, D, K]

if __name__ == "__main__":
    import jax
    _d = setup_inputs()
    print(jax.jit(kernel)(*tuple(_d.values())))

</pallas_src>

<mosaic_0001>
#map = affine_map<(d0, d1) -> (0, 0)>
#map1 = affine_map<(d0, d1) -> (0)>
#map2 = affine_map<(d0, d1) -> (0, 0, 0)>
module attributes {stable_mosaic.version = 14 : i64} {
  func.func @k(%arg0: i32, %arg1: i32, %arg2: memref<10000x128xf32, #tpu.memory_space<hbm>>, %arg3: memref<320000xi32, #tpu.memory_space<hbm>>, %arg4: memref<320000xi32, #tpu.memory_space<hbm>>, %arg5: memref<320000x16xf32, #tpu.memory_space<hbm>>, %arg6: memref<2x10240x128xf32, #tpu.memory_space<hbm>>, %arg7: memref<10240x128xf32, #tpu.memory_space<vmem_shared>>, %arg8: memref<96x128xf32, #tpu.memory_space<vmem>>, %arg9: memref<96xi32, #tpu.memory_space<vmem>>, %arg10: memref<96xi32, #tpu.memory_space<vmem>>, %arg11: memref<96x16xf32, #tpu.memory_space<vmem>>, %arg12: memref<!tpu.dma_semaphore, #tpu.memory_space<semaphore_mem>>, %arg13: memref<96xi32, #tpu.memory_space<vmem>>, %arg14: memref<96xi32, #tpu.memory_space<vmem>>, %arg15: memref<96x16xf32, #tpu.memory_space<vmem>>, %arg16: memref<16x128xf32, #tpu.memory_space<vmem>>, %arg17: memref<16xi32, #tpu.memory_space<vmem>>, %arg18: memref<16xi32, #tpu.memory_space<vmem>>, %arg19: memref<16x16xf32, #tpu.memory_space<vmem>>) attributes {dimension_semantics = [#tpu.dimension_semantics<core_parallel>, #tpu.dimension_semantics<subcore_parallel>], iteration_bounds = array<i64: 2, 16>, scalar_prefetch = 0 : i64, scratch_operands = 13 : i64, tpu.core_type = #tpu.core_type<sc_vector_subcore>, window_params = [{transform_indices = #map}, {transform_indices = #map1}, {transform_indices = #map1}, {transform_indices = #map}, {transform_indices = #map2}]} {
    %mul3A = arith.constant 2 : i32
    %mul3A_0 = arith.muli %arg1, %mul3A : i32
    %add3A = arith.addi %mul3A_0, %arg0 : i32
    %scan3A = arith.constant 0 : i32
    %scan3A_1 = arith.constant 64 : i32
    %scan3A_2 = arith.addi %scan3A, %scan3A_1 : i32
    %scan3A_3 = arith.constant 1 : i32
    scf.for %scan3A_122 = %scan3A to %scan3A_2 step %scan3A_3  : i32 {
      %mul3A_123 = arith.constant 1 : i32
      %mul3A_124 = arith.muli %scan3A_122, %mul3A_123 : i32
      %add3A_125 = arith.constant 0 : i32
      %add3A_126 = arith.addi %add3A_125, %mul3A_124 : i32
      %broadcast_in_dim3A = arith.constant 0.000000e+00 : f32
      %broadcast_in_dim3A_127 = vector.broadcast %broadcast_in_dim3A : f32 to vector<16xf32>
      %swap3A = arith.index_cast %add3A_126 : i32 to index
      %swap3A_128 = arith.constant 0 : index
      %swap3A_129 = tpu.vector_load %arg8[%swap3A, %swap3A_128] {strides = array<i32>} : memref<96x128xf32, #tpu.memory_space<vmem>>, vector<16xf32>,
      tpu.vector_store %arg8[%swap3A, %swap3A_128], %broadcast_in_dim3A_127 {strides = array<i32>} : memref<96x128xf32, #tpu.memory_space<vmem>>, vector<16xf32>,
      %broadcast_in_dim3A_130 = arith.constant 0.000000e+00 : f32
      %broadcast_in_dim3A_131 = vector.broadcast %broadcast_in_dim3A_130 : f32 to vector<16xf32>
      %swap3A_132 = arith.index_cast %add3A_126 : i32 to index
      %swap3A_133 = arith.constant 16 : index
      %swap3A_134 = tpu.vector_load %arg8[%swap3A_132, %swap3A_133] {strides = array<i32>} : memref<96x128xf32, #tpu.memory_space<vmem>>, vector<16xf32>,
      tpu.vector_store %arg8[%swap3A_132, %swap3A_133], %broadcast_in_dim3A_131 {strides = array<i32>} : memref<96x128xf32, #tpu.memory_space<vmem>>, vector<16xf32>,
      %broadcast_in_dim3A_135 = arith.constant 0.000000e+00 : f32
      %broadcast_in_dim3A_136 = vector.broadcast %broadcast_in_dim3A_135 : f32 to vector<16xf32>
      %swap3A_137 = arith.index_cast %add3A_126 : i32 to index
      %swap3A_138 = arith.constant 32 : index
      %swap3A_139 = tpu.vector_load %arg8[%swap3A_137, %swap3A_138] {strides = array<i32>} : memref<96x128xf32, #tpu.memory_space<vmem>>, vector<16xf32>,
      tpu.vector_store %arg8[%swap3A_137, %swap3A_138], %broadcast_in_dim3A_136 {strides = array<i32>} : memref<96x128xf32, #tpu.memory_space<vmem>>, vector<16xf32>,
      %broadcast_in_dim3A_140 = arith.constant 0.000000e+00 : f32
      %broadcast_in_dim3A_141 = vector.broadcast %broadcast_in_dim3A_140 : f32 to vector<16xf32>
      %swap3A_142 = arith.index_cast %add3A_126 : i32 to index
      %swap3A_143 = arith.constant 48 : index
      %swap3A_144 = tpu.vector_load %arg8[%swap3A_142, %swap3A_143] {strides = array<i32>} : memref<96x128xf32, #tpu.memory_space<vmem>>, vector<16xf32>,
      tpu.vector_store %arg8[%swap3A_142, %swap3A_143], %broadcast_in_dim3A_141 {strides = array<i32>} : memref<96x128xf32, #tpu.memory_space<vmem>>, vector<16xf32>,
      %broadcast_in_dim3A_145 = arith.constant 0.000000e+00 : f32
      %broadcast_in_dim3A_146 = vector.broadcast %broadcast_in_dim3A_145 : f32 to vector<16xf32>
      %swap3A_147 = arith.index_cast %add3A_126 : i32 to index
      %swap3A_148 = arith.constant 64 : index
      %swap3A_149 = tpu.vector_load %arg8[%swap3A_147, %swap3A_148] {strides = array<i32>} : memref<96x128xf32, #tpu.memory_space<vmem>>, vector<16xf32>,
      tpu.vector_store %arg8[%swap3A_147, %swap3A_148], %broadcast_in_dim3A_146 {strides = array<i32>} : memref<96x128xf32, #tpu.memory_space<vmem>>, vector<16xf32>,
      %broadcast_in_dim3A_150 = arith.constant 0.000000e+00 : f32
      %broadcast_in_dim3A_151 = vector.broadcast %broadcast_in_dim3A_150 : f32 to vector<16xf32>
      %swap3A_152 = arith.index_cast %add3A_126 : i32 to index
      %swap3A_153 = arith.constant 80 : index
      %swap3A_154 = tpu.vector_load %arg8[%swap3A_152, %swap3A_153] {strides = array<i32>} : memref<96x128xf32, #tpu.memory_space<vmem>>, vector<16xf32>,
      tpu.vector_store %arg8[%swap3A_152, %swap3A_153], %broadcast_in_dim3A_151 {strides = array<i32>} : memref<96x128xf32, #tpu.memory_space<vmem>>, vector<16xf32>,
      %broadcast_in_dim3A_155 = arith.constant 0.000000e+00 : f32
      %broadcast_in_dim3A_156 = vector.broadcast %broadcast_in_dim3A_155 : f32 to vector<16xf32>
      %swap3A_157 = arith.index_cast %add3A_126 : i32 to index
      %swap3A_158 = arith.constant 96 : index
      %swap3A_159 = tpu.vector_load %arg8[%swap3A_157, %swap3A_158] {strides = array<i32>} : memref<96x128xf32, #tpu.memory_space<vmem>>, vector<16xf32>,
      tpu.vector_store %arg8[%swap3A_157, %swap3A_158], %broadcast_in_dim3A_156 {strides = array<i32>} : memref<96x128xf32, #tpu.memory_space<vmem>>, vector<16xf32>,
      %broadcast_in_dim3A_160 = arith.constant 0.000000e+00 : f32
      %broadcast_in_dim3A_161 = vector.broadcast %broadcast_in_dim3A_160 : f32 to vector<16xf32>
      %swap3A_162 = arith.index_cast %add3A_126 : i32 to index
      %swap3A_163 = arith.constant 112 : index
      %swap3A_164 = tpu.vector_load %arg8[%swap3A_162, %swap3A_163] {strides = array<i32>} : memref<96x128xf32, #tpu.memory_space<vmem>>, vector<16xf32>,
      tpu.vector_store %arg8[%swap3A_162, %swap3A_163], %broadcast_in_dim3A_161 {strides = array<i32>} : memref<96x128xf32, #tpu.memory_space<vmem>>, vector<16xf32>,
    }
    %scan3A_4 = arith.constant 64 : i32
    %mul3A_5 = arith.constant 640 : i32
    %mul3A_6 = arith.muli %arg1, %mul3A_5 : i32
    %add3A_7 = arith.constant 0 : i32
    %add3A_8 = arith.addi %mul3A_6, %add3A_7 : i32
    "tpu.region"() ({
      %run_scoped3A = tpu.sem_alloc : memref<!tpu.dma_semaphore, #tpu.memory_space<semaphore_mem>>
      %dma_start3A_122 = arith.constant 0 : i32
      %dma_start3A_123 = arith.constant 0 : i32
      %dma_start3A_124 = tpu.memref_slice %arg8[%dma_start3A_122, %dma_start3A_123] : memref<96x128xf32, #tpu.memory_space<vmem>> -> memref<64x128xf32, #tpu.memory_space<vmem>>
      %dma_start3A_125 = arith.constant 0 : i32
      %dma_start3A_126 = tpu.memref_slice %arg7[%add3A_8, %dma_start3A_125] : memref<10240x128xf32, #tpu.memory_space<vmem_shared>> -> memref<64x128xf32, #tpu.memory_space<vmem_shared>>
      %dma_start3A_127 = arith.constant 0 : i32
      %dma_start3A_128 = tpu.memref_slice %arg7[%add3A_8, %dma_start3A_127] : memref<10240x128xf32, #tpu.memory_space<vmem_shared>> -> memref<64x128xf32, #tpu.memory_space<vmem_shared>>
      %dma_start3A_129 = arith.constant 0 : i32
      %dma_start3A_130 = arith.constant 0 : i32
      %dma_start3A_131 = tpu.memref_slice %arg8[%dma_start3A_129, %dma_start3A_130] : memref<96x128xf32, #tpu.memory_space<vmem>> -> memref<64x128xf32, #tpu.memory_space<vmem>>
      tpu.enqueue_dma source(%dma_start3A_131 : memref<64x128xf32, #tpu.memory_space<vmem>>) target(%dma_start3A_128 : memref<64x128xf32, #tpu.memory_space<vmem_shared>>) target_semaphore(%run_scoped3A : memref<!tpu.dma_semaphore, #tpu.memory_space<semaphore_mem>>)
      %dma_wait3A_132 = arith.constant 0 : i32
      %dma_wait3A_133 = arith.constant 0 : i32
      %dma_wait3A_134 = tpu.memref_slice %arg8[%dma_wait3A_132, %dma_wait3A_133] : memref<96x128xf32, #tpu.memory_space<vmem>> -> memref<64x128xf32, #tpu.memory_space<vmem>>
      %dma_wait3A_135 = arith.constant 0 : i32
      %dma_wait3A_136 = tpu.memref_slice %arg7[%add3A_8, %dma_wait3A_135] : memref<10240x128xf32, #tpu.memory_space<vmem_shared>> -> memref<64x128xf32, #tpu.memory_space<vmem_shared>>
      %dma_wait3A_137 = arith.constant 0 : i32
      %dma_wait3A_138 = tpu.memref_slice %arg7[%add3A_8, %dma_wait3A_137] : memref<10240x128xf32, #tpu.memory_space<vmem_shared>> -> memref<64x128xf32, #tpu.memory_space<vmem_shared>>
      %dma_wait3A_139 = arith.constant 0 : i32
      %dma_wait3A_140 = arith.constant 0 : i32
      %dma_wait3A_141 = tpu.memref_slice %arg8[%dma_wait3A_139, %dma_wait3A_140] : memref<96x128xf32, #tpu.memory_space<vmem>> -> memref<64x128xf32, #tpu.memory_space<vmem>>
      tpu.wait_dma2 semaphore(%run_scoped3A : memref<!tpu.dma_semaphore, #tpu.memory_space<semaphore_mem>>) src(%dma_wait3A_141 : memref<64x128xf32, #tpu.memory_space<vmem>>) dst(%dma_wait3A_138 : memref<64x128xf32, #tpu.memory_space<vmem_shared>>)
      tpu.yield
    }) : () -> ()
    %mul3A_9 = arith.constant 640 : i32
    %mul3A_10 = arith.muli %arg1, %mul3A_9 : i32
    %add3A_11 = arith.constant 64 : i32
    %add3A_12 = arith.addi %mul3A_10, %add3A_11 : i32
    "tpu.region"() ({
      %run_scoped3A = tpu.sem_alloc : memref<!tpu.dma_semaphore, #tpu.memory_space<semaphore_mem>>
      %dma_start3A_122 = arith.constant 0 : i32
      %dma_start3A_123 = arith.constant 0 : i32
      %dma_start3A_124 = tpu.memref_slice %arg8[%dma_start3A_122, %dma_start3A_123] : memref<96x128xf32, #tpu.memory_space<vmem>> -> memref<64x128xf32, #tpu.memory_space<vmem>>
      %dma_start3A_125 = arith.constant 0 : i32
      %dma_start3A_126 = tpu.memref_slice %arg7[%add3A_12, %dma_start3A_125] : memref<10240x128xf32, #tpu.memory_space<vmem_shared>> -> memref<64x128xf32, #tpu.memory_space<vmem_shared>>
      %dma_start3A_127 = arith.constant 0 : i32
      %dma_start3A_128 = tpu.memref_slice %arg7[%add3A_12, %dma_start3A_127] : memref<10240x128xf32, #tpu.memory_space<vmem_shared>> -> memref<64x128xf32, #tpu.memory_space<vmem_shared>>
      %dma_start3A_129 = arith.constant 0 : i32
      %dma_start3A_130 = arith.constant 0 : i32
      %dma_start3A_131 = tpu.memref_slice %arg8[%dma_start3A_129, %dma_start3A_130] : memref<96x128xf32, #tpu.memory_space<vmem>> -> memref<64x128xf32, #tpu.memory_space<vmem>>
      tpu.enqueue_dma source(%dma_start3A_131 : memref<64x128xf32, #tpu.memory_space<vmem>>) target(%dma_start3A_128 : memref<64x128xf32, #tpu.memory_space<vmem_shared>>) target_semaphore(%run_scoped3A : memref<!tpu.dma_semaphore, #tpu.memory_space<semaphore_mem>>)
      %dma_wait3A_132 = arith.constant 0 : i32
      %dma_wait3A_133 = arith.constant 0 : i32
      %dma_wait3A_134 = tpu.memref_slice %arg8[%dma_wait3A_132, %dma_wait3A_133] : memref<96x128xf32, #tpu.memory_space<vmem>> -> memref<64x128xf32, #tpu.memory_space<vmem>>
      %dma_wait3A_135 = arith.constant 0 : i32
      %dma_wait3A_136 = tpu.memref_slice %arg7[%add3A_12, %dma_wait3A_135] : memref<10240x128xf32, #tpu.memory_space<vmem_shared>> -> memref<64x128xf32, #tpu.memory_space<vmem_shared>>
      %dma_wait3A_137 = arith.constant 0 : i32
      %dma_wait3A_138 = tpu.memref_slice %arg7[%add3A_12, %dma_wait3A_137] : memref<10240x128xf32, #tpu.memory_space<vmem_shared>> -> memref<64x128xf32, #tpu.memory_space<vmem_shared>>
      %dma_wait3A_139 = arith.constant 0 : i32
      %dma_wait3A_140 = arith.constant 0 : i32
      %dma_wait3A_141 = tpu.memref_slice %arg8[%dma_wait3A_139, %dma_wait3A_140] : memref<96x128xf32, #tpu.memory_space<vmem>> -> memref<64x128xf32, #tpu.memory_space<vmem>>
      tpu.wait_dma2 semaphore(%run_scoped3A : memref<!tpu.dma_semaphore, #tpu.memory_space<semaphore_mem>>) src(%dma_wait3A_141 : memref<64x128xf32, #tpu.memory_space<vmem>>) dst(%dma_wait3A_138 : memref<64x128xf32, #tpu.memory_space<vmem_shared>>)
      tpu.yield
    }) : () -> ()
    %mul3A_13 = arith.constant 640 : i32
    %mul3A_14 = arith.muli %arg1, %mul3A_13 : i32
    %add3A_15 = arith.constant 128 : i32
    %add3A_16 = arith.addi %mul3A_14, %add3A_15 : i32
    "tpu.region"() ({
      %run_scoped3A = tpu.sem_alloc : memref<!tpu.dma_semaphore, #tpu.memory_space<semaphore_mem>>
      %dma_start3A_122 = arith.constant 0 : i32
      %dma_start3A_123 = arith.constant 0 : i32
      %dma_start3A_124 = tpu.memref_slice %arg8[%dma_start3A_122, %dma_start3A_123] : memref<96x128xf32, #tpu.memory_space<vmem>> -> memref<64x128xf32, #tpu.memory_space<vmem>>
      %dma_start3A_125 = arith.constant 0 : i32
      %dma_start3A_126 = tpu.memref_slice %arg7[%add3A_16, %dma_start3A_125] : memref<10240x128xf32, #tpu.memory_space<vmem_shared>> -> memref<64x128xf32, #tpu.memory_space<vmem_shared>>
      %dma_start3A_127 = arith.constant 0 : i32
      %dma_start3A_128 = tpu.memref_slice %arg7[%add3A_16, %dma_start3A_127] : memref<10240x128xf32, #tpu.memory_space<vmem_shared>> -> memref<64x128xf32, #tpu.memory_space<vmem_shared>>
      %dma_start3A_129 = arith.constant 0 : i32
      %dma_start3A_130 = arith.constant 0 : i32
      %dma_start3A_131 = tpu.memref_slice %arg8[%dma_start3A_129, %dma_start3A_130] : memref<96x128xf32, #tpu.memory_space<vmem>> -> memref<64x128xf32, #tpu.memory_space<vmem>>
      tpu.enqueue_dma source(%dma_start3A_131 : memref<64x128xf32, #tpu.memory_space<vmem>>) target(%dma_start3A_128 : memref<64x128xf32, #tpu.memory_space<vmem_shared>>) target_semaphore(%run_scoped3A : memref<!tpu.dma_semaphore, #tpu.memory_space<semaphore_mem>>)
      %dma_wait3A_132 = arith.constant 0 : i32
      %dma_wait3A_133 = arith.constant 0 : i32
      %dma_wait3A_134 = tpu.memref_slice %arg8[%dma_wait3A_132, %dma_wait3A_133] : memref<96x128xf32, #tpu.memory_space<vmem>> -> memref<64x128xf32, #tpu.memory_space<vmem>>
      %dma_wait3A_135 = arith.constant 0 : i32
      %dma_wait3A_136 = tpu.memref_slice %arg7[%add3A_16, %dma_wait3A_135] : memref<10240x128xf32, #tpu.memory_space<vmem_shared>> -> memref<64x128xf32, #tpu.memory_space<vmem_shared>>
      %dma_wait3A_137 = arith.constant 0 : i32
      %dma_wait3A_138 = tpu.memref_slice %arg7[%add3A_16, %dma_wait3A_137] : memref<10240x128xf32, #tpu.memory_space<vmem_shared>> -> memref<64x128xf32, #tpu.memory_space<vmem_shared>>
      %dma_wait3A_139 = arith.constant 0 : i32
      %dma_wait3A_140 = arith.constant 0 : i32
      %dma_wait3A_141 = tpu.memref_slice %arg8[%dma_wait3A_139, %dma_wait3A_140] : memref<96x128xf32, #tpu.memory_space<vmem>> -> memref<64x128xf32, #tpu.memory_space<vmem>>
      tpu.wait_dma2 semaphore(%run_scoped3A : memref<!tpu.dma_semaphore, #tpu.memory_space<semaphore_mem>>) src(%dma_wait3A_141 : memref<64x128xf32, #tpu.memory_space<vmem>>) dst(%dma_wait3A_138 : memref<64x128xf32, #tpu.memory_space<vmem_shared>>)
      tpu.yield
    }) : () -> ()
    %mul3A_17 = arith.constant 640 : i32
    %mul3A_18 = arith.muli %arg1, %mul3A_17 : i32
    %add3A_19 = arith.constant 192 : i32
    %add3A_20 = arith.addi %mul3A_18, %add3A_19 : i32
    "tpu.region"() ({
      %run_scoped3A = tpu.sem_alloc : memref<!tpu.dma_semaphore, #tpu.memory_space<semaphore_mem>>
      %dma_start3A_122 = arith.constant 0 : i32
      %dma_start3A_123 = arith.constant 0 : i32
      %dma_start3A_124 = tpu.memref_slice %arg8[%dma_start3A_122, %dma_start3A_123] : memref<96x128xf32, #tpu.memory_space<vmem>> -> memref<64x128xf32, #tpu.memory_space<vmem>>
      %dma_start3A_125 = arith.constant 0 : i32
      %dma_start3A_126 = tpu.memref_slice %arg7[%add3A_20, %dma_start3A_125] : memref<10240x128xf32, #tpu.memory_space<vmem_shared>> -> memref<64x128xf32, #tpu.memory_space<vmem_shared>>
      %dma_start3A_127 = arith.constant 0 : i32
      %dma_start3A_128 = tpu.memref_slice %arg7[%add3A_20, %dma_start3A_127] : memref<10240x128xf32, #tpu.memory_space<vmem_shared>> -> memref<64x128xf32, #tpu.memory_space<vmem_shared>>
      %dma_start3A_129 = arith.constant 0 : i32
      %dma_start3A_130 = arith.constant 0 : i32
      %dma_start3A_131 = tpu.memref_slice %arg8[%dma_start3A_129, %dma_start3A_130] : memref<96x128xf32, #tpu.memory_space<vmem>> -> memref<64x128xf32, #tpu.memory_space<vmem>>
      tpu.enqueue_dma source(%dma_start3A_131 : memref<64x128xf32, #tpu.memory_space<vmem>>) target(%dma_start3A_128 : memref<64x128xf32, #tpu.memory_space<vmem_shared>>) target_semaphore(%run_scoped3A : memref<!tpu.dma_semaphore, #tpu.memory_space<semaphore_mem>>)
      %dma_wait3A_132 = arith.constant 0 : i32
      %dma_wait3A_133 = arith.constant 0 : i32
      %dma_wait3A_134 = tpu.memref_slice %arg8[%dma_wait3A_132, %dma_wait3A_133] : memref<96x128xf32, #tpu.memory_space<vmem>> -> memref<64x128xf32, #tpu.memory_space<vmem>>
      %dma_wait3A_135 = arith.constant 0 : i32
      %dma_wait3A_136 = tpu.memref_slice %arg7[%add3A_20, %dma_wait3A_135] : memref<10240x128xf32, #tpu.memory_space<vmem_shared>> -> memref<64x128xf32, #tpu.memory_space<vmem_shared>>
      %dma_wait3A_137 = arith.constant 0 : i32
      %dma_wait3A_138 = tpu.memref_slice %arg7[%add3A_20, %dma_wait3A_137] : memref<10240x128xf32, #tpu.memory_space<vmem_shared>> -> memref<64x128xf32, #tpu.memory_space<vmem_shared>>
      %dma_wait3A_139 = arith.constant 0 : i32
      %dma_wait3A_140 = arith.constant 0 : i32
      %dma_wait3A_141 = tpu.memref_slice %arg8[%dma_wait3A_139, %dma_wait3A_140] : memref<96x128xf32, #tpu.memory_space<vmem>> -> memref<64x128xf32, #tpu.memory_space<vmem>>
      tpu.wait_dma2 semaphore(%run_scoped3A : memref<!tpu.dma_semaphore, #tpu.memory_space<semaphore_mem>>) src(%dma_wait3A_141 : memref<64x128xf32, #tpu.memory_space<vmem>>) dst(%dma_wait3A_138 : memref<64x128xf32, #tpu.memory_space<vmem_shared>>)
      tpu.yield
    }) : () -> ()
    %mul3A_21 = arith.constant 640 : i32
    %mul3A_22 = arith.muli %arg1, %mul3A_21 : i32
    %add3A_23 = arith.constant 256 : i32
    %add3A_24 = arith.addi %mul3A_22, %add3A_23 : i32
    "tpu.region"() ({
      %run_scoped3A = tpu.sem_alloc : memref<!tpu.dma_semaphore, #tpu.memory_space<semaphore_mem>>
      %dma_start3A_122 = arith.constant 0 : i32
      %dma_start3A_123 = arith.constant 0 : i32
      %dma_start3A_124 = tpu.memref_slice %arg8[%dma_start3A_122, %dma_start3A_123] : memref<96x128xf32, #tpu.memory_space<vmem>> -> memref<64x128xf32, #tpu.memory_space<vmem>>
      %dma_start3A_125 = arith.constant 0 : i32
      %dma_start3A_126 = tpu.memref_slice %arg7[%add3A_24, %dma_start3A_125] : memref<10240x128xf32, #tpu.memory_space<vmem_shared>> -> memref<64x128xf32, #tpu.memory_space<vmem_shared>>
      %dma_start3A_127 = arith.constant 0 : i32
      %dma_start3A_128 = tpu.memref_slice %arg7[%add3A_24, %dma_start3A_127] : memref<10240x128xf32, #tpu.memory_space<vmem_shared>> -> memref<64x128xf32, #tpu.memory_space<vmem_shared>>
      %dma_start3A_129 = arith.constant 0 : i32
      %dma_start3A_130 = arith.constant 0 : i32
      %dma_start3A_131 = tpu.memref_slice %arg8[%dma_start3A_129, %dma_start3A_130] : memref<96x128xf32, #tpu.memory_space<vmem>> -> memref<64x128xf32, #tpu.memory_space<vmem>>
      tpu.enqueue_dma source(%dma_start3A_131 : memref<64x128xf32, #tpu.memory_space<vmem>>) target(%dma_start3A_128 : memref<64x128xf32, #tpu.memory_space<vmem_shared>>) target_semaphore(%run_scoped3A : memref<!tpu.dma_semaphore, #tpu.memory_space<semaphore_mem>>)
      %dma_wait3A_132 = arith.constant 0 : i32
      %dma_wait3A_133 = arith.constant 0 : i32
      %dma_wait3A_134 = tpu.memref_slice %arg8[%dma_wait3A_132, %dma_wait3A_133] : memref<96x128xf32, #tpu.memory_space<vmem>> -> memref<64x128xf32, #tpu.memory_space<vmem>>
      %dma_wait3A_135 = arith.constant 0 : i32
      %dma_wait3A_136 = tpu.memref_slice %arg7[%add3A_24, %dma_wait3A_135] : memref<10240x128xf32, #tpu.memory_space<vmem_shared>> -> memref<64x128xf32, #tpu.memory_space<vmem_shared>>
      %dma_wait3A_137 = arith.constant 0 : i32
      %dma_wait3A_138 = tpu.memref_slice %arg7[%add3A_24, %dma_wait3A_137] : memref<10240x128xf32, #tpu.memory_space<vmem_shared>> -> memref<64x128xf32, #tpu.memory_space<vmem_shared>>
      %dma_wait3A_139 = arith.constant 0 : i32
      %dma_wait3A_140 = arith.constant 0 : i32
      %dma_wait3A_141 = tpu.memref_slice %arg8[%dma_wait3A_139, %dma_wait3A_140] : memref<96x128xf32, #tpu.memory_space<vmem>> -> memref<64x128xf32, #tpu.memory_space<vmem>>
      tpu.wait_dma2 semaphore(%run_scoped3A : memref<!tpu.dma_semaphore, #tpu.memory_space<semaphore_mem>>) src(%dma_wait3A_141 : memref<64x128xf32, #tpu.memory_space<vmem>>) dst(%dma_wait3A_138 : memref<64x128xf32, #tpu.memory_space<vmem_shared>>)
      tpu.yield
    }) : () -> ()
    %mul3A_25 = arith.constant 640 : i32
    %mul3A_26 = arith.muli %arg1, %mul3A_25 : i32
    %add3A_27 = arith.constant 320 : i32
    %add3A_28 = arith.addi %mul3A_26, %add3A_27 : i32
    "tpu.region"() ({
      %run_scoped3A = tpu.sem_alloc : memref<!tpu.dma_semaphore, #tpu.memory_space<semaphore_mem>>
      %dma_start3A_122 = arith.constant 0 : i32
      %dma_start3A_123 = arith.constant 0 : i32
      %dma_start3A_124 = tpu.memref_slice %arg8[%dma_start3A_122, %dma_start3A_123] : memref<96x128xf32, #tpu.memory_space<vmem>> -> memref<64x128xf32, #tpu.memory_space<vmem>>
      %dma_start3A_125 = arith.constant 0 : i32
      %dma_start3A_126 = tpu.memref_slice %arg7[%add3A_28, %dma_start3A_125] : memref<10240x128xf32, #tpu.memory_space<vmem_shared>> -> memref<64x128xf32, #tpu.memory_space<vmem_shared>>
      %dma_start3A_127 = arith.constant 0 : i32
      %dma_start3A_128 = tpu.memref_slice %arg7[%add3A_28, %dma_start3A_127] : memref<10240x128xf32, #tpu.memory_space<vmem_shared>> -> memref<64x128xf32, #tpu.memory_space<vmem_shared>>
      %dma_start3A_129 = arith.constant 0 : i32
      %dma_start3A_130 = arith.constant 0 : i32
      %dma_start3A_131 = tpu.memref_slice %arg8[%dma_start3A_129, %dma_start3A_130] : memref<96x128xf32, #tpu.memory_space<vmem>> -> memref<64x128xf32, #tpu.memory_space<vmem>>
      tpu.enqueue_dma source(%dma_start3A_131 : memref<64x128xf32, #tpu.memory_space<vmem>>) target(%dma_start3A_128 : memref<64x128xf32, #tpu.memory_space<vmem_shared>>) target_semaphore(%run_scoped3A : memref<!tpu.dma_semaphore, #tpu.memory_space<semaphore_mem>>)
      %dma_wait3A_132 = arith.constant 0 : i32
      %dma_wait3A_133 = arith.constant 0 : i32
      %dma_wait3A_134 = tpu.memref_slice %arg8[%dma_wait3A_132, %dma_wait3A_133] : memref<96x128xf32, #tpu.memory_space<vmem>> -> memref<64x128xf32, #tpu.memory_space<vmem>>
      %dma_wait3A_135 = arith.constant 0 : i32
      %dma_wait3A_136 = tpu.memref_slice %arg7[%add3A_28, %dma_wait3A_135] : memref<10240x128xf32, #tpu.memory_space<vmem_shared>> -> memref<64x128xf32, #tpu.memory_space<vmem_shared>>
      %dma_wait3A_137 = arith.constant 0 : i32
      %dma_wait3A_138 = tpu.memref_slice %arg7[%add3A_28, %dma_wait3A_137] : memref<10240x128xf32, #tpu.memory_space<vmem_shared>> -> memref<64x128xf32, #tpu.memory_space<vmem_shared>>
      %dma_wait3A_139 = arith.constant 0 : i32
      %dma_wait3A_140 = arith.constant 0 : i32
      %dma_wait3A_141 = tpu.memref_slice %arg8[%dma_wait3A_139, %dma_wait3A_140] : memref<96x128xf32, #tpu.memory_space<vmem>> -> memref<64x128xf32, #tpu.memory_space<vmem>>
      tpu.wait_dma2 semaphore(%run_scoped3A : memref<!tpu.dma_semaphore, #tpu.memory_space<semaphore_mem>>) src(%dma_wait3A_141 : memref<64x128xf32, #tpu.memory_space<vmem>>) dst(%dma_wait3A_138 : memref<64x128xf32, #tpu.memory_space<vmem_shared>>)
      tpu.yield
    }) : () -> ()
    %mul3A_29 = arith.constant 640 : i32
    %mul3A_30 = arith.muli %arg1, %mul3A_29 : i32
    %add3A_31 = arith.constant 384 : i32
    %add3A_32 = arith.addi %mul3A_30, %add3A_31 : i32
    "tpu.region"() ({
      %run_scoped3A = tpu.sem_alloc : memref<!tpu.dma_semaphore, #tpu.memory_space<semaphore_mem>>
      %dma_start3A_122 = arith.constant 0 : i32
      %dma_start3A_123 = arith.constant 0 : i32
      %dma_start3A_124 = tpu.memref_slice %arg8[%dma_start3A_122, %dma_start3A_123] : memref<96x128xf32, #tpu.memory_space<vmem>> -> memref<64x128xf32, #tpu.memory_space<vmem>>
      %dma_start3A_125 = arith.constant 0 : i32
      %dma_start3A_126 = tpu.memref_slice %arg7[%add3A_32, %dma_start3A_125] : memref<10240x128xf32, #tpu.memory_space<vmem_shared>> -> memref<64x128xf32, #tpu.memory_space<vmem_shared>>
      %dma_start3A_127 = arith.constant 0 : i32
      %dma_start3A_128 = tpu.memref_slice %arg7[%add3A_32, %dma_start3A_127] : memref<10240x128xf32, #tpu.memory_space<vmem_shared>> -> memref<64x128xf32, #tpu.memory_space<vmem_shared>>
      %dma_start3A_129 = arith.constant 0 : i32
      %dma_start3A_130 = arith.constant 0 : i32
      %dma_start3A_131 = tpu.memref_slice %arg8[%dma_start3A_129, %dma_start3A_130] : memref<96x128xf32, #tpu.memory_space<vmem>> -> memref<64x128xf32, #tpu.memory_space<vmem>>
      tpu.enqueue_dma source(%dma_start3A_131 : memref<64x128xf32, #tpu.memory_space<vmem>>) target(%dma_start3A_128 : memref<64x128xf32, #tpu.memory_space<vmem_shared>>) target_semaphore(%run_scoped3A : memref<!tpu.dma_semaphore, #tpu.memory_space<semaphore_mem>>)
      %dma_wait3A_132 = arith.constant 0 : i32
      %dma_wait3A_133 = arith.constant 0 : i32
      %dma_wait3A_134 = tpu.memref_slice %arg8[%dma_wait3A_132, %dma_wait3A_133] : memref<96x128xf32, #tpu.memory_space<vmem>> -> memref<64x128xf32, #tpu.memory_space<vmem>>
      %dma_wait3A_135 = arith.constant 0 : i32
      %dma_wait3A_136 = tpu.memref_slice %arg7[%add3A_32, %dma_wait3A_135] : memref<10240x128xf32, #tpu.memory_space<vmem_shared>> -> memref<64x128xf32, #tpu.memory_space<vmem_shared>>
      %dma_wait3A_137 = arith.constant 0 : i32
      %dma_wait3A_138 = tpu.memref_slice %arg7[%add3A_32, %dma_wait3A_137] : memref<10240x128xf32, #tpu.memory_space<vmem_shared>> -> memref<64x128xf32, #tpu.memory_space<vmem_shared>>
      %dma_wait3A_139 = arith.constant 0 : i32
      %dma_wait3A_140 = arith.constant 0 : i32
      %dma_wait3A_141 = tpu.memref_slice %arg8[%dma_wait3A_139, %dma_wait3A_140] : memref<96x128xf32, #tpu.memory_space<vmem>> -> memref<64x128xf32, #tpu.memory_space<vmem>>
      tpu.wait_dma2 semaphore(%run_scoped3A : memref<!tpu.dma_semaphore, #tpu.memory_space<semaphore_mem>>) src(%dma_wait3A_141 : memref<64x128xf32, #tpu.memory_space<vmem>>) dst(%dma_wait3A_138 : memref<64x128xf32, #tpu.memory_space<vmem_shared>>)
      tpu.yield
    }) : () -> ()
    %mul3A_33 = arith.constant 640 : i32
    %mul3A_34 = arith.muli %arg1, %mul3A_33 : i32
    %add3A_35 = arith.constant 448 : i32
    %add3A_36 = arith.addi %mul3A_34, %add3A_35 : i32
    "tpu.region"() ({
      %run_scoped3A = tpu.sem_alloc : memref<!tpu.dma_semaphore, #tpu.memory_space<semaphore_mem>>
      %dma_start3A_122 = arith.constant 0 : i32
      %dma_start3A_123 = arith.constant 0 : i32
      %dma_start3A_124 = tpu.memref_slice %arg8[%dma_start3A_122, %dma_start3A_123] : memref<96x128xf32, #tpu.memory_space<vmem>> -> memref<64x128xf32, #tpu.memory_space<vmem>>
      %dma_start3A_125 = arith.constant 0 : i32
      %dma_start3A_126 = tpu.memref_slice %arg7[%add3A_36, %dma_start3A_125] : memref<10240x128xf32, #tpu.memory_space<vmem_shared>> -> memref<64x128xf32, #tpu.memory_space<vmem_shared>>
      %dma_start3A_127 = arith.constant 0 : i32
      %dma_start3A_128 = tpu.memref_slice %arg7[%add3A_36, %dma_start3A_127] : memref<10240x128xf32, #tpu.memory_space<vmem_shared>> -> memref<64x128xf32, #tpu.memory_space<vmem_shared>>
      %dma_start3A_129 = arith.constant 0 : i32
      %dma_start3A_130 = arith.constant 0 : i32
      %dma_start3A_131 = tpu.memref_slice %arg8[%dma_start3A_129, %dma_start3A_130] : memref<96x128xf32, #tpu.memory_space<vmem>> -> memref<64x128xf32, #tpu.memory_space<vmem>>
      tpu.enqueue_dma source(%dma_start3A_131 : memref<64x128xf32, #tpu.memory_space<vmem>>) target(%dma_start3A_128 : memref<64x128xf32, #tpu.memory_space<vmem_shared>>) target_semaphore(%run_scoped3A : memref<!tpu.dma_semaphore, #tpu.memory_space<semaphore_mem>>)
      %dma_wait3A_132 = arith.constant 0 : i32
      %dma_wait3A_133 = arith.constant 0 : i32
      %dma_wait3A_134 = tpu.memref_slice %arg8[%dma_wait3A_132, %dma_wait3A_133] : memref<96x128xf32, #tpu.memory_space<vmem>> -> memref<64x128xf32, #tpu.memory_space<vmem>>
      %dma_wait3A_135 = arith.constant 0 : i32
      %dma_wait3A_136 = tpu.memref_slice %arg7[%add3A_36, %dma_wait3A_135] : memref<10240x128xf32, #tpu.memory_space<vmem_shared>> -> memref<64x128xf32, #tpu.memory_space<vmem_shared>>
      %dma_wait3A_137 = arith.constant 0 : i32
      %dma_wait3A_138 = tpu.memref_slice %arg7[%add3A_36, %dma_wait3A_137] : memref<10240x128xf32, #tpu.memory_space<vmem_shared>> -> memref<64x128xf32, #tpu.memory_space<vmem_shared>>
      %dma_wait3A_139 = arith.constant 0 : i32
      %dma_wait3A_140 = arith.constant 0 : i32
      %dma_wait3A_141 = tpu.memref_slice %arg8[%dma_wait3A_139, %dma_wait3A_140] : memref<96x128xf32, #tpu.memory_space<vmem>> -> memref<64x128xf32, #tpu.memory_space<vmem>>
      tpu.wait_dma2 semaphore(%run_scoped3A : memref<!tpu.dma_semaphore, #tpu.memory_space<semaphore_mem>>) src(%dma_wait3A_141 : memref<64x128xf32, #tpu.memory_space<vmem>>) dst(%dma_wait3A_138 : memref<64x128xf32, #tpu.memory_space<vmem_shared>>)
      tpu.yield
    }) : () -> ()
    %mul3A_37 = arith.constant 640 : i32
    %mul3A_38 = arith.muli %arg1, %mul3A_37 : i32
    %add3A_39 = arith.constant 512 : i32
    %add3A_40 = arith.addi %mul3A_38, %add3A_39 : i32
    "tpu.region"() ({
      %run_scoped3A = tpu.sem_alloc : memref<!tpu.dma_semaphore, #tpu.memory_space<semaphore_mem>>
      %dma_start3A_122 = arith.constant 0 : i32
      %dma_start3A_123 = arith.constant 0 : i32
      %dma_start3A_124 = tpu.memref_slice %arg8[%dma_start3A_122, %dma_start3A_123] : memref<96x128xf32, #tpu.memory_space<vmem>> -> memref<64x128xf32, #tpu.memory_space<vmem>>
      %dma_start3A_125 = arith.constant 0 : i32
      %dma_start3A_126 = tpu.memref_slice %arg7[%add3A_40, %dma_start3A_125] : memref<10240x128xf32, #tpu.memory_space<vmem_shared>> -> memref<64x128xf32, #tpu.memory_space<vmem_shared>>
      %dma_start3A_127 = arith.constant 0 : i32
      %dma_start3A_128 = tpu.memref_slice %arg7[%add3A_40, %dma_start3A_127] : memref<10240x128xf32, #tpu.memory_space<vmem_shared>> -> memref<64x128xf32, #tpu.memory_space<vmem_shared>>
      %dma_start3A_129 = arith.constant 0 : i32
      %dma_start3A_130 = arith.constant 0 : i32
      %dma_start3A_131 = tpu.memref_slice %arg8[%dma_start3A_129, %dma_start3A_130] : memref<96x128xf32, #tpu.memory_space<vmem>> -> memref<64x128xf32, #tpu.memory_space<vmem>>
      tpu.enqueue_dma source(%dma_start3A_131 : memref<64x128xf32, #tpu.memory_space<vmem>>) target(%dma_start3A_128 : memref<64x128xf32, #tpu.memory_space<vmem_shared>>) target_semaphore(%run_scoped3A : memref<!tpu.dma_semaphore, #tpu.memory_space<semaphore_mem>>)
      %dma_wait3A_132 = arith.constant 0 : i32
      %dma_wait3A_133 = arith.constant 0 : i32
      %dma_wait3A_134 = tpu.memref_slice %arg8[%dma_wait3A_132, %dma_wait3A_133] : memref<96x128xf32, #tpu.memory_space<vmem>> -> memref<64x128xf32, #tpu.memory_space<vmem>>
      %dma_wait3A_135 = arith.constant 0 : i32
      %dma_wait3A_136 = tpu.memref_slice %arg7[%add3A_40, %dma_wait3A_135] : memref<10240x128xf32, #tpu.memory_space<vmem_shared>> -> memref<64x128xf32, #tpu.memory_space<vmem_shared>>
      %dma_wait3A_137 = arith.constant 0 : i32
      %dma_wait3A_138 = tpu.memref_slice %arg7[%add3A_40, %dma_wait3A_137] : memref<10240x128xf32, #tpu.memory_space<vmem_shared>> -> memref<64x128xf32, #tpu.memory_space<vmem_shared>>
      %dma_wait3A_139 = arith.constant 0 : i32
      %dma_wait3A_140 = arith.constant 0 : i32
      %dma_wait3A_141 = tpu.memref_slice %arg8[%dma_wait3A_139, %dma_wait3A_140] : memref<96x128xf32, #tpu.memory_space<vmem>> -> memref<64x128xf32, #tpu.memory_space<vmem>>
      tpu.wait_dma2 semaphore(%run_scoped3A : memref<!tpu.dma_semaphore, #tpu.memory_space<semaphore_mem>>) src(%dma_wait3A_141 : memref<64x128xf32, #tpu.memory_space<vmem>>) dst(%dma_wait3A_138 : memref<64x128xf32, #tpu.memory_space<vmem_shared>>)
      tpu.yield
    }) : () -> ()
    %mul3A_41 = arith.constant 640 : i32
    %mul3A_42 = arith.muli %arg1, %mul3A_41 : i32
    %add3A_43 = arith.constant 576 : i32
    %add3A_44 = arith.addi %mul3A_42, %add3A_43 : i32
    "tpu.region"() ({
      %run_scoped3A = tpu.sem_alloc : memref<!tpu.dma_semaphore, #tpu.memory_space<semaphore_mem>>
      %dma_start3A_122 = arith.constant 0 : i32
      %dma_start3A_123 = arith.constant 0 : i32
      %dma_start3A_124 = tpu.memref_slice %arg8[%dma_start3A_122, %dma_start3A_123] : memref<96x128xf32, #tpu.memory_space<vmem>> -> memref<64x128xf32, #tpu.memory_space<vmem>>
      %dma_start3A_125 = arith.constant 0 : i32
      %dma_start3A_126 = tpu.memref_slice %arg7[%add3A_44, %dma_start3A_125] : memref<10240x128xf32, #tpu.memory_space<vmem_shared>> -> memref<64x128xf32, #tpu.memory_space<vmem_shared>>
      %dma_start3A_127 = arith.constant 0 : i32
      %dma_start3A_128 = tpu.memref_slice %arg7[%add3A_44, %dma_start3A_127] : memref<10240x128xf32, #tpu.memory_space<vmem_shared>> -> memref<64x128xf32, #tpu.memory_space<vmem_shared>>
      %dma_start3A_129 = arith.constant 0 : i32
      %dma_start3A_130 = arith.constant 0 : i32
      %dma_start3A_131 = tpu.memref_slice %arg8[%dma_start3A_129, %dma_start3A_130] : memref<96x128xf32, #tpu.memory_space<vmem>> -> memref<64x128xf32, #tpu.memory_space<vmem>>
      tpu.enqueue_dma source(%dma_start3A_131 : memref<64x128xf32, #tpu.memory_space<vmem>>) target(%dma_start3A_128 : memref<64x128xf32, #tpu.memory_space<vmem_shared>>) target_semaphore(%run_scoped3A : memref<!tpu.dma_semaphore, #tpu.memory_space<semaphore_mem>>)
      %dma_wait3A_132 = arith.constant 0 : i32
      %dma_wait3A_133 = arith.constant 0 : i32
      %dma_wait3A_134 = tpu.memref_slice %arg8[%dma_wait3A_132, %dma_wait3A_133] : memref<96x128xf32, #tpu.memory_space<vmem>> -> memref<64x128xf32, #tpu.memory_space<vmem>>
      %dma_wait3A_135 = arith.constant 0 : i32
      %dma_wait3A_136 = tpu.memref_slice %arg7[%add3A_44, %dma_wait3A_135] : memref<10240x128xf32, #tpu.memory_space<vmem_shared>> -> memref<64x128xf32, #tpu.memory_space<vmem_shared>>
      %dma_wait3A_137 = arith.constant 0 : i32
      %dma_wait3A_138 = tpu.memref_slice %arg7[%add3A_44, %dma_wait3A_137] : memref<10240x128xf32, #tpu.memory_space<vmem_shared>> -> memref<64x128xf32, #tpu.memory_space<vmem_shared>>
      %dma_wait3A_139 = arith.constant 0 : i32
      %dma_wait3A_140 = arith.constant 0 : i32
      %dma_wait3A_141 = tpu.memref_slice %arg8[%dma_wait3A_139, %dma_wait3A_140] : memref<96x128xf32, #tpu.memory_space<vmem>> -> memref<64x128xf32, #tpu.memory_space<vmem>>
      tpu.wait_dma2 semaphore(%run_scoped3A : memref<!tpu.dma_semaphore, #tpu.memory_space<semaphore_mem>>) src(%dma_wait3A_141 : memref<64x128xf32, #tpu.memory_space<vmem>>) dst(%dma_wait3A_138 : memref<64x128xf32, #tpu.memory_space<vmem_shared>>)
      tpu.yield
    }) : () -> ()
    %barrier3A = arith.constant 0 : index
    tpu.barrier barrier_id(%barrier3A)
    %mul3A_45 = arith.constant 10000 : i32
    %mul3A_46 = arith.muli %add3A, %mul3A_45 : i32
    %add3A_47 = arith.constant 0 : i32
    %add3A_48 = arith.addi %mul3A_46, %add3A_47 : i32
    %dma_start3A = tpu.memref_slice %arg3[%add3A_48] : memref<320000xi32, #tpu.memory_space<hbm>> -> memref<96xi32, #tpu.memory_space<hbm>>
    %dma_start3A_49 = tpu.memref_slice %arg3[%add3A_48] : memref<320000xi32, #tpu.memory_space<hbm>> -> memref<96xi32, #tpu.memory_space<hbm>>
    tpu.enqueue_dma source(%dma_start3A_49 : memref<96xi32, #tpu.memory_space<hbm>>) target(%arg9 : memref<96xi32, #tpu.memory_space<vmem>>) target_semaphore(%arg12 : memref<!tpu.dma_semaphore, #tpu.memory_space<semaphore_mem>>)
    %dma_start3A_50 = tpu.memref_slice %arg4[%add3A_48] : memref<320000xi32, #tpu.memory_space<hbm>> -> memref<96xi32, #tpu.memory_space<hbm>>
    %dma_start3A_51 = tpu.memref_slice %arg4[%add3A_48] : memref<320000xi32, #tpu.memory_space<hbm>> -> memref<96xi32, #tpu.memory_space<hbm>>
    tpu.enqueue_dma source(%dma_start3A_51 : memref<96xi32, #tpu.memory_space<hbm>>) target(%arg10 : memref<96xi32, #tpu.memory_space<vmem>>) target_semaphore(%arg12 : memref<!tpu.dma_semaphore, #tpu.memory_space<semaphore_mem>>)
    %dma_start3A_52 = arith.constant 0 : i32
    %dma_start3A_53 = tpu.memref_slice %arg5[%add3A_48, %dma_start3A_52] : memref<320000x16xf32, #tpu.memory_space<hbm>> -> memref<96x16xf32, #tpu.memory_space<hbm>>
    %dma_start3A_54 = arith.constant 0 : i32
    %dma_start3A_55 = tpu.memref_slice %arg5[%add3A_48, %dma_start3A_54] : memref<320000x16xf32, #tpu.memory_space<hbm>> -> memref<96x16xf32, #tpu.memory_space<hbm>>
    tpu.enqueue_dma source(%dma_start3A_55 : memref<96x16xf32, #tpu.memory_space<hbm>>) target(%arg11 : memref<96x16xf32, #tpu.memory_space<vmem>>) target_semaphore(%arg12 : memref<!tpu.dma_semaphore, #tpu.memory_space<semaphore_mem>>)
    %scan3A_56 = arith.constant 0 : i32
    %scan3A_57 = arith.constant 52 : i32
    %scan3A_58 = arith.addi %scan3A_56, %scan3A_57 : i32
    %scan3A_59 = arith.constant 1 : i32
    scf.for %scan3A_122 = %scan3A_56 to %scan3A_58 step %scan3A_59  : i32 {
      %mul3A_123 = arith.constant 1 : i32
      %mul3A_124 = arith.muli %scan3A_122, %mul3A_123 : i32
      %add3A_125 = arith.constant 0 : i32
      %add3A_126 = arith.addi %add3A_125, %mul3A_124 : i32
      %mul3A_127 = arith.constant 2 : i32
      %mul3A_128 = arith.muli %add3A_126, %mul3A_127 : i32
      %add3A_129 = arith.constant 0 : i32
      %add3A_130 = arith.addi %add3A_129, %mul3A_128 : i32
      %add3A_131 = arith.constant 0 : i32
      %add3A_132 = arith.addi %add3A_130, %add3A_131 : i32
      %dma_wait3A_133 = arith.constant 0 : i32
      %dma_wait3A_134 = tpu.memref_slice %arg3[%dma_wait3A_133] : memref<320000xi32, #tpu.memory_space<hbm>> -> memref<96xi32, #tpu.memory_space<hbm>>
      %dma_wait3A_135 = arith.constant 0 : i32
      %dma_wait3A_136 = tpu.memref_slice %arg3[%dma_wait3A_135] : memref<320000xi32, #tpu.memory_space<hbm>> -> memref<96xi32, #tpu.memory_space<hbm>>
      tpu.wait_dma2 semaphore(%arg12 : memref<!tpu.dma_semaphore, #tpu.memory_space<semaphore_mem>>) src(%dma_wait3A_136 : memref<96xi32, #tpu.memory_space<hbm>>) dst(%arg9 : memref<96xi32, #tpu.memory_space<vmem>>)
      %dma_wait3A_137 = arith.constant 0 : i32
      %dma_wait3A_138 = tpu.memref_slice %arg4[%dma_wait3A_137] : memref<320000xi32, #tpu.memory_space<hbm>> -> memref<96xi32, #tpu.memory_space<hbm>>
      %dma_wait3A_139 = arith.constant 0 : i32
      %dma_wait3A_140 = tpu.memref_slice %arg4[%dma_wait3A_139] : memref<320000xi32, #tpu.memory_space<hbm>> -> memref<96xi32, #tpu.memory_space<hbm>>
      tpu.wait_dma2 semaphore(%arg12 : memref<!tpu.dma_semaphore, #tpu.memory_space<semaphore_mem>>) src(%dma_wait3A_140 : memref<96xi32, #tpu.memory_space<hbm>>) dst(%arg10 : memref<96xi32, #tpu.memory_space<vmem>>)
      %dma_wait3A_141 = arith.constant 0 : i32
      %dma_wait3A_142 = arith.constant 0 : i32
      %dma_wait3A_143 = tpu.memref_slice %arg5[%dma_wait3A_141, %dma_wait3A_142] : memref<320000x16xf32, #tpu.memory_space<hbm>> -> memref<96x16xf32, #tpu.memory_space<hbm>>
      %dma_wait3A_144 = arith.constant 0 : i32
      %dma_wait3A_145 = arith.constant 0 : i32
      %dma_wait3A_146 = tpu.memref_slice %arg5[%dma_wait3A_144, %dma_wait3A_145] : memref<320000x16xf32, #tpu.memory_space<hbm>> -> memref<96x16xf32, #tpu.memory_space<hbm>>
      tpu.wait_dma2 semaphore(%arg12 : memref<!tpu.dma_semaphore, #tpu.memory_space<semaphore_mem>>) src(%dma_wait3A_146 : memref<96x16xf32, #tpu.memory_space<hbm>>) dst(%arg11 : memref<96x16xf32, #tpu.memory_space<vmem>>)
      %add3A_147 = arith.constant 1 : i32
      %add3A_148 = arith.addi %add3A_132, %add3A_147 : i32
      %min3A = arith.constant 103 : i32
      %min3A_149 = arith.minsi %add3A_148, %min3A : i32
      %mul3A_150 = arith.constant 96 : i32
      %mul3A_151 = arith.muli %min3A_149, %mul3A_150 : i32
      %add3A_152 = arith.addi %mul3A_46, %mul3A_151 : i32
      %dma_start3A_153 = tpu.memref_slice %arg3[%add3A_152] : memref<320000xi32, #tpu.memory_space<hbm>> -> memref<96xi32, #tpu.memory_space<hbm>>
      %dma_start3A_154 = tpu.memref_slice %arg3[%add3A_152] : memref<320000xi32, #tpu.memory_space<hbm>> -> memref<96xi32, #tpu.memory_space<hbm>>
      tpu.enqueue_dma source(%dma_start3A_154 : memref<96xi32, #tpu.memory_space<hbm>>) target(%arg13 : memref<96xi32, #tpu.memory_space<vmem>>) target_semaphore(%arg12 : memref<!tpu.dma_semaphore, #tpu.memory_space<semaphore_mem>>)
      %dma_start3A_155 = tpu.memref_slice %arg4[%add3A_152] : memref<320000xi32, #tpu.memory_space<hbm>> -> memref<96xi32, #tpu.memory_space<hbm>>
      %dma_start3A_156 = tpu.memref_slice %arg4[%add3A_152] : memref<320000xi32, #tpu.memory_space<hbm>> -> memref<96xi32, #tpu.memory_space<hbm>>
      tpu.enqueue_dma source(%dma_start3A_156 : memref<96xi32, #tpu.memory_space<hbm>>) target(%arg14 : memref<96xi32, #tpu.memory_space<vmem>>) target_semaphore(%arg12 : memref<!tpu.dma_semaphore, #tpu.memory_space<semaphore_mem>>)
      %dma_start3A_157 = arith.constant 0 : i32
      %dma_start3A_158 = tpu.memref_slice %arg5[%add3A_152, %dma_start3A_157] : memref<320000x16xf32, #tpu.memory_space<hbm>> -> memref<96x16xf32, #tpu.memory_space<hbm>>
      %dma_start3A_159 = arith.constant 0 : i32
      %dma_start3A_160 = tpu.memref_slice %arg5[%add3A_152, %dma_start3A_159] : memref<320000x16xf32, #tpu.memory_space<hbm>> -> memref<96x16xf32, #tpu.memory_space<hbm>>
      tpu.enqueue_dma source(%dma_start3A_160 : memref<96x16xf32, #tpu.memory_space<hbm>>) target(%arg15 : memref<96x16xf32, #tpu.memory_space<vmem>>) target_semaphore(%arg12 : memref<!tpu.dma_semaphore, #tpu.memory_space<semaphore_mem>>)
      "tpu.region"() ({
        %run_scoped3A = tpu.sem_alloc : memref<!tpu.dma_semaphore, #tpu.memory_space<semaphore_mem>>
        %dma_start3A_206 = arith.constant 0 : i32
        %dma_start3A_207 = arith.constant 0 : i32
        %dma_start3A_208 = tpu.memref_slice %arg2[%dma_start3A_206, %dma_start3A_207] : memref<10000x128xf32, #tpu.memory_space<hbm>> -> memref<10000x128xf32, #tpu.memory_space<hbm>>
        tpu.enqueue_indirect_dma source(%dma_start3A_208 : memref<10000x128xf32, #tpu.memory_space<hbm>>) target(%arg8 : memref<96x128xf32, #tpu.memory_space<vmem>>) offsets(%arg9 : memref<96xi32, #tpu.memory_space<vmem>>) semaphore(%run_scoped3A : memref<!tpu.dma_semaphore, #tpu.memory_space<semaphore_mem>>)
        %dma_wait3A_209 = arith.constant 0 : i32
        %dma_wait3A_210 = arith.constant 0 : i32
        %dma_wait3A_211 = tpu.memref_slice %arg2[%dma_wait3A_209, %dma_wait3A_210] : memref<10000x128xf32, #tpu.memory_space<hbm>> -> memref<10000x128xf32, #tpu.memory_space<hbm>>
        tpu.wait_indirect_dma semaphore(%run_scoped3A : memref<!tpu.dma_semaphore, #tpu.memory_space<semaphore_mem>>) src(%dma_wait3A_211 : memref<10000x128xf32, #tpu.memory_space<hbm>>) dst(%arg8 : memref<96x128xf32, #tpu.memory_space<vmem>>)
        tpu.yield
      }) : () -> ()
      %scan3A_161 = arith.constant 0 : i32
      %scan3A_162 = arith.constant 96 : i32
      %scan3A_163 = arith.addi %scan3A_161, %scan3A_162 : i32
      %scan3A_164 = arith.constant 1 : i32
      scf.for %scan3A_206 = %scan3A_161 to %scan3A_163 step %scan3A_164  : i32 {
        %mul3A_207 = arith.constant 1 : i32
        %mul3A_208 = arith.muli %scan3A_206, %mul3A_207 : i32
        %add3A_209 = arith.constant 0 : i32
        %add3A_210 = arith.addi %add3A_209, %mul3A_208 : i32
        %get3A = arith.index_cast %add3A_210 : i32 to index
        %get3A_211 = arith.constant 0 : index
        %get3A_212 = tpu.vector_load %arg11[%get3A, %get3A_211] {strides = array<i32>} : memref<96x16xf32, #tpu.memory_space<vmem>>, vector<16xf32>,
        %get3A_213 = arith.index_cast %add3A_210 : i32 to index
        %get3A_214 = arith.constant 0 : index
        %get3A_215 = tpu.vector_load %arg8[%get3A_213, %get3A_214] {strides = array<i32>} : memref<96x128xf32, #tpu.memory_space<vmem>>, vector<16xf32>,
        %mul3A_216 = arith.mulf %get3A_215, %get3A_212 : vector<16xf32>
        %swap3A = arith.index_cast %add3A_210 : i32 to index
        %swap3A_217 = arith.constant 0 : index
        %swap3A_218 = tpu.vector_load %arg8[%swap3A, %swap3A_217] {strides = array<i32>} : memref<96x128xf32, #tpu.memory_space<vmem>>, vector<16xf32>,
        tpu.vector_store %arg8[%swap3A, %swap3A_217], %mul3A_216 {strides = array<i32>} : memref<96x128xf32, #tpu.memory_space<vmem>>, vector<16xf32>,
        %get3A_219 = arith.index_cast %add3A_210 : i32 to index
        %get3A_220 = arith.constant 16 : index
        %get3A_221 = tpu.vector_load %arg8[%get3A_219, %get3A_220] {strides = array<i32>} : memref<96x128xf32, #tpu.memory_space<vmem>>, vector<16xf32>,
        %mul3A_222 = arith.mulf %get3A_221, %get3A_212 : vector<16xf32>
        %swap3A_223 = arith.index_cast %add3A_210 : i32 to index
        %swap3A_224 = arith.constant 16 : index
        %swap3A_225 = tpu.vector_load %arg8[%swap3A_223, %swap3A_224] {strides = array<i32>} : memref<96x128xf32, #tpu.memory_space<vmem>>, vector<16xf32>,
        tpu.vector_store %arg8[%swap3A_223, %swap3A_224], %mul3A_222 {strides = array<i32>} : memref<96x128xf32, #tpu.memory_space<vmem>>, vector<16xf32>,
        %get3A_226 = arith.index_cast %add3A_210 : i32 to index
        %get3A_227 = arith.constant 32 : index
        %get3A_228 = tpu.vector_load %arg8[%get3A_226, %get3A_227] {strides = array<i32>} : memref<96x128xf32, #tpu.memory_space<vmem>>, vector<16xf32>,
        %mul3A_229 = arith.mulf %get3A_228, %get3A_212 : vector<16xf32>
        %swap3A_230 = arith.index_cast %add3A_210 : i32 to index
        %swap3A_231 = arith.constant 32 : index
        %swap3A_232 = tpu.vector_load %arg8[%swap3A_230, %swap3A_231] {strides = array<i32>} : memref<96x128xf32, #tpu.memory_space<vmem>>, vector<16xf32>,
        tpu.vector_store %arg8[%swap3A_230, %swap3A_231], %mul3A_229 {strides = array<i32>} : memref<96x128xf32, #tpu.memory_space<vmem>>, vector<16xf32>,
        %get3A_233 = arith.index_cast %add3A_210 : i32 to index
        %get3A_234 = arith.constant 48 : index
        %get3A_235 = tpu.vector_load %arg8[%get3A_233, %get3A_234] {strides = array<i32>} : memref<96x128xf32, #tpu.memory_space<vmem>>, vector<16xf32>,
        %mul3A_236 = arith.mulf %get3A_235, %get3A_212 : vector<16xf32>
        %swap3A_237 = arith.index_cast %add3A_210 : i32 to index
        %swap3A_238 = arith.constant 48 : index
        %swap3A_239 = tpu.vector_load %arg8[%swap3A_237, %swap3A_238] {strides = array<i32>} : memref<96x128xf32, #tpu.memory_space<vmem>>, vector<16xf32>,
        tpu.vector_store %arg8[%swap3A_237, %swap3A_238], %mul3A_236 {strides = array<i32>} : memref<96x128xf32, #tpu.memory_space<vmem>>, vector<16xf32>,
        %get3A_240 = arith.index_cast %add3A_210 : i32 to index
        %get3A_241 = arith.constant 64 : index
        %get3A_242 = tpu.vector_load %arg8[%get3A_240, %get3A_241] {strides = array<i32>} : memref<96x128xf32, #tpu.memory_space<vmem>>, vector<16xf32>,
        %mul3A_243 = arith.mulf %get3A_242, %get3A_212 : vector<16xf32>
        %swap3A_244 = arith.index_cast %add3A_210 : i32 to index
        %swap3A_245 = arith.constant 64 : index
        %swap3A_246 = tpu.vector_load %arg8[%swap3A_244, %swap3A_245] {strides = array<i32>} : memref<96x128xf32, #tpu.memory_space<vmem>>, vector<16xf32>,
        tpu.vector_store %arg8[%swap3A_244, %swap3A_245], %mul3A_243 {strides = array<i32>} : memref<96x128xf32, #tpu.memory_space<vmem>>, vector<16xf32>,
        %get3A_247 = arith.index_cast %add3A_210 : i32 to index
        %get3A_248 = arith.constant 80 : index
        %get3A_249 = tpu.vector_load %arg8[%get3A_247, %get3A_248] {strides = array<i32>} : memref<96x128xf32, #tpu.memory_space<vmem>>, vector<16xf32>,
        %mul3A_250 = arith.mulf %get3A_249, %get3A_212 : vector<16xf32>
        %swap3A_251 = arith.index_cast %add3A_210 : i32 to index
        %swap3A_252 = arith.constant 80 : index
        %swap3A_253 = tpu.vector_load %arg8[%swap3A_251, %swap3A_252] {strides = array<i32>} : memref<96x128xf32, #tpu.memory_space<vmem>>, vector<16xf32>,
        tpu.vector_store %arg8[%swap3A_251, %swap3A_252], %mul3A_250 {strides = array<i32>} : memref<96x128xf32, #tpu.memory_space<vmem>>, vector<16xf32>,
        %get3A_254 = arith.index_cast %add3A_210 : i32 to index
        %get3A_255 = arith.constant 96 : index
        %get3A_256 = tpu.vector_load %arg8[%get3A_254, %get3A_255] {strides = array<i32>} : memref<96x128xf32, #tpu.memory_space<vmem>>, vector<16xf32>,
        %mul3A_257 = arith.mulf %get3A_256, %get3A_212 : vector<16xf32>
        %swap3A_258 = arith.index_cast %add3A_210 : i32 to index
        %swap3A_259 = arith.constant 96 : index
        %swap3A_260 = tpu.vector_load %arg8[%swap3A_258, %swap3A_259] {strides = array<i32>} : memref<96x128xf32, #tpu.memory_space<vmem>>, vector<16xf32>,
        tpu.vector_store %arg8[%swap3A_258, %swap3A_259], %mul3A_257 {strides = array<i32>} : memref<96x128xf32, #tpu.memory_space<vmem>>, vector<16xf32>,
        %get3A_261 = arith.index_cast %add3A_210 : i32 to index
        %get3A_262 = arith.constant 112 : index
        %get3A_263 = tpu.vector_load %arg8[%get3A_261, %get3A_262] {strides = array<i32>} : memref<96x128xf32, #tpu.memory_space<vmem>>, vector<16xf32>,
        %mul3A_264 = arith.mulf %get3A_263, %get3A_212 : vector<16xf32>
        %swap3A_265 = arith.index_cast %add3A_210 : i32 to index
        %swap3A_266 = arith.constant 112 : index
        %swap3A_267 = tpu.vector_load %arg8[%swap3A_265, %swap3A_266] {strides = array<i32>} : memref<96x128xf32, #tpu.memory_space<vmem>>, vector<16xf32>,
        tpu.vector_store %arg8[%swap3A_265, %swap3A_266], %mul3A_264 {strides = array<i32>} : memref<96x128xf32, #tpu.memory_space<vmem>>, vector<16xf32>,
      }
      %scan3A_165 = arith.constant 96 : i32
      "tpu.region"() ({
        %run_scoped3A = tpu.sem_alloc : memref<!tpu.dma_semaphore, #tpu.memory_space<semaphore_mem>>
        %dma_start3A_206 = arith.constant 0 : i32
        %dma_start3A_207 = arith.constant 0 : i32
        %dma_start3A_208 = tpu.memref_slice %arg7[%dma_start3A_206, %dma_start3A_207] : memref<10240x128xf32, #tpu.memory_space<vmem_shared>> -> memref<10240x128xf32, #tpu.memory_space<vmem_shared>>
        tpu.enqueue_indirect_dma source(%arg8 : memref<96x128xf32, #tpu.memory_space<vmem>>) target(%dma_start3A_208 : memref<10240x128xf32, #tpu.memory_space<vmem_shared>>) offsets(%arg10 : memref<96xi32, #tpu.memory_space<vmem>>) semaphore(%run_scoped3A : memref<!tpu.dma_semaphore, #tpu.memory_space<semaphore_mem>>) {add = true}
        %dma_wait3A_209 = arith.constant 0 : i32
        %dma_wait3A_210 = arith.constant 0 : i32
        %dma_wait3A_211 = tpu.memref_slice %arg7[%dma_wait3A_209, %dma_wait3A_210] : memref<10240x128xf32, #tpu.memory_space<vmem_shared>> -> memref<10240x128xf32, #tpu.memory_space<vmem_shared>>
        tpu.wait_indirect_dma semaphore(%run_scoped3A : memref<!tpu.dma_semaphore, #tpu.memory_space<semaphore_mem>>) src(%arg8 : memref<96x128xf32, #tpu.memory_space<vmem>>) dst(%dma_wait3A_211 : memref<10240x128xf32, #tpu.memory_space<vmem_shared>>)
        tpu.yield
      }) : () -> ()
      %mul3A_166 = arith.constant 2 : i32
      %mul3A_167 = arith.muli %add3A_126, %mul3A_166 : i32
      %add3A_168 = arith.constant 0 : i32
      %add3A_169 = arith.addi %add3A_168, %mul3A_167 : i32
      %add3A_170 = arith.constant 1 : i32
      %add3A_171 = arith.addi %add3A_169, %add3A_170 : i32
      %dma_wait3A_172 = arith.constant 0 : i32
      %dma_wait3A_173 = tpu.memref_slice %arg3[%dma_wait3A_172] : memref<320000xi32, #tpu.memory_space<hbm>> -> memref<96xi32, #tpu.memory_space<hbm>>
      %dma_wait3A_174 = arith.constant 0 : i32
      %dma_wait3A_175 = tpu.memref_slice %arg3[%dma_wait3A_174] : memref<320000xi32, #tpu.memory_space<hbm>> -> memref<96xi32, #tpu.memory_space<hbm>>
      tpu.wait_dma2 semaphore(%arg12 : memref<!tpu.dma_semaphore, #tpu.memory_space<semaphore_mem>>) src(%dma_wait3A_175 : memref<96xi32, #tpu.memory_space<hbm>>) dst(%arg13 : memref<96xi32, #tpu.memory_space<vmem>>)
      %dma_wait3A_176 = arith.constant 0 : i32
      %dma_wait3A_177 = tpu.memref_slice %arg4[%dma_wait3A_176] : memref<320000xi32, #tpu.memory_space<hbm>> -> memref<96xi32, #tpu.memory_space<hbm>>
      %dma_wait3A_178 = arith.constant 0 : i32
      %dma_wait3A_179 = tpu.memref_slice %arg4[%dma_wait3A_178] : memref<320000xi32, #tpu.memory_space<hbm>> -> memref<96xi32, #tpu.memory_space<hbm>>
      tpu.wait_dma2 semaphore(%arg12 : memref<!tpu.dma_semaphore, #tpu.memory_space<semaphore_mem>>) src(%dma_wait3A_179 : memref<96xi32, #tpu.memory_space<hbm>>) dst(%arg14 : memref<96xi32, #tpu.memory_space<vmem>>)
      %dma_wait3A_180 = arith.constant 0 : i32
      %dma_wait3A_181 = arith.constant 0 : i32
      %dma_wait3A_182 = tpu.memref_slice %arg5[%dma_wait3A_180, %dma_wait3A_181] : memref<320000x16xf32, #tpu.memory_space<hbm>> -> memref<96x16xf32, #tpu.memory_space<hbm>>
      %dma_wait3A_183 = arith.constant 0 : i32
      %dma_wait3A_184 = arith.constant 0 : i32
      %dma_wait3A_185 = tpu.memref_slice %arg5[%dma_wait3A_183, %dma_wait3A_184] : memref<320000x16xf32, #tpu.memory_space<hbm>> -> memref<96x16xf32, #tpu.memory_space<hbm>>
      tpu.wait_dma2 semaphore(%arg12 : memref<!tpu.dma_semaphore, #tpu.memory_space<semaphore_mem>>) src(%dma_wait3A_185 : memref<96x16xf32, #tpu.memory_space<hbm>>) dst(%arg15 : memref<96x16xf32, #tpu.memory_space<vmem>>)
      %add3A_186 = arith.constant 1 : i32
      %add3A_187 = arith.addi %add3A_171, %add3A_186 : i32
      %min3A_188 = arith.constant 103 : i32
      %min3A_189 = arith.minsi %add3A_187, %min3A_188 : i32
      %mul3A_190 = arith.constant 96 : i32
      %mul3A_191 = arith.muli %min3A_189, %mul3A_190 : i32
      %add3A_192 = arith.addi %mul3A_46, %mul3A_191 : i32
      %dma_start3A_193 = tpu.memref_slice %arg3[%add3A_192] : memref<320000xi32, #tpu.memory_space<hbm>> -> memref<96xi32, #tpu.memory_space<hbm>>
      %dma_start3A_194 = tpu.memref_slice %arg3[%add3A_192] : memref<320000xi32, #tpu.memory_space<hbm>> -> memref<96xi32, #tpu.memory_space<hbm>>
      tpu.enqueue_dma source(%dma_start3A_194 : memref<96xi32, #tpu.memory_space<hbm>>) target(%arg9 : memref<96xi32, #tpu.memory_space<vmem>>) target_semaphore(%arg12 : memref<!tpu.dma_semaphore, #tpu.memory_space<semaphore_mem>>)
      %dma_start3A_195 = tpu.memref_slice %arg4[%add3A_192] : memref<320000xi32, #tpu.memory_space<hbm>> -> memref<96xi32, #tpu.memory_space<hbm>>
      %dma_start3A_196 = tpu.memref_slice %arg4[%add3A_192] : memref<320000xi32, #tpu.memory_space<hbm>> -> memref<96xi32, #tpu.memory_space<hbm>>
      tpu.enqueue_dma source(%dma_start3A_196 : memref<96xi32, #tpu.memory_space<hbm>>) target(%arg10 : memref<96xi32, #tpu.memory_space<vmem>>) target_semaphore(%arg12 : memref<!tpu.dma_semaphore, #tpu.memory_space<semaphore_mem>>)
      %dma_start3A_197 = arith.constant 0 : i32
      %dma_start3A_198 = tpu.memref_slice %arg5[%add3A_192, %dma_start3A_197] : memref<320000x16xf32, #tpu.memory_space<hbm>> -> memref<96x16xf32, #tpu.memory_space<hbm>>
      %dma_start3A_199 = arith.constant 0 : i32
      %dma_start3A_200 = tpu.memref_slice %arg5[%add3A_192, %dma_start3A_199] : memref<320000x16xf32, #tpu.memory_space<hbm>> -> memref<96x16xf32, #tpu.memory_space<hbm>>
      tpu.enqueue_dma source(%dma_start3A_200 : memref<96x16xf32, #tpu.memory_space<hbm>>) target(%arg11 : memref<96x16xf32, #tpu.memory_space<vmem>>) target_semaphore(%arg12 : memref<!tpu.dma_semaphore, #tpu.memory_space<semaphore_mem>>)
      "tpu.region"() ({
        %run_scoped3A = tpu.sem_alloc : memref<!tpu.dma_semaphore, #tpu.memory_space<semaphore_mem>>
        %dma_start3A_206 = arith.constant 0 : i32
        %dma_start3A_207 = arith.constant 0 : i32
        %dma_start3A_208 = tpu.memref_slice %arg2[%dma_start3A_206, %dma_start3A_207] : memref<10000x128xf32, #tpu.memory_space<hbm>> -> memref<10000x128xf32, #tpu.memory_space<hbm>>
        tpu.enqueue_indirect_dma source(%dma_start3A_208 : memref<10000x128xf32, #tpu.memory_space<hbm>>) target(%arg8 : memref<96x128xf32, #tpu.memory_space<vmem>>) offsets(%arg13 : memref<96xi32, #tpu.memory_space<vmem>>) semaphore(%run_scoped3A : memref<!tpu.dma_semaphore, #tpu.memory_space<semaphore_mem>>)
        %dma_wait3A_209 = arith.constant 0 : i32
        %dma_wait3A_210 = arith.constant 0 : i32
        %dma_wait3A_211 = tpu.memref_slice %arg2[%dma_wait3A_209, %dma_wait3A_210] : memref<10000x128xf32, #tpu.memory_space<hbm>> -> memref<10000x128xf32, #tpu.memory_space<hbm>>
        tpu.wait_indirect_dma semaphore(%run_scoped3A : memref<!tpu.dma_semaphore, #tpu.memory_space<semaphore_mem>>) src(%dma_wait3A_211 : memref<10000x128xf32, #tpu.memory_space<hbm>>) dst(%arg8 : memref<96x128xf32, #tpu.memory_space<vmem>>)
        tpu.yield
      }) : () -> ()
      %scan3A_201 = arith.constant 0 : i32
      %scan3A_202 = arith.constant 96 : i32
      %scan3A_203 = arith.addi %scan3A_201, %scan3A_202 : i32
      %scan3A_204 = arith.constant 1 : i32
      scf.for %scan3A_206 = %scan3A_201 to %scan3A_203 step %scan3A_204  : i32 {
        %mul3A_207 = arith.constant 1 : i32
        %mul3A_208 = arith.muli %scan3A_206, %mul3A_207 : i32
        %add3A_209 = arith.constant 0 : i32
        %add3A_210 = arith.addi %add3A_209, %mul3A_208 : i32
        %get3A = arith.index_cast %add3A_210 : i32 to index
        %get3A_211 = arith.constant 0 : index
        %get3A_212 = tpu.vector_load %arg15[%get3A, %get3A_211] {strides = array<i32>} : memref<96x16xf32, #tpu.memory_space<vmem>>, vector<16xf32>,
        %get3A_213 = arith.index_cast %add3A_210 : i32 to index
        %get3A_214 = arith.constant 0 : index
        %get3A_215 = tpu.vector_load %arg8[%get3A_213, %get3A_214] {strides = array<i32>} : memref<96x128xf32, #tpu.memory_space<vmem>>, vector<16xf32>,
        %mul3A_216 = arith.mulf %get3A_215, %get3A_212 : vector<16xf32>
        %swap3A = arith.index_cast %add3A_210 : i32 to index
        %swap3A_217 = arith.constant 0 : index
        %swap3A_218 = tpu.vector_load %arg8[%swap3A, %swap3A_217] {strides = array<i32>} : memref<96x128xf32, #tpu.memory_space<vmem>>, vector<16xf32>,
        tpu.vector_store %arg8[%swap3A, %swap3A_217], %mul3A_216 {strides = array<i32>} : memref<96x128xf32, #tpu.memory_space<vmem>>, vector<16xf32>,
        %get3A_219 = arith.index_cast %add3A_210 : i32 to index
        %get3A_220 = arith.constant 16 : index
        %get3A_221 = tpu.vector_load %arg8[%get3A_219, %get3A_220] {strides = array<i32>} : memref<96x128xf32, #tpu.memory_space<vmem>>, vector<16xf32>,
        %mul3A_222 = arith.mulf %get3A_221, %get3A_212 : vector<16xf32>
        %swap3A_223 = arith.index_cast %add3A_210 : i32 to index
        %swap3A_224 = arith.constant 16 : index
        %swap3A_225 = tpu.vector_load %arg8[%swap3A_223, %swap3A_224] {strides = array<i32>} : memref<96x128xf32, #tpu.memory_space<vmem>>, vector<16xf32>,
        tpu.vector_store %arg8[%swap3A_223, %swap3A_224], %mul3A_222 {strides = array<i32>} : memref<96x128xf32, #tpu.memory_space<vmem>>, vector<16xf32>,
        %get3A_226 = arith.index_cast %add3A_210 : i32 to index
        %get3A_227 = arith.constant 32 : index
        %get3A_228 = tpu.vector_load %arg8[%get3A_226, %get3A_227] {strides = array<i32>} : memref<96x128xf32, #tpu.memory_space<vmem>>, vector<16xf32>,
        %mul3A_229 = arith.mulf %get3A_228, %get3A_212 : vector<16xf32>
        %swap3A_230 = arith.index_cast %add3A_210 : i32 to index
        %swap3A_231 = arith.constant 32 : index
        %swap3A_232 = tpu.vector_load %arg8[%swap3A_230, %swap3A_231] {strides = array<i32>} : memref<96x128xf32, #tpu.memory_space<vmem>>, vector<16xf32>,
        tpu.vector_store %arg8[%swap3A_230, %swap3A_231], %mul3A_229 {strides = array<i32>} : memref<96x128xf32, #tpu.memory_space<vmem>>, vector<16xf32>,
        %get3A_233 = arith.index_cast %add3A_210 : i32 to index
        %get3A_234 = arith.constant 48 : index
        %get3A_235 = tpu.vector_load %arg8[%get3A_233, %get3A_234] {strides = array<i32>} : memref<96x128xf32, #tpu.memory_space<vmem>>, vector<16xf32>,
        %mul3A_236 = arith.mulf %get3A_235, %get3A_212 : vector<16xf32>
        %swap3A_237 = arith.index_cast %add3A_210 : i32 to index
        %swap3A_238 = arith.constant 48 : index
        %swap3A_239 = tpu.vector_load %arg8[%swap3A_237, %swap3A_238] {strides = array<i32>} : memref<96x128xf32, #tpu.memory_space<vmem>>, vector<16xf32>,
        tpu.vector_store %arg8[%swap3A_237, %swap3A_238], %mul3A_236 {strides = array<i32>} : memref<96x128xf32, #tpu.memory_space<vmem>>, vector<16xf32>,
        %get3A_240 = arith.index_cast %add3A_210 : i32 to index
        %get3A_241 = arith.constant 64 : index
        %get3A_242 = tpu.vector_load %arg8[%get3A_240, %get3A_241] {strides = array<i32>} : memref<96x128xf32, #tpu.memory_space<vmem>>, vector<16xf32>,
        %mul3A_243 = arith.mulf %get3A_242, %get3A_212 : vector<16xf32>
        %swap3A_244 = arith.index_cast %add3A_210 : i32 to index
        %swap3A_245 = arith.constant 64 : index
        %swap3A_246 = tpu.vector_load %arg8[%swap3A_244, %swap3A_245] {strides = array<i32>} : memref<96x128xf32, #tpu.memory_space<vmem>>, vector<16xf32>,
        tpu.vector_store %arg8[%swap3A_244, %swap3A_245], %mul3A_243 {strides = array<i32>} : memref<96x128xf32, #tpu.memory_space<vmem>>, vector<16xf32>,
        %get3A_247 = arith.index_cast %add3A_210 : i32 to index
        %get3A_248 = arith.constant 80 : index
        %get3A_249 = tpu.vector_load %arg8[%get3A_247, %get3A_248] {strides = array<i32>} : memref<96x128xf32, #tpu.memory_space<vmem>>, vector<16xf32>,
        %mul3A_250 = arith.mulf %get3A_249, %get3A_212 : vector<16xf32>
        %swap3A_251 = arith.index_cast %add3A_210 : i32 to index
        %swap3A_252 = arith.constant 80 : index
        %swap3A_253 = tpu.vector_load %arg8[%swap3A_251, %swap3A_252] {strides = array<i32>} : memref<96x128xf32, #tpu.memory_space<vmem>>, vector<16xf32>,
        tpu.vector_store %arg8[%swap3A_251, %swap3A_252], %mul3A_250 {strides = array<i32>} : memref<96x128xf32, #tpu.memory_space<vmem>>, vector<16xf32>,
        %get3A_254 = arith.index_cast %add3A_210 : i32 to index
        %get3A_255 = arith.constant 96 : index
        %get3A_256 = tpu.vector_load %arg8[%get3A_254, %get3A_255] {strides = array<i32>} : memref<96x128xf32, #tpu.memory_space<vmem>>, vector<16xf32>,
        %mul3A_257 = arith.mulf %get3A_256, %get3A_212 : vector<16xf32>
        %swap3A_258 = arith.index_cast %add3A_210 : i32 to index
        %swap3A_259 = arith.constant 96 : index
        %swap3A_260 = tpu.vector_load %arg8[%swap3A_258, %swap3A_259] {strides = array<i32>} : memref<96x128xf32, #tpu.memory_space<vmem>>, vector<16xf32>,
        tpu.vector_store %arg8[%swap3A_258, %swap3A_259], %mul3A_257 {strides = array<i32>} : memref<96x128xf32, #tpu.memory_space<vmem>>, vector<16xf32>,
        %get3A_261 = arith.index_cast %add3A_210 : i32 to index
        %get3A_262 = arith.constant 112 : index
        %get3A_263 = tpu.vector_load %arg8[%get3A_261, %get3A_262] {strides = array<i32>} : memref<96x128xf32, #tpu.memory_space<vmem>>, vector<16xf32>,
        %mul3A_264 = arith.mulf %get3A_263, %get3A_212 : vector<16xf32>
        %swap3A_265 = arith.index_cast %add3A_210 : i32 to index
        %swap3A_266 = arith.constant 112 : index
        %swap3A_267 = tpu.vector_load %arg8[%swap3A_265, %swap3A_266] {strides = array<i32>} : memref<96x128xf32, #tpu.memory_space<vmem>>, vector<16xf32>,
        tpu.vector_store %arg8[%swap3A_265, %swap3A_266], %mul3A_264 {strides = array<i32>} : memref<96x128xf32, #tpu.memory_space<vmem>>, vector<16xf32>,
      }
      %scan3A_205 = arith.constant 96 : i32
      "tpu.region"() ({
        %run_scoped3A = tpu.sem_alloc : memref<!tpu.dma_semaphore, #tpu.memory_space<semaphore_mem>>
        %dma_start3A_206 = arith.constant 0 : i32
        %dma_start3A_207 = arith.constant 0 : i32
        %dma_start3A_208 = tpu.memref_slice %arg7[%dma_start3A_206, %dma_start3A_207] : memref<10240x128xf32, #tpu.memory_space<vmem_shared>> -> memref<10240x128xf32, #tpu.memory_space<vmem_shared>>
        tpu.enqueue_indirect_dma source(%arg8 : memref<96x128xf32, #tpu.memory_space<vmem>>) target(%dma_start3A_208 : memref<10240x128xf32, #tpu.memory_space<vmem_shared>>) offsets(%arg14 : memref<96xi32, #tpu.memory_space<vmem>>) semaphore(%run_scoped3A : memref<!tpu.dma_semaphore, #tpu.memory_space<semaphore_mem>>) {add = true}
        %dma_wait3A_209 = arith.constant 0 : i32
        %dma_wait3A_210 = arith.constant 0 : i32
        %dma_wait3A_211 = tpu.memref_slice %arg7[%dma_wait3A_209, %dma_wait3A_210] : memref<10240x128xf32, #tpu.memory_space<vmem_shared>> -> memref<10240x128xf32, #tpu.memory_space<vmem_shared>>
        tpu.wait_indirect_dma semaphore(%run_scoped3A : memref<!tpu.dma_semaphore, #tpu.memory_space<semaphore_mem>>) src(%arg8 : memref<96x128xf32, #tpu.memory_space<vmem>>) dst(%dma_wait3A_211 : memref<10240x128xf32, #tpu.memory_space<vmem_shared>>)
        tpu.yield
      }) : () -> ()
    }
    %scan3A_60 = arith.constant 52 : i32
    %dma_wait3A = arith.constant 0 : i32
    %dma_wait3A_61 = tpu.memref_slice %arg3[%dma_wait3A] : memref<320000xi32, #tpu.memory_space<hbm>> -> memref<96xi32, #tpu.memory_space<hbm>>
    %dma_wait3A_62 = arith.constant 0 : i32
    %dma_wait3A_63 = tpu.memref_slice %arg3[%dma_wait3A_62] : memref<320000xi32, #tpu.memory_space<hbm>> -> memref<96xi32, #tpu.memory_space<hbm>>
    tpu.wait_dma2 semaphore(%arg12 : memref<!tpu.dma_semaphore, #tpu.memory_space<semaphore_mem>>) src(%dma_wait3A_63 : memref<96xi32, #tpu.memory_space<hbm>>) dst(%arg9 : memref<96xi32, #tpu.memory_space<vmem>>)
    %dma_wait3A_64 = arith.constant 0 : i32
    %dma_wait3A_65 = tpu.memref_slice %arg4[%dma_wait3A_64] : memref<320000xi32, #tpu.memory_space<hbm>> -> memref<96xi32, #tpu.memory_space<hbm>>
    %dma_wait3A_66 = arith.constant 0 : i32
    %dma_wait3A_67 = tpu.memref_slice %arg4[%dma_wait3A_66] : memref<320000xi32, #tpu.memory_space<hbm>> -> memref<96xi32, #tpu.memory_space<hbm>>
    tpu.wait_dma2 semaphore(%arg12 : memref<!tpu.dma_semaphore, #tpu.memory_space<semaphore_mem>>) src(%dma_wait3A_67 : memref<96xi32, #tpu.memory_space<hbm>>) dst(%arg10 : memref<96xi32, #tpu.memory_space<vmem>>)
    %dma_wait3A_68 = arith.constant 0 : i32
    %dma_wait3A_69 = arith.constant 0 : i32
    %dma_wait3A_70 = tpu.memref_slice %arg5[%dma_wait3A_68, %dma_wait3A_69] : memref<320000x16xf32, #tpu.memory_space<hbm>> -> memref<96x16xf32, #tpu.memory_space<hbm>>
    %dma_wait3A_71 = arith.constant 0 : i32
    %dma_wait3A_72 = arith.constant 0 : i32
    %dma_wait3A_73 = tpu.memref_slice %arg5[%dma_wait3A_71, %dma_wait3A_72] : memref<320000x16xf32, #tpu.memory_space<hbm>> -> memref<96x16xf32, #tpu.memory_space<hbm>>
    tpu.wait_dma2 semaphore(%arg12 : memref<!tpu.dma_semaphore, #tpu.memory_space<semaphore_mem>>) src(%dma_wait3A_73 : memref<96x16xf32, #tpu.memory_space<hbm>>) dst(%arg11 : memref<96x16xf32, #tpu.memory_space<vmem>>)
    %add3A_74 = arith.constant 9984 : i32
    %add3A_75 = arith.addi %mul3A_46, %add3A_74 : i32
    "tpu.region"() ({
      %run_scoped3A = tpu.sem_alloc : memref<!tpu.dma_semaphore, #tpu.memory_space<semaphore_mem>>
      %dma_start3A_122 = tpu.memref_slice %arg3[%add3A_75] : memref<320000xi32, #tpu.memory_space<hbm>> -> memref<16xi32, #tpu.memory_space<hbm>>
      %dma_start3A_123 = tpu.memref_slice %arg3[%add3A_75] : memref<320000xi32, #tpu.memory_space<hbm>> -> memref<16xi32, #tpu.memory_space<hbm>>
      tpu.enqueue_dma source(%dma_start3A_123 : memref<16xi32, #tpu.memory_space<hbm>>) target(%arg17 : memref<16xi32, #tpu.memory_space<vmem>>) target_semaphore(%run_scoped3A : memref<!tpu.dma_semaphore, #tpu.memory_space<semaphore_mem>>)
      %dma_wait3A_124 = tpu.memref_slice %arg3[%add3A_75] : memref<320000xi32, #tpu.memory_space<hbm>> -> memref<16xi32, #tpu.memory_space<hbm>>
      %dma_wait3A_125 = tpu.memref_slice %arg3[%add3A_75] : memref<320000xi32, #tpu.memory_space<hbm>> -> memref<16xi32, #tpu.memory_space<hbm>>
      tpu.wait_dma2 semaphore(%run_scoped3A : memref<!tpu.dma_semaphore, #tpu.memory_space<semaphore_mem>>) src(%dma_wait3A_125 : memref<16xi32, #tpu.memory_space<hbm>>) dst(%arg17 : memref<16xi32, #tpu.memory_space<vmem>>)
      tpu.yield
    }) : () -> ()
    "tpu.region"() ({
      %run_scoped3A = tpu.sem_alloc : memref<!tpu.dma_semaphore, #tpu.memory_space<semaphore_mem>>
      %dma_start3A_122 = tpu.memref_slice %arg4[%add3A_75] : memref<320000xi32, #tpu.memory_space<hbm>> -> memref<16xi32, #tpu.memory_space<hbm>>
      %dma_start3A_123 = tpu.memref_slice %arg4[%add3A_75] : memref<320000xi32, #tpu.memory_space<hbm>> -> memref<16xi32, #tpu.memory_space<hbm>>
      tpu.enqueue_dma source(%dma_start3A_123 : memref<16xi32, #tpu.memory_space<hbm>>) target(%arg18 : memref<16xi32, #tpu.memory_space<vmem>>) target_semaphore(%run_scoped3A : memref<!tpu.dma_semaphore, #tpu.memory_space<semaphore_mem>>)
      %dma_wait3A_124 = tpu.memref_slice %arg4[%add3A_75] : memref<320000xi32, #tpu.memory_space<hbm>> -> memref<16xi32, #tpu.memory_space<hbm>>
      %dma_wait3A_125 = tpu.memref_slice %arg4[%add3A_75] : memref<320000xi32, #tpu.memory_space<hbm>> -> memref<16xi32, #tpu.memory_space<hbm>>
      tpu.wait_dma2 semaphore(%run_scoped3A : memref<!tpu.dma_semaphore, #tpu.memory_space<semaphore_mem>>) src(%dma_wait3A_125 : memref<16xi32, #tpu.memory_space<hbm>>) dst(%arg18 : memref<16xi32, #tpu.memory_space<vmem>>)
      tpu.yield
    }) : () -> ()
    "tpu.region"() ({
      %run_scoped3A = tpu.sem_alloc : memref<!tpu.dma_semaphore, #tpu.memory_space<semaphore_mem>>
      %dma_start3A_122 = arith.constant 0 : i32
      %dma_start3A_123 = tpu.memref_slice %arg5[%add3A_75, %dma_start3A_122] : memref<320000x16xf32, #tpu.memory_space<hbm>> -> memref<16x16xf32, #tpu.memory_space<hbm>>
      %dma_start3A_124 = arith.constant 0 : i32
      %dma_start3A_125 = tpu.memref_slice %arg5[%add3A_75, %dma_start3A_124] : memref<320000x16xf32, #tpu.memory_space<hbm>> -> memref<16x16xf32, #tpu.memory_space<hbm>>
      tpu.enqueue_dma source(%dma_start3A_125 : memref<16x16xf32, #tpu.memory_space<hbm>>) target(%arg19 : memref<16x16xf32, #tpu.memory_space<vmem>>) target_semaphore(%run_scoped3A : memref<!tpu.dma_semaphore, #tpu.memory_space<semaphore_mem>>)
      %dma_wait3A_126 = arith.constant 0 : i32
      %dma_wait3A_127 = tpu.memref_slice %arg5[%add3A_75, %dma_wait3A_126] : memref<320000x16xf32, #tpu.memory_space<hbm>> -> memref<16x16xf32, #tpu.memory_space<hbm>>
      %dma_wait3A_128 = arith.constant 0 : i32
      %dma_wait3A_129 = tpu.memref_slice %arg5[%add3A_75, %dma_wait3A_128] : memref<320000x16xf32, #tpu.memory_space<hbm>> -> memref<16x16xf32, #tpu.memory_space<hbm>>
      tpu.wait_dma2 semaphore(%run_scoped3A : memref<!tpu.dma_semaphore, #tpu.memory_space<semaphore_mem>>) src(%dma_wait3A_129 : memref<16x16xf32, #tpu.memory_space<hbm>>) dst(%arg19 : memref<16x16xf32, #tpu.memory_space<vmem>>)
      tpu.yield
    }) : () -> ()
    "tpu.region"() ({
      %run_scoped3A = tpu.sem_alloc : memref<!tpu.dma_semaphore, #tpu.memory_space<semaphore_mem>>
      %dma_start3A_122 = arith.constant 0 : i32
      %dma_start3A_123 = arith.constant 0 : i32
      %dma_start3A_124 = tpu.memref_slice %arg2[%dma_start3A_122, %dma_start3A_123] : memref<10000x128xf32, #tpu.memory_space<hbm>> -> memref<10000x128xf32, #tpu.memory_space<hbm>>
      tpu.enqueue_indirect_dma source(%dma_start3A_124 : memref<10000x128xf32, #tpu.memory_space<hbm>>) target(%arg16 : memref<16x128xf32, #tpu.memory_space<vmem>>) offsets(%arg17 : memref<16xi32, #tpu.memory_space<vmem>>) semaphore(%run_scoped3A : memref<!tpu.dma_semaphore, #tpu.memory_space<semaphore_mem>>)
      %dma_wait3A_125 = arith.constant 0 : i32
      %dma_wait3A_126 = arith.constant 0 : i32
      %dma_wait3A_127 = tpu.memref_slice %arg2[%dma_wait3A_125, %dma_wait3A_126] : memref<10000x128xf32, #tpu.memory_space<hbm>> -> memref<10000x128xf32, #tpu.memory_space<hbm>>
      tpu.wait_indirect_dma semaphore(%run_scoped3A : memref<!tpu.dma_semaphore, #tpu.memory_space<semaphore_mem>>) src(%dma_wait3A_127 : memref<10000x128xf32, #tpu.memory_space<hbm>>) dst(%arg16 : memref<16x128xf32, #tpu.memory_space<vmem>>)
      tpu.yield
    }) : () -> ()
    %scan3A_76 = arith.constant 0 : i32
    %scan3A_77 = arith.constant 16 : i32
    %scan3A_78 = arith.addi %scan3A_76, %scan3A_77 : i32
    %scan3A_79 = arith.constant 1 : i32
    scf.for %scan3A_122 = %scan3A_76 to %scan3A_78 step %scan3A_79  : i32 {
      %mul3A_123 = arith.constant 1 : i32
      %mul3A_124 = arith.muli %scan3A_122, %mul3A_123 : i32
      %add3A_125 = arith.constant 0 : i32
      %add3A_126 = arith.addi %add3A_125, %mul3A_124 : i32
      %get3A = arith.index_cast %add3A_126 : i32 to index
      %get3A_127 = arith.constant 0 : index
      %get3A_128 = tpu.vector_load %arg19[%get3A, %get3A_127] {strides = array<i32>} : memref<16x16xf32, #tpu.memory_space<vmem>>, vector<16xf32>,
      %get3A_129 = arith.index_cast %add3A_126 : i32 to index
      %get3A_130 = arith.constant 0 : index
      %get3A_131 = tpu.vector_load %arg16[%get3A_129, %get3A_130] {strides = array<i32>} : memref<16x128xf32, #tpu.memory_space<vmem>>, vector<16xf32>,
      %mul3A_132 = arith.mulf %get3A_131, %get3A_128 : vector<16xf32>
      %swap3A = arith.index_cast %add3A_126 : i32 to index
      %swap3A_133 = arith.constant 0 : index
      %swap3A_134 = tpu.vector_load %arg16[%swap3A, %swap3A_133] {strides = array<i32>} : memref<16x128xf32, #tpu.memory_space<vmem>>, vector<16xf32>,
      tpu.vector_store %arg16[%swap3A, %swap3A_133], %mul3A_132 {strides = array<i32>} : memref<16x128xf32, #tpu.memory_space<vmem>>, vector<16xf32>,
      %get3A_135 = arith.index_cast %add3A_126 : i32 to index
      %get3A_136 = arith.constant 16 : index
      %get3A_137 = tpu.vector_load %arg16[%get3A_135, %get3A_136] {strides = array<i32>} : memref<16x128xf32, #tpu.memory_space<vmem>>, vector<16xf32>,
      %mul3A_138 = arith.mulf %get3A_137, %get3A_128 : vector<16xf32>
      %swap3A_139 = arith.index_cast %add3A_126 : i32 to index
      %swap3A_140 = arith.constant 16 : index
      %swap3A_141 = tpu.vector_load %arg16[%swap3A_139, %swap3A_140] {strides = array<i32>} : memref<16x128xf32, #tpu.memory_space<vmem>>, vector<16xf32>,
      tpu.vector_store %arg16[%swap3A_139, %swap3A_140], %mul3A_138 {strides = array<i32>} : memref<16x128xf32, #tpu.memory_space<vmem>>, vector<16xf32>,
      %get3A_142 = arith.index_cast %add3A_126 : i32 to index
      %get3A_143 = arith.constant 32 : index
      %get3A_144 = tpu.vector_load %arg16[%get3A_142, %get3A_143] {strides = array<i32>} : memref<16x128xf32, #tpu.memory_space<vmem>>, vector<16xf32>,
      %mul3A_145 = arith.mulf %get3A_144, %get3A_128 : vector<16xf32>
      %swap3A_146 = arith.index_cast %add3A_126 : i32 to index
      %swap3A_147 = arith.constant 32 : index
      %swap3A_148 = tpu.vector_load %arg16[%swap3A_146, %swap3A_147] {strides = array<i32>} : memref<16x128xf32, #tpu.memory_space<vmem>>, vector<16xf32>,
      tpu.vector_store %arg16[%swap3A_146, %swap3A_147], %mul3A_145 {strides = array<i32>} : memref<16x128xf32, #tpu.memory_space<vmem>>, vector<16xf32>,
      %get3A_149 = arith.index_cast %add3A_126 : i32 to index
      %get3A_150 = arith.constant 48 : index
      %get3A_151 = tpu.vector_load %arg16[%get3A_149, %get3A_150] {strides = array<i32>} : memref<16x128xf32, #tpu.memory_space<vmem>>, vector<16xf32>,
      %mul3A_152 = arith.mulf %get3A_151, %get3A_128 : vector<16xf32>
      %swap3A_153 = arith.index_cast %add3A_126 : i32 to index
      %swap3A_154 = arith.constant 48 : index
      %swap3A_155 = tpu.vector_load %arg16[%swap3A_153, %swap3A_154] {strides = array<i32>} : memref<16x128xf32, #tpu.memory_space<vmem>>, vector<16xf32>,
      tpu.vector_store %arg16[%swap3A_153, %swap3A_154], %mul3A_152 {strides = array<i32>} : memref<16x128xf32, #tpu.memory_space<vmem>>, vector<16xf32>,
      %get3A_156 = arith.index_cast %add3A_126 : i32 to index
      %get3A_157 = arith.constant 64 : index
      %get3A_158 = tpu.vector_load %arg16[%get3A_156, %get3A_157] {strides = array<i32>} : memref<16x128xf32, #tpu.memory_space<vmem>>, vector<16xf32>,
      %mul3A_159 = arith.mulf %get3A_158, %get3A_128 : vector<16xf32>
      %swap3A_160 = arith.index_cast %add3A_126 : i32 to index
      %swap3A_161 = arith.constant 64 : index
      %swap3A_162 = tpu.vector_load %arg16[%swap3A_160, %swap3A_161] {strides = array<i32>} : memref<16x128xf32, #tpu.memory_space<vmem>>, vector<16xf32>,
      tpu.vector_store %arg16[%swap3A_160, %swap3A_161], %mul3A_159 {strides = array<i32>} : memref<16x128xf32, #tpu.memory_space<vmem>>, vector<16xf32>,
      %get3A_163 = arith.index_cast %add3A_126 : i32 to index
      %get3A_164 = arith.constant 80 : index
      %get3A_165 = tpu.vector_load %arg16[%get3A_163, %get3A_164] {strides = array<i32>} : memref<16x128xf32, #tpu.memory_space<vmem>>, vector<16xf32>,
      %mul3A_166 = arith.mulf %get3A_165, %get3A_128 : vector<16xf32>
      %swap3A_167 = arith.index_cast %add3A_126 : i32 to index
      %swap3A_168 = arith.constant 80 : index
      %swap3A_169 = tpu.vector_load %arg16[%swap3A_167, %swap3A_168] {strides = array<i32>} : memref<16x128xf32, #tpu.memory_space<vmem>>, vector<16xf32>,
      tpu.vector_store %arg16[%swap3A_167, %swap3A_168], %mul3A_166 {strides = array<i32>} : memref<16x128xf32, #tpu.memory_space<vmem>>, vector<16xf32>,
      %get3A_170 = arith.index_cast %add3A_126 : i32 to index
      %get3A_171 = arith.constant 96 : index
      %get3A_172 = tpu.vector_load %arg16[%get3A_170, %get3A_171] {strides = array<i32>} : memref<16x128xf32, #tpu.memory_space<vmem>>, vector<16xf32>,
      %mul3A_173 = arith.mulf %get3A_172, %get3A_128 : vector<16xf32>
      %swap3A_174 = arith.index_cast %add3A_126 : i32 to index
      %swap3A_175 = arith.constant 96 : index
      %swap3A_176 = tpu.vector_load %arg16[%swap3A_174, %swap3A_175] {strides = array<i32>} : memref<16x128xf32, #tpu.memory_space<vmem>>, vector<16xf32>,
      tpu.vector_store %arg16[%swap3A_174, %swap3A_175], %mul3A_173 {strides = array<i32>} : memref<16x128xf32, #tpu.memory_space<vmem>>, vector<16xf32>,
      %get3A_177 = arith.index_cast %add3A_126 : i32 to index
      %get3A_178 = arith.constant 112 : index
      %get3A_179 = tpu.vector_load %arg16[%get3A_177, %get3A_178] {strides = array<i32>} : memref<16x128xf32, #tpu.memory_space<vmem>>, vector<16xf32>,
      %mul3A_180 = arith.mulf %get3A_179, %get3A_128 : vector<16xf32>
      %swap3A_181 = arith.index_cast %add3A_126 : i32 to index
      %swap3A_182 = arith.constant 112 : index
      %swap3A_183 = tpu.vector_load %arg16[%swap3A_181, %swap3A_182] {strides = array<i32>} : memref<16x128xf32, #tpu.memory_space<vmem>>, vector<16xf32>,
      tpu.vector_store %arg16[%swap3A_181, %swap3A_182], %mul3A_180 {strides = array<i32>} : memref<16x128xf32, #tpu.memory_space<vmem>>, vector<16xf32>,
    }
    %scan3A_80 = arith.constant 16 : i32
    "tpu.region"() ({
      %run_scoped3A = tpu.sem_alloc : memref<!tpu.dma_semaphore, #tpu.memory_space<semaphore_mem>>
      %dma_start3A_122 = arith.constant 0 : i32
      %dma_start3A_123 = arith.constant 0 : i32
      %dma_start3A_124 = tpu.memref_slice %arg7[%dma_start3A_122, %dma_start3A_123] : memref<10240x128xf32, #tpu.memory_space<vmem_shared>> -> memref<10240x128xf32, #tpu.memory_space<vmem_shared>>
      tpu.enqueue_indirect_dma source(%arg16 : memref<16x128xf32, #tpu.memory_space<vmem>>) target(%dma_start3A_124 : memref<10240x128xf32, #tpu.memory_space<vmem_shared>>) offsets(%arg18 : memref<16xi32, #tpu.memory_space<vmem>>) semaphore(%run_scoped3A : memref<!tpu.dma_semaphore, #tpu.memory_space<semaphore_mem>>) {add = true}
      %dma_wait3A_125 = arith.constant 0 : i32
      %dma_wait3A_126 = arith.constant 0 : i32
      %dma_wait3A_127 = tpu.memref_slice %arg7[%dma_wait3A_125, %dma_wait3A_126] : memref<10240x128xf32, #tpu.memory_space<vmem_shared>> -> memref<10240x128xf32, #tpu.memory_space<vmem_shared>>
      tpu.wait_indirect_dma semaphore(%run_scoped3A : memref<!tpu.dma_semaphore, #tpu.memory_space<semaphore_mem>>) src(%arg16 : memref<16x128xf32, #tpu.memory_space<vmem>>) dst(%dma_wait3A_127 : memref<10240x128xf32, #tpu.memory_space<vmem_shared>>)
      tpu.yield
    }) : () -> ()
    %barrier3A_81 = arith.constant 0 : index
    tpu.barrier barrier_id(%barrier3A_81)
    %mul3A_82 = arith.constant 640 : i32
    %mul3A_83 = arith.muli %arg1, %mul3A_82 : i32
    %add3A_84 = arith.constant 0 : i32
    %add3A_85 = arith.addi %mul3A_83, %add3A_84 : i32
    "tpu.region"() ({
      %run_scoped3A = tpu.sem_alloc : memref<!tpu.dma_semaphore, #tpu.memory_space<semaphore_mem>>
      %dma_start3A_122 = arith.constant 0 : i32
      %dma_start3A_123 = tpu.memref_slice %arg6[%arg0, %add3A_85, %dma_start3A_122] : memref<2x10240x128xf32, #tpu.memory_space<hbm>> -> memref<1x64x128xf32, #tpu.memory_space<hbm>>
      %dma_start3A_124 = tpu.memref_squeeze %dma_start3A_123 : memref<1x64x128xf32, #tpu.memory_space<hbm>> -> memref<64x128xf32, #tpu.memory_space<hbm>>
      %dma_start3A_125 = arith.constant 0 : i32
      %dma_start3A_126 = tpu.memref_slice %arg7[%add3A_85, %dma_start3A_125] : memref<10240x128xf32, #tpu.memory_space<vmem_shared>> -> memref<64x128xf32, #tpu.memory_space<vmem_shared>>
      tpu.enqueue_dma source(%dma_start3A_126 : memref<64x128xf32, #tpu.memory_space<vmem_shared>>) target(%dma_start3A_124 : memref<64x128xf32, #tpu.memory_space<hbm>>) target_semaphore(%run_scoped3A : memref<!tpu.dma_semaphore, #tpu.memory_space<semaphore_mem>>)
      %dma_wait3A_127 = arith.constant 0 : i32
      %dma_wait3A_128 = tpu.memref_slice %arg6[%arg0, %add3A_85, %dma_wait3A_127] : memref<2x10240x128xf32, #tpu.memory_space<hbm>> -> memref<1x64x128xf32, #tpu.memory_space<hbm>>
      %dma_wait3A_129 = tpu.memref_squeeze %dma_wait3A_128 : memref<1x64x128xf32, #tpu.memory_space<hbm>> -> memref<64x128xf32, #tpu.memory_space<hbm>>
      %dma_wait3A_130 = arith.constant 0 : i32
      %dma_wait3A_131 = tpu.memref_slice %arg7[%add3A_85, %dma_wait3A_130] : memref<10240x128xf32, #tpu.memory_space<vmem_shared>> -> memref<64x128xf32, #tpu.memory_space<vmem_shared>>
      tpu.wait_dma2 semaphore(%run_scoped3A : memref<!tpu.dma_semaphore, #tpu.memory_space<semaphore_mem>>) src(%dma_wait3A_131 : memref<64x128xf32, #tpu.memory_space<vmem_shared>>) dst(%dma_wait3A_129 : memref<64x128xf32, #tpu.memory_space<hbm>>)
      tpu.yield
    }) : () -> ()
    %mul3A_86 = arith.constant 640 : i32
    %mul3A_87 = arith.muli %arg1, %mul3A_86 : i32
    %add3A_88 = arith.constant 64 : i32
    %add3A_89 = arith.addi %mul3A_87, %add3A_88 : i32
    "tpu.region"() ({
      %run_scoped3A = tpu.sem_alloc : memref<!tpu.dma_semaphore, #tpu.memory_space<semaphore_mem>>
      %dma_start3A_122 = arith.constant 0 : i32
      %dma_start3A_123 = tpu.memref_slice %arg6[%arg0, %add3A_89, %dma_start3A_122] : memref<2x10240x128xf32, #tpu.memory_space<hbm>> -> memref<1x64x128xf32, #tpu.memory_space<hbm>>
      %dma_start3A_124 = tpu.memref_squeeze %dma_start3A_123 : memref<1x64x128xf32, #tpu.memory_space<hbm>> -> memref<64x128xf32, #tpu.memory_space<hbm>>
      %dma_start3A_125 = arith.constant 0 : i32
      %dma_start3A_126 = tpu.memref_slice %arg7[%add3A_89, %dma_start3A_125] : memref<10240x128xf32, #tpu.memory_space<vmem_shared>> -> memref<64x128xf32, #tpu.memory_space<vmem_shared>>
      tpu.enqueue_dma source(%dma_start3A_126 : memref<64x128xf32, #tpu.memory_space<vmem_shared>>) target(%dma_start3A_124 : memref<64x128xf32, #tpu.memory_space<hbm>>) target_semaphore(%run_scoped3A : memref<!tpu.dma_semaphore, #tpu.memory_space<semaphore_mem>>)
      %dma_wait3A_127 = arith.constant 0 : i32
      %dma_wait3A_128 = tpu.memref_slice %arg6[%arg0, %add3A_89, %dma_wait3A_127] : memref<2x10240x128xf32, #tpu.memory_space<hbm>> -> memref<1x64x128xf32, #tpu.memory_space<hbm>>
      %dma_wait3A_129 = tpu.memref_squeeze %dma_wait3A_128 : memref<1x64x128xf32, #tpu.memory_space<hbm>> -> memref<64x128xf32, #tpu.memory_space<hbm>>
      %dma_wait3A_130 = arith.constant 0 : i32
      %dma_wait3A_131 = tpu.memref_slice %arg7[%add3A_89, %dma_wait3A_130] : memref<10240x128xf32, #tpu.memory_space<vmem_shared>> -> memref<64x128xf32, #tpu.memory_space<vmem_shared>>
      tpu.wait_dma2 semaphore(%run_scoped3A : memref<!tpu.dma_semaphore, #tpu.memory_space<semaphore_mem>>) src(%dma_wait3A_131 : memref<64x128xf32, #tpu.memory_space<vmem_shared>>) dst(%dma_wait3A_129 : memref<64x128xf32, #tpu.memory_space<hbm>>)
      tpu.yield
    }) : () -> ()
    %mul3A_90 = arith.constant 640 : i32
    %mul3A_91 = arith.muli %arg1, %mul3A_90 : i32
    %add3A_92 = arith.constant 128 : i32
    %add3A_93 = arith.addi %mul3A_91, %add3A_92 : i32
    "tpu.region"() ({
      %run_scoped3A = tpu.sem_alloc : memref<!tpu.dma_semaphore, #tpu.memory_space<semaphore_mem>>
      %dma_start3A_122 = arith.constant 0 : i32
      %dma_start3A_123 = tpu.memref_slice %arg6[%arg0, %add3A_93, %dma_start3A_122] : memref<2x10240x128xf32, #tpu.memory_space<hbm>> -> memref<1x64x128xf32, #tpu.memory_space<hbm>>
      %dma_start3A_124 = tpu.memref_squeeze %dma_start3A_123 : memref<1x64x128xf32, #tpu.memory_space<hbm>> -> memref<64x128xf32, #tpu.memory_space<hbm>>
      %dma_start3A_125 = arith.constant 0 : i32
      %dma_start3A_126 = tpu.memref_slice %arg7[%add3A_93, %dma_start3A_125] : memref<10240x128xf32, #tpu.memory_space<vmem_shared>> -> memref<64x128xf32, #tpu.memory_space<vmem_shared>>
      tpu.enqueue_dma source(%dma_start3A_126 : memref<64x128xf32, #tpu.memory_space<vmem_shared>>) target(%dma_start3A_124 : memref<64x128xf32, #tpu.memory_space<hbm>>) target_semaphore(%run_scoped3A : memref<!tpu.dma_semaphore, #tpu.memory_space<semaphore_mem>>)
      %dma_wait3A_127 = arith.constant 0 : i32
      %dma_wait3A_128 = tpu.memref_slice %arg6[%arg0, %add3A_93, %dma_wait3A_127] : memref<2x10240x128xf32, #tpu.memory_space<hbm>> -> memref<1x64x128xf32, #tpu.memory_space<hbm>>
      %dma_wait3A_129 = tpu.memref_squeeze %dma_wait3A_128 : memref<1x64x128xf32, #tpu.memory_space<hbm>> -> memref<64x128xf32, #tpu.memory_space<hbm>>
      %dma_wait3A_130 = arith.constant 0 : i32
      %dma_wait3A_131 = tpu.memref_slice %arg7[%add3A_93, %dma_wait3A_130] : memref<10240x128xf32, #tpu.memory_space<vmem_shared>> -> memref<64x128xf32, #tpu.memory_space<vmem_shared>>
      tpu.wait_dma2 semaphore(%run_scoped3A : memref<!tpu.dma_semaphore, #tpu.memory_space<semaphore_mem>>) src(%dma_wait3A_131 : memref<64x128xf32, #tpu.memory_space<vmem_shared>>) dst(%dma_wait3A_129 : memref<64x128xf32, #tpu.memory_space<hbm>>)
      tpu.yield
    }) : () -> ()
    %mul3A_94 = arith.constant 640 : i32
    %mul3A_95 = arith.muli %arg1, %mul3A_94 : i32
    %add3A_96 = arith.constant 192 : i32
    %add3A_97 = arith.addi %mul3A_95, %add3A_96 : i32
    "tpu.region"() ({
      %run_scoped3A = tpu.sem_alloc : memref<!tpu.dma_semaphore, #tpu.memory_space<semaphore_mem>>
      %dma_start3A_122 = arith.constant 0 : i32
      %dma_start3A_123 = tpu.memref_slice %arg6[%arg0, %add3A_97, %dma_start3A_122] : memref<2x10240x128xf32, #tpu.memory_space<hbm>> -> memref<1x64x128xf32, #tpu.memory_space<hbm>>
      %dma_start3A_124 = tpu.memref_squeeze %dma_start3A_123 : memref<1x64x128xf32, #tpu.memory_space<hbm>> -> memref<64x128xf32, #tpu.memory_space<hbm>>
      %dma_start3A_125 = arith.constant 0 : i32
      %dma_start3A_126 = tpu.memref_slice %arg7[%add3A_97, %dma_start3A_125] : memref<10240x128xf32, #tpu.memory_space<vmem_shared>> -> memref<64x128xf32, #tpu.memory_space<vmem_shared>>
      tpu.enqueue_dma source(%dma_start3A_126 : memref<64x128xf32, #tpu.memory_space<vmem_shared>>) target(%dma_start3A_124 : memref<64x128xf32, #tpu.memory_space<hbm>>) target_semaphore(%run_scoped3A : memref<!tpu.dma_semaphore, #tpu.memory_space<semaphore_mem>>)
      %dma_wait3A_127 = arith.constant 0 : i32
      %dma_wait3A_128 = tpu.memref_slice %arg6[%arg0, %add3A_97, %dma_wait3A_127] : memref<2x10240x128xf32, #tpu.memory_space<hbm>> -> memref<1x64x128xf32, #tpu.memory_space<hbm>>
      %dma_wait3A_129 = tpu.memref_squeeze %dma_wait3A_128 : memref<1x64x128xf32, #tpu.memory_space<hbm>> -> memref<64x128xf32, #tpu.memory_space<hbm>>
      %dma_wait3A_130 = arith.constant 0 : i32
      %dma_wait3A_131 = tpu.memref_slice %arg7[%add3A_97, %dma_wait3A_130] : memref<10240x128xf32, #tpu.memory_space<vmem_shared>> -> memref<64x128xf32, #tpu.memory_space<vmem_shared>>
      tpu.wait_dma2 semaphore(%run_scoped3A : memref<!tpu.dma_semaphore, #tpu.memory_space<semaphore_mem>>) src(%dma_wait3A_131 : memref<64x128xf32, #tpu.memory_space<vmem_shared>>) dst(%dma_wait3A_129 : memref<64x128xf32, #tpu.memory_space<hbm>>)
      tpu.yield
    }) : () -> ()
    %mul3A_98 = arith.constant 640 : i32
    %mul3A_99 = arith.muli %arg1, %mul3A_98 : i32
    %add3A_100 = arith.constant 256 : i32
    %add3A_101 = arith.addi %mul3A_99, %add3A_100 : i32
    "tpu.region"() ({
      %run_scoped3A = tpu.sem_alloc : memref<!tpu.dma_semaphore, #tpu.memory_space<semaphore_mem>>
      %dma_start3A_122 = arith.constant 0 : i32
      %dma_start3A_123 = tpu.memref_slice %arg6[%arg0, %add3A_101, %dma_start3A_122] : memref<2x10240x128xf32, #tpu.memory_space<hbm>> -> memref<1x64x128xf32, #tpu.memory_space<hbm>>
      %dma_start3A_124 = tpu.memref_squeeze %dma_start3A_123 : memref<1x64x128xf32, #tpu.memory_space<hbm>> -> memref<64x128xf32, #tpu.memory_space<hbm>>
      %dma_start3A_125 = arith.constant 0 : i32
      %dma_start3A_126 = tpu.memref_slice %arg7[%add3A_101, %dma_start3A_125] : memref<10240x128xf32, #tpu.memory_space<vmem_shared>> -> memref<64x128xf32, #tpu.memory_space<vmem_shared>>
      tpu.enqueue_dma source(%dma_start3A_126 : memref<64x128xf32, #tpu.memory_space<vmem_shared>>) target(%dma_start3A_124 : memref<64x128xf32, #tpu.memory_space<hbm>>) target_semaphore(%run_scoped3A : memref<!tpu.dma_semaphore, #tpu.memory_space<semaphore_mem>>)
      %dma_wait3A_127 = arith.constant 0 : i32
      %dma_wait3A_128 = tpu.memref_slice %arg6[%arg0, %add3A_101, %dma_wait3A_127] : memref<2x10240x128xf32, #tpu.memory_space<hbm>> -> memref<1x64x128xf32, #tpu.memory_space<hbm>>
      %dma_wait3A_129 = tpu.memref_squeeze %dma_wait3A_128 : memref<1x64x128xf32, #tpu.memory_space<hbm>> -> memref<64x128xf32, #tpu.memory_space<hbm>>
      %dma_wait3A_130 = arith.constant 0 : i32
      %dma_wait3A_131 = tpu.memref_slice %arg7[%add3A_101, %dma_wait3A_130] : memref<10240x128xf32, #tpu.memory_space<vmem_shared>> -> memref<64x128xf32, #tpu.memory_space<vmem_shared>>
      tpu.wait_dma2 semaphore(%run_scoped3A : memref<!tpu.dma_semaphore, #tpu.memory_space<semaphore_mem>>) src(%dma_wait3A_131 : memref<64x128xf32, #tpu.memory_space<vmem_shared>>) dst(%dma_wait3A_129 : memref<64x128xf32, #tpu.memory_space<hbm>>)
      tpu.yield
    }) : () -> ()
    %mul3A_102 = arith.constant 640 : i32
    %mul3A_103 = arith.muli %arg1, %mul3A_102 : i32
    %add3A_104 = arith.constant 320 : i32
    %add3A_105 = arith.addi %mul3A_103, %add3A_104 : i32
    "tpu.region"() ({
      %run_scoped3A = tpu.sem_alloc : memref<!tpu.dma_semaphore, #tpu.memory_space<semaphore_mem>>
      %dma_start3A_122 = arith.constant 0 : i32
      %dma_start3A_123 = tpu.memref_slice %arg6[%arg0, %add3A_105, %dma_start3A_122] : memref<2x10240x128xf32, #tpu.memory_space<hbm>> -> memref<1x64x128xf32, #tpu.memory_space<hbm>>
      %dma_start3A_124 = tpu.memref_squeeze %dma_start3A_123 : memref<1x64x128xf32, #tpu.memory_space<hbm>> -> memref<64x128xf32, #tpu.memory_space<hbm>>
      %dma_start3A_125 = arith.constant 0 : i32
      %dma_start3A_126 = tpu.memref_slice %arg7[%add3A_105, %dma_start3A_125] : memref<10240x128xf32, #tpu.memory_space<vmem_shared>> -> memref<64x128xf32, #tpu.memory_space<vmem_shared>>
      tpu.enqueue_dma source(%dma_start3A_126 : memref<64x128xf32, #tpu.memory_space<vmem_shared>>) target(%dma_start3A_124 : memref<64x128xf32, #tpu.memory_space<hbm>>) target_semaphore(%run_scoped3A : memref<!tpu.dma_semaphore, #tpu.memory_space<semaphore_mem>>)
      %dma_wait3A_127 = arith.constant 0 : i32
      %dma_wait3A_128 = tpu.memref_slice %arg6[%arg0, %add3A_105, %dma_wait3A_127] : memref<2x10240x128xf32, #tpu.memory_space<hbm>> -> memref<1x64x128xf32, #tpu.memory_space<hbm>>
      %dma_wait3A_129 = tpu.memref_squeeze %dma_wait3A_128 : memref<1x64x128xf32, #tpu.memory_space<hbm>> -> memref<64x128xf32, #tpu.memory_space<hbm>>
      %dma_wait3A_130 = arith.constant 0 : i32
      %dma_wait3A_131 = tpu.memref_slice %arg7[%add3A_105, %dma_wait3A_130] : memref<10240x128xf32, #tpu.memory_space<vmem_shared>> -> memref<64x128xf32, #tpu.memory_space<vmem_shared>>
      tpu.wait_dma2 semaphore(%run_scoped3A : memref<!tpu.dma_semaphore, #tpu.memory_space<semaphore_mem>>) src(%dma_wait3A_131 : memref<64x128xf32, #tpu.memory_space<vmem_shared>>) dst(%dma_wait3A_129 : memref<64x128xf32, #tpu.memory_space<hbm>>)
      tpu.yield
    }) : () -> ()
    %mul3A_106 = arith.constant 640 : i32
    %mul3A_107 = arith.muli %arg1, %mul3A_106 : i32
    %add3A_108 = arith.constant 384 : i32
    %add3A_109 = arith.addi %mul3A_107, %add3A_108 : i32
    "tpu.region"() ({
      %run_scoped3A = tpu.sem_alloc : memref<!tpu.dma_semaphore, #tpu.memory_space<semaphore_mem>>
      %dma_start3A_122 = arith.constant 0 : i32
      %dma_start3A_123 = tpu.memref_slice %arg6[%arg0, %add3A_109, %dma_start3A_122] : memref<2x10240x128xf32, #tpu.memory_space<hbm>> -> memref<1x64x128xf32, #tpu.memory_space<hbm>>
      %dma_start3A_124 = tpu.memref_squeeze %dma_start3A_123 : memref<1x64x128xf32, #tpu.memory_space<hbm>> -> memref<64x128xf32, #tpu.memory_space<hbm>>
      %dma_start3A_125 = arith.constant 0 : i32
      %dma_start3A_126 = tpu.memref_slice %arg7[%add3A_109, %dma_start3A_125] : memref<10240x128xf32, #tpu.memory_space<vmem_shared>> -> memref<64x128xf32, #tpu.memory_space<vmem_shared>>
      tpu.enqueue_dma source(%dma_start3A_126 : memref<64x128xf32, #tpu.memory_space<vmem_shared>>) target(%dma_start3A_124 : memref<64x128xf32, #tpu.memory_space<hbm>>) target_semaphore(%run_scoped3A : memref<!tpu.dma_semaphore, #tpu.memory_space<semaphore_mem>>)
      %dma_wait3A_127 = arith.constant 0 : i32
      %dma_wait3A_128 = tpu.memref_slice %arg6[%arg0, %add3A_109, %dma_wait3A_127] : memref<2x10240x128xf32, #tpu.memory_space<hbm>> -> memref<1x64x128xf32, #tpu.memory_space<hbm>>
      %dma_wait3A_129 = tpu.memref_squeeze %dma_wait3A_128 : memref<1x64x128xf32, #tpu.memory_space<hbm>> -> memref<64x128xf32, #tpu.memory_space<hbm>>
      %dma_wait3A_130 = arith.constant 0 : i32
      %dma_wait3A_131 = tpu.memref_slice %arg7[%add3A_109, %dma_wait3A_130] : memref<10240x128xf32, #tpu.memory_space<vmem_shared>> -> memref<64x128xf32, #tpu.memory_space<vmem_shared>>
      tpu.wait_dma2 semaphore(%run_scoped3A : memref<!tpu.dma_semaphore, #tpu.memory_space<semaphore_mem>>) src(%dma_wait3A_131 : memref<64x128xf32, #tpu.memory_space<vmem_shared>>) dst(%dma_wait3A_129 : memref<64x128xf32, #tpu.memory_space<hbm>>)
      tpu.yield
    }) : () -> ()
    %mul3A_110 = arith.constant 640 : i32
    %mul3A_111 = arith.muli %arg1, %mul3A_110 : i32
    %add3A_112 = arith.constant 448 : i32
    %add3A_113 = arith.addi %mul3A_111, %add3A_112 : i32
    "tpu.region"() ({
      %run_scoped3A = tpu.sem_alloc : memref<!tpu.dma_semaphore, #tpu.memory_space<semaphore_mem>>
      %dma_start3A_122 = arith.constant 0 : i32
      %dma_start3A_123 = tpu.memref_slice %arg6[%arg0, %add3A_113, %dma_start3A_122] : memref<2x10240x128xf32, #tpu.memory_space<hbm>> -> memref<1x64x128xf32, #tpu.memory_space<hbm>>
      %dma_start3A_124 = tpu.memref_squeeze %dma_start3A_123 : memref<1x64x128xf32, #tpu.memory_space<hbm>> -> memref<64x128xf32, #tpu.memory_space<hbm>>
      %dma_start3A_125 = arith.constant 0 : i32
      %dma_start3A_126 = tpu.memref_slice %arg7[%add3A_113, %dma_start3A_125] : memref<10240x128xf32, #tpu.memory_space<vmem_shared>> -> memref<64x128xf32, #tpu.memory_space<vmem_shared>>
      tpu.enqueue_dma source(%dma_start3A_126 : memref<64x128xf32, #tpu.memory_space<vmem_shared>>) target(%dma_start3A_124 : memref<64x128xf32, #tpu.memory_space<hbm>>) target_semaphore(%run_scoped3A : memref<!tpu.dma_semaphore, #tpu.memory_space<semaphore_mem>>)
      %dma_wait3A_127 = arith.constant 0 : i32
      %dma_wait3A_128 = tpu.memref_slice %arg6[%arg0, %add3A_113, %dma_wait3A_127] : memref<2x10240x128xf32, #tpu.memory_space<hbm>> -> memref<1x64x128xf32, #tpu.memory_space<hbm>>
      %dma_wait3A_129 = tpu.memref_squeeze %dma_wait3A_128 : memref<1x64x128xf32, #tpu.memory_space<hbm>> -> memref<64x128xf32, #tpu.memory_space<hbm>>
      %dma_wait3A_130 = arith.constant 0 : i32
      %dma_wait3A_131 = tpu.memref_slice %arg7[%add3A_113, %dma_wait3A_130] : memref<10240x128xf32, #tpu.memory_space<vmem_shared>> -> memref<64x128xf32, #tpu.memory_space<vmem_shared>>
      tpu.wait_dma2 semaphore(%run_scoped3A : memref<!tpu.dma_semaphore, #tpu.memory_space<semaphore_mem>>) src(%dma_wait3A_131 : memref<64x128xf32, #tpu.memory_space<vmem_shared>>) dst(%dma_wait3A_129 : memref<64x128xf32, #tpu.memory_space<hbm>>)
      tpu.yield
    }) : () -> ()
    %mul3A_114 = arith.constant 640 : i32
    %mul3A_115 = arith.muli %arg1, %mul3A_114 : i32
    %add3A_116 = arith.constant 512 : i32
    %add3A_117 = arith.addi %mul3A_115, %add3A_116 : i32
    "tpu.region"() ({
      %run_scoped3A = tpu.sem_alloc : memref<!tpu.dma_semaphore, #tpu.memory_space<semaphore_mem>>
      %dma_start3A_122 = arith.constant 0 : i32
      %dma_start3A_123 = tpu.memref_slice %arg6[%arg0, %add3A_117, %dma_start3A_122] : memref<2x10240x128xf32, #tpu.memory_space<hbm>> -> memref<1x64x128xf32, #tpu.memory_space<hbm>>
      %dma_start3A_124 = tpu.memref_squeeze %dma_start3A_123 : memref<1x64x128xf32, #tpu.memory_space<hbm>> -> memref<64x128xf32, #tpu.memory_space<hbm>>
      %dma_start3A_125 = arith.constant 0 : i32
      %dma_start3A_126 = tpu.memref_slice %arg7[%add3A_117, %dma_start3A_125] : memref<10240x128xf32, #tpu.memory_space<vmem_shared>> -> memref<64x128xf32, #tpu.memory_space<vmem_shared>>
      tpu.enqueue_dma source(%dma_start3A_126 : memref<64x128xf32, #tpu.memory_space<vmem_shared>>) target(%dma_start3A_124 : memref<64x128xf32, #tpu.memory_space<hbm>>) target_semaphore(%run_scoped3A : memref<!tpu.dma_semaphore, #tpu.memory_space<semaphore_mem>>)
      %dma_wait3A_127 = arith.constant 0 : i32
      %dma_wait3A_128 = tpu.memref_slice %arg6[%arg0, %add3A_117, %dma_wait3A_127] : memref<2x10240x128xf32, #tpu.memory_space<hbm>> -> memref<1x64x128xf32, #tpu.memory_space<hbm>>
      %dma_wait3A_129 = tpu.memref_squeeze %dma_wait3A_128 : memref<1x64x128xf32, #tpu.memory_space<hbm>> -> memref<64x128xf32, #tpu.memory_space<hbm>>
      %dma_wait3A_130 = arith.constant 0 : i32
      %dma_wait3A_131 = tpu.memref_slice %arg7[%add3A_117, %dma_wait3A_130] : memref<10240x128xf32, #tpu.memory_space<vmem_shared>> -> memref<64x128xf32, #tpu.memory_space<vmem_shared>>
      tpu.wait_dma2 semaphore(%run_scoped3A : memref<!tpu.dma_semaphore, #tpu.memory_space<semaphore_mem>>) src(%dma_wait3A_131 : memref<64x128xf32, #tpu.memory_space<vmem_shared>>) dst(%dma_wait3A_129 : memref<64x128xf32, #tpu.memory_space<hbm>>)
      tpu.yield
    }) : () -> ()
    %mul3A_118 = arith.constant 640 : i32
    %mul3A_119 = arith.muli %arg1, %mul3A_118 : i32
    %add3A_120 = arith.constant 576 : i32
    %add3A_121 = arith.addi %mul3A_119, %add3A_120 : i32
    "tpu.region"() ({
      %run_scoped3A = tpu.sem_alloc : memref<!tpu.dma_semaphore, #tpu.memory_space<semaphore_mem>>
      %dma_start3A_122 = arith.constant 0 : i32
      %dma_start3A_123 = tpu.memref_slice %arg6[%arg0, %add3A_121, %dma_start3A_122] : memref<2x10240x128xf32, #tpu.memory_space<hbm>> -> memref<1x64x128xf32, #tpu.memory_space<hbm>>
      %dma_start3A_124 = tpu.memref_squeeze %dma_start3A_123 : memref<1x64x128xf32, #tpu.memory_space<hbm>> -> memref<64x128xf32, #tpu.memory_space<hbm>>
      %dma_start3A_125 = arith.constant 0 : i32
      %dma_start3A_126 = tpu.memref_slice %arg7[%add3A_121, %dma_start3A_125] : memref<10240x128xf32, #tpu.memory_space<vmem_shared>> -> memref<64x128xf32, #tpu.memory_space<vmem_shared>>
      tpu.enqueue_dma source(%dma_start3A_126 : memref<64x128xf32, #tpu.memory_space<vmem_shared>>) target(%dma_start3A_124 : memref<64x128xf32, #tpu.memory_space<hbm>>) target_semaphore(%run_scoped3A : memref<!tpu.dma_semaphore, #tpu.memory_space<semaphore_mem>>)
      %dma_wait3A_127 = arith.constant 0 : i32
      %dma_wait3A_128 = tpu.memref_slice %arg6[%arg0, %add3A_121, %dma_wait3A_127] : memref<2x10240x128xf32, #tpu.memory_space<hbm>> -> memref<1x64x128xf32, #tpu.memory_space<hbm>>
      %dma_wait3A_129 = tpu.memref_squeeze %dma_wait3A_128 : memref<1x64x128xf32, #tpu.memory_space<hbm>> -> memref<64x128xf32, #tpu.memory_space<hbm>>
      %dma_wait3A_130 = arith.constant 0 : i32
      %dma_wait3A_131 = tpu.memref_slice %arg7[%add3A_121, %dma_wait3A_130] : memref<10240x128xf32, #tpu.memory_space<vmem_shared>> -> memref<64x128xf32, #tpu.memory_space<vmem_shared>>
      tpu.wait_dma2 semaphore(%run_scoped3A : memref<!tpu.dma_semaphore, #tpu.memory_space<semaphore_mem>>) src(%dma_wait3A_131 : memref<64x128xf32, #tpu.memory_space<vmem_shared>>) dst(%dma_wait3A_129 : memref<64x128xf32, #tpu.memory_space<hbm>>)
      tpu.yield
    }) : () -> ()
    return
  }
}

#map = affine_map<(d0, d1) -> (0, 0)>
#map1 = affine_map<(d0, d1) -> (0)>
#map2 = affine_map<(d0, d1) -> (0, 0, 0)>
module attributes {stable_mosaic.version = 14 : i64} {
  func.func @k(%arg0: i32, %arg1: i32, %arg2: memref<40000x128xf32, #tpu.memory_space<hbm>>, %arg3: memref<320000xi32, #tpu.memory_space<hbm>>, %arg4: memref<320000xi32, #tpu.memory_space<hbm>>, %arg5: memref<320000x16xf32, #tpu.memory_space<hbm>>, %arg6: memref<4x10240x128xf32, #tpu.memory_space<hbm>>, %arg7: memref<10240x128xf32, #tpu.memory_space<vmem_shared>>, %arg8: memref<96x128xf32, #tpu.memory_space<vmem>>, %arg9: memref<96xi32, #tpu.memory_space<vmem>>, %arg10: memref<96xi32, #tpu.memory_space<vmem>>, %arg11: memref<96x16xf32, #tpu.memory_space<vmem>>, %arg12: memref<!tpu.dma_semaphore, #tpu.memory_space<semaphore_mem>>, %arg13: memref<96xi32, #tpu.memory_space<vmem>>, %arg14: memref<96xi32, #tpu.memory_space<vmem>>, %arg15: memref<96x16xf32, #tpu.memory_space<vmem>>, %arg16: memref<32x128xf32, #tpu.memory_space<vmem>>, %arg17: memref<32xi32, #tpu.memory_space<vmem>>, %arg18: memref<32xi32, #tpu.memory_space<vmem>>, %arg19: memref<32x16xf32, #tpu.memory_space<vmem>>) attributes {dimension_semantics = [#tpu.dimension_semantics<core_parallel>, #tpu.dimension_semantics<subcore_parallel>], iteration_bounds = array<i64: 2, 16>, scalar_prefetch = 0 : i64, scratch_operands = 13 : i64, tpu.core_type = #tpu.core_type<sc_vector_subcore>, window_params = [{transform_indices = #map}, {transform_indices = #map1}, {transform_indices = #map1}, {transform_indices = #map}, {transform_indices = #map2}]} {
    %mul3A = arith.constant 20000 : i32
    %mul3A_0 = arith.muli %arg1, %mul3A : i32
    %mul3A_1 = arith.constant 2 : i32
    %mul3A_2 = arith.muli %arg0, %mul3A_1 : i32
    %add3A = arith.constant 0 : i32
    %add3A_3 = arith.addi %mul3A_2, %add3A : i32
    %scan3A = arith.constant 0 : i32
    %scan3A_4 = arith.constant 64 : i32
    %scan3A_5 = arith.addi %scan3A, %scan3A_4 : i32
    %scan3A_6 = arith.constant 1 : i32
    scf.for %scan3A_262 = %scan3A to %scan3A_5 step %scan3A_6  : i32 {
      %mul3A_263 = arith.constant 1 : i32
      %mul3A_264 = arith.muli %scan3A_262, %mul3A_263 : i32
      %add3A_265 = arith.constant 0 : i32
      %add3A_266 = arith.addi %add3A_265, %mul3A_264 : i32
      %broadcast_in_dim3A = arith.constant 0.000000e+00 : f32
      %broadcast_in_dim3A_267 = vector.broadcast %broadcast_in_dim3A : f32 to vector<16xf32>
      %swap3A = arith.index_cast %add3A_266 : i32 to index
      %swap3A_268 = arith.constant 0 : index
      %swap3A_269 = tpu.vector_load %arg8[%swap3A, %swap3A_268] {strides = array<i32>} : memref<96x128xf32, #tpu.memory_space<vmem>>, vector<16xf32>,
      tpu.vector_store %arg8[%swap3A, %swap3A_268], %broadcast_in_dim3A_267 {strides = array<i32>} : memref<96x128xf32, #tpu.memory_space<vmem>>, vector<16xf32>,
      %broadcast_in_dim3A_270 = arith.constant 0.000000e+00 : f32
      %broadcast_in_dim3A_271 = vector.broadcast %broadcast_in_dim3A_270 : f32 to vector<16xf32>
      %swap3A_272 = arith.index_cast %add3A_266 : i32 to index
      %swap3A_273 = arith.constant 16 : index
      %swap3A_274 = tpu.vector_load %arg8[%swap3A_272, %swap3A_273] {strides = array<i32>} : memref<96x128xf32, #tpu.memory_space<vmem>>, vector<16xf32>,
      tpu.vector_store %arg8[%swap3A_272, %swap3A_273], %broadcast_in_dim3A_271 {strides = array<i32>} : memref<96x128xf32, #tpu.memory_space<vmem>>, vector<16xf32>,
      %broadcast_in_dim3A_275 = arith.constant 0.000000e+00 : f32
      %broadcast_in_dim3A_276 = vector.broadcast %broadcast_in_dim3A_275 : f32 to vector<16xf32>
      %swap3A_277 = arith.index_cast %add3A_266 : i32 to index
      %swap3A_278 = arith.constant 32 : index
      %swap3A_279 = tpu.vector_load %arg8[%swap3A_277, %swap3A_278] {strides = array<i32>} : memref<96x128xf32, #tpu.memory_space<vmem>>, vector<16xf32>,
      tpu.vector_store %arg8[%swap3A_277, %swap3A_278], %broadcast_in_dim3A_276 {strides = array<i32>} : memref<96x128xf32, #tpu.memory_space<vmem>>, vector<16xf32>,
      %broadcast_in_dim3A_280 = arith.constant 0.000000e+00 : f32
      %broadcast_in_dim3A_281 = vector.broadcast %broadcast_in_dim3A_280 : f32 to vector<16xf32>
      %swap3A_282 = arith.index_cast %add3A_266 : i32 to index
      %swap3A_283 = arith.constant 48 : index
      %swap3A_284 = tpu.vector_load %arg8[%swap3A_282, %swap3A_283] {strides = array<i32>} : memref<96x128xf32, #tpu.memory_space<vmem>>, vector<16xf32>,
      tpu.vector_store %arg8[%swap3A_282, %swap3A_283], %broadcast_in_dim3A_281 {strides = array<i32>} : memref<96x128xf32, #tpu.memory_space<vmem>>, vector<16xf32>,
      %broadcast_in_dim3A_285 = arith.constant 0.000000e+00 : f32
      %broadcast_in_dim3A_286 = vector.broadcast %broadcast_in_dim3A_285 : f32 to vector<16xf32>
      %swap3A_287 = arith.index_cast %add3A_266 : i32 to index
      %swap3A_288 = arith.constant 64 : index
      %swap3A_289 = tpu.vector_load %arg8[%swap3A_287, %swap3A_288] {strides = array<i32>} : memref<96x128xf32, #tpu.memory_space<vmem>>, vector<16xf32>,
      tpu.vector_store %arg8[%swap3A_287, %swap3A_288], %broadcast_in_dim3A_286 {strides = array<i32>} : memref<96x128xf32, #tpu.memory_space<vmem>>, vector<16xf32>,
      %broadcast_in_dim3A_290 = arith.constant 0.000000e+00 : f32
      %broadcast_in_dim3A_291 = vector.broadcast %broadcast_in_dim3A_290 : f32 to vector<16xf32>
      %swap3A_292 = arith.index_cast %add3A_266 : i32 to index
      %swap3A_293 = arith.constant 80 : index
      %swap3A_294 = tpu.vector_load %arg8[%swap3A_292, %swap3A_293] {strides = array<i32>} : memref<96x128xf32, #tpu.memory_space<vmem>>, vector<16xf32>,
      tpu.vector_store %arg8[%swap3A_292, %swap3A_293], %broadcast_in_dim3A_291 {strides = array<i32>} : memref<96x128xf32, #tpu.memory_space<vmem>>, vector<16xf32>,
      %broadcast_in_dim3A_295 = arith.constant 0.000000e+00 : f32
      %broadcast_in_dim3A_296 = vector.broadcast %broadcast_in_dim3A_295 : f32 to vector<16xf32>
      %swap3A_297 = arith.index_cast %add3A_266 : i32 to index
      %swap3A_298 = arith.constant 96 : index
      %swap3A_299 = tpu.vector_load %arg8[%swap3A_297, %swap3A_298] {strides = array<i32>} : memref<96x128xf32, #tpu.memory_space<vmem>>, vector<16xf32>,
      tpu.vector_store %arg8[%swap3A_297, %swap3A_298], %broadcast_in_dim3A_296 {strides = array<i32>} : memref<96x128xf32, #tpu.memory_space<vmem>>, vector<16xf32>,
      %broadcast_in_dim3A_300 = arith.constant 0.000000e+00 : f32
      %broadcast_in_dim3A_301 = vector.broadcast %broadcast_in_dim3A_300 : f32 to vector<16xf32>
      %swap3A_302 = arith.index_cast %add3A_266 : i32 to index
      %swap3A_303 = arith.constant 112 : index
      %swap3A_304 = tpu.vector_load %arg8[%swap3A_302, %swap3A_303] {strides = array<i32>} : memref<96x128xf32, #tpu.memory_space<vmem>>, vector<16xf32>,
      tpu.vector_store %arg8[%swap3A_302, %swap3A_303], %broadcast_in_dim3A_301 {strides = array<i32>} : memref<96x128xf32, #tpu.memory_space<vmem>>, vector<16xf32>,
    }
    %scan3A_7 = arith.constant 64 : i32
    %mul3A_8 = arith.constant 640 : i32
    %mul3A_9 = arith.muli %arg1, %mul3A_8 : i32
    %add3A_10 = arith.constant 0 : i32
    %add3A_11 = arith.addi %mul3A_9, %add3A_10 : i32
    "tpu.region"() ({
      %run_scoped3A = tpu.sem_alloc : memref<!tpu.dma_semaphore, #tpu.memory_space<semaphore_mem>>
      %dma_start3A_262 = arith.constant 0 : i32
      %dma_start3A_263 = arith.constant 0 : i32
      %dma_start3A_264 = tpu.memref_slice %arg8[%dma_start3A_262, %dma_start3A_263] : memref<96x128xf32, #tpu.memory_space<vmem>> -> memref<64x128xf32, #tpu.memory_space<vmem>>
      %dma_start3A_265 = arith.constant 0 : i32
      %dma_start3A_266 = tpu.memref_slice %arg7[%add3A_11, %dma_start3A_265] : memref<10240x128xf32, #tpu.memory_space<vmem_shared>> -> memref<64x128xf32, #tpu.memory_space<vmem_shared>>
      %dma_start3A_267 = arith.constant 0 : i32
      %dma_start3A_268 = tpu.memref_slice %arg7[%add3A_11, %dma_start3A_267] : memref<10240x128xf32, #tpu.memory_space<vmem_shared>> -> memref<64x128xf32, #tpu.memory_space<vmem_shared>>
      %dma_start3A_269 = arith.constant 0 : i32
      %dma_start3A_270 = arith.constant 0 : i32
      %dma_start3A_271 = tpu.memref_slice %arg8[%dma_start3A_269, %dma_start3A_270] : memref<96x128xf32, #tpu.memory_space<vmem>> -> memref<64x128xf32, #tpu.memory_space<vmem>>
      tpu.enqueue_dma source(%dma_start3A_271 : memref<64x128xf32, #tpu.memory_space<vmem>>) target(%dma_start3A_268 : memref<64x128xf32, #tpu.memory_space<vmem_shared>>) target_semaphore(%run_scoped3A : memref<!tpu.dma_semaphore, #tpu.memory_space<semaphore_mem>>)
      %dma_wait3A_272 = arith.constant 0 : i32
      %dma_wait3A_273 = arith.constant 0 : i32
      %dma_wait3A_274 = tpu.memref_slice %arg8[%dma_wait3A_272, %dma_wait3A_273] : memref<96x128xf32, #tpu.memory_space<vmem>> -> memref<64x128xf32, #tpu.memory_space<vmem>>
      %dma_wait3A_275 = arith.constant 0 : i32
      %dma_wait3A_276 = tpu.memref_slice %arg7[%add3A_11, %dma_wait3A_275] : memref<10240x128xf32, #tpu.memory_space<vmem_shared>> -> memref<64x128xf32, #tpu.memory_space<vmem_shared>>
      %dma_wait3A_277 = arith.constant 0 : i32
      %dma_wait3A_278 = tpu.memref_slice %arg7[%add3A_11, %dma_wait3A_277] : memref<10240x128xf32, #tpu.memory_space<vmem_shared>> -> memref<64x128xf32, #tpu.memory_space<vmem_shared>>
      %dma_wait3A_279 = arith.constant 0 : i32
      %dma_wait3A_280 = arith.constant 0 : i32
      %dma_wait3A_281 = tpu.memref_slice %arg8[%dma_wait3A_279, %dma_wait3A_280] : memref<96x128xf32, #tpu.memory_space<vmem>> -> memref<64x128xf32, #tpu.memory_space<vmem>>
      tpu.wait_dma2 semaphore(%run_scoped3A : memref<!tpu.dma_semaphore, #tpu.memory_space<semaphore_mem>>) src(%dma_wait3A_281 : memref<64x128xf32, #tpu.memory_space<vmem>>) dst(%dma_wait3A_278 : memref<64x128xf32, #tpu.memory_space<vmem_shared>>)
      tpu.yield
    }) : () -> ()
    %mul3A_12 = arith.constant 640 : i32
    %mul3A_13 = arith.muli %arg1, %mul3A_12 : i32
    %add3A_14 = arith.constant 64 : i32
    %add3A_15 = arith.addi %mul3A_13, %add3A_14 : i32
    "tpu.region"() ({
      %run_scoped3A = tpu.sem_alloc : memref<!tpu.dma_semaphore, #tpu.memory_space<semaphore_mem>>
      %dma_start3A_262 = arith.constant 0 : i32
      %dma_start3A_263 = arith.constant 0 : i32
      %dma_start3A_264 = tpu.memref_slice %arg8[%dma_start3A_262, %dma_start3A_263] : memref<96x128xf32, #tpu.memory_space<vmem>> -> memref<64x128xf32, #tpu.memory_space<vmem>>
      %dma_start3A_265 = arith.constant 0 : i32
      %dma_start3A_266 = tpu.memref_slice %arg7[%add3A_15, %dma_start3A_265] : memref<10240x128xf32, #tpu.memory_space<vmem_shared>> -> memref<64x128xf32, #tpu.memory_space<vmem_shared>>
      %dma_start3A_267 = arith.constant 0 : i32
      %dma_start3A_268 = tpu.memref_slice %arg7[%add3A_15, %dma_start3A_267] : memref<10240x128xf32, #tpu.memory_space<vmem_shared>> -> memref<64x128xf32, #tpu.memory_space<vmem_shared>>
      %dma_start3A_269 = arith.constant 0 : i32
      %dma_start3A_270 = arith.constant 0 : i32
      %dma_start3A_271 = tpu.memref_slice %arg8[%dma_start3A_269, %dma_start3A_270] : memref<96x128xf32, #tpu.memory_space<vmem>> -> memref<64x128xf32, #tpu.memory_space<vmem>>
      tpu.enqueue_dma source(%dma_start3A_271 : memref<64x128xf32, #tpu.memory_space<vmem>>) target(%dma_start3A_268 : memref<64x128xf32, #tpu.memory_space<vmem_shared>>) target_semaphore(%run_scoped3A : memref<!tpu.dma_semaphore, #tpu.memory_space<semaphore_mem>>)
      %dma_wait3A_272 = arith.constant 0 : i32
      %dma_wait3A_273 = arith.constant 0 : i32
      %dma_wait3A_274 = tpu.memref_slice %arg8[%dma_wait3A_272, %dma_wait3A_273] : memref<96x128xf32, #tpu.memory_space<vmem>> -> memref<64x128xf32, #tpu.memory_space<vmem>>
      %dma_wait3A_275 = arith.constant 0 : i32
      %dma_wait3A_276 = tpu.memref_slice %arg7[%add3A_15, %dma_wait3A_275] : memref<10240x128xf32, #tpu.memory_space<vmem_shared>> -> memref<64x128xf32, #tpu.memory_space<vmem_shared>>
      %dma_wait3A_277 = arith.constant 0 : i32
      %dma_wait3A_278 = tpu.memref_slice %arg7[%add3A_15, %dma_wait3A_277] : memref<10240x128xf32, #tpu.memory_space<vmem_shared>> -> memref<64x128xf32, #tpu.memory_space<vmem_shared>>
      %dma_wait3A_279 = arith.constant 0 : i32
      %dma_wait3A_280 = arith.constant 0 : i32
      %dma_wait3A_281 = tpu.memref_slice %arg8[%dma_wait3A_279, %dma_wait3A_280] : memref<96x128xf32, #tpu.memory_space<vmem>> -> memref<64x128xf32, #tpu.memory_space<vmem>>
      tpu.wait_dma2 semaphore(%run_scoped3A : memref<!tpu.dma_semaphore, #tpu.memory_space<semaphore_mem>>) src(%dma_wait3A_281 : memref<64x128xf32, #tpu.memory_space<vmem>>) dst(%dma_wait3A_278 : memref<64x128xf32, #tpu.memory_space<vmem_shared>>)
      tpu.yield
    }) : () -> ()
    %mul3A_16 = arith.constant 640 : i32
    %mul3A_17 = arith.muli %arg1, %mul3A_16 : i32
    %add3A_18 = arith.constant 128 : i32
    %add3A_19 = arith.addi %mul3A_17, %add3A_18 : i32
    "tpu.region"() ({
      %run_scoped3A = tpu.sem_alloc : memref<!tpu.dma_semaphore, #tpu.memory_space<semaphore_mem>>
      %dma_start3A_262 = arith.constant 0 : i32
      %dma_start3A_263 = arith.constant 0 : i32
      %dma_start3A_264 = tpu.memref_slice %arg8[%dma_start3A_262, %dma_start3A_263] : memref<96x128xf32, #tpu.memory_space<vmem>> -> memref<64x128xf32, #tpu.memory_space<vmem>>
      %dma_start3A_265 = arith.constant 0 : i32
      %dma_start3A_266 = tpu.memref_slice %arg7[%add3A_19, %dma_start3A_265] : memref<10240x128xf32, #tpu.memory_space<vmem_shared>> -> memref<64x128xf32, #tpu.memory_space<vmem_shared>>
      %dma_start3A_267 = arith.constant 0 : i32
      %dma_start3A_268 = tpu.memref_slice %arg7[%add3A_19, %dma_start3A_267] : memref<10240x128xf32, #tpu.memory_space<vmem_shared>> -> memref<64x128xf32, #tpu.memory_space<vmem_shared>>
      %dma_start3A_269 = arith.constant 0 : i32
      %dma_start3A_270 = arith.constant 0 : i32
      %dma_start3A_271 = tpu.memref_slice %arg8[%dma_start3A_269, %dma_start3A_270] : memref<96x128xf32, #tpu.memory_space<vmem>> -> memref<64x128xf32, #tpu.memory_space<vmem>>
      tpu.enqueue_dma source(%dma_start3A_271 : memref<64x128xf32, #tpu.memory_space<vmem>>) target(%dma_start3A_268 : memref<64x128xf32, #tpu.memory_space<vmem_shared>>) target_semaphore(%run_scoped3A : memref<!tpu.dma_semaphore, #tpu.memory_space<semaphore_mem>>)
      %dma_wait3A_272 = arith.constant 0 : i32
      %dma_wait3A_273 = arith.constant 0 : i32
      %dma_wait3A_274 = tpu.memref_slice %arg8[%dma_wait3A_272, %dma_wait3A_273] : memref<96x128xf32, #tpu.memory_space<vmem>> -> memref<64x128xf32, #tpu.memory_space<vmem>>
      %dma_wait3A_275 = arith.constant 0 : i32
      %dma_wait3A_276 = tpu.memref_slice %arg7[%add3A_19, %dma_wait3A_275] : memref<10240x128xf32, #tpu.memory_space<vmem_shared>> -> memref<64x128xf32, #tpu.memory_space<vmem_shared>>
      %dma_wait3A_277 = arith.constant 0 : i32
      %dma_wait3A_278 = tpu.memref_slice %arg7[%add3A_19, %dma_wait3A_277] : memref<10240x128xf32, #tpu.memory_space<vmem_shared>> -> memref<64x128xf32, #tpu.memory_space<vmem_shared>>
      %dma_wait3A_279 = arith.constant 0 : i32
      %dma_wait3A_280 = arith.constant 0 : i32
      %dma_wait3A_281 = tpu.memref_slice %arg8[%dma_wait3A_279, %dma_wait3A_280] : memref<96x128xf32, #tpu.memory_space<vmem>> -> memref<64x128xf32, #tpu.memory_space<vmem>>
      tpu.wait_dma2 semaphore(%run_scoped3A : memref<!tpu.dma_semaphore, #tpu.memory_space<semaphore_mem>>) src(%dma_wait3A_281 : memref<64x128xf32, #tpu.memory_space<vmem>>) dst(%dma_wait3A_278 : memref<64x128xf32, #tpu.memory_space<vmem_shared>>)
      tpu.yield
    }) : () -> ()
    %mul3A_20 = arith.constant 640 : i32
    %mul3A_21 = arith.muli %arg1, %mul3A_20 : i32
    %add3A_22 = arith.constant 192 : i32
    %add3A_23 = arith.addi %mul3A_21, %add3A_22 : i32
    "tpu.region"() ({
      %run_scoped3A = tpu.sem_alloc : memref<!tpu.dma_semaphore, #tpu.memory_space<semaphore_mem>>
      %dma_start3A_262 = arith.constant 0 : i32
      %dma_start3A_263 = arith.constant 0 : i32
      %dma_start3A_264 = tpu.memref_slice %arg8[%dma_start3A_262, %dma_start3A_263] : memref<96x128xf32, #tpu.memory_space<vmem>> -> memref<64x128xf32, #tpu.memory_space<vmem>>
      %dma_start3A_265 = arith.constant 0 : i32
      %dma_start3A_266 = tpu.memref_slice %arg7[%add3A_23, %dma_start3A_265] : memref<10240x128xf32, #tpu.memory_space<vmem_shared>> -> memref<64x128xf32, #tpu.memory_space<vmem_shared>>
      %dma_start3A_267 = arith.constant 0 : i32
      %dma_start3A_268 = tpu.memref_slice %arg7[%add3A_23, %dma_start3A_267] : memref<10240x128xf32, #tpu.memory_space<vmem_shared>> -> memref<64x128xf32, #tpu.memory_space<vmem_shared>>
      %dma_start3A_269 = arith.constant 0 : i32
      %dma_start3A_270 = arith.constant 0 : i32
      %dma_start3A_271 = tpu.memref_slice %arg8[%dma_start3A_269, %dma_start3A_270] : memref<96x128xf32, #tpu.memory_space<vmem>> -> memref<64x128xf32, #tpu.memory_space<vmem>>
      tpu.enqueue_dma source(%dma_start3A_271 : memref<64x128xf32, #tpu.memory_space<vmem>>) target(%dma_start3A_268 : memref<64x128xf32, #tpu.memory_space<vmem_shared>>) target_semaphore(%run_scoped3A : memref<!tpu.dma_semaphore, #tpu.memory_space<semaphore_mem>>)
      %dma_wait3A_272 = arith.constant 0 : i32
      %dma_wait3A_273 = arith.constant 0 : i32
      %dma_wait3A_274 = tpu.memref_slice %arg8[%dma_wait3A_272, %dma_wait3A_273] : memref<96x128xf32, #tpu.memory_space<vmem>> -> memref<64x128xf32, #tpu.memory_space<vmem>>
      %dma_wait3A_275 = arith.constant 0 : i32
      %dma_wait3A_276 = tpu.memref_slice %arg7[%add3A_23, %dma_wait3A_275] : memref<10240x128xf32, #tpu.memory_space<vmem_shared>> -> memref<64x128xf32, #tpu.memory_space<vmem_shared>>
      %dma_wait3A_277 = arith.constant 0 : i32
      %dma_wait3A_278 = tpu.memref_slice %arg7[%add3A_23, %dma_wait3A_277] : memref<10240x128xf32, #tpu.memory_space<vmem_shared>> -> memref<64x128xf32, #tpu.memory_space<vmem_shared>>
      %dma_wait3A_279 = arith.constant 0 : i32
      %dma_wait3A_280 = arith.constant 0 : i32
      %dma_wait3A_281 = tpu.memref_slice %arg8[%dma_wait3A_279, %dma_wait3A_280] : memref<96x128xf32, #tpu.memory_space<vmem>> -> memref<64x128xf32, #tpu.memory_space<vmem>>
      tpu.wait_dma2 semaphore(%run_scoped3A : memref<!tpu.dma_semaphore, #tpu.memory_space<semaphore_mem>>) src(%dma_wait3A_281 : memref<64x128xf32, #tpu.memory_space<vmem>>) dst(%dma_wait3A_278 : memref<64x128xf32, #tpu.memory_space<vmem_shared>>)
      tpu.yield
    }) : () -> ()
    %mul3A_24 = arith.constant 640 : i32
    %mul3A_25 = arith.muli %arg1, %mul3A_24 : i32
    %add3A_26 = arith.constant 256 : i32
    %add3A_27 = arith.addi %mul3A_25, %add3A_26 : i32
    "tpu.region"() ({
      %run_scoped3A = tpu.sem_alloc : memref<!tpu.dma_semaphore, #tpu.memory_space<semaphore_mem>>
      %dma_start3A_262 = arith.constant 0 : i32
      %dma_start3A_263 = arith.constant 0 : i32
      %dma_start3A_264 = tpu.memref_slice %arg8[%dma_start3A_262, %dma_start3A_263] : memref<96x128xf32, #tpu.memory_space<vmem>> -> memref<64x128xf32, #tpu.memory_space<vmem>>
      %dma_start3A_265 = arith.constant 0 : i32
      %dma_start3A_266 = tpu.memref_slice %arg7[%add3A_27, %dma_start3A_265] : memref<10240x128xf32, #tpu.memory_space<vmem_shared>> -> memref<64x128xf32, #tpu.memory_space<vmem_shared>>
      %dma_start3A_267 = arith.constant 0 : i32
      %dma_start3A_268 = tpu.memref_slice %arg7[%add3A_27, %dma_start3A_267] : memref<10240x128xf32, #tpu.memory_space<vmem_shared>> -> memref<64x128xf32, #tpu.memory_space<vmem_shared>>
      %dma_start3A_269 = arith.constant 0 : i32
      %dma_start3A_270 = arith.constant 0 : i32
      %dma_start3A_271 = tpu.memref_slice %arg8[%dma_start3A_269, %dma_start3A_270] : memref<96x128xf32, #tpu.memory_space<vmem>> -> memref<64x128xf32, #tpu.memory_space<vmem>>
      tpu.enqueue_dma source(%dma_start3A_271 : memref<64x128xf32, #tpu.memory_space<vmem>>) target(%dma_start3A_268 : memref<64x128xf32, #tpu.memory_space<vmem_shared>>) target_semaphore(%run_scoped3A : memref<!tpu.dma_semaphore, #tpu.memory_space<semaphore_mem>>)
      %dma_wait3A_272 = arith.constant 0 : i32
      %dma_wait3A_273 = arith.constant 0 : i32
      %dma_wait3A_274 = tpu.memref_slice %arg8[%dma_wait3A_272, %dma_wait3A_273] : memref<96x128xf32, #tpu.memory_space<vmem>> -> memref<64x128xf32, #tpu.memory_space<vmem>>
      %dma_wait3A_275 = arith.constant 0 : i32
      %dma_wait3A_276 = tpu.memref_slice %arg7[%add3A_27, %dma_wait3A_275] : memref<10240x128xf32, #tpu.memory_space<vmem_shared>> -> memref<64x128xf32, #tpu.memory_space<vmem_shared>>
      %dma_wait3A_277 = arith.constant 0 : i32
      %dma_wait3A_278 = tpu.memref_slice %arg7[%add3A_27, %dma_wait3A_277] : memref<10240x128xf32, #tpu.memory_space<vmem_shared>> -> memref<64x128xf32, #tpu.memory_space<vmem_shared>>
      %dma_wait3A_279 = arith.constant 0 : i32
      %dma_wait3A_280 = arith.constant 0 : i32
      %dma_wait3A_281 = tpu.memref_slice %arg8[%dma_wait3A_279, %dma_wait3A_280] : memref<96x128xf32, #tpu.memory_space<vmem>> -> memref<64x128xf32, #tpu.memory_space<vmem>>
      tpu.wait_dma2 semaphore(%run_scoped3A : memref<!tpu.dma_semaphore, #tpu.memory_space<semaphore_mem>>) src(%dma_wait3A_281 : memref<64x128xf32, #tpu.memory_space<vmem>>) dst(%dma_wait3A_278 : memref<64x128xf32, #tpu.memory_space<vmem_shared>>)
      tpu.yield
    }) : () -> ()
    %mul3A_28 = arith.constant 640 : i32
    %mul3A_29 = arith.muli %arg1, %mul3A_28 : i32
    %add3A_30 = arith.constant 320 : i32
    %add3A_31 = arith.addi %mul3A_29, %add3A_30 : i32
    "tpu.region"() ({
      %run_scoped3A = tpu.sem_alloc : memref<!tpu.dma_semaphore, #tpu.memory_space<semaphore_mem>>
      %dma_start3A_262 = arith.constant 0 : i32
      %dma_start3A_263 = arith.constant 0 : i32
      %dma_start3A_264 = tpu.memref_slice %arg8[%dma_start3A_262, %dma_start3A_263] : memref<96x128xf32, #tpu.memory_space<vmem>> -> memref<64x128xf32, #tpu.memory_space<vmem>>
      %dma_start3A_265 = arith.constant 0 : i32
      %dma_start3A_266 = tpu.memref_slice %arg7[%add3A_31, %dma_start3A_265] : memref<10240x128xf32, #tpu.memory_space<vmem_shared>> -> memref<64x128xf32, #tpu.memory_space<vmem_shared>>
      %dma_start3A_267 = arith.constant 0 : i32
      %dma_start3A_268 = tpu.memref_slice %arg7[%add3A_31, %dma_start3A_267] : memref<10240x128xf32, #tpu.memory_space<vmem_shared>> -> memref<64x128xf32, #tpu.memory_space<vmem_shared>>
      %dma_start3A_269 = arith.constant 0 : i32
      %dma_start3A_270 = arith.constant 0 : i32
      %dma_start3A_271 = tpu.memref_slice %arg8[%dma_start3A_269, %dma_start3A_270] : memref<96x128xf32, #tpu.memory_space<vmem>> -> memref<64x128xf32, #tpu.memory_space<vmem>>
      tpu.enqueue_dma source(%dma_start3A_271 : memref<64x128xf32, #tpu.memory_space<vmem>>) target(%dma_start3A_268 : memref<64x128xf32, #tpu.memory_space<vmem_shared>>) target_semaphore(%run_scoped3A : memref<!tpu.dma_semaphore, #tpu.memory_space<semaphore_mem>>)
      %dma_wait3A_272 = arith.constant 0 : i32
      %dma_wait3A_273 = arith.constant 0 : i32
      %dma_wait3A_274 = tpu.memref_slice %arg8[%dma_wait3A_272, %dma_wait3A_273] : memref<96x128xf32, #tpu.memory_space<vmem>> -> memref<64x128xf32, #tpu.memory_space<vmem>>
      %dma_wait3A_275 = arith.constant 0 : i32
      %dma_wait3A_276 = tpu.memref_slice %arg7[%add3A_31, %dma_wait3A_275] : memref<10240x128xf32, #tpu.memory_space<vmem_shared>> -> memref<64x128xf32, #tpu.memory_space<vmem_shared>>
      %dma_wait3A_277 = arith.constant 0 : i32
      %dma_wait3A_278 = tpu.memref_slice %arg7[%add3A_31, %dma_wait3A_277] : memref<10240x128xf32, #tpu.memory_space<vmem_shared>> -> memref<64x128xf32, #tpu.memory_space<vmem_shared>>
      %dma_wait3A_279 = arith.constant 0 : i32
      %dma_wait3A_280 = arith.constant 0 : i32
      %dma_wait3A_281 = tpu.memref_slice %arg8[%dma_wait3A_279, %dma_wait3A_280] : memref<96x128xf32, #tpu.memory_space<vmem>> -> memref<64x128xf32, #tpu.memory_space<vmem>>
      tpu.wait_dma2 semaphore(%run_scoped3A : memref<!tpu.dma_semaphore, #tpu.memory_space<semaphore_mem>>) src(%dma_wait3A_281 : memref<64x128xf32, #tpu.memory_space<vmem>>) dst(%dma_wait3A_278 : memref<64x128xf32, #tpu.memory_space<vmem_shared>>)
      tpu.yield
    }) : () -> ()
    %mul3A_32 = arith.constant 640 : i32
    %mul3A_33 = arith.muli %arg1, %mul3A_32 : i32
    %add3A_34 = arith.constant 384 : i32
    %add3A_35 = arith.addi %mul3A_33, %add3A_34 : i32
    "tpu.region"() ({
      %run_scoped3A = tpu.sem_alloc : memref<!tpu.dma_semaphore, #tpu.memory_space<semaphore_mem>>
      %dma_start3A_262 = arith.constant 0 : i32
      %dma_start3A_263 = arith.constant 0 : i32
      %dma_start3A_264 = tpu.memref_slice %arg8[%dma_start3A_262, %dma_start3A_263] : memref<96x128xf32, #tpu.memory_space<vmem>> -> memref<64x128xf32, #tpu.memory_space<vmem>>
      %dma_start3A_265 = arith.constant 0 : i32
      %dma_start3A_266 = tpu.memref_slice %arg7[%add3A_35, %dma_start3A_265] : memref<10240x128xf32, #tpu.memory_space<vmem_shared>> -> memref<64x128xf32, #tpu.memory_space<vmem_shared>>
      %dma_start3A_267 = arith.constant 0 : i32
      %dma_start3A_268 = tpu.memref_slice %arg7[%add3A_35, %dma_start3A_267] : memref<10240x128xf32, #tpu.memory_space<vmem_shared>> -> memref<64x128xf32, #tpu.memory_space<vmem_shared>>
      %dma_start3A_269 = arith.constant 0 : i32
      %dma_start3A_270 = arith.constant 0 : i32
      %dma_start3A_271 = tpu.memref_slice %arg8[%dma_start3A_269, %dma_start3A_270] : memref<96x128xf32, #tpu.memory_space<vmem>> -> memref<64x128xf32, #tpu.memory_space<vmem>>
      tpu.enqueue_dma source(%dma_start3A_271 : memref<64x128xf32, #tpu.memory_space<vmem>>) target(%dma_start3A_268 : memref<64x128xf32, #tpu.memory_space<vmem_shared>>) target_semaphore(%run_scoped3A : memref<!tpu.dma_semaphore, #tpu.memory_space<semaphore_mem>>)
      %dma_wait3A_272 = arith.constant 0 : i32
      %dma_wait3A_273 = arith.constant 0 : i32
      %dma_wait3A_274 = tpu.memref_slice %arg8[%dma_wait3A_272, %dma_wait3A_273] : memref<96x128xf32, #tpu.memory_space<vmem>> -> memref<64x128xf32, #tpu.memory_space<vmem>>
      %dma_wait3A_275 = arith.constant 0 : i32
      %dma_wait3A_276 = tpu.memref_slice %arg7[%add3A_35, %dma_wait3A_275] : memref<10240x128xf32, #tpu.memory_space<vmem_shared>> -> memref<64x128xf32, #tpu.memory_space<vmem_shared>>
      %dma_wait3A_277 = arith.constant 0 : i32
      %dma_wait3A_278 = tpu.memref_slice %arg7[%add3A_35, %dma_wait3A_277] : memref<10240x128xf32, #tpu.memory_space<vmem_shared>> -> memref<64x128xf32, #tpu.memory_space<vmem_shared>>
      %dma_wait3A_279 = arith.constant 0 : i32
      %dma_wait3A_280 = arith.constant 0 : i32
      %dma_wait3A_281 = tpu.memref_slice %arg8[%dma_wait3A_279, %dma_wait3A_280] : memref<96x128xf32, #tpu.memory_space<vmem>> -> memref<64x128xf32, #tpu.memory_space<vmem>>
      tpu.wait_dma2 semaphore(%run_scoped3A : memref<!tpu.dma_semaphore, #tpu.memory_space<semaphore_mem>>) src(%dma_wait3A_281 : memref<64x128xf32, #tpu.memory_space<vmem>>) dst(%dma_wait3A_278 : memref<64x128xf32, #tpu.memory_space<vmem_shared>>)
      tpu.yield
    }) : () -> ()
    %mul3A_36 = arith.constant 640 : i32
    %mul3A_37 = arith.muli %arg1, %mul3A_36 : i32
    %add3A_38 = arith.constant 448 : i32
    %add3A_39 = arith.addi %mul3A_37, %add3A_38 : i32
    "tpu.region"() ({
      %run_scoped3A = tpu.sem_alloc : memref<!tpu.dma_semaphore, #tpu.memory_space<semaphore_mem>>
      %dma_start3A_262 = arith.constant 0 : i32
      %dma_start3A_263 = arith.constant 0 : i32
      %dma_start3A_264 = tpu.memref_slice %arg8[%dma_start3A_262, %dma_start3A_263] : memref<96x128xf32, #tpu.memory_space<vmem>> -> memref<64x128xf32, #tpu.memory_space<vmem>>
      %dma_start3A_265 = arith.constant 0 : i32
      %dma_start3A_266 = tpu.memref_slice %arg7[%add3A_39, %dma_start3A_265] : memref<10240x128xf32, #tpu.memory_space<vmem_shared>> -> memref<64x128xf32, #tpu.memory_space<vmem_shared>>
      %dma_start3A_267 = arith.constant 0 : i32
      %dma_start3A_268 = tpu.memref_slice %arg7[%add3A_39, %dma_start3A_267] : memref<10240x128xf32, #tpu.memory_space<vmem_shared>> -> memref<64x128xf32, #tpu.memory_space<vmem_shared>>
      %dma_start3A_269 = arith.constant 0 : i32
      %dma_start3A_270 = arith.constant 0 : i32
      %dma_start3A_271 = tpu.memref_slice %arg8[%dma_start3A_269, %dma_start3A_270] : memref<96x128xf32, #tpu.memory_space<vmem>> -> memref<64x128xf32, #tpu.memory_space<vmem>>
      tpu.enqueue_dma source(%dma_start3A_271 : memref<64x128xf32, #tpu.memory_space<vmem>>) target(%dma_start3A_268 : memref<64x128xf32, #tpu.memory_space<vmem_shared>>) target_semaphore(%run_scoped3A : memref<!tpu.dma_semaphore, #tpu.memory_space<semaphore_mem>>)
      %dma_wait3A_272 = arith.constant 0 : i32
      %dma_wait3A_273 = arith.constant 0 : i32
      %dma_wait3A_274 = tpu.memref_slice %arg8[%dma_wait3A_272, %dma_wait3A_273] : memref<96x128xf32, #tpu.memory_space<vmem>> -> memref<64x128xf32, #tpu.memory_space<vmem>>
      %dma_wait3A_275 = arith.constant 0 : i32
      %dma_wait3A_276 = tpu.memref_slice %arg7[%add3A_39, %dma_wait3A_275] : memref<10240x128xf32, #tpu.memory_space<vmem_shared>> -> memref<64x128xf32, #tpu.memory_space<vmem_shared>>
      %dma_wait3A_277 = arith.constant 0 : i32
      %dma_wait3A_278 = tpu.memref_slice %arg7[%add3A_39, %dma_wait3A_277] : memref<10240x128xf32, #tpu.memory_space<vmem_shared>> -> memref<64x128xf32, #tpu.memory_space<vmem_shared>>
      %dma_wait3A_279 = arith.constant 0 : i32
      %dma_wait3A_280 = arith.constant 0 : i32
      %dma_wait3A_281 = tpu.memref_slice %arg8[%dma_wait3A_279, %dma_wait3A_280] : memref<96x128xf32, #tpu.memory_space<vmem>> -> memref<64x128xf32, #tpu.memory_space<vmem>>
      tpu.wait_dma2 semaphore(%run_scoped3A : memref<!tpu.dma_semaphore, #tpu.memory_space<semaphore_mem>>) src(%dma_wait3A_281 : memref<64x128xf32, #tpu.memory_space<vmem>>) dst(%dma_wait3A_278 : memref<64x128xf32, #tpu.memory_space<vmem_shared>>)
      tpu.yield
    }) : () -> ()
    %mul3A_40 = arith.constant 640 : i32
    %mul3A_41 = arith.muli %arg1, %mul3A_40 : i32
    %add3A_42 = arith.constant 512 : i32
    %add3A_43 = arith.addi %mul3A_41, %add3A_42 : i32
    "tpu.region"() ({
      %run_scoped3A = tpu.sem_alloc : memref<!tpu.dma_semaphore, #tpu.memory_space<semaphore_mem>>
      %dma_start3A_262 = arith.constant 0 : i32
      %dma_start3A_263 = arith.constant 0 : i32
      %dma_start3A_264 = tpu.memref_slice %arg8[%dma_start3A_262, %dma_start3A_263] : memref<96x128xf32, #tpu.memory_space<vmem>> -> memref<64x128xf32, #tpu.memory_space<vmem>>
      %dma_start3A_265 = arith.constant 0 : i32
      %dma_start3A_266 = tpu.memref_slice %arg7[%add3A_43, %dma_start3A_265] : memref<10240x128xf32, #tpu.memory_space<vmem_shared>> -> memref<64x128xf32, #tpu.memory_space<vmem_shared>>
      %dma_start3A_267 = arith.constant 0 : i32
      %dma_start3A_268 = tpu.memref_slice %arg7[%add3A_43, %dma_start3A_267] : memref<10240x128xf32, #tpu.memory_space<vmem_shared>> -> memref<64x128xf32, #tpu.memory_space<vmem_shared>>
      %dma_start3A_269 = arith.constant 0 : i32
      %dma_start3A_270 = arith.constant 0 : i32
      %dma_start3A_271 = tpu.memref_slice %arg8[%dma_start3A_269, %dma_start3A_270] : memref<96x128xf32, #tpu.memory_space<vmem>> -> memref<64x128xf32, #tpu.memory_space<vmem>>
      tpu.enqueue_dma source(%dma_start3A_271 : memref<64x128xf32, #tpu.memory_space<vmem>>) target(%dma_start3A_268 : memref<64x128xf32, #tpu.memory_space<vmem_shared>>) target_semaphore(%run_scoped3A : memref<!tpu.dma_semaphore, #tpu.memory_space<semaphore_mem>>)
      %dma_wait3A_272 = arith.constant 0 : i32
      %dma_wait3A_273 = arith.constant 0 : i32
      %dma_wait3A_274 = tpu.memref_slice %arg8[%dma_wait3A_272, %dma_wait3A_273] : memref<96x128xf32, #tpu.memory_space<vmem>> -> memref<64x128xf32, #tpu.memory_space<vmem>>
      %dma_wait3A_275 = arith.constant 0 : i32
      %dma_wait3A_276 = tpu.memref_slice %arg7[%add3A_43, %dma_wait3A_275] : memref<10240x128xf32, #tpu.memory_space<vmem_shared>> -> memref<64x128xf32, #tpu.memory_space<vmem_shared>>
      %dma_wait3A_277 = arith.constant 0 : i32
      %dma_wait3A_278 = tpu.memref_slice %arg7[%add3A_43, %dma_wait3A_277] : memref<10240x128xf32, #tpu.memory_space<vmem_shared>> -> memref<64x128xf32, #tpu.memory_space<vmem_shared>>
      %dma_wait3A_279 = arith.constant 0 : i32
      %dma_wait3A_280 = arith.constant 0 : i32
      %dma_wait3A_281 = tpu.memref_slice %arg8[%dma_wait3A_279, %dma_wait3A_280] : memref<96x128xf32, #tpu.memory_space<vmem>> -> memref<64x128xf32, #tpu.memory_space<vmem>>
      tpu.wait_dma2 semaphore(%run_scoped3A : memref<!tpu.dma_semaphore, #tpu.memory_space<semaphore_mem>>) src(%dma_wait3A_281 : memref<64x128xf32, #tpu.memory_space<vmem>>) dst(%dma_wait3A_278 : memref<64x128xf32, #tpu.memory_space<vmem_shared>>)
      tpu.yield
    }) : () -> ()
    %mul3A_44 = arith.constant 640 : i32
    %mul3A_45 = arith.muli %arg1, %mul3A_44 : i32
    %add3A_46 = arith.constant 576 : i32
    %add3A_47 = arith.addi %mul3A_45, %add3A_46 : i32
    "tpu.region"() ({
      %run_scoped3A = tpu.sem_alloc : memref<!tpu.dma_semaphore, #tpu.memory_space<semaphore_mem>>
      %dma_start3A_262 = arith.constant 0 : i32
      %dma_start3A_263 = arith.constant 0 : i32
      %dma_start3A_264 = tpu.memref_slice %arg8[%dma_start3A_262, %dma_start3A_263] : memref<96x128xf32, #tpu.memory_space<vmem>> -> memref<64x128xf32, #tpu.memory_space<vmem>>
      %dma_start3A_265 = arith.constant 0 : i32
      %dma_start3A_266 = tpu.memref_slice %arg7[%add3A_47, %dma_start3A_265] : memref<10240x128xf32, #tpu.memory_space<vmem_shared>> -> memref<64x128xf32, #tpu.memory_space<vmem_shared>>
      %dma_start3A_267 = arith.constant 0 : i32
      %dma_start3A_268 = tpu.memref_slice %arg7[%add3A_47, %dma_start3A_267] : memref<10240x128xf32, #tpu.memory_space<vmem_shared>> -> memref<64x128xf32, #tpu.memory_space<vmem_shared>>
      %dma_start3A_269 = arith.constant 0 : i32
      %dma_start3A_270 = arith.constant 0 : i32
      %dma_start3A_271 = tpu.memref_slice %arg8[%dma_start3A_269, %dma_start3A_270] : memref<96x128xf32, #tpu.memory_space<vmem>> -> memref<64x128xf32, #tpu.memory_space<vmem>>
      tpu.enqueue_dma source(%dma_start3A_271 : memref<64x128xf32, #tpu.memory_space<vmem>>) target(%dma_start3A_268 : memref<64x128xf32, #tpu.memory_space<vmem_shared>>) target_semaphore(%run_scoped3A : memref<!tpu.dma_semaphore, #tpu.memory_space<semaphore_mem>>)
      %dma_wait3A_272 = arith.constant 0 : i32
      %dma_wait3A_273 = arith.constant 0 : i32
      %dma_wait3A_274 = tpu.memref_slice %arg8[%dma_wait3A_272, %dma_wait3A_273] : memref<96x128xf32, #tpu.memory_space<vmem>> -> memref<64x128xf32, #tpu.memory_space<vmem>>
      %dma_wait3A_275 = arith.constant 0 : i32
      %dma_wait3A_276 = tpu.memref_slice %arg7[%add3A_47, %dma_wait3A_275] : memref<10240x128xf32, #tpu.memory_space<vmem_shared>> -> memref<64x128xf32, #tpu.memory_space<vmem_shared>>
      %dma_wait3A_277 = arith.constant 0 : i32
      %dma_wait3A_278 = tpu.memref_slice %arg7[%add3A_47, %dma_wait3A_277] : memref<10240x128xf32, #tpu.memory_space<vmem_shared>> -> memref<64x128xf32, #tpu.memory_space<vmem_shared>>
      %dma_wait3A_279 = arith.constant 0 : i32
      %dma_wait3A_280 = arith.constant 0 : i32
      %dma_wait3A_281 = tpu.memref_slice %arg8[%dma_wait3A_279, %dma_wait3A_280] : memref<96x128xf32, #tpu.memory_space<vmem>> -> memref<64x128xf32, #tpu.memory_space<vmem>>
      tpu.wait_dma2 semaphore(%run_scoped3A : memref<!tpu.dma_semaphore, #tpu.memory_space<semaphore_mem>>) src(%dma_wait3A_281 : memref<64x128xf32, #tpu.memory_space<vmem>>) dst(%dma_wait3A_278 : memref<64x128xf32, #tpu.memory_space<vmem_shared>>)
      tpu.yield
    }) : () -> ()
    %barrier3A = arith.constant 0 : index
    tpu.barrier barrier_id(%barrier3A)
    %add3A_48 = arith.constant 0 : i32
    %add3A_49 = arith.addi %mul3A_0, %add3A_48 : i32
    %dma_start3A = tpu.memref_slice %arg3[%add3A_49] : memref<320000xi32, #tpu.memory_space<hbm>> -> memref<96xi32, #tpu.memory_space<hbm>>
    %dma_start3A_50 = tpu.memref_slice %arg3[%add3A_49] : memref<320000xi32, #tpu.memory_space<hbm>> -> memref<96xi32, #tpu.memory_space<hbm>>
    tpu.enqueue_dma source(%dma_start3A_50 : memref<96xi32, #tpu.memory_space<hbm>>) target(%arg9 : memref<96xi32, #tpu.memory_space<vmem>>) target_semaphore(%arg12 : memref<!tpu.dma_semaphore, #tpu.memory_space<semaphore_mem>>)
    %dma_start3A_51 = tpu.memref_slice %arg4[%add3A_49] : memref<320000xi32, #tpu.memory_space<hbm>> -> memref<96xi32, #tpu.memory_space<hbm>>
    %dma_start3A_52 = tpu.memref_slice %arg4[%add3A_49] : memref<320000xi32, #tpu.memory_space<hbm>> -> memref<96xi32, #tpu.memory_space<hbm>>
    tpu.enqueue_dma source(%dma_start3A_52 : memref<96xi32, #tpu.memory_space<hbm>>) target(%arg10 : memref<96xi32, #tpu.memory_space<vmem>>) target_semaphore(%arg12 : memref<!tpu.dma_semaphore, #tpu.memory_space<semaphore_mem>>)
    %dma_start3A_53 = arith.constant 0 : i32
    %dma_start3A_54 = tpu.memref_slice %arg5[%add3A_49, %dma_start3A_53] : memref<320000x16xf32, #tpu.memory_space<hbm>> -> memref<96x16xf32, #tpu.memory_space<hbm>>
    %dma_start3A_55 = arith.constant 0 : i32
    %dma_start3A_56 = tpu.memref_slice %arg5[%add3A_49, %dma_start3A_55] : memref<320000x16xf32, #tpu.memory_space<hbm>> -> memref<96x16xf32, #tpu.memory_space<hbm>>
    tpu.enqueue_dma source(%dma_start3A_56 : memref<96x16xf32, #tpu.memory_space<hbm>>) target(%arg11 : memref<96x16xf32, #tpu.memory_space<vmem>>) target_semaphore(%arg12 : memref<!tpu.dma_semaphore, #tpu.memory_space<semaphore_mem>>)
    %scan3A_57 = arith.constant 0 : i32
    %scan3A_58 = arith.constant 104 : i32
    %scan3A_59 = arith.addi %scan3A_57, %scan3A_58 : i32
    %scan3A_60 = arith.constant 1 : i32
    scf.for %scan3A_262 = %scan3A_57 to %scan3A_59 step %scan3A_60  : i32 {
      %mul3A_263 = arith.constant 1 : i32
      %mul3A_264 = arith.muli %scan3A_262, %mul3A_263 : i32
      %add3A_265 = arith.constant 0 : i32
      %add3A_266 = arith.addi %add3A_265, %mul3A_264 : i32
      %mul3A_267 = arith.constant 2 : i32
      %mul3A_268 = arith.muli %add3A_266, %mul3A_267 : i32
      %add3A_269 = arith.constant 0 : i32
      %add3A_270 = arith.addi %add3A_269, %mul3A_268 : i32
      %add3A_271 = arith.constant 0 : i32
      %add3A_272 = arith.addi %add3A_270, %add3A_271 : i32
      %dma_wait3A_273 = arith.constant 0 : i32
      %dma_wait3A_274 = tpu.memref_slice %arg3[%dma_wait3A_273] : memref<320000xi32, #tpu.memory_space<hbm>> -> memref<96xi32, #tpu.memory_space<hbm>>
      %dma_wait3A_275 = arith.constant 0 : i32
      %dma_wait3A_276 = tpu.memref_slice %arg3[%dma_wait3A_275] : memref<320000xi32, #tpu.memory_space<hbm>> -> memref<96xi32, #tpu.memory_space<hbm>>
      tpu.wait_dma2 semaphore(%arg12 : memref<!tpu.dma_semaphore, #tpu.memory_space<semaphore_mem>>) src(%dma_wait3A_276 : memref<96xi32, #tpu.memory_space<hbm>>) dst(%arg9 : memref<96xi32, #tpu.memory_space<vmem>>)
      %dma_wait3A_277 = arith.constant 0 : i32
      %dma_wait3A_278 = tpu.memref_slice %arg4[%dma_wait3A_277] : memref<320000xi32, #tpu.memory_space<hbm>> -> memref<96xi32, #tpu.memory_space<hbm>>
      %dma_wait3A_279 = arith.constant 0 : i32
      %dma_wait3A_280 = tpu.memref_slice %arg4[%dma_wait3A_279] : memref<320000xi32, #tpu.memory_space<hbm>> -> memref<96xi32, #tpu.memory_space<hbm>>
      tpu.wait_dma2 semaphore(%arg12 : memref<!tpu.dma_semaphore, #tpu.memory_space<semaphore_mem>>) src(%dma_wait3A_280 : memref<96xi32, #tpu.memory_space<hbm>>) dst(%arg10 : memref<96xi32, #tpu.memory_space<vmem>>)
      %dma_wait3A_281 = arith.constant 0 : i32
      %dma_wait3A_282 = arith.constant 0 : i32
      %dma_wait3A_283 = tpu.memref_slice %arg5[%dma_wait3A_281, %dma_wait3A_282] : memref<320000x16xf32, #tpu.memory_space<hbm>> -> memref<96x16xf32, #tpu.memory_space<hbm>>
      %dma_wait3A_284 = arith.constant 0 : i32
      %dma_wait3A_285 = arith.constant 0 : i32
      %dma_wait3A_286 = tpu.memref_slice %arg5[%dma_wait3A_284, %dma_wait3A_285] : memref<320000x16xf32, #tpu.memory_space<hbm>> -> memref<96x16xf32, #tpu.memory_space<hbm>>
      tpu.wait_dma2 semaphore(%arg12 : memref<!tpu.dma_semaphore, #tpu.memory_space<semaphore_mem>>) src(%dma_wait3A_286 : memref<96x16xf32, #tpu.memory_space<hbm>>) dst(%arg11 : memref<96x16xf32, #tpu.memory_space<vmem>>)
      %add3A_287 = arith.constant 1 : i32
      %add3A_288 = arith.addi %add3A_272, %add3A_287 : i32
      %min3A = arith.constant 207 : i32
      %min3A_289 = arith.minsi %add3A_288, %min3A : i32
      %mul3A_290 = arith.constant 96 : i32
      %mul3A_291 = arith.muli %min3A_289, %mul3A_290 : i32
      %add3A_292 = arith.addi %mul3A_0, %mul3A_291 : i32
      %dma_start3A_293 = tpu.memref_slice %arg3[%add3A_292] : memref<320000xi32, #tpu.memory_space<hbm>> -> memref<96xi32, #tpu.memory_space<hbm>>
      %dma_start3A_294 = tpu.memref_slice %arg3[%add3A_292] : memref<320000xi32, #tpu.memory_space<hbm>> -> memref<96xi32, #tpu.memory_space<hbm>>
      tpu.enqueue_dma source(%dma_start3A_294 : memref<96xi32, #tpu.memory_space<hbm>>) target(%arg13 : memref<96xi32, #tpu.memory_space<vmem>>) target_semaphore(%arg12 : memref<!tpu.dma_semaphore, #tpu.memory_space<semaphore_mem>>)
      %dma_start3A_295 = tpu.memref_slice %arg4[%add3A_292] : memref<320000xi32, #tpu.memory_space<hbm>> -> memref<96xi32, #tpu.memory_space<hbm>>
      %dma_start3A_296 = tpu.memref_slice %arg4[%add3A_292] : memref<320000xi32, #tpu.memory_space<hbm>> -> memref<96xi32, #tpu.memory_space<hbm>>
      tpu.enqueue_dma source(%dma_start3A_296 : memref<96xi32, #tpu.memory_space<hbm>>) target(%arg14 : memref<96xi32, #tpu.memory_space<vmem>>) target_semaphore(%arg12 : memref<!tpu.dma_semaphore, #tpu.memory_space<semaphore_mem>>)
      %dma_start3A_297 = arith.constant 0 : i32
      %dma_start3A_298 = tpu.memref_slice %arg5[%add3A_292, %dma_start3A_297] : memref<320000x16xf32, #tpu.memory_space<hbm>> -> memref<96x16xf32, #tpu.memory_space<hbm>>
      %dma_start3A_299 = arith.constant 0 : i32
      %dma_start3A_300 = tpu.memref_slice %arg5[%add3A_292, %dma_start3A_299] : memref<320000x16xf32, #tpu.memory_space<hbm>> -> memref<96x16xf32, #tpu.memory_space<hbm>>
      tpu.enqueue_dma source(%dma_start3A_300 : memref<96x16xf32, #tpu.memory_space<hbm>>) target(%arg15 : memref<96x16xf32, #tpu.memory_space<vmem>>) target_semaphore(%arg12 : memref<!tpu.dma_semaphore, #tpu.memory_space<semaphore_mem>>)
      %scan3A_301 = arith.constant 0 : i32
      %scan3A_302 = arith.constant 6 : i32
      %scan3A_303 = arith.addi %scan3A_301, %scan3A_302 : i32
      %scan3A_304 = arith.constant 1 : i32
      scf.for %scan3A_356 = %scan3A_301 to %scan3A_303 step %scan3A_304  : i32 {
        %mul3A_357 = arith.constant 1 : i32
        %mul3A_358 = arith.muli %scan3A_356, %mul3A_357 : i32
        %add3A_359 = arith.constant 0 : i32
        %add3A_360 = arith.addi %add3A_359, %mul3A_358 : i32
        %mul3A_361 = arith.constant 16 : i32
        %mul3A_362 = arith.muli %add3A_360, %mul3A_361 : i32
        %get3A = arith.index_cast %mul3A_362 : i32 to index
        %get3A_363 = tpu.vector_load %arg10[%get3A] {strides = array<i32>} : memref<96xi32, #tpu.memory_space<vmem>>, vector<16xi32>,
        %mul3A_364 = arith.constant 10000 : i32
        %mul3A_365 = arith.muli %add3A_3, %mul3A_364 : i32
        %broadcast_in_dim3A = vector.broadcast %mul3A_365 : i32 to vector<16xi32>
        %add3A_366 = arith.addi %get3A_363, %broadcast_in_dim3A : vector<16xi32>
        %swap3A = arith.index_cast %mul3A_362 : i32 to index
        %swap3A_367 = tpu.vector_load %arg10[%swap3A] {strides = array<i32>} : memref<96xi32, #tpu.memory_space<vmem>>, vector<16xi32>,
        tpu.vector_store %arg10[%swap3A], %add3A_366 {strides = array<i32>} : memref<96xi32, #tpu.memory_space<vmem>>, vector<16xi32>,
      }
      %scan3A_305 = arith.constant 6 : i32
      "tpu.region"() ({
        %run_scoped3A = tpu.sem_alloc : memref<!tpu.dma_semaphore, #tpu.memory_space<semaphore_mem>>
        %dma_start3A_356 = arith.constant 0 : i32
        %dma_start3A_357 = arith.constant 0 : i32
        %dma_start3A_358 = tpu.memref_slice %arg2[%dma_start3A_356, %dma_start3A_357] : memref<40000x128xf32, #tpu.memory_space<hbm>> -> memref<40000x128xf32, #tpu.memory_space<hbm>>
        tpu.enqueue_indirect_dma source(%dma_start3A_358 : memref<40000x128xf32, #tpu.memory_space<hbm>>) target(%arg8 : memref<96x128xf32, #tpu.memory_space<vmem>>) offsets(%arg10 : memref<96xi32, #tpu.memory_space<vmem>>) semaphore(%run_scoped3A : memref<!tpu.dma_semaphore, #tpu.memory_space<semaphore_mem>>)
        %dma_wait3A_359 = arith.constant 0 : i32
        %dma_wait3A_360 = arith.constant 0 : i32
        %dma_wait3A_361 = tpu.memref_slice %arg2[%dma_wait3A_359, %dma_wait3A_360] : memref<40000x128xf32, #tpu.memory_space<hbm>> -> memref<40000x128xf32, #tpu.memory_space<hbm>>
        tpu.wait_indirect_dma semaphore(%run_scoped3A : memref<!tpu.dma_semaphore, #tpu.memory_space<semaphore_mem>>) src(%dma_wait3A_361 : memref<40000x128xf32, #tpu.memory_space<hbm>>) dst(%arg8 : memref<96x128xf32, #tpu.memory_space<vmem>>)
        tpu.yield
      }) : () -> ()
      %scan3A_306 = arith.constant 0 : i32
      %scan3A_307 = arith.constant 96 : i32
      %scan3A_308 = arith.addi %scan3A_306, %scan3A_307 : i32
      %scan3A_309 = arith.constant 1 : i32
      scf.for %scan3A_356 = %scan3A_306 to %scan3A_308 step %scan3A_309  : i32 {
        %mul3A_357 = arith.constant 1 : i32
        %mul3A_358 = arith.muli %scan3A_356, %mul3A_357 : i32
        %add3A_359 = arith.constant 0 : i32
        %add3A_360 = arith.addi %add3A_359, %mul3A_358 : i32
        %get3A = arith.index_cast %add3A_360 : i32 to index
        %get3A_361 = arith.constant 0 : index
        %get3A_362 = tpu.vector_load %arg11[%get3A, %get3A_361] {strides = array<i32>} : memref<96x16xf32, #tpu.memory_space<vmem>>, vector<16xf32>,
        %get3A_363 = arith.index_cast %add3A_360 : i32 to index
        %get3A_364 = arith.constant 0 : index
        %get3A_365 = tpu.vector_load %arg8[%get3A_363, %get3A_364] {strides = array<i32>} : memref<96x128xf32, #tpu.memory_space<vmem>>, vector<16xf32>,
        %mul3A_366 = arith.mulf %get3A_365, %get3A_362 : vector<16xf32>
        %swap3A = arith.index_cast %add3A_360 : i32 to index
        %swap3A_367 = arith.constant 0 : index
        %swap3A_368 = tpu.vector_load %arg8[%swap3A, %swap3A_367] {strides = array<i32>} : memref<96x128xf32, #tpu.memory_space<vmem>>, vector<16xf32>,
        tpu.vector_store %arg8[%swap3A, %swap3A_367], %mul3A_366 {strides = array<i32>} : memref<96x128xf32, #tpu.memory_space<vmem>>, vector<16xf32>,
        %get3A_369 = arith.index_cast %add3A_360 : i32 to index
        %get3A_370 = arith.constant 16 : index
        %get3A_371 = tpu.vector_load %arg8[%get3A_369, %get3A_370] {strides = array<i32>} : memref<96x128xf32, #tpu.memory_space<vmem>>, vector<16xf32>,
        %mul3A_372 = arith.mulf %get3A_371, %get3A_362 : vector<16xf32>
        %swap3A_373 = arith.index_cast %add3A_360 : i32 to index
        %swap3A_374 = arith.constant 16 : index
        %swap3A_375 = tpu.vector_load %arg8[%swap3A_373, %swap3A_374] {strides = array<i32>} : memref<96x128xf32, #tpu.memory_space<vmem>>, vector<16xf32>,
        tpu.vector_store %arg8[%swap3A_373, %swap3A_374], %mul3A_372 {strides = array<i32>} : memref<96x128xf32, #tpu.memory_space<vmem>>, vector<16xf32>,
        %get3A_376 = arith.index_cast %add3A_360 : i32 to index
        %get3A_377 = arith.constant 32 : index
        %get3A_378 = tpu.vector_load %arg8[%get3A_376, %get3A_377] {strides = array<i32>} : memref<96x128xf32, #tpu.memory_space<vmem>>, vector<16xf32>,
        %mul3A_379 = arith.mulf %get3A_378, %get3A_362 : vector<16xf32>
        %swap3A_380 = arith.index_cast %add3A_360 : i32 to index
        %swap3A_381 = arith.constant 32 : index
        %swap3A_382 = tpu.vector_load %arg8[%swap3A_380, %swap3A_381] {strides = array<i32>} : memref<96x128xf32, #tpu.memory_space<vmem>>, vector<16xf32>,
        tpu.vector_store %arg8[%swap3A_380, %swap3A_381], %mul3A_379 {strides = array<i32>} : memref<96x128xf32, #tpu.memory_space<vmem>>, vector<16xf32>,
        %get3A_383 = arith.index_cast %add3A_360 : i32 to index
        %get3A_384 = arith.constant 48 : index
        %get3A_385 = tpu.vector_load %arg8[%get3A_383, %get3A_384] {strides = array<i32>} : memref<96x128xf32, #tpu.memory_space<vmem>>, vector<16xf32>,
        %mul3A_386 = arith.mulf %get3A_385, %get3A_362 : vector<16xf32>
        %swap3A_387 = arith.index_cast %add3A_360 : i32 to index
        %swap3A_388 = arith.constant 48 : index
        %swap3A_389 = tpu.vector_load %arg8[%swap3A_387, %swap3A_388] {strides = array<i32>} : memref<96x128xf32, #tpu.memory_space<vmem>>, vector<16xf32>,
        tpu.vector_store %arg8[%swap3A_387, %swap3A_388], %mul3A_386 {strides = array<i32>} : memref<96x128xf32, #tpu.memory_space<vmem>>, vector<16xf32>,
        %get3A_390 = arith.index_cast %add3A_360 : i32 to index
        %get3A_391 = arith.constant 64 : index
        %get3A_392 = tpu.vector_load %arg8[%get3A_390, %get3A_391] {strides = array<i32>} : memref<96x128xf32, #tpu.memory_space<vmem>>, vector<16xf32>,
        %mul3A_393 = arith.mulf %get3A_392, %get3A_362 : vector<16xf32>
        %swap3A_394 = arith.index_cast %add3A_360 : i32 to index
        %swap3A_395 = arith.constant 64 : index
        %swap3A_396 = tpu.vector_load %arg8[%swap3A_394, %swap3A_395] {strides = array<i32>} : memref<96x128xf32, #tpu.memory_space<vmem>>, vector<16xf32>,
        tpu.vector_store %arg8[%swap3A_394, %swap3A_395], %mul3A_393 {strides = array<i32>} : memref<96x128xf32, #tpu.memory_space<vmem>>, vector<16xf32>,
        %get3A_397 = arith.index_cast %add3A_360 : i32 to index
        %get3A_398 = arith.constant 80 : index
        %get3A_399 = tpu.vector_load %arg8[%get3A_397, %get3A_398] {strides = array<i32>} : memref<96x128xf32, #tpu.memory_space<vmem>>, vector<16xf32>,
        %mul3A_400 = arith.mulf %get3A_399, %get3A_362 : vector<16xf32>
        %swap3A_401 = arith.index_cast %add3A_360 : i32 to index
        %swap3A_402 = arith.constant 80 : index
        %swap3A_403 = tpu.vector_load %arg8[%swap3A_401, %swap3A_402] {strides = array<i32>} : memref<96x128xf32, #tpu.memory_space<vmem>>, vector<16xf32>,
        tpu.vector_store %arg8[%swap3A_401, %swap3A_402], %mul3A_400 {strides = array<i32>} : memref<96x128xf32, #tpu.memory_space<vmem>>, vector<16xf32>,
        %get3A_404 = arith.index_cast %add3A_360 : i32 to index
        %get3A_405 = arith.constant 96 : index
        %get3A_406 = tpu.vector_load %arg8[%get3A_404, %get3A_405] {strides = array<i32>} : memref<96x128xf32, #tpu.memory_space<vmem>>, vector<16xf32>,
        %mul3A_407 = arith.mulf %get3A_406, %get3A_362 : vector<16xf32>
        %swap3A_408 = arith.index_cast %add3A_360 : i32 to index
        %swap3A_409 = arith.constant 96 : index
        %swap3A_410 = tpu.vector_load %arg8[%swap3A_408, %swap3A_409] {strides = array<i32>} : memref<96x128xf32, #tpu.memory_space<vmem>>, vector<16xf32>,
        tpu.vector_store %arg8[%swap3A_408, %swap3A_409], %mul3A_407 {strides = array<i32>} : memref<96x128xf32, #tpu.memory_space<vmem>>, vector<16xf32>,
        %get3A_411 = arith.index_cast %add3A_360 : i32 to index
        %get3A_412 = arith.constant 112 : index
        %get3A_413 = tpu.vector_load %arg8[%get3A_411, %get3A_412] {strides = array<i32>} : memref<96x128xf32, #tpu.memory_space<vmem>>, vector<16xf32>,
        %mul3A_414 = arith.mulf %get3A_413, %get3A_362 : vector<16xf32>
        %swap3A_415 = arith.index_cast %add3A_360 : i32 to index
        %swap3A_416 = arith.constant 112 : index
        %swap3A_417 = tpu.vector_load %arg8[%swap3A_415, %swap3A_416] {strides = array<i32>} : memref<96x128xf32, #tpu.memory_space<vmem>>, vector<16xf32>,
        tpu.vector_store %arg8[%swap3A_415, %swap3A_416], %mul3A_414 {strides = array<i32>} : memref<96x128xf32, #tpu.memory_space<vmem>>, vector<16xf32>,
      }
      %scan3A_310 = arith.constant 96 : i32
      "tpu.region"() ({
        %run_scoped3A = tpu.sem_alloc : memref<!tpu.dma_semaphore, #tpu.memory_space<semaphore_mem>>
        %dma_start3A_356 = arith.constant 0 : i32
        %dma_start3A_357 = arith.constant 0 : i32
        %dma_start3A_358 = tpu.memref_slice %arg7[%dma_start3A_356, %dma_start3A_357] : memref<10240x128xf32, #tpu.memory_space<vmem_shared>> -> memref<10240x128xf32, #tpu.memory_space<vmem_shared>>
        tpu.enqueue_indirect_dma source(%arg8 : memref<96x128xf32, #tpu.memory_space<vmem>>) target(%dma_start3A_358 : memref<10240x128xf32, #tpu.memory_space<vmem_shared>>) offsets(%arg9 : memref<96xi32, #tpu.memory_space<vmem>>) semaphore(%run_scoped3A : memref<!tpu.dma_semaphore, #tpu.memory_space<semaphore_mem>>) {add = true}
        %dma_wait3A_359 = arith.constant 0 : i32
        %dma_wait3A_360 = arith.constant 0 : i32
        %dma_wait3A_361 = tpu.memref_slice %arg7[%dma_wait3A_359, %dma_wait3A_360] : memref<10240x128xf32, #tpu.memory_space<vmem_shared>> -> memref<10240x128xf32, #tpu.memory_space<vmem_shared>>
        tpu.wait_indirect_dma semaphore(%run_scoped3A : memref<!tpu.dma_semaphore, #tpu.memory_space<semaphore_mem>>) src(%arg8 : memref<96x128xf32, #tpu.memory_space<vmem>>) dst(%dma_wait3A_361 : memref<10240x128xf32, #tpu.memory_space<vmem_shared>>)
        tpu.yield
      }) : () -> ()
      %mul3A_311 = arith.constant 2 : i32
      %mul3A_312 = arith.muli %add3A_266, %mul3A_311 : i32
      %add3A_313 = arith.constant 0 : i32
      %add3A_314 = arith.addi %add3A_313, %mul3A_312 : i32
      %add3A_315 = arith.constant 1 : i32
      %add3A_316 = arith.addi %add3A_314, %add3A_315 : i32
      %dma_wait3A_317 = arith.constant 0 : i32
      %dma_wait3A_318 = tpu.memref_slice %arg3[%dma_wait3A_317] : memref<320000xi32, #tpu.memory_space<hbm>> -> memref<96xi32, #tpu.memory_space<hbm>>
      %dma_wait3A_319 = arith.constant 0 : i32
      %dma_wait3A_320 = tpu.memref_slice %arg3[%dma_wait3A_319] : memref<320000xi32, #tpu.memory_space<hbm>> -> memref<96xi32, #tpu.memory_space<hbm>>
      tpu.wait_dma2 semaphore(%arg12 : memref<!tpu.dma_semaphore, #tpu.memory_space<semaphore_mem>>) src(%dma_wait3A_320 : memref<96xi32, #tpu.memory_space<hbm>>) dst(%arg13 : memref<96xi32, #tpu.memory_space<vmem>>)
      %dma_wait3A_321 = arith.constant 0 : i32
      %dma_wait3A_322 = tpu.memref_slice %arg4[%dma_wait3A_321] : memref<320000xi32, #tpu.memory_space<hbm>> -> memref<96xi32, #tpu.memory_space<hbm>>
      %dma_wait3A_323 = arith.constant 0 : i32
      %dma_wait3A_324 = tpu.memref_slice %arg4[%dma_wait3A_323] : memref<320000xi32, #tpu.memory_space<hbm>> -> memref<96xi32, #tpu.memory_space<hbm>>
      tpu.wait_dma2 semaphore(%arg12 : memref<!tpu.dma_semaphore, #tpu.memory_space<semaphore_mem>>) src(%dma_wait3A_324 : memref<96xi32, #tpu.memory_space<hbm>>) dst(%arg14 : memref<96xi32, #tpu.memory_space<vmem>>)
      %dma_wait3A_325 = arith.constant 0 : i32
      %dma_wait3A_326 = arith.constant 0 : i32
      %dma_wait3A_327 = tpu.memref_slice %arg5[%dma_wait3A_325, %dma_wait3A_326] : memref<320000x16xf32, #tpu.memory_space<hbm>> -> memref<96x16xf32, #tpu.memory_space<hbm>>
      %dma_wait3A_328 = arith.constant 0 : i32
      %dma_wait3A_329 = arith.constant 0 : i32
      %dma_wait3A_330 = tpu.memref_slice %arg5[%dma_wait3A_328, %dma_wait3A_329] : memref<320000x16xf32, #tpu.memory_space<hbm>> -> memref<96x16xf32, #tpu.memory_space<hbm>>
      tpu.wait_dma2 semaphore(%arg12 : memref<!tpu.dma_semaphore, #tpu.memory_space<semaphore_mem>>) src(%dma_wait3A_330 : memref<96x16xf32, #tpu.memory_space<hbm>>) dst(%arg15 : memref<96x16xf32, #tpu.memory_space<vmem>>)
      %add3A_331 = arith.constant 1 : i32
      %add3A_332 = arith.addi %add3A_316, %add3A_331 : i32
      %min3A_333 = arith.constant 207 : i32
      %min3A_334 = arith.minsi %add3A_332, %min3A_333 : i32
      %mul3A_335 = arith.constant 96 : i32
      %mul3A_336 = arith.muli %min3A_334, %mul3A_335 : i32
      %add3A_337 = arith.addi %mul3A_0, %mul3A_336 : i32
      %dma_start3A_338 = tpu.memref_slice %arg3[%add3A_337] : memref<320000xi32, #tpu.memory_space<hbm>> -> memref<96xi32, #tpu.memory_space<hbm>>
      %dma_start3A_339 = tpu.memref_slice %arg3[%add3A_337] : memref<320000xi32, #tpu.memory_space<hbm>> -> memref<96xi32, #tpu.memory_space<hbm>>
      tpu.enqueue_dma source(%dma_start3A_339 : memref<96xi32, #tpu.memory_space<hbm>>) target(%arg9 : memref<96xi32, #tpu.memory_space<vmem>>) target_semaphore(%arg12 : memref<!tpu.dma_semaphore, #tpu.memory_space<semaphore_mem>>)
      %dma_start3A_340 = tpu.memref_slice %arg4[%add3A_337] : memref<320000xi32, #tpu.memory_space<hbm>> -> memref<96xi32, #tpu.memory_space<hbm>>
      %dma_start3A_341 = tpu.memref_slice %arg4[%add3A_337] : memref<320000xi32, #tpu.memory_space<hbm>> -> memref<96xi32, #tpu.memory_space<hbm>>
      tpu.enqueue_dma source(%dma_start3A_341 : memref<96xi32, #tpu.memory_space<hbm>>) target(%arg10 : memref<96xi32, #tpu.memory_space<vmem>>) target_semaphore(%arg12 : memref<!tpu.dma_semaphore, #tpu.memory_space<semaphore_mem>>)
      %dma_start3A_342 = arith.constant 0 : i32
      %dma_start3A_343 = tpu.memref_slice %arg5[%add3A_337, %dma_start3A_342] : memref<320000x16xf32, #tpu.memory_space<hbm>> -> memref<96x16xf32, #tpu.memory_space<hbm>>
      %dma_start3A_344 = arith.constant 0 : i32
      %dma_start3A_345 = tpu.memref_slice %arg5[%add3A_337, %dma_start3A_344] : memref<320000x16xf32, #tpu.memory_space<hbm>> -> memref<96x16xf32, #tpu.memory_space<hbm>>
      tpu.enqueue_dma source(%dma_start3A_345 : memref<96x16xf32, #tpu.memory_space<hbm>>) target(%arg11 : memref<96x16xf32, #tpu.memory_space<vmem>>) target_semaphore(%arg12 : memref<!tpu.dma_semaphore, #tpu.memory_space<semaphore_mem>>)
      %scan3A_346 = arith.constant 0 : i32
      %scan3A_347 = arith.constant 6 : i32
      %scan3A_348 = arith.addi %scan3A_346, %scan3A_347 : i32
      %scan3A_349 = arith.constant 1 : i32
      scf.for %scan3A_356 = %scan3A_346 to %scan3A_348 step %scan3A_349  : i32 {
        %mul3A_357 = arith.constant 1 : i32
        %mul3A_358 = arith.muli %scan3A_356, %mul3A_357 : i32
        %add3A_359 = arith.constant 0 : i32
        %add3A_360 = arith.addi %add3A_359, %mul3A_358 : i32
        %mul3A_361 = arith.constant 16 : i32
        %mul3A_362 = arith.muli %add3A_360, %mul3A_361 : i32
        %get3A = arith.index_cast %mul3A_362 : i32 to index
        %get3A_363 = tpu.vector_load %arg14[%get3A] {strides = array<i32>} : memref<96xi32, #tpu.memory_space<vmem>>, vector<16xi32>,
        %mul3A_364 = arith.constant 10000 : i32
        %mul3A_365 = arith.muli %add3A_3, %mul3A_364 : i32
        %broadcast_in_dim3A = vector.broadcast %mul3A_365 : i32 to vector<16xi32>
        %add3A_366 = arith.addi %get3A_363, %broadcast_in_dim3A : vector<16xi32>
        %swap3A = arith.index_cast %mul3A_362 : i32 to index
        %swap3A_367 = tpu.vector_load %arg14[%swap3A] {strides = array<i32>} : memref<96xi32, #tpu.memory_space<vmem>>, vector<16xi32>,
        tpu.vector_store %arg14[%swap3A], %add3A_366 {strides = array<i32>} : memref<96xi32, #tpu.memory_space<vmem>>, vector<16xi32>,
      }
      %scan3A_350 = arith.constant 6 : i32
      "tpu.region"() ({
        %run_scoped3A = tpu.sem_alloc : memref<!tpu.dma_semaphore, #tpu.memory_space<semaphore_mem>>
        %dma_start3A_356 = arith.constant 0 : i32
        %dma_start3A_357 = arith.constant 0 : i32
        %dma_start3A_358 = tpu.memref_slice %arg2[%dma_start3A_356, %dma_start3A_357] : memref<40000x128xf32, #tpu.memory_space<hbm>> -> memref<40000x128xf32, #tpu.memory_space<hbm>>
        tpu.enqueue_indirect_dma source(%dma_start3A_358 : memref<40000x128xf32, #tpu.memory_space<hbm>>) target(%arg8 : memref<96x128xf32, #tpu.memory_space<vmem>>) offsets(%arg14 : memref<96xi32, #tpu.memory_space<vmem>>) semaphore(%run_scoped3A : memref<!tpu.dma_semaphore, #tpu.memory_space<semaphore_mem>>)
        %dma_wait3A_359 = arith.constant 0 : i32
        %dma_wait3A_360 = arith.constant 0 : i32
        %dma_wait3A_361 = tpu.memref_slice %arg2[%dma_wait3A_359, %dma_wait3A_360] : memref<40000x128xf32, #tpu.memory_space<hbm>> -> memref<40000x128xf32, #tpu.memory_space<hbm>>
        tpu.wait_indirect_dma semaphore(%run_scoped3A : memref<!tpu.dma_semaphore, #tpu.memory_space<semaphore_mem>>) src(%dma_wait3A_361 : memref<40000x128xf32, #tpu.memory_space<hbm>>) dst(%arg8 : memref<96x128xf32, #tpu.memory_space<vmem>>)
        tpu.yield
      }) : () -> ()
      %scan3A_351 = arith.constant 0 : i32
      %scan3A_352 = arith.constant 96 : i32
      %scan3A_353 = arith.addi %scan3A_351, %scan3A_352 : i32
      %scan3A_354 = arith.constant 1 : i32
      scf.for %scan3A_356 = %scan3A_351 to %scan3A_353 step %scan3A_354  : i32 {
        %mul3A_357 = arith.constant 1 : i32
        %mul3A_358 = arith.muli %scan3A_356, %mul3A_357 : i32
        %add3A_359 = arith.constant 0 : i32
        %add3A_360 = arith.addi %add3A_359, %mul3A_358 : i32
        %get3A = arith.index_cast %add3A_360 : i32 to index
        %get3A_361 = arith.constant 0 : index
        %get3A_362 = tpu.vector_load %arg15[%get3A, %get3A_361] {strides = array<i32>} : memref<96x16xf32, #tpu.memory_space<vmem>>, vector<16xf32>,
        %get3A_363 = arith.index_cast %add3A_360 : i32 to index
        %get3A_364 = arith.constant 0 : index
        %get3A_365 = tpu.vector_load %arg8[%get3A_363, %get3A_364] {strides = array<i32>} : memref<96x128xf32, #tpu.memory_space<vmem>>, vector<16xf32>,
        %mul3A_366 = arith.mulf %get3A_365, %get3A_362 : vector<16xf32>
        %swap3A = arith.index_cast %add3A_360 : i32 to index
        %swap3A_367 = arith.constant 0 : index
        %swap3A_368 = tpu.vector_load %arg8[%swap3A, %swap3A_367] {strides = array<i32>} : memref<96x128xf32, #tpu.memory_space<vmem>>, vector<16xf32>,
        tpu.vector_store %arg8[%swap3A, %swap3A_367], %mul3A_366 {strides = array<i32>} : memref<96x128xf32, #tpu.memory_space<vmem>>, vector<16xf32>,
        %get3A_369 = arith.index_cast %add3A_360 : i32 to index
        %get3A_370 = arith.constant 16 : index
        %get3A_371 = tpu.vector_load %arg8[%get3A_369, %get3A_370] {strides = array<i32>} : memref<96x128xf32, #tpu.memory_space<vmem>>, vector<16xf32>,
        %mul3A_372 = arith.mulf %get3A_371, %get3A_362 : vector<16xf32>
        %swap3A_373 = arith.index_cast %add3A_360 : i32 to index
        %swap3A_374 = arith.constant 16 : index
        %swap3A_375 = tpu.vector_load %arg8[%swap3A_373, %swap3A_374] {strides = array<i32>} : memref<96x128xf32, #tpu.memory_space<vmem>>, vector<16xf32>,
        tpu.vector_store %arg8[%swap3A_373, %swap3A_374], %mul3A_372 {strides = array<i32>} : memref<96x128xf32, #tpu.memory_space<vmem>>, vector<16xf32>,
        %get3A_376 = arith.index_cast %add3A_360 : i32 to index
        %get3A_377 = arith.constant 32 : index
        %get3A_378 = tpu.vector_load %arg8[%get3A_376, %get3A_377] {strides = array<i32>} : memref<96x128xf32, #tpu.memory_space<vmem>>, vector<16xf32>,
        %mul3A_379 = arith.mulf %get3A_378, %get3A_362 : vector<16xf32>
        %swap3A_380 = arith.index_cast %add3A_360 : i32 to index
        %swap3A_381 = arith.constant 32 : index
        %swap3A_382 = tpu.vector_load %arg8[%swap3A_380, %swap3A_381] {strides = array<i32>} : memref<96x128xf32, #tpu.memory_space<vmem>>, vector<16xf32>,
        tpu.vector_store %arg8[%swap3A_380, %swap3A_381], %mul3A_379 {strides = array<i32>} : memref<96x128xf32, #tpu.memory_space<vmem>>, vector<16xf32>,
        %get3A_383 = arith.index_cast %add3A_360 : i32 to index
        %get3A_384 = arith.constant 48 : index
        %get3A_385 = tpu.vector_load %arg8[%get3A_383, %get3A_384] {strides = array<i32>} : memref<96x128xf32, #tpu.memory_space<vmem>>, vector<16xf32>,
        %mul3A_386 = arith.mulf %get3A_385, %get3A_362 : vector<16xf32>
        %swap3A_387 = arith.index_cast %add3A_360 : i32 to index
        %swap3A_388 = arith.constant 48 : index
        %swap3A_389 = tpu.vector_load %arg8[%swap3A_387, %swap3A_388] {strides = array<i32>} : memref<96x128xf32, #tpu.memory_space<vmem>>, vector<16xf32>,
        tpu.vector_store %arg8[%swap3A_387, %swap3A_388], %mul3A_386 {strides = array<i32>} : memref<96x128xf32, #tpu.memory_space<vmem>>, vector<16xf32>,
        %get3A_390 = arith.index_cast %add3A_360 : i32 to index
        %get3A_391 = arith.constant 64 : index
        %get3A_392 = tpu.vector_load %arg8[%get3A_390, %get3A_391] {strides = array<i32>} : memref<96x128xf32, #tpu.memory_space<vmem>>, vector<16xf32>,
        %mul3A_393 = arith.mulf %get3A_392, %get3A_362 : vector<16xf32>
        %swap3A_394 = arith.index_cast %add3A_360 : i32 to index
        %swap3A_395 = arith.constant 64 : index
        %swap3A_396 = tpu.vector_load %arg8[%swap3A_394, %swap3A_395] {strides = array<i32>} : memref<96x128xf32, #tpu.memory_space<vmem>>, vector<16xf32>,
        tpu.vector_store %arg8[%swap3A_394, %swap3A_395], %mul3A_393 {strides = array<i32>} : memref<96x128xf32, #tpu.memory_space<vmem>>, vector<16xf32>,
        %get3A_397 = arith.index_cast %add3A_360 : i32 to index
        %get3A_398 = arith.constant 80 : index
        %get3A_399 = tpu.vector_load %arg8[%get3A_397, %get3A_398] {strides = array<i32>} : memref<96x128xf32, #tpu.memory_space<vmem>>, vector<16xf32>,
        %mul3A_400 = arith.mulf %get3A_399, %get3A_362 : vector<16xf32>
        %swap3A_401 = arith.index_cast %add3A_360 : i32 to index
        %swap3A_402 = arith.constant 80 : index
        %swap3A_403 = tpu.vector_load %arg8[%swap3A_401, %swap3A_402] {strides = array<i32>} : memref<96x128xf32, #tpu.memory_space<vmem>>, vector<16xf32>,
        tpu.vector_store %arg8[%swap3A_401, %swap3A_402], %mul3A_400 {strides = array<i32>} : memref<96x128xf32, #tpu.memory_space<vmem>>, vector<16xf32>,
        %get3A_404 = arith.index_cast %add3A_360 : i32 to index
        %get3A_405 = arith.constant 96 : index
        %get3A_406 = tpu.vector_load %arg8[%get3A_404, %get3A_405] {strides = array<i32>} : memref<96x128xf32, #tpu.memory_space<vmem>>, vector<16xf32>,
        %mul3A_407 = arith.mulf %get3A_406, %get3A_362 : vector<16xf32>
        %swap3A_408 = arith.index_cast %add3A_360 : i32 to index
        %swap3A_409 = arith.constant 96 : index
        %swap3A_410 = tpu.vector_load %arg8[%swap3A_408, %swap3A_409] {strides = array<i32>} : memref<96x128xf32, #tpu.memory_space<vmem>>, vector<16xf32>,
        tpu.vector_store %arg8[%swap3A_408, %swap3A_409], %mul3A_407 {strides = array<i32>} : memref<96x128xf32, #tpu.memory_space<vmem>>, vector<16xf32>,
        %get3A_411 = arith.index_cast %add3A_360 : i32 to index
        %get3A_412 = arith.constant 112 : index
        %get3A_413 = tpu.vector_load %arg8[%get3A_411, %get3A_412] {strides = array<i32>} : memref<96x128xf32, #tpu.memory_space<vmem>>, vector<16xf32>,
        %mul3A_414 = arith.mulf %get3A_413, %get3A_362 : vector<16xf32>
        %swap3A_415 = arith.index_cast %add3A_360 : i32 to index
        %swap3A_416 = arith.constant 112 : index
        %swap3A_417 = tpu.vector_load %arg8[%swap3A_415, %swap3A_416] {strides = array<i32>} : memref<96x128xf32, #tpu.memory_space<vmem>>, vector<16xf32>,
        tpu.vector_store %arg8[%swap3A_415, %swap3A_416], %mul3A_414 {strides = array<i32>} : memref<96x128xf32, #tpu.memory_space<vmem>>, vector<16xf32>,
      }
      %scan3A_355 = arith.constant 96 : i32
      "tpu.region"() ({
        %run_scoped3A = tpu.sem_alloc : memref<!tpu.dma_semaphore, #tpu.memory_space<semaphore_mem>>
        %dma_start3A_356 = arith.constant 0 : i32
        %dma_start3A_357 = arith.constant 0 : i32
        %dma_start3A_358 = tpu.memref_slice %arg7[%dma_start3A_356, %dma_start3A_357] : memref<10240x128xf32, #tpu.memory_space<vmem_shared>> -> memref<10240x128xf32, #tpu.memory_space<vmem_shared>>
        tpu.enqueue_indirect_dma source(%arg8 : memref<96x128xf32, #tpu.memory_space<vmem>>) target(%dma_start3A_358 : memref<10240x128xf32, #tpu.memory_space<vmem_shared>>) offsets(%arg13 : memref<96xi32, #tpu.memory_space<vmem>>) semaphore(%run_scoped3A : memref<!tpu.dma_semaphore, #tpu.memory_space<semaphore_mem>>) {add = true}
        %dma_wait3A_359 = arith.constant 0 : i32
        %dma_wait3A_360 = arith.constant 0 : i32
        %dma_wait3A_361 = tpu.memref_slice %arg7[%dma_wait3A_359, %dma_wait3A_360] : memref<10240x128xf32, #tpu.memory_space<vmem_shared>> -> memref<10240x128xf32, #tpu.memory_space<vmem_shared>>
        tpu.wait_indirect_dma semaphore(%run_scoped3A : memref<!tpu.dma_semaphore, #tpu.memory_space<semaphore_mem>>) src(%arg8 : memref<96x128xf32, #tpu.memory_space<vmem>>) dst(%dma_wait3A_361 : memref<10240x128xf32, #tpu.memory_space<vmem_shared>>)
        tpu.yield
      }) : () -> ()
    }
    %scan3A_61 = arith.constant 104 : i32
    %dma_wait3A = arith.constant 0 : i32
    %dma_wait3A_62 = tpu.memref_slice %arg3[%dma_wait3A] : memref<320000xi32, #tpu.memory_space<hbm>> -> memref<96xi32, #tpu.memory_space<hbm>>
    %dma_wait3A_63 = arith.constant 0 : i32
    %dma_wait3A_64 = tpu.memref_slice %arg3[%dma_wait3A_63] : memref<320000xi32, #tpu.memory_space<hbm>> -> memref<96xi32, #tpu.memory_space<hbm>>
    tpu.wait_dma2 semaphore(%arg12 : memref<!tpu.dma_semaphore, #tpu.memory_space<semaphore_mem>>) src(%dma_wait3A_64 : memref<96xi32, #tpu.memory_space<hbm>>) dst(%arg9 : memref<96xi32, #tpu.memory_space<vmem>>)
    %dma_wait3A_65 = arith.constant 0 : i32
    %dma_wait3A_66 = tpu.memref_slice %arg4[%dma_wait3A_65] : memref<320000xi32, #tpu.memory_space<hbm>> -> memref<96xi32, #tpu.memory_space<hbm>>
    %dma_wait3A_67 = arith.constant 0 : i32
    %dma_wait3A_68 = tpu.memref_slice %arg4[%dma_wait3A_67] : memref<320000xi32, #tpu.memory_space<hbm>> -> memref<96xi32, #tpu.memory_space<hbm>>
    tpu.wait_dma2 semaphore(%arg12 : memref<!tpu.dma_semaphore, #tpu.memory_space<semaphore_mem>>) src(%dma_wait3A_68 : memref<96xi32, #tpu.memory_space<hbm>>) dst(%arg10 : memref<96xi32, #tpu.memory_space<vmem>>)
    %dma_wait3A_69 = arith.constant 0 : i32
    %dma_wait3A_70 = arith.constant 0 : i32
    %dma_wait3A_71 = tpu.memref_slice %arg5[%dma_wait3A_69, %dma_wait3A_70] : memref<320000x16xf32, #tpu.memory_space<hbm>> -> memref<96x16xf32, #tpu.memory_space<hbm>>
    %dma_wait3A_72 = arith.constant 0 : i32
    %dma_wait3A_73 = arith.constant 0 : i32
    %dma_wait3A_74 = tpu.memref_slice %arg5[%dma_wait3A_72, %dma_wait3A_73] : memref<320000x16xf32, #tpu.memory_space<hbm>> -> memref<96x16xf32, #tpu.memory_space<hbm>>
    tpu.wait_dma2 semaphore(%arg12 : memref<!tpu.dma_semaphore, #tpu.memory_space<semaphore_mem>>) src(%dma_wait3A_74 : memref<96x16xf32, #tpu.memory_space<hbm>>) dst(%arg11 : memref<96x16xf32, #tpu.memory_space<vmem>>)
    %add3A_75 = arith.constant 19968 : i32
    %add3A_76 = arith.addi %mul3A_0, %add3A_75 : i32
    "tpu.region"() ({
      %run_scoped3A = tpu.sem_alloc : memref<!tpu.dma_semaphore, #tpu.memory_space<semaphore_mem>>
      %dma_start3A_262 = tpu.memref_slice %arg3[%add3A_76] : memref<320000xi32, #tpu.memory_space<hbm>> -> memref<32xi32, #tpu.memory_space<hbm>>
      %dma_start3A_263 = tpu.memref_slice %arg3[%add3A_76] : memref<320000xi32, #tpu.memory_space<hbm>> -> memref<32xi32, #tpu.memory_space<hbm>>
      tpu.enqueue_dma source(%dma_start3A_263 : memref<32xi32, #tpu.memory_space<hbm>>) target(%arg17 : memref<32xi32, #tpu.memory_space<vmem>>) target_semaphore(%run_scoped3A : memref<!tpu.dma_semaphore, #tpu.memory_space<semaphore_mem>>)
      %dma_wait3A_264 = tpu.memref_slice %arg3[%add3A_76] : memref<320000xi32, #tpu.memory_space<hbm>> -> memref<32xi32, #tpu.memory_space<hbm>>
      %dma_wait3A_265 = tpu.memref_slice %arg3[%add3A_76] : memref<320000xi32, #tpu.memory_space<hbm>> -> memref<32xi32, #tpu.memory_space<hbm>>
      tpu.wait_dma2 semaphore(%run_scoped3A : memref<!tpu.dma_semaphore, #tpu.memory_space<semaphore_mem>>) src(%dma_wait3A_265 : memref<32xi32, #tpu.memory_space<hbm>>) dst(%arg17 : memref<32xi32, #tpu.memory_space<vmem>>)
      tpu.yield
    }) : () -> ()
    "tpu.region"() ({
      %run_scoped3A = tpu.sem_alloc : memref<!tpu.dma_semaphore, #tpu.memory_space<semaphore_mem>>
      %dma_start3A_262 = tpu.memref_slice %arg4[%add3A_76] : memref<320000xi32, #tpu.memory_space<hbm>> -> memref<32xi32, #tpu.memory_space<hbm>>
      %dma_start3A_263 = tpu.memref_slice %arg4[%add3A_76] : memref<320000xi32, #tpu.memory_space<hbm>> -> memref<32xi32, #tpu.memory_space<hbm>>
      tpu.enqueue_dma source(%dma_start3A_263 : memref<32xi32, #tpu.memory_space<hbm>>) target(%arg18 : memref<32xi32, #tpu.memory_space<vmem>>) target_semaphore(%run_scoped3A : memref<!tpu.dma_semaphore, #tpu.memory_space<semaphore_mem>>)
      %dma_wait3A_264 = tpu.memref_slice %arg4[%add3A_76] : memref<320000xi32, #tpu.memory_space<hbm>> -> memref<32xi32, #tpu.memory_space<hbm>>
      %dma_wait3A_265 = tpu.memref_slice %arg4[%add3A_76] : memref<320000xi32, #tpu.memory_space<hbm>> -> memref<32xi32, #tpu.memory_space<hbm>>
      tpu.wait_dma2 semaphore(%run_scoped3A : memref<!tpu.dma_semaphore, #tpu.memory_space<semaphore_mem>>) src(%dma_wait3A_265 : memref<32xi32, #tpu.memory_space<hbm>>) dst(%arg18 : memref<32xi32, #tpu.memory_space<vmem>>)
      tpu.yield
    }) : () -> ()
    "tpu.region"() ({
      %run_scoped3A = tpu.sem_alloc : memref<!tpu.dma_semaphore, #tpu.memory_space<semaphore_mem>>
      %dma_start3A_262 = arith.constant 0 : i32
      %dma_start3A_263 = tpu.memref_slice %arg5[%add3A_76, %dma_start3A_262] : memref<320000x16xf32, #tpu.memory_space<hbm>> -> memref<32x16xf32, #tpu.memory_space<hbm>>
      %dma_start3A_264 = arith.constant 0 : i32
      %dma_start3A_265 = tpu.memref_slice %arg5[%add3A_76, %dma_start3A_264] : memref<320000x16xf32, #tpu.memory_space<hbm>> -> memref<32x16xf32, #tpu.memory_space<hbm>>
      tpu.enqueue_dma source(%dma_start3A_265 : memref<32x16xf32, #tpu.memory_space<hbm>>) target(%arg19 : memref<32x16xf32, #tpu.memory_space<vmem>>) target_semaphore(%run_scoped3A : memref<!tpu.dma_semaphore, #tpu.memory_space<semaphore_mem>>)
      %dma_wait3A_266 = arith.constant 0 : i32
      %dma_wait3A_267 = tpu.memref_slice %arg5[%add3A_76, %dma_wait3A_266] : memref<320000x16xf32, #tpu.memory_space<hbm>> -> memref<32x16xf32, #tpu.memory_space<hbm>>
      %dma_wait3A_268 = arith.constant 0 : i32
      %dma_wait3A_269 = tpu.memref_slice %arg5[%add3A_76, %dma_wait3A_268] : memref<320000x16xf32, #tpu.memory_space<hbm>> -> memref<32x16xf32, #tpu.memory_space<hbm>>
      tpu.wait_dma2 semaphore(%run_scoped3A : memref<!tpu.dma_semaphore, #tpu.memory_space<semaphore_mem>>) src(%dma_wait3A_269 : memref<32x16xf32, #tpu.memory_space<hbm>>) dst(%arg19 : memref<32x16xf32, #tpu.memory_space<vmem>>)
      tpu.yield
    }) : () -> ()
    %scan3A_77 = arith.constant 0 : i32
    %scan3A_78 = arith.constant 2 : i32
    %scan3A_79 = arith.addi %scan3A_77, %scan3A_78 : i32
    %scan3A_80 = arith.constant 1 : i32
    scf.for %scan3A_262 = %scan3A_77 to %scan3A_79 step %scan3A_80  : i32 {
      %mul3A_263 = arith.constant 1 : i32
      %mul3A_264 = arith.muli %scan3A_262, %mul3A_263 : i32
      %add3A_265 = arith.constant 0 : i32
      %add3A_266 = arith.addi %add3A_265, %mul3A_264 : i32
      %mul3A_267 = arith.constant 16 : i32
      %mul3A_268 = arith.muli %add3A_266, %mul3A_267 : i32
      %get3A = arith.index_cast %mul3A_268 : i32 to index
      %get3A_269 = tpu.vector_load %arg18[%get3A] {strides = array<i32>} : memref<32xi32, #tpu.memory_space<vmem>>, vector<16xi32>,
      %mul3A_270 = arith.constant 10000 : i32
      %mul3A_271 = arith.muli %add3A_3, %mul3A_270 : i32
      %broadcast_in_dim3A = vector.broadcast %mul3A_271 : i32 to vector<16xi32>
      %add3A_272 = arith.addi %get3A_269, %broadcast_in_dim3A : vector<16xi32>
      %swap3A = arith.index_cast %mul3A_268 : i32 to index
      %swap3A_273 = tpu.vector_load %arg18[%swap3A] {strides = array<i32>} : memref<32xi32, #tpu.memory_space<vmem>>, vector<16xi32>,
      tpu.vector_store %arg18[%swap3A], %add3A_272 {strides = array<i32>} : memref<32xi32, #tpu.memory_space<vmem>>, vector<16xi32>,
    }
    %scan3A_81 = arith.constant 2 : i32
    "tpu.region"() ({
      %run_scoped3A = tpu.sem_alloc : memref<!tpu.dma_semaphore, #tpu.memory_space<semaphore_mem>>
      %dma_start3A_262 = arith.constant 0 : i32
      %dma_start3A_263 = arith.constant 0 : i32
      %dma_start3A_264 = tpu.memref_slice %arg2[%dma_start3A_262, %dma_start3A_263] : memref<40000x128xf32, #tpu.memory_space<hbm>> -> memref<40000x128xf32, #tpu.memory_space<hbm>>
      tpu.enqueue_indirect_dma source(%dma_start3A_264 : memref<40000x128xf32, #tpu.memory_space<hbm>>) target(%arg16 : memref<32x128xf32, #tpu.memory_space<vmem>>) offsets(%arg18 : memref<32xi32, #tpu.memory_space<vmem>>) semaphore(%run_scoped3A : memref<!tpu.dma_semaphore, #tpu.memory_space<semaphore_mem>>)
      %dma_wait3A_265 = arith.constant 0 : i32
      %dma_wait3A_266 = arith.constant 0 : i32
      %dma_wait3A_267 = tpu.memref_slice %arg2[%dma_wait3A_265, %dma_wait3A_266] : memref<40000x128xf32, #tpu.memory_space<hbm>> -> memref<40000x128xf32, #tpu.memory_space<hbm>>
      tpu.wait_indirect_dma semaphore(%run_scoped3A : memref<!tpu.dma_semaphore, #tpu.memory_space<semaphore_mem>>) src(%dma_wait3A_267 : memref<40000x128xf32, #tpu.memory_space<hbm>>) dst(%arg16 : memref<32x128xf32, #tpu.memory_space<vmem>>)
      tpu.yield
    }) : () -> ()
    %scan3A_82 = arith.constant 0 : i32
    %scan3A_83 = arith.constant 32 : i32
    %scan3A_84 = arith.addi %scan3A_82, %scan3A_83 : i32
    %scan3A_85 = arith.constant 1 : i32
    scf.for %scan3A_262 = %scan3A_82 to %scan3A_84 step %scan3A_85  : i32 {
      %mul3A_263 = arith.constant 1 : i32
      %mul3A_264 = arith.muli %scan3A_262, %mul3A_263 : i32
      %add3A_265 = arith.constant 0 : i32
      %add3A_266 = arith.addi %add3A_265, %mul3A_264 : i32
      %get3A = arith.index_cast %add3A_266 : i32 to index
      %get3A_267 = arith.constant 0 : index
      %get3A_268 = tpu.vector_load %arg19[%get3A, %get3A_267] {strides = array<i32>} : memref<32x16xf32, #tpu.memory_space<vmem>>, vector<16xf32>,
      %get3A_269 = arith.index_cast %add3A_266 : i32 to index
      %get3A_270 = arith.constant 0 : index
      %get3A_271 = tpu.vector_load %arg16[%get3A_269, %get3A_270] {strides = array<i32>} : memref<32x128xf32, #tpu.memory_space<vmem>>, vector<16xf32>,
      %mul3A_272 = arith.mulf %get3A_271, %get3A_268 : vector<16xf32>
      %swap3A = arith.index_cast %add3A_266 : i32 to index
      %swap3A_273 = arith.constant 0 : index
      %swap3A_274 = tpu.vector_load %arg16[%swap3A, %swap3A_273] {strides = array<i32>} : memref<32x128xf32, #tpu.memory_space<vmem>>, vector<16xf32>,
      tpu.vector_store %arg16[%swap3A, %swap3A_273], %mul3A_272 {strides = array<i32>} : memref<32x128xf32, #tpu.memory_space<vmem>>, vector<16xf32>,
      %get3A_275 = arith.index_cast %add3A_266 : i32 to index
      %get3A_276 = arith.constant 16 : index
      %get3A_277 = tpu.vector_load %arg16[%get3A_275, %get3A_276] {strides = array<i32>} : memref<32x128xf32, #tpu.memory_space<vmem>>, vector<16xf32>,
      %mul3A_278 = arith.mulf %get3A_277, %get3A_268 : vector<16xf32>
      %swap3A_279 = arith.index_cast %add3A_266 : i32 to index
      %swap3A_280 = arith.constant 16 : index
      %swap3A_281 = tpu.vector_load %arg16[%swap3A_279, %swap3A_280] {strides = array<i32>} : memref<32x128xf32, #tpu.memory_space<vmem>>, vector<16xf32>,
      tpu.vector_store %arg16[%swap3A_279, %swap3A_280], %mul3A_278 {strides = array<i32>} : memref<32x128xf32, #tpu.memory_space<vmem>>, vector<16xf32>,
      %get3A_282 = arith.index_cast %add3A_266 : i32 to index
      %get3A_283 = arith.constant 32 : index
      %get3A_284 = tpu.vector_load %arg16[%get3A_282, %get3A_283] {strides = array<i32>} : memref<32x128xf32, #tpu.memory_space<vmem>>, vector<16xf32>,
      %mul3A_285 = arith.mulf %get3A_284, %get3A_268 : vector<16xf32>
      %swap3A_286 = arith.index_cast %add3A_266 : i32 to index
      %swap3A_287 = arith.constant 32 : index
      %swap3A_288 = tpu.vector_load %arg16[%swap3A_286, %swap3A_287] {strides = array<i32>} : memref<32x128xf32, #tpu.memory_space<vmem>>, vector<16xf32>,
      tpu.vector_store %arg16[%swap3A_286, %swap3A_287], %mul3A_285 {strides = array<i32>} : memref<32x128xf32, #tpu.memory_space<vmem>>, vector<16xf32>,
      %get3A_289 = arith.index_cast %add3A_266 : i32 to index
      %get3A_290 = arith.constant 48 : index
      %get3A_291 = tpu.vector_load %arg16[%get3A_289, %get3A_290] {strides = array<i32>} : memref<32x128xf32, #tpu.memory_space<vmem>>, vector<16xf32>,
      %mul3A_292 = arith.mulf %get3A_291, %get3A_268 : vector<16xf32>
      %swap3A_293 = arith.index_cast %add3A_266 : i32 to index
      %swap3A_294 = arith.constant 48 : index
      %swap3A_295 = tpu.vector_load %arg16[%swap3A_293, %swap3A_294] {strides = array<i32>} : memref<32x128xf32, #tpu.memory_space<vmem>>, vector<16xf32>,
      tpu.vector_store %arg16[%swap3A_293, %swap3A_294], %mul3A_292 {strides = array<i32>} : memref<32x128xf32, #tpu.memory_space<vmem>>, vector<16xf32>,
      %get3A_296 = arith.index_cast %add3A_266 : i32 to index
      %get3A_297 = arith.constant 64 : index
      %get3A_298 = tpu.vector_load %arg16[%get3A_296, %get3A_297] {strides = array<i32>} : memref<32x128xf32, #tpu.memory_space<vmem>>, vector<16xf32>,
      %mul3A_299 = arith.mulf %get3A_298, %get3A_268 : vector<16xf32>
      %swap3A_300 = arith.index_cast %add3A_266 : i32 to index
      %swap3A_301 = arith.constant 64 : index
      %swap3A_302 = tpu.vector_load %arg16[%swap3A_300, %swap3A_301] {strides = array<i32>} : memref<32x128xf32, #tpu.memory_space<vmem>>, vector<16xf32>,
      tpu.vector_store %arg16[%swap3A_300, %swap3A_301], %mul3A_299 {strides = array<i32>} : memref<32x128xf32, #tpu.memory_space<vmem>>, vector<16xf32>,
      %get3A_303 = arith.index_cast %add3A_266 : i32 to index
      %get3A_304 = arith.constant 80 : index
      %get3A_305 = tpu.vector_load %arg16[%get3A_303, %get3A_304] {strides = array<i32>} : memref<32x128xf32, #tpu.memory_space<vmem>>, vector<16xf32>,
      %mul3A_306 = arith.mulf %get3A_305, %get3A_268 : vector<16xf32>
      %swap3A_307 = arith.index_cast %add3A_266 : i32 to index
      %swap3A_308 = arith.constant 80 : index
      %swap3A_309 = tpu.vector_load %arg16[%swap3A_307, %swap3A_308] {strides = array<i32>} : memref<32x128xf32, #tpu.memory_space<vmem>>, vector<16xf32>,
      tpu.vector_store %arg16[%swap3A_307, %swap3A_308], %mul3A_306 {strides = array<i32>} : memref<32x128xf32, #tpu.memory_space<vmem>>, vector<16xf32>,
      %get3A_310 = arith.index_cast %add3A_266 : i32 to index
      %get3A_311 = arith.constant 96 : index
      %get3A_312 = tpu.vector_load %arg16[%get3A_310, %get3A_311] {strides = array<i32>} : memref<32x128xf32, #tpu.memory_space<vmem>>, vector<16xf32>,
      %mul3A_313 = arith.mulf %get3A_312, %get3A_268 : vector<16xf32>
      %swap3A_314 = arith.index_cast %add3A_266 : i32 to index
      %swap3A_315 = arith.constant 96 : index
      %swap3A_316 = tpu.vector_load %arg16[%swap3A_314, %swap3A_315] {strides = array<i32>} : memref<32x128xf32, #tpu.memory_space<vmem>>, vector<16xf32>,
      tpu.vector_store %arg16[%swap3A_314, %swap3A_315], %mul3A_313 {strides = array<i32>} : memref<32x128xf32, #tpu.memory_space<vmem>>, vector<16xf32>,
      %get3A_317 = arith.index_cast %add3A_266 : i32 to index
      %get3A_318 = arith.constant 112 : index
      %get3A_319 = tpu.vector_load %arg16[%get3A_317, %get3A_318] {strides = array<i32>} : memref<32x128xf32, #tpu.memory_space<vmem>>, vector<16xf32>,
      %mul3A_320 = arith.mulf %get3A_319, %get3A_268 : vector<16xf32>
      %swap3A_321 = arith.index_cast %add3A_266 : i32 to index
      %swap3A_322 = arith.constant 112 : index
      %swap3A_323 = tpu.vector_load %arg16[%swap3A_321, %swap3A_322] {strides = array<i32>} : memref<32x128xf32, #tpu.memory_space<vmem>>, vector<16xf32>,
      tpu.vector_store %arg16[%swap3A_321, %swap3A_322], %mul3A_320 {strides = array<i32>} : memref<32x128xf32, #tpu.memory_space<vmem>>, vector<16xf32>,
    }
    %scan3A_86 = arith.constant 32 : i32
    "tpu.region"() ({
      %run_scoped3A = tpu.sem_alloc : memref<!tpu.dma_semaphore, #tpu.memory_space<semaphore_mem>>
      %dma_start3A_262 = arith.constant 0 : i32
      %dma_start3A_263 = arith.constant 0 : i32
      %dma_start3A_264 = tpu.memref_slice %arg7[%dma_start3A_262, %dma_start3A_263] : memref<10240x128xf32, #tpu.memory_space<vmem_shared>> -> memref<10240x128xf32, #tpu.memory_space<vmem_shared>>
      tpu.enqueue_indirect_dma source(%arg16 : memref<32x128xf32, #tpu.memory_space<vmem>>) target(%dma_start3A_264 : memref<10240x128xf32, #tpu.memory_space<vmem_shared>>) offsets(%arg17 : memref<32xi32, #tpu.memory_space<vmem>>) semaphore(%run_scoped3A : memref<!tpu.dma_semaphore, #tpu.memory_space<semaphore_mem>>) {add = true}
      %dma_wait3A_265 = arith.constant 0 : i32
      %dma_wait3A_266 = arith.constant 0 : i32
      %dma_wait3A_267 = tpu.memref_slice %arg7[%dma_wait3A_265, %dma_wait3A_266] : memref<10240x128xf32, #tpu.memory_space<vmem_shared>> -> memref<10240x128xf32, #tpu.memory_space<vmem_shared>>
      tpu.wait_indirect_dma semaphore(%run_scoped3A : memref<!tpu.dma_semaphore, #tpu.memory_space<semaphore_mem>>) src(%arg16 : memref<32x128xf32, #tpu.memory_space<vmem>>) dst(%dma_wait3A_267 : memref<10240x128xf32, #tpu.memory_space<vmem_shared>>)
      tpu.yield
    }) : () -> ()
    %barrier3A_87 = arith.constant 0 : index
    tpu.barrier barrier_id(%barrier3A_87)
    %mul3A_88 = arith.constant 640 : i32
    %mul3A_89 = arith.muli %arg1, %mul3A_88 : i32
    %add3A_90 = arith.constant 0 : i32
    %add3A_91 = arith.addi %mul3A_89, %add3A_90 : i32
    "tpu.region"() ({
      %run_scoped3A = tpu.sem_alloc : memref<!tpu.dma_semaphore, #tpu.memory_space<semaphore_mem>>
      %dma_start3A_262 = arith.constant 0 : i32
      %dma_start3A_263 = tpu.memref_slice %arg6[%add3A_3, %add3A_91, %dma_start3A_262] : memref<4x10240x128xf32, #tpu.memory_space<hbm>> -> memref<1x64x128xf32, #tpu.memory_space<hbm>>
      %dma_start3A_264 = tpu.memref_squeeze %dma_start3A_263 : memref<1x64x128xf32, #tpu.memory_space<hbm>> -> memref<64x128xf32, #tpu.memory_space<hbm>>
      %dma_start3A_265 = arith.constant 0 : i32
      %dma_start3A_266 = tpu.memref_slice %arg7[%add3A_91, %dma_start3A_265] : memref<10240x128xf32, #tpu.memory_space<vmem_shared>> -> memref<64x128xf32, #tpu.memory_space<vmem_shared>>
      tpu.enqueue_dma source(%dma_start3A_266 : memref<64x128xf32, #tpu.memory_space<vmem_shared>>) target(%dma_start3A_264 : memref<64x128xf32, #tpu.memory_space<hbm>>) target_semaphore(%run_scoped3A : memref<!tpu.dma_semaphore, #tpu.memory_space<semaphore_mem>>)
      %dma_wait3A_267 = arith.constant 0 : i32
      %dma_wait3A_268 = tpu.memref_slice %arg6[%add3A_3, %add3A_91, %dma_wait3A_267] : memref<4x10240x128xf32, #tpu.memory_space<hbm>> -> memref<1x64x128xf32, #tpu.memory_space<hbm>>
      %dma_wait3A_269 = tpu.memref_squeeze %dma_wait3A_268 : memref<1x64x128xf32, #tpu.memory_space<hbm>> -> memref<64x128xf32, #tpu.memory_space<hbm>>
      %dma_wait3A_270 = arith.constant 0 : i32
      %dma_wait3A_271 = tpu.memref_slice %arg7[%add3A_91, %dma_wait3A_270] : memref<10240x128xf32, #tpu.memory_space<vmem_shared>> -> memref<64x128xf32, #tpu.memory_space<vmem_shared>>
      tpu.wait_dma2 semaphore(%run_scoped3A : memref<!tpu.dma_semaphore, #tpu.memory_space<semaphore_mem>>) src(%dma_wait3A_271 : memref<64x128xf32, #tpu.memory_space<vmem_shared>>) dst(%dma_wait3A_269 : memref<64x128xf32, #tpu.memory_space<hbm>>)
      tpu.yield
    }) : () -> ()
    %mul3A_92 = arith.constant 640 : i32
    %mul3A_93 = arith.muli %arg1, %mul3A_92 : i32
    %add3A_94 = arith.constant 64 : i32
    %add3A_95 = arith.addi %mul3A_93, %add3A_94 : i32
    "tpu.region"() ({
      %run_scoped3A = tpu.sem_alloc : memref<!tpu.dma_semaphore, #tpu.memory_space<semaphore_mem>>
      %dma_start3A_262 = arith.constant 0 : i32
      %dma_start3A_263 = tpu.memref_slice %arg6[%add3A_3, %add3A_95, %dma_start3A_262] : memref<4x10240x128xf32, #tpu.memory_space<hbm>> -> memref<1x64x128xf32, #tpu.memory_space<hbm>>
      %dma_start3A_264 = tpu.memref_squeeze %dma_start3A_263 : memref<1x64x128xf32, #tpu.memory_space<hbm>> -> memref<64x128xf32, #tpu.memory_space<hbm>>
      %dma_start3A_265 = arith.constant 0 : i32
      %dma_start3A_266 = tpu.memref_slice %arg7[%add3A_95, %dma_start3A_265] : memref<10240x128xf32, #tpu.memory_space<vmem_shared>> -> memref<64x128xf32, #tpu.memory_space<vmem_shared>>
      tpu.enqueue_dma source(%dma_start3A_266 : memref<64x128xf32, #tpu.memory_space<vmem_shared>>) target(%dma_start3A_264 : memref<64x128xf32, #tpu.memory_space<hbm>>) target_semaphore(%run_scoped3A : memref<!tpu.dma_semaphore, #tpu.memory_space<semaphore_mem>>)
      %dma_wait3A_267 = arith.constant 0 : i32
      %dma_wait3A_268 = tpu.memref_slice %arg6[%add3A_3, %add3A_95, %dma_wait3A_267] : memref<4x10240x128xf32, #tpu.memory_space<hbm>> -> memref<1x64x128xf32, #tpu.memory_space<hbm>>
      %dma_wait3A_269 = tpu.memref_squeeze %dma_wait3A_268 : memref<1x64x128xf32, #tpu.memory_space<hbm>> -> memref<64x128xf32, #tpu.memory_space<hbm>>
      %dma_wait3A_270 = arith.constant 0 : i32
      %dma_wait3A_271 = tpu.memref_slice %arg7[%add3A_95, %dma_wait3A_270] : memref<10240x128xf32, #tpu.memory_space<vmem_shared>> -> memref<64x128xf32, #tpu.memory_space<vmem_shared>>
      tpu.wait_dma2 semaphore(%run_scoped3A : memref<!tpu.dma_semaphore, #tpu.memory_space<semaphore_mem>>) src(%dma_wait3A_271 : memref<64x128xf32, #tpu.memory_space<vmem_shared>>) dst(%dma_wait3A_269 : memref<64x128xf32, #tpu.memory_space<hbm>>)
      tpu.yield
    }) : () -> ()
    %mul3A_96 = arith.constant 640 : i32
    %mul3A_97 = arith.muli %arg1, %mul3A_96 : i32
    %add3A_98 = arith.constant 128 : i32
    %add3A_99 = arith.addi %mul3A_97, %add3A_98 : i32
    "tpu.region"() ({
      %run_scoped3A = tpu.sem_alloc : memref<!tpu.dma_semaphore, #tpu.memory_space<semaphore_mem>>
      %dma_start3A_262 = arith.constant 0 : i32
      %dma_start3A_263 = tpu.memref_slice %arg6[%add3A_3, %add3A_99, %dma_start3A_262] : memref<4x10240x128xf32, #tpu.memory_space<hbm>> -> memref<1x64x128xf32, #tpu.memory_space<hbm>>
      %dma_start3A_264 = tpu.memref_squeeze %dma_start3A_263 : memref<1x64x128xf32, #tpu.memory_space<hbm>> -> memref<64x128xf32, #tpu.memory_space<hbm>>
      %dma_start3A_265 = arith.constant 0 : i32
      %dma_start3A_266 = tpu.memref_slice %arg7[%add3A_99, %dma_start3A_265] : memref<10240x128xf32, #tpu.memory_space<vmem_shared>> -> memref<64x128xf32, #tpu.memory_space<vmem_shared>>
      tpu.enqueue_dma source(%dma_start3A_266 : memref<64x128xf32, #tpu.memory_space<vmem_shared>>) target(%dma_start3A_264 : memref<64x128xf32, #tpu.memory_space<hbm>>) target_semaphore(%run_scoped3A : memref<!tpu.dma_semaphore, #tpu.memory_space<semaphore_mem>>)
      %dma_wait3A_267 = arith.constant 0 : i32
      %dma_wait3A_268 = tpu.memref_slice %arg6[%add3A_3, %add3A_99, %dma_wait3A_267] : memref<4x10240x128xf32, #tpu.memory_space<hbm>> -> memref<1x64x128xf32, #tpu.memory_space<hbm>>
      %dma_wait3A_269 = tpu.memref_squeeze %dma_wait3A_268 : memref<1x64x128xf32, #tpu.memory_space<hbm>> -> memref<64x128xf32, #tpu.memory_space<hbm>>
      %dma_wait3A_270 = arith.constant 0 : i32
      %dma_wait3A_271 = tpu.memref_slice %arg7[%add3A_99, %dma_wait3A_270] : memref<10240x128xf32, #tpu.memory_space<vmem_shared>> -> memref<64x128xf32, #tpu.memory_space<vmem_shared>>
      tpu.wait_dma2 semaphore(%run_scoped3A : memref<!tpu.dma_semaphore, #tpu.memory_space<semaphore_mem>>) src(%dma_wait3A_271 : memref<64x128xf32, #tpu.memory_space<vmem_shared>>) dst(%dma_wait3A_269 : memref<64x128xf32, #tpu.memory_space<hbm>>)
      tpu.yield
    }) : () -> ()
    %mul3A_100 = arith.constant 640 : i32
    %mul3A_101 = arith.muli %arg1, %mul3A_100 : i32
    %add3A_102 = arith.constant 192 : i32
    %add3A_103 = arith.addi %mul3A_101, %add3A_102 : i32
    "tpu.region"() ({
      %run_scoped3A = tpu.sem_alloc : memref<!tpu.dma_semaphore, #tpu.memory_space<semaphore_mem>>
      %dma_start3A_262 = arith.constant 0 : i32
      %dma_start3A_263 = tpu.memref_slice %arg6[%add3A_3, %add3A_103, %dma_start3A_262] : memref<4x10240x128xf32, #tpu.memory_space<hbm>> -> memref<1x64x128xf32, #tpu.memory_space<hbm>>
      %dma_start3A_264 = tpu.memref_squeeze %dma_start3A_263 : memref<1x64x128xf32, #tpu.memory_space<hbm>> -> memref<64x128xf32, #tpu.memory_space<hbm>>
      %dma_start3A_265 = arith.constant 0 : i32
      %dma_start3A_266 = tpu.memref_slice %arg7[%add3A_103, %dma_start3A_265] : memref<10240x128xf32, #tpu.memory_space<vmem_shared>> -> memref<64x128xf32, #tpu.memory_space<vmem_shared>>
      tpu.enqueue_dma source(%dma_start3A_266 : memref<64x128xf32, #tpu.memory_space<vmem_shared>>) target(%dma_start3A_264 : memref<64x128xf32, #tpu.memory_space<hbm>>) target_semaphore(%run_scoped3A : memref<!tpu.dma_semaphore, #tpu.memory_space<semaphore_mem>>)
      %dma_wait3A_267 = arith.constant 0 : i32
      %dma_wait3A_268 = tpu.memref_slice %arg6[%add3A_3, %add3A_103, %dma_wait3A_267] : memref<4x10240x128xf32, #tpu.memory_space<hbm>> -> memref<1x64x128xf32, #tpu.memory_space<hbm>>
      %dma_wait3A_269 = tpu.memref_squeeze %dma_wait3A_268 : memref<1x64x128xf32, #tpu.memory_space<hbm>> -> memref<64x128xf32, #tpu.memory_space<hbm>>
      %dma_wait3A_270 = arith.constant 0 : i32
      %dma_wait3A_271 = tpu.memref_slice %arg7[%add3A_103, %dma_wait3A_270] : memref<10240x128xf32, #tpu.memory_space<vmem_shared>> -> memref<64x128xf32, #tpu.memory_space<vmem_shared>>
      tpu.wait_dma2 semaphore(%run_scoped3A : memref<!tpu.dma_semaphore, #tpu.memory_space<semaphore_mem>>) src(%dma_wait3A_271 : memref<64x128xf32, #tpu.memory_space<vmem_shared>>) dst(%dma_wait3A_269 : memref<64x128xf32, #tpu.memory_space<hbm>>)
      tpu.yield
    }) : () -> ()
    %mul3A_104 = arith.constant 640 : i32
    %mul3A_105 = arith.muli %arg1, %mul3A_104 : i32
    %add3A_106 = arith.constant 256 : i32
    %add3A_107 = arith.addi %mul3A_105, %add3A_106 : i32
    "tpu.region"() ({
      %run_scoped3A = tpu.sem_alloc : memref<!tpu.dma_semaphore, #tpu.memory_space<semaphore_mem>>
      %dma_start3A_262 = arith.constant 0 : i32
      %dma_start3A_263 = tpu.memref_slice %arg6[%add3A_3, %add3A_107, %dma_start3A_262] : memref<4x10240x128xf32, #tpu.memory_space<hbm>> -> memref<1x64x128xf32, #tpu.memory_space<hbm>>
      %dma_start3A_264 = tpu.memref_squeeze %dma_start3A_263 : memref<1x64x128xf32, #tpu.memory_space<hbm>> -> memref<64x128xf32, #tpu.memory_space<hbm>>
      %dma_start3A_265 = arith.constant 0 : i32
      %dma_start3A_266 = tpu.memref_slice %arg7[%add3A_107, %dma_start3A_265] : memref<10240x128xf32, #tpu.memory_space<vmem_shared>> -> memref<64x128xf32, #tpu.memory_space<vmem_shared>>
      tpu.enqueue_dma source(%dma_start3A_266 : memref<64x128xf32, #tpu.memory_space<vmem_shared>>) target(%dma_start3A_264 : memref<64x128xf32, #tpu.memory_space<hbm>>) target_semaphore(%run_scoped3A : memref<!tpu.dma_semaphore, #tpu.memory_space<semaphore_mem>>)
      %dma_wait3A_267 = arith.constant 0 : i32
      %dma_wait3A_268 = tpu.memref_slice %arg6[%add3A_3, %add3A_107, %dma_wait3A_267] : memref<4x10240x128xf32, #tpu.memory_space<hbm>> -> memref<1x64x128xf32, #tpu.memory_space<hbm>>
      %dma_wait3A_269 = tpu.memref_squeeze %dma_wait3A_268 : memref<1x64x128xf32, #tpu.memory_space<hbm>> -> memref<64x128xf32, #tpu.memory_space<hbm>>
      %dma_wait3A_270 = arith.constant 0 : i32
      %dma_wait3A_271 = tpu.memref_slice %arg7[%add3A_107, %dma_wait3A_270] : memref<10240x128xf32, #tpu.memory_space<vmem_shared>> -> memref<64x128xf32, #tpu.memory_space<vmem_shared>>
      tpu.wait_dma2 semaphore(%run_scoped3A : memref<!tpu.dma_semaphore, #tpu.memory_space<semaphore_mem>>) src(%dma_wait3A_271 : memref<64x128xf32, #tpu.memory_space<vmem_shared>>) dst(%dma_wait3A_269 : memref<64x128xf32, #tpu.memory_space<hbm>>)
      tpu.yield
    }) : () -> ()
    %mul3A_108 = arith.constant 640 : i32
    %mul3A_109 = arith.muli %arg1, %mul3A_108 : i32
    %add3A_110 = arith.constant 320 : i32
    %add3A_111 = arith.addi %mul3A_109, %add3A_110 : i32
    "tpu.region"() ({
      %run_scoped3A = tpu.sem_alloc : memref<!tpu.dma_semaphore, #tpu.memory_space<semaphore_mem>>
      %dma_start3A_262 = arith.constant 0 : i32
      %dma_start3A_263 = tpu.memref_slice %arg6[%add3A_3, %add3A_111, %dma_start3A_262] : memref<4x10240x128xf32, #tpu.memory_space<hbm>> -> memref<1x64x128xf32, #tpu.memory_space<hbm>>
      %dma_start3A_264 = tpu.memref_squeeze %dma_start3A_263 : memref<1x64x128xf32, #tpu.memory_space<hbm>> -> memref<64x128xf32, #tpu.memory_space<hbm>>
      %dma_start3A_265 = arith.constant 0 : i32
      %dma_start3A_266 = tpu.memref_slice %arg7[%add3A_111, %dma_start3A_265] : memref<10240x128xf32, #tpu.memory_space<vmem_shared>> -> memref<64x128xf32, #tpu.memory_space<vmem_shared>>
      tpu.enqueue_dma source(%dma_start3A_266 : memref<64x128xf32, #tpu.memory_space<vmem_shared>>) target(%dma_start3A_264 : memref<64x128xf32, #tpu.memory_space<hbm>>) target_semaphore(%run_scoped3A : memref<!tpu.dma_semaphore, #tpu.memory_space<semaphore_mem>>)
      %dma_wait3A_267 = arith.constant 0 : i32
      %dma_wait3A_268 = tpu.memref_slice %arg6[%add3A_3, %add3A_111, %dma_wait3A_267] : memref<4x10240x128xf32, #tpu.memory_space<hbm>> -> memref<1x64x128xf32, #tpu.memory_space<hbm>>
      %dma_wait3A_269 = tpu.memref_squeeze %dma_wait3A_268 : memref<1x64x128xf32, #tpu.memory_space<hbm>> -> memref<64x128xf32, #tpu.memory_space<hbm>>
      %dma_wait3A_270 = arith.constant 0 : i32
      %dma_wait3A_271 = tpu.memref_slice %arg7[%add3A_111, %dma_wait3A_270] : memref<10240x128xf32, #tpu.memory_space<vmem_shared>> -> memref<64x128xf32, #tpu.memory_space<vmem_shared>>
      tpu.wait_dma2 semaphore(%run_scoped3A : memref<!tpu.dma_semaphore, #tpu.memory_space<semaphore_mem>>) src(%dma_wait3A_271 : memref<64x128xf32, #tpu.memory_space<vmem_shared>>) dst(%dma_wait3A_269 : memref<64x128xf32, #tpu.memory_space<hbm>>)
      tpu.yield
    }) : () -> ()
    %mul3A_112 = arith.constant 640 : i32
    %mul3A_113 = arith.muli %arg1, %mul3A_112 : i32
    %add3A_114 = arith.constant 384 : i32
    %add3A_115 = arith.addi %mul3A_113, %add3A_114 : i32
    "tpu.region"() ({
      %run_scoped3A = tpu.sem_alloc : memref<!tpu.dma_semaphore, #tpu.memory_space<semaphore_mem>>
      %dma_start3A_262 = arith.constant 0 : i32
      %dma_start3A_263 = tpu.memref_slice %arg6[%add3A_3, %add3A_115, %dma_start3A_262] : memref<4x10240x128xf32, #tpu.memory_space<hbm>> -> memref<1x64x128xf32, #tpu.memory_space<hbm>>
      %dma_start3A_264 = tpu.memref_squeeze %dma_start3A_263 : memref<1x64x128xf32, #tpu.memory_space<hbm>> -> memref<64x128xf32, #tpu.memory_space<hbm>>
      %dma_start3A_265 = arith.constant 0 : i32
      %dma_start3A_266 = tpu.memref_slice %arg7[%add3A_115, %dma_start3A_265] : memref<10240x128xf32, #tpu.memory_space<vmem_shared>> -> memref<64x128xf32, #tpu.memory_space<vmem_shared>>
      tpu.enqueue_dma source(%dma_start3A_266 : memref<64x128xf32, #tpu.memory_space<vmem_shared>>) target(%dma_start3A_264 : memref<64x128xf32, #tpu.memory_space<hbm>>) target_semaphore(%run_scoped3A : memref<!tpu.dma_semaphore, #tpu.memory_space<semaphore_mem>>)
      %dma_wait3A_267 = arith.constant 0 : i32
      %dma_wait3A_268 = tpu.memref_slice %arg6[%add3A_3, %add3A_115, %dma_wait3A_267] : memref<4x10240x128xf32, #tpu.memory_space<hbm>> -> memref<1x64x128xf32, #tpu.memory_space<hbm>>
      %dma_wait3A_269 = tpu.memref_squeeze %dma_wait3A_268 : memref<1x64x128xf32, #tpu.memory_space<hbm>> -> memref<64x128xf32, #tpu.memory_space<hbm>>
      %dma_wait3A_270 = arith.constant 0 : i32
      %dma_wait3A_271 = tpu.memref_slice %arg7[%add3A_115, %dma_wait3A_270] : memref<10240x128xf32, #tpu.memory_space<vmem_shared>> -> memref<64x128xf32, #tpu.memory_space<vmem_shared>>
      tpu.wait_dma2 semaphore(%run_scoped3A : memref<!tpu.dma_semaphore, #tpu.memory_space<semaphore_mem>>) src(%dma_wait3A_271 : memref<64x128xf32, #tpu.memory_space<vmem_shared>>) dst(%dma_wait3A_269 : memref<64x128xf32, #tpu.memory_space<hbm>>)
      tpu.yield
    }) : () -> ()
    %mul3A_116 = arith.constant 640 : i32
    %mul3A_117 = arith.muli %arg1, %mul3A_116 : i32
    %add3A_118 = arith.constant 448 : i32
    %add3A_119 = arith.addi %mul3A_117, %add3A_118 : i32
    "tpu.region"() ({
      %run_scoped3A = tpu.sem_alloc : memref<!tpu.dma_semaphore, #tpu.memory_space<semaphore_mem>>
      %dma_start3A_262 = arith.constant 0 : i32
      %dma_start3A_263 = tpu.memref_slice %arg6[%add3A_3, %add3A_119, %dma_start3A_262] : memref<4x10240x128xf32, #tpu.memory_space<hbm>> -> memref<1x64x128xf32, #tpu.memory_space<hbm>>
      %dma_start3A_264 = tpu.memref_squeeze %dma_start3A_263 : memref<1x64x128xf32, #tpu.memory_space<hbm>> -> memref<64x128xf32, #tpu.memory_space<hbm>>
      %dma_start3A_265 = arith.constant 0 : i32
      %dma_start3A_266 = tpu.memref_slice %arg7[%add3A_119, %dma_start3A_265] : memref<10240x128xf32, #tpu.memory_space<vmem_shared>> -> memref<64x128xf32, #tpu.memory_space<vmem_shared>>
      tpu.enqueue_dma source(%dma_start3A_266 : memref<64x128xf32, #tpu.memory_space<vmem_shared>>) target(%dma_start3A_264 : memref<64x128xf32, #tpu.memory_space<hbm>>) target_semaphore(%run_scoped3A : memref<!tpu.dma_semaphore, #tpu.memory_space<semaphore_mem>>)
      %dma_wait3A_267 = arith.constant 0 : i32
      %dma_wait3A_268 = tpu.memref_slice %arg6[%add3A_3, %add3A_119, %dma_wait3A_267] : memref<4x10240x128xf32, #tpu.memory_space<hbm>> -> memref<1x64x128xf32, #tpu.memory_space<hbm>>
      %dma_wait3A_269 = tpu.memref_squeeze %dma_wait3A_268 : memref<1x64x128xf32, #tpu.memory_space<hbm>> -> memref<64x128xf32, #tpu.memory_space<hbm>>
      %dma_wait3A_270 = arith.constant 0 : i32
      %dma_wait3A_271 = tpu.memref_slice %arg7[%add3A_119, %dma_wait3A_270] : memref<10240x128xf32, #tpu.memory_space<vmem_shared>> -> memref<64x128xf32, #tpu.memory_space<vmem_shared>>
      tpu.wait_dma2 semaphore(%run_scoped3A : memref<!tpu.dma_semaphore, #tpu.memory_space<semaphore_mem>>) src(%dma_wait3A_271 : memref<64x128xf32, #tpu.memory_space<vmem_shared>>) dst(%dma_wait3A_269 : memref<64x128xf32, #tpu.memory_space<hbm>>)
      tpu.yield
    }) : () -> ()
    %mul3A_120 = arith.constant 640 : i32
    %mul3A_121 = arith.muli %arg1, %mul3A_120 : i32
    %add3A_122 = arith.constant 512 : i32
    %add3A_123 = arith.addi %mul3A_121, %add3A_122 : i32
    "tpu.region"() ({
      %run_scoped3A = tpu.sem_alloc : memref<!tpu.dma_semaphore, #tpu.memory_space<semaphore_mem>>
      %dma_start3A_262 = arith.constant 0 : i32
      %dma_start3A_263 = tpu.memref_slice %arg6[%add3A_3, %add3A_123, %dma_start3A_262] : memref<4x10240x128xf32, #tpu.memory_space<hbm>> -> memref<1x64x128xf32, #tpu.memory_space<hbm>>
      %dma_start3A_264 = tpu.memref_squeeze %dma_start3A_263 : memref<1x64x128xf32, #tpu.memory_space<hbm>> -> memref<64x128xf32, #tpu.memory_space<hbm>>
      %dma_start3A_265 = arith.constant 0 : i32
      %dma_start3A_266 = tpu.memref_slice %arg7[%add3A_123, %dma_start3A_265] : memref<10240x128xf32, #tpu.memory_space<vmem_shared>> -> memref<64x128xf32, #tpu.memory_space<vmem_shared>>
      tpu.enqueue_dma source(%dma_start3A_266 : memref<64x128xf32, #tpu.memory_space<vmem_shared>>) target(%dma_start3A_264 : memref<64x128xf32, #tpu.memory_space<hbm>>) target_semaphore(%run_scoped3A : memref<!tpu.dma_semaphore, #tpu.memory_space<semaphore_mem>>)
      %dma_wait3A_267 = arith.constant 0 : i32
      %dma_wait3A_268 = tpu.memref_slice %arg6[%add3A_3, %add3A_123, %dma_wait3A_267] : memref<4x10240x128xf32, #tpu.memory_space<hbm>> -> memref<1x64x128xf32, #tpu.memory_space<hbm>>
      %dma_wait3A_269 = tpu.memref_squeeze %dma_wait3A_268 : memref<1x64x128xf32, #tpu.memory_space<hbm>> -> memref<64x128xf32, #tpu.memory_space<hbm>>
      %dma_wait3A_270 = arith.constant 0 : i32
      %dma_wait3A_271 = tpu.memref_slice %arg7[%add3A_123, %dma_wait3A_270] : memref<10240x128xf32, #tpu.memory_space<vmem_shared>> -> memref<64x128xf32, #tpu.memory_space<vmem_shared>>
      tpu.wait_dma2 semaphore(%run_scoped3A : memref<!tpu.dma_semaphore, #tpu.memory_space<semaphore_mem>>) src(%dma_wait3A_271 : memref<64x128xf32, #tpu.memory_space<vmem_shared>>) dst(%dma_wait3A_269 : memref<64x128xf32, #tpu.memory_space<hbm>>)
      tpu.yield
    }) : () -> ()
    %mul3A_124 = arith.constant 640 : i32
    %mul3A_125 = arith.muli %arg1, %mul3A_124 : i32
    %add3A_126 = arith.constant 576 : i32
    %add3A_127 = arith.addi %mul3A_125, %add3A_126 : i32
    "tpu.region"() ({
      %run_scoped3A = tpu.sem_alloc : memref<!tpu.dma_semaphore, #tpu.memory_space<semaphore_mem>>
      %dma_start3A_262 = arith.constant 0 : i32
      %dma_start3A_263 = tpu.memref_slice %arg6[%add3A_3, %add3A_127, %dma_start3A_262] : memref<4x10240x128xf32, #tpu.memory_space<hbm>> -> memref<1x64x128xf32, #tpu.memory_space<hbm>>
      %dma_start3A_264 = tpu.memref_squeeze %dma_start3A_263 : memref<1x64x128xf32, #tpu.memory_space<hbm>> -> memref<64x128xf32, #tpu.memory_space<hbm>>
      %dma_start3A_265 = arith.constant 0 : i32
      %dma_start3A_266 = tpu.memref_slice %arg7[%add3A_127, %dma_start3A_265] : memref<10240x128xf32, #tpu.memory_space<vmem_shared>> -> memref<64x128xf32, #tpu.memory_space<vmem_shared>>
      tpu.enqueue_dma source(%dma_start3A_266 : memref<64x128xf32, #tpu.memory_space<vmem_shared>>) target(%dma_start3A_264 : memref<64x128xf32, #tpu.memory_space<hbm>>) target_semaphore(%run_scoped3A : memref<!tpu.dma_semaphore, #tpu.memory_space<semaphore_mem>>)
      %dma_wait3A_267 = arith.constant 0 : i32
      %dma_wait3A_268 = tpu.memref_slice %arg6[%add3A_3, %add3A_127, %dma_wait3A_267] : memref<4x10240x128xf32, #tpu.memory_space<hbm>> -> memref<1x64x128xf32, #tpu.memory_space<hbm>>
      %dma_wait3A_269 = tpu.memref_squeeze %dma_wait3A_268 : memref<1x64x128xf32, #tpu.memory_space<hbm>> -> memref<64x128xf32, #tpu.memory_space<hbm>>
      %dma_wait3A_270 = arith.constant 0 : i32
      %dma_wait3A_271 = tpu.memref_slice %arg7[%add3A_127, %dma_wait3A_270] : memref<10240x128xf32, #tpu.memory_space<vmem_shared>> -> memref<64x128xf32, #tpu.memory_space<vmem_shared>>
      tpu.wait_dma2 semaphore(%run_scoped3A : memref<!tpu.dma_semaphore, #tpu.memory_space<semaphore_mem>>) src(%dma_wait3A_271 : memref<64x128xf32, #tpu.memory_space<vmem_shared>>) dst(%dma_wait3A_269 : memref<64x128xf32, #tpu.memory_space<hbm>>)
      tpu.yield
    }) : () -> ()
    %barrier3A_128 = arith.constant 0 : index
    tpu.barrier barrier_id(%barrier3A_128)
    %mul3A_129 = arith.constant 2 : i32
    %mul3A_130 = arith.muli %arg0, %mul3A_129 : i32
    %add3A_131 = arith.constant 1 : i32
    %add3A_132 = arith.addi %mul3A_130, %add3A_131 : i32
    %scan3A_133 = arith.constant 0 : i32
    %scan3A_134 = arith.constant 64 : i32
    %scan3A_135 = arith.addi %scan3A_133, %scan3A_134 : i32
    %scan3A_136 = arith.constant 1 : i32
    scf.for %scan3A_262 = %scan3A_133 to %scan3A_135 step %scan3A_136  : i32 {
      %mul3A_263 = arith.constant 1 : i32
      %mul3A_264 = arith.muli %scan3A_262, %mul3A_263 : i32
      %add3A_265 = arith.constant 0 : i32
      %add3A_266 = arith.addi %add3A_265, %mul3A_264 : i32
      %broadcast_in_dim3A = arith.constant 0.000000e+00 : f32
      %broadcast_in_dim3A_267 = vector.broadcast %broadcast_in_dim3A : f32 to vector<16xf32>
      %swap3A = arith.index_cast %add3A_266 : i32 to index
      %swap3A_268 = arith.constant 0 : index
      %swap3A_269 = tpu.vector_load %arg8[%swap3A, %swap3A_268] {strides = array<i32>} : memref<96x128xf32, #tpu.memory_space<vmem>>, vector<16xf32>,
      tpu.vector_store %arg8[%swap3A, %swap3A_268], %broadcast_in_dim3A_267 {strides = array<i32>} : memref<96x128xf32, #tpu.memory_space<vmem>>, vector<16xf32>,
      %broadcast_in_dim3A_270 = arith.constant 0.000000e+00 : f32
      %broadcast_in_dim3A_271 = vector.broadcast %broadcast_in_dim3A_270 : f32 to vector<16xf32>
      %swap3A_272 = arith.index_cast %add3A_266 : i32 to index
      %swap3A_273 = arith.constant 16 : index
      %swap3A_274 = tpu.vector_load %arg8[%swap3A_272, %swap3A_273] {strides = array<i32>} : memref<96x128xf32, #tpu.memory_space<vmem>>, vector<16xf32>,
      tpu.vector_store %arg8[%swap3A_272, %swap3A_273], %broadcast_in_dim3A_271 {strides = array<i32>} : memref<96x128xf32, #tpu.memory_space<vmem>>, vector<16xf32>,
      %broadcast_in_dim3A_275 = arith.constant 0.000000e+00 : f32
      %broadcast_in_dim3A_276 = vector.broadcast %broadcast_in_dim3A_275 : f32 to vector<16xf32>
      %swap3A_277 = arith.index_cast %add3A_266 : i32 to index
      %swap3A_278 = arith.constant 32 : index
      %swap3A_279 = tpu.vector_load %arg8[%swap3A_277, %swap3A_278] {strides = array<i32>} : memref<96x128xf32, #tpu.memory_space<vmem>>, vector<16xf32>,
      tpu.vector_store %arg8[%swap3A_277, %swap3A_278], %broadcast_in_dim3A_276 {strides = array<i32>} : memref<96x128xf32, #tpu.memory_space<vmem>>, vector<16xf32>,
      %broadcast_in_dim3A_280 = arith.constant 0.000000e+00 : f32
      %broadcast_in_dim3A_281 = vector.broadcast %broadcast_in_dim3A_280 : f32 to vector<16xf32>
      %swap3A_282 = arith.index_cast %add3A_266 : i32 to index
      %swap3A_283 = arith.constant 48 : index
      %swap3A_284 = tpu.vector_load %arg8[%swap3A_282, %swap3A_283] {strides = array<i32>} : memref<96x128xf32, #tpu.memory_space<vmem>>, vector<16xf32>,
      tpu.vector_store %arg8[%swap3A_282, %swap3A_283], %broadcast_in_dim3A_281 {strides = array<i32>} : memref<96x128xf32, #tpu.memory_space<vmem>>, vector<16xf32>,
      %broadcast_in_dim3A_285 = arith.constant 0.000000e+00 : f32
      %broadcast_in_dim3A_286 = vector.broadcast %broadcast_in_dim3A_285 : f32 to vector<16xf32>
      %swap3A_287 = arith.index_cast %add3A_266 : i32 to index
      %swap3A_288 = arith.constant 64 : index
      %swap3A_289 = tpu.vector_load %arg8[%swap3A_287, %swap3A_288] {strides = array<i32>} : memref<96x128xf32, #tpu.memory_space<vmem>>, vector<16xf32>,
      tpu.vector_store %arg8[%swap3A_287, %swap3A_288], %broadcast_in_dim3A_286 {strides = array<i32>} : memref<96x128xf32, #tpu.memory_space<vmem>>, vector<16xf32>,
      %broadcast_in_dim3A_290 = arith.constant 0.000000e+00 : f32
      %broadcast_in_dim3A_291 = vector.broadcast %broadcast_in_dim3A_290 : f32 to vector<16xf32>
      %swap3A_292 = arith.index_cast %add3A_266 : i32 to index
      %swap3A_293 = arith.constant 80 : index
      %swap3A_294 = tpu.vector_load %arg8[%swap3A_292, %swap3A_293] {strides = array<i32>} : memref<96x128xf32, #tpu.memory_space<vmem>>, vector<16xf32>,
      tpu.vector_store %arg8[%swap3A_292, %swap3A_293], %broadcast_in_dim3A_291 {strides = array<i32>} : memref<96x128xf32, #tpu.memory_space<vmem>>, vector<16xf32>,
      %broadcast_in_dim3A_295 = arith.constant 0.000000e+00 : f32
      %broadcast_in_dim3A_296 = vector.broadcast %broadcast_in_dim3A_295 : f32 to vector<16xf32>
      %swap3A_297 = arith.index_cast %add3A_266 : i32 to index
      %swap3A_298 = arith.constant 96 : index
      %swap3A_299 = tpu.vector_load %arg8[%swap3A_297, %swap3A_298] {strides = array<i32>} : memref<96x128xf32, #tpu.memory_space<vmem>>, vector<16xf32>,
      tpu.vector_store %arg8[%swap3A_297, %swap3A_298], %broadcast_in_dim3A_296 {strides = array<i32>} : memref<96x128xf32, #tpu.memory_space<vmem>>, vector<16xf32>,
      %broadcast_in_dim3A_300 = arith.constant 0.000000e+00 : f32
      %broadcast_in_dim3A_301 = vector.broadcast %broadcast_in_dim3A_300 : f32 to vector<16xf32>
      %swap3A_302 = arith.index_cast %add3A_266 : i32 to index
      %swap3A_303 = arith.constant 112 : index
      %swap3A_304 = tpu.vector_load %arg8[%swap3A_302, %swap3A_303] {strides = array<i32>} : memref<96x128xf32, #tpu.memory_space<vmem>>, vector<16xf32>,
      tpu.vector_store %arg8[%swap3A_302, %swap3A_303], %broadcast_in_dim3A_301 {strides = array<i32>} : memref<96x128xf32, #tpu.memory_space<vmem>>, vector<16xf32>,
    }
    %scan3A_137 = arith.constant 64 : i32
    %mul3A_138 = arith.constant 640 : i32
    %mul3A_139 = arith.muli %arg1, %mul3A_138 : i32
    %add3A_140 = arith.constant 0 : i32
    %add3A_141 = arith.addi %mul3A_139, %add3A_140 : i32
    "tpu.region"() ({
      %run_scoped3A = tpu.sem_alloc : memref<!tpu.dma_semaphore, #tpu.memory_space<semaphore_mem>>
      %dma_start3A_262 = arith.constant 0 : i32
      %dma_start3A_263 = arith.constant 0 : i32
      %dma_start3A_264 = tpu.memref_slice %arg8[%dma_start3A_262, %dma_start3A_263] : memref<96x128xf32, #tpu.memory_space<vmem>> -> memref<64x128xf32, #tpu.memory_space<vmem>>
      %dma_start3A_265 = arith.constant 0 : i32
      %dma_start3A_266 = tpu.memref_slice %arg7[%add3A_141, %dma_start3A_265] : memref<10240x128xf32, #tpu.memory_space<vmem_shared>> -> memref<64x128xf32, #tpu.memory_space<vmem_shared>>
      %dma_start3A_267 = arith.constant 0 : i32
      %dma_start3A_268 = tpu.memref_slice %arg7[%add3A_141, %dma_start3A_267] : memref<10240x128xf32, #tpu.memory_space<vmem_shared>> -> memref<64x128xf32, #tpu.memory_space<vmem_shared>>
      %dma_start3A_269 = arith.constant 0 : i32
      %dma_start3A_270 = arith.constant 0 : i32
      %dma_start3A_271 = tpu.memref_slice %arg8[%dma_start3A_269, %dma_start3A_270] : memref<96x128xf32, #tpu.memory_space<vmem>> -> memref<64x128xf32, #tpu.memory_space<vmem>>
      tpu.enqueue_dma source(%dma_start3A_271 : memref<64x128xf32, #tpu.memory_space<vmem>>) target(%dma_start3A_268 : memref<64x128xf32, #tpu.memory_space<vmem_shared>>) target_semaphore(%run_scoped3A : memref<!tpu.dma_semaphore, #tpu.memory_space<semaphore_mem>>)
      %dma_wait3A_272 = arith.constant 0 : i32
      %dma_wait3A_273 = arith.constant 0 : i32
      %dma_wait3A_274 = tpu.memref_slice %arg8[%dma_wait3A_272, %dma_wait3A_273] : memref<96x128xf32, #tpu.memory_space<vmem>> -> memref<64x128xf32, #tpu.memory_space<vmem>>
      %dma_wait3A_275 = arith.constant 0 : i32
      %dma_wait3A_276 = tpu.memref_slice %arg7[%add3A_141, %dma_wait3A_275] : memref<10240x128xf32, #tpu.memory_space<vmem_shared>> -> memref<64x128xf32, #tpu.memory_space<vmem_shared>>
      %dma_wait3A_277 = arith.constant 0 : i32
      %dma_wait3A_278 = tpu.memref_slice %arg7[%add3A_141, %dma_wait3A_277] : memref<10240x128xf32, #tpu.memory_space<vmem_shared>> -> memref<64x128xf32, #tpu.memory_space<vmem_shared>>
      %dma_wait3A_279 = arith.constant 0 : i32
      %dma_wait3A_280 = arith.constant 0 : i32
      %dma_wait3A_281 = tpu.memref_slice %arg8[%dma_wait3A_279, %dma_wait3A_280] : memref<96x128xf32, #tpu.memory_space<vmem>> -> memref<64x128xf32, #tpu.memory_space<vmem>>
      tpu.wait_dma2 semaphore(%run_scoped3A : memref<!tpu.dma_semaphore, #tpu.memory_space<semaphore_mem>>) src(%dma_wait3A_281 : memref<64x128xf32, #tpu.memory_space<vmem>>) dst(%dma_wait3A_278 : memref<64x128xf32, #tpu.memory_space<vmem_shared>>)
      tpu.yield
    }) : () -> ()
    %mul3A_142 = arith.constant 640 : i32
    %mul3A_143 = arith.muli %arg1, %mul3A_142 : i32
    %add3A_144 = arith.constant 64 : i32
    %add3A_145 = arith.addi %mul3A_143, %add3A_144 : i32
    "tpu.region"() ({
      %run_scoped3A = tpu.sem_alloc : memref<!tpu.dma_semaphore, #tpu.memory_space<semaphore_mem>>
      %dma_start3A_262 = arith.constant 0 : i32
      %dma_start3A_263 = arith.constant 0 : i32
      %dma_start3A_264 = tpu.memref_slice %arg8[%dma_start3A_262, %dma_start3A_263] : memref<96x128xf32, #tpu.memory_space<vmem>> -> memref<64x128xf32, #tpu.memory_space<vmem>>
      %dma_start3A_265 = arith.constant 0 : i32
      %dma_start3A_266 = tpu.memref_slice %arg7[%add3A_145, %dma_start3A_265] : memref<10240x128xf32, #tpu.memory_space<vmem_shared>> -> memref<64x128xf32, #tpu.memory_space<vmem_shared>>
      %dma_start3A_267 = arith.constant 0 : i32
      %dma_start3A_268 = tpu.memref_slice %arg7[%add3A_145, %dma_start3A_267] : memref<10240x128xf32, #tpu.memory_space<vmem_shared>> -> memref<64x128xf32, #tpu.memory_space<vmem_shared>>
      %dma_start3A_269 = arith.constant 0 : i32
      %dma_start3A_270 = arith.constant 0 : i32
      %dma_start3A_271 = tpu.memref_slice %arg8[%dma_start3A_269, %dma_start3A_270] : memref<96x128xf32, #tpu.memory_space<vmem>> -> memref<64x128xf32, #tpu.memory_space<vmem>>
      tpu.enqueue_dma source(%dma_start3A_271 : memref<64x128xf32, #tpu.memory_space<vmem>>) target(%dma_start3A_268 : memref<64x128xf32, #tpu.memory_space<vmem_shared>>) target_semaphore(%run_scoped3A : memref<!tpu.dma_semaphore, #tpu.memory_space<semaphore_mem>>)
      %dma_wait3A_272 = arith.constant 0 : i32
      %dma_wait3A_273 = arith.constant 0 : i32
      %dma_wait3A_274 = tpu.memref_slice %arg8[%dma_wait3A_272, %dma_wait3A_273] : memref<96x128xf32, #tpu.memory_space<vmem>> -> memref<64x128xf32, #tpu.memory_space<vmem>>
      %dma_wait3A_275 = arith.constant 0 : i32
      %dma_wait3A_276 = tpu.memref_slice %arg7[%add3A_145, %dma_wait3A_275] : memref<10240x128xf32, #tpu.memory_space<vmem_shared>> -> memref<64x128xf32, #tpu.memory_space<vmem_shared>>
      %dma_wait3A_277 = arith.constant 0 : i32
      %dma_wait3A_278 = tpu.memref_slice %arg7[%add3A_145, %dma_wait3A_277] : memref<10240x128xf32, #tpu.memory_space<vmem_shared>> -> memref<64x128xf32, #tpu.memory_space<vmem_shared>>
      %dma_wait3A_279 = arith.constant 0 : i32
      %dma_wait3A_280 = arith.constant 0 : i32
      %dma_wait3A_281 = tpu.memref_slice %arg8[%dma_wait3A_279, %dma_wait3A_280] : memref<96x128xf32, #tpu.memory_space<vmem>> -> memref<64x128xf32, #tpu.memory_space<vmem>>
      tpu.wait_dma2 semaphore(%run_scoped3A : memref<!tpu.dma_semaphore, #tpu.memory_space<semaphore_mem>>) src(%dma_wait3A_281 : memref<64x128xf32, #tpu.memory_space<vmem>>) dst(%dma_wait3A_278 : memref<64x128xf32, #tpu.memory_space<vmem_shared>>)
      tpu.yield
    }) : () -> ()
    %mul3A_146 = arith.constant 640 : i32
    %mul3A_147 = arith.muli %arg1, %mul3A_146 : i32
    %add3A_148 = arith.constant 128 : i32
    %add3A_149 = arith.addi %mul3A_147, %add3A_148 : i32
    "tpu.region"() ({
      %run_scoped3A = tpu.sem_alloc : memref<!tpu.dma_semaphore, #tpu.memory_space<semaphore_mem>>
      %dma_start3A_262 = arith.constant 0 : i32
      %dma_start3A_263 = arith.constant 0 : i32
      %dma_start3A_264 = tpu.memref_slice %arg8[%dma_start3A_262, %dma_start3A_263] : memref<96x128xf32, #tpu.memory_space<vmem>> -> memref<64x128xf32, #tpu.memory_space<vmem>>
      %dma_start3A_265 = arith.constant 0 : i32
      %dma_start3A_266 = tpu.memref_slice %arg7[%add3A_149, %dma_start3A_265] : memref<10240x128xf32, #tpu.memory_space<vmem_shared>> -> memref<64x128xf32, #tpu.memory_space<vmem_shared>>
      %dma_start3A_267 = arith.constant 0 : i32
      %dma_start3A_268 = tpu.memref_slice %arg7[%add3A_149, %dma_start3A_267] : memref<10240x128xf32, #tpu.memory_space<vmem_shared>> -> memref<64x128xf32, #tpu.memory_space<vmem_shared>>
      %dma_start3A_269 = arith.constant 0 : i32
      %dma_start3A_270 = arith.constant 0 : i32
      %dma_start3A_271 = tpu.memref_slice %arg8[%dma_start3A_269, %dma_start3A_270] : memref<96x128xf32, #tpu.memory_space<vmem>> -> memref<64x128xf32, #tpu.memory_space<vmem>>
      tpu.enqueue_dma source(%dma_start3A_271 : memref<64x128xf32, #tpu.memory_space<vmem>>) target(%dma_start3A_268 : memref<64x128xf32, #tpu.memory_space<vmem_shared>>) target_semaphore(%run_scoped3A : memref<!tpu.dma_semaphore, #tpu.memory_space<semaphore_mem>>)
      %dma_wait3A_272 = arith.constant 0 : i32
      %dma_wait3A_273 = arith.constant 0 : i32
      %dma_wait3A_274 = tpu.memref_slice %arg8[%dma_wait3A_272, %dma_wait3A_273] : memref<96x128xf32, #tpu.memory_space<vmem>> -> memref<64x128xf32, #tpu.memory_space<vmem>>
      %dma_wait3A_275 = arith.constant 0 : i32
      %dma_wait3A_276 = tpu.memref_slice %arg7[%add3A_149, %dma_wait3A_275] : memref<10240x128xf32, #tpu.memory_space<vmem_shared>> -> memref<64x128xf32, #tpu.memory_space<vmem_shared>>
      %dma_wait3A_277 = arith.constant 0 : i32
      %dma_wait3A_278 = tpu.memref_slice %arg7[%add3A_149, %dma_wait3A_277] : memref<10240x128xf32, #tpu.memory_space<vmem_shared>> -> memref<64x128xf32, #tpu.memory_space<vmem_shared>>
      %dma_wait3A_279 = arith.constant 0 : i32
      %dma_wait3A_280 = arith.constant 0 : i32
      %dma_wait3A_281 = tpu.memref_slice %arg8[%dma_wait3A_279, %dma_wait3A_280] : memref<96x128xf32, #tpu.memory_space<vmem>> -> memref<64x128xf32, #tpu.memory_space<vmem>>
      tpu.wait_dma2 semaphore(%run_scoped3A : memref<!tpu.dma_semaphore, #tpu.memory_space<semaphore_mem>>) src(%dma_wait3A_281 : memref<64x128xf32, #tpu.memory_space<vmem>>) dst(%dma_wait3A_278 : memref<64x128xf32, #tpu.memory_space<vmem_shared>>)
      tpu.yield
    }) : () -> ()
    %mul3A_150 = arith.constant 640 : i32
    %mul3A_151 = arith.muli %arg1, %mul3A_150 : i32
    %add3A_152 = arith.constant 192 : i32
    %add3A_153 = arith.addi %mul3A_151, %add3A_152 : i32
    "tpu.region"() ({
      %run_scoped3A = tpu.sem_alloc : memref<!tpu.dma_semaphore, #tpu.memory_space<semaphore_mem>>
      %dma_start3A_262 = arith.constant 0 : i32
      %dma_start3A_263 = arith.constant 0 : i32
      %dma_start3A_264 = tpu.memref_slice %arg8[%dma_start3A_262, %dma_start3A_263] : memref<96x128xf32, #tpu.memory_space<vmem>> -> memref<64x128xf32, #tpu.memory_space<vmem>>
      %dma_start3A_265 = arith.constant 0 : i32
      %dma_start3A_266 = tpu.memref_slice %arg7[%add3A_153, %dma_start3A_265] : memref<10240x128xf32, #tpu.memory_space<vmem_shared>> -> memref<64x128xf32, #tpu.memory_space<vmem_shared>>
      %dma_start3A_267 = arith.constant 0 : i32
      %dma_start3A_268 = tpu.memref_slice %arg7[%add3A_153, %dma_start3A_267] : memref<10240x128xf32, #tpu.memory_space<vmem_shared>> -> memref<64x128xf32, #tpu.memory_space<vmem_shared>>
      %dma_start3A_269 = arith.constant 0 : i32
      %dma_start3A_270 = arith.constant 0 : i32
      %dma_start3A_271 = tpu.memref_slice %arg8[%dma_start3A_269, %dma_start3A_270] : memref<96x128xf32, #tpu.memory_space<vmem>> -> memref<64x128xf32, #tpu.memory_space<vmem>>
      tpu.enqueue_dma source(%dma_start3A_271 : memref<64x128xf32, #tpu.memory_space<vmem>>) target(%dma_start3A_268 : memref<64x128xf32, #tpu.memory_space<vmem_shared>>) target_semaphore(%run_scoped3A : memref<!tpu.dma_semaphore, #tpu.memory_space<semaphore_mem>>)
      %dma_wait3A_272 = arith.constant 0 : i32
      %dma_wait3A_273 = arith.constant 0 : i32
      %dma_wait3A_274 = tpu.memref_slice %arg8[%dma_wait3A_272, %dma_wait3A_273] : memref<96x128xf32, #tpu.memory_space<vmem>> -> memref<64x128xf32, #tpu.memory_space<vmem>>
      %dma_wait3A_275 = arith.constant 0 : i32
      %dma_wait3A_276 = tpu.memref_slice %arg7[%add3A_153, %dma_wait3A_275] : memref<10240x128xf32, #tpu.memory_space<vmem_shared>> -> memref<64x128xf32, #tpu.memory_space<vmem_shared>>
      %dma_wait3A_277 = arith.constant 0 : i32
      %dma_wait3A_278 = tpu.memref_slice %arg7[%add3A_153, %dma_wait3A_277] : memref<10240x128xf32, #tpu.memory_space<vmem_shared>> -> memref<64x128xf32, #tpu.memory_space<vmem_shared>>
      %dma_wait3A_279 = arith.constant 0 : i32
      %dma_wait3A_280 = arith.constant 0 : i32
      %dma_wait3A_281 = tpu.memref_slice %arg8[%dma_wait3A_279, %dma_wait3A_280] : memref<96x128xf32, #tpu.memory_space<vmem>> -> memref<64x128xf32, #tpu.memory_space<vmem>>
      tpu.wait_dma2 semaphore(%run_scoped3A : memref<!tpu.dma_semaphore, #tpu.memory_space<semaphore_mem>>) src(%dma_wait3A_281 : memref<64x128xf32, #tpu.memory_space<vmem>>) dst(%dma_wait3A_278 : memref<64x128xf32, #tpu.memory_space<vmem_shared>>)
      tpu.yield
    }) : () -> ()
    %mul3A_154 = arith.constant 640 : i32
    %mul3A_155 = arith.muli %arg1, %mul3A_154 : i32
    %add3A_156 = arith.constant 256 : i32
    %add3A_157 = arith.addi %mul3A_155, %add3A_156 : i32
    "tpu.region"() ({
      %run_scoped3A = tpu.sem_alloc : memref<!tpu.dma_semaphore, #tpu.memory_space<semaphore_mem>>
      %dma_start3A_262 = arith.constant 0 : i32
      %dma_start3A_263 = arith.constant 0 : i32
      %dma_start3A_264 = tpu.memref_slice %arg8[%dma_start3A_262, %dma_start3A_263] : memref<96x128xf32, #tpu.memory_space<vmem>> -> memref<64x128xf32, #tpu.memory_space<vmem>>
      %dma_start3A_265 = arith.constant 0 : i32
      %dma_start3A_266 = tpu.memref_slice %arg7[%add3A_157, %dma_start3A_265] : memref<10240x128xf32, #tpu.memory_space<vmem_shared>> -> memref<64x128xf32, #tpu.memory_space<vmem_shared>>
      %dma_start3A_267 = arith.constant 0 : i32
      %dma_start3A_268 = tpu.memref_slice %arg7[%add3A_157, %dma_start3A_267] : memref<10240x128xf32, #tpu.memory_space<vmem_shared>> -> memref<64x128xf32, #tpu.memory_space<vmem_shared>>
      %dma_start3A_269 = arith.constant 0 : i32
      %dma_start3A_270 = arith.constant 0 : i32
      %dma_start3A_271 = tpu.memref_slice %arg8[%dma_start3A_269, %dma_start3A_270] : memref<96x128xf32, #tpu.memory_space<vmem>> -> memref<64x128xf32, #tpu.memory_space<vmem>>
      tpu.enqueue_dma source(%dma_start3A_271 : memref<64x128xf32, #tpu.memory_space<vmem>>) target(%dma_start3A_268 : memref<64x128xf32, #tpu.memory_space<vmem_shared>>) target_semaphore(%run_scoped3A : memref<!tpu.dma_semaphore, #tpu.memory_space<semaphore_mem>>)
      %dma_wait3A_272 = arith.constant 0 : i32
      %dma_wait3A_273 = arith.constant 0 : i32
      %dma_wait3A_274 = tpu.memref_slice %arg8[%dma_wait3A_272, %dma_wait3A_273] : memref<96x128xf32, #tpu.memory_space<vmem>> -> memref<64x128xf32, #tpu.memory_space<vmem>>
      %dma_wait3A_275 = arith.constant 0 : i32
      %dma_wait3A_276 = tpu.memref_slice %arg7[%add3A_157, %dma_wait3A_275] : memref<10240x128xf32, #tpu.memory_space<vmem_shared>> -> memref<64x128xf32, #tpu.memory_space<vmem_shared>>
      %dma_wait3A_277 = arith.constant 0 : i32
      %dma_wait3A_278 = tpu.memref_slice %arg7[%add3A_157, %dma_wait3A_277] : memref<10240x128xf32, #tpu.memory_space<vmem_shared>> -> memref<64x128xf32, #tpu.memory_space<vmem_shared>>
      %dma_wait3A_279 = arith.constant 0 : i32
      %dma_wait3A_280 = arith.constant 0 : i32
      %dma_wait3A_281 = tpu.memref_slice %arg8[%dma_wait3A_279, %dma_wait3A_280] : memref<96x128xf32, #tpu.memory_space<vmem>> -> memref<64x128xf32, #tpu.memory_space<vmem>>
      tpu.wait_dma2 semaphore(%run_scoped3A : memref<!tpu.dma_semaphore, #tpu.memory_space<semaphore_mem>>) src(%dma_wait3A_281 : memref<64x128xf32, #tpu.memory_space<vmem>>) dst(%dma_wait3A_278 : memref<64x128xf32, #tpu.memory_space<vmem_shared>>)
      tpu.yield
    }) : () -> ()
    %mul3A_158 = arith.constant 640 : i32
    %mul3A_159 = arith.muli %arg1, %mul3A_158 : i32
    %add3A_160 = arith.constant 320 : i32
    %add3A_161 = arith.addi %mul3A_159, %add3A_160 : i32
    "tpu.region"() ({
      %run_scoped3A = tpu.sem_alloc : memref<!tpu.dma_semaphore, #tpu.memory_space<semaphore_mem>>
      %dma_start3A_262 = arith.constant 0 : i32
      %dma_start3A_263 = arith.constant 0 : i32
      %dma_start3A_264 = tpu.memref_slice %arg8[%dma_start3A_262, %dma_start3A_263] : memref<96x128xf32, #tpu.memory_space<vmem>> -> memref<64x128xf32, #tpu.memory_space<vmem>>
      %dma_start3A_265 = arith.constant 0 : i32
      %dma_start3A_266 = tpu.memref_slice %arg7[%add3A_161, %dma_start3A_265] : memref<10240x128xf32, #tpu.memory_space<vmem_shared>> -> memref<64x128xf32, #tpu.memory_space<vmem_shared>>
      %dma_start3A_267 = arith.constant 0 : i32
      %dma_start3A_268 = tpu.memref_slice %arg7[%add3A_161, %dma_start3A_267] : memref<10240x128xf32, #tpu.memory_space<vmem_shared>> -> memref<64x128xf32, #tpu.memory_space<vmem_shared>>
      %dma_start3A_269 = arith.constant 0 : i32
      %dma_start3A_270 = arith.constant 0 : i32
      %dma_start3A_271 = tpu.memref_slice %arg8[%dma_start3A_269, %dma_start3A_270] : memref<96x128xf32, #tpu.memory_space<vmem>> -> memref<64x128xf32, #tpu.memory_space<vmem>>
      tpu.enqueue_dma source(%dma_start3A_271 : memref<64x128xf32, #tpu.memory_space<vmem>>) target(%dma_start3A_268 : memref<64x128xf32, #tpu.memory_space<vmem_shared>>) target_semaphore(%run_scoped3A : memref<!tpu.dma_semaphore, #tpu.memory_space<semaphore_mem>>)
      %dma_wait3A_272 = arith.constant 0 : i32
      %dma_wait3A_273 = arith.constant 0 : i32
      %dma_wait3A_274 = tpu.memref_slice %arg8[%dma_wait3A_272, %dma_wait3A_273] : memref<96x128xf32, #tpu.memory_space<vmem>> -> memref<64x128xf32, #tpu.memory_space<vmem>>
      %dma_wait3A_275 = arith.constant 0 : i32
      %dma_wait3A_276 = tpu.memref_slice %arg7[%add3A_161, %dma_wait3A_275] : memref<10240x128xf32, #tpu.memory_space<vmem_shared>> -> memref<64x128xf32, #tpu.memory_space<vmem_shared>>
      %dma_wait3A_277 = arith.constant 0 : i32
      %dma_wait3A_278 = tpu.memref_slice %arg7[%add3A_161, %dma_wait3A_277] : memref<10240x128xf32, #tpu.memory_space<vmem_shared>> -> memref<64x128xf32, #tpu.memory_space<vmem_shared>>
      %dma_wait3A_279 = arith.constant 0 : i32
      %dma_wait3A_280 = arith.constant 0 : i32
      %dma_wait3A_281 = tpu.memref_slice %arg8[%dma_wait3A_279, %dma_wait3A_280] : memref<96x128xf32, #tpu.memory_space<vmem>> -> memref<64x128xf32, #tpu.memory_space<vmem>>
      tpu.wait_dma2 semaphore(%run_scoped3A : memref<!tpu.dma_semaphore, #tpu.memory_space<semaphore_mem>>) src(%dma_wait3A_281 : memref<64x128xf32, #tpu.memory_space<vmem>>) dst(%dma_wait3A_278 : memref<64x128xf32, #tpu.memory_space<vmem_shared>>)
      tpu.yield
    }) : () -> ()
    %mul3A_162 = arith.constant 640 : i32
    %mul3A_163 = arith.muli %arg1, %mul3A_162 : i32
    %add3A_164 = arith.constant 384 : i32
    %add3A_165 = arith.addi %mul3A_163, %add3A_164 : i32
    "tpu.region"() ({
      %run_scoped3A = tpu.sem_alloc : memref<!tpu.dma_semaphore, #tpu.memory_space<semaphore_mem>>
      %dma_start3A_262 = arith.constant 0 : i32
      %dma_start3A_263 = arith.constant 0 : i32
      %dma_start3A_264 = tpu.memref_slice %arg8[%dma_start3A_262, %dma_start3A_263] : memref<96x128xf32, #tpu.memory_space<vmem>> -> memref<64x128xf32, #tpu.memory_space<vmem>>
      %dma_start3A_265 = arith.constant 0 : i32
      %dma_start3A_266 = tpu.memref_slice %arg7[%add3A_165, %dma_start3A_265] : memref<10240x128xf32, #tpu.memory_space<vmem_shared>> -> memref<64x128xf32, #tpu.memory_space<vmem_shared>>
      %dma_start3A_267 = arith.constant 0 : i32
      %dma_start3A_268 = tpu.memref_slice %arg7[%add3A_165, %dma_start3A_267] : memref<10240x128xf32, #tpu.memory_space<vmem_shared>> -> memref<64x128xf32, #tpu.memory_space<vmem_shared>>
      %dma_start3A_269 = arith.constant 0 : i32
      %dma_start3A_270 = arith.constant 0 : i32
      %dma_start3A_271 = tpu.memref_slice %arg8[%dma_start3A_269, %dma_start3A_270] : memref<96x128xf32, #tpu.memory_space<vmem>> -> memref<64x128xf32, #tpu.memory_space<vmem>>
      tpu.enqueue_dma source(%dma_start3A_271 : memref<64x128xf32, #tpu.memory_space<vmem>>) target(%dma_start3A_268 : memref<64x128xf32, #tpu.memory_space<vmem_shared>>) target_semaphore(%run_scoped3A : memref<!tpu.dma_semaphore, #tpu.memory_space<semaphore_mem>>)
      %dma_wait3A_272 = arith.constant 0 : i32
      %dma_wait3A_273 = arith.constant 0 : i32
      %dma_wait3A_274 = tpu.memref_slice %arg8[%dma_wait3A_272, %dma_wait3A_273] : memref<96x128xf32, #tpu.memory_space<vmem>> -> memref<64x128xf32, #tpu.memory_space<vmem>>
      %dma_wait3A_275 = arith.constant 0 : i32
      %dma_wait3A_276 = tpu.memref_slice %arg7[%add3A_165, %dma_wait3A_275] : memref<10240x128xf32, #tpu.memory_space<vmem_shared>> -> memref<64x128xf32, #tpu.memory_space<vmem_shared>>
      %dma_wait3A_277 = arith.constant 0 : i32
      %dma_wait3A_278 = tpu.memref_slice %arg7[%add3A_165, %dma_wait3A_277] : memref<10240x128xf32, #tpu.memory_space<vmem_shared>> -> memref<64x128xf32, #tpu.memory_space<vmem_shared>>
      %dma_wait3A_279 = arith.constant 0 : i32
      %dma_wait3A_280 = arith.constant 0 : i32
      %dma_wait3A_281 = tpu.memref_slice %arg8[%dma_wait3A_279, %dma_wait3A_280] : memref<96x128xf32, #tpu.memory_space<vmem>> -> memref<64x128xf32, #tpu.memory_space<vmem>>
      tpu.wait_dma2 semaphore(%run_scoped3A : memref<!tpu.dma_semaphore, #tpu.memory_space<semaphore_mem>>) src(%dma_wait3A_281 : memref<64x128xf32, #tpu.memory_space<vmem>>) dst(%dma_wait3A_278 : memref<64x128xf32, #tpu.memory_space<vmem_shared>>)
      tpu.yield
    }) : () -> ()
    %mul3A_166 = arith.constant 640 : i32
    %mul3A_167 = arith.muli %arg1, %mul3A_166 : i32
    %add3A_168 = arith.constant 448 : i32
    %add3A_169 = arith.addi %mul3A_167, %add3A_168 : i32
    "tpu.region"() ({
      %run_scoped3A = tpu.sem_alloc : memref<!tpu.dma_semaphore, #tpu.memory_space<semaphore_mem>>
      %dma_start3A_262 = arith.constant 0 : i32
      %dma_start3A_263 = arith.constant 0 : i32
      %dma_start3A_264 = tpu.memref_slice %arg8[%dma_start3A_262, %dma_start3A_263] : memref<96x128xf32, #tpu.memory_space<vmem>> -> memref<64x128xf32, #tpu.memory_space<vmem>>
      %dma_start3A_265 = arith.constant 0 : i32
      %dma_start3A_266 = tpu.memref_slice %arg7[%add3A_169, %dma_start3A_265] : memref<10240x128xf32, #tpu.memory_space<vmem_shared>> -> memref<64x128xf32, #tpu.memory_space<vmem_shared>>
      %dma_start3A_267 = arith.constant 0 : i32
      %dma_start3A_268 = tpu.memref_slice %arg7[%add3A_169, %dma_start3A_267] : memref<10240x128xf32, #tpu.memory_space<vmem_shared>> -> memref<64x128xf32, #tpu.memory_space<vmem_shared>>
      %dma_start3A_269 = arith.constant 0 : i32
      %dma_start3A_270 = arith.constant 0 : i32
      %dma_start3A_271 = tpu.memref_slice %arg8[%dma_start3A_269, %dma_start3A_270] : memref<96x128xf32, #tpu.memory_space<vmem>> -> memref<64x128xf32, #tpu.memory_space<vmem>>
      tpu.enqueue_dma source(%dma_start3A_271 : memref<64x128xf32, #tpu.memory_space<vmem>>) target(%dma_start3A_268 : memref<64x128xf32, #tpu.memory_space<vmem_shared>>) target_semaphore(%run_scoped3A : memref<!tpu.dma_semaphore, #tpu.memory_space<semaphore_mem>>)
      %dma_wait3A_272 = arith.constant 0 : i32
      %dma_wait3A_273 = arith.constant 0 : i32
      %dma_wait3A_274 = tpu.memref_slice %arg8[%dma_wait3A_272, %dma_wait3A_273] : memref<96x128xf32, #tpu.memory_space<vmem>> -> memref<64x128xf32, #tpu.memory_space<vmem>>
      %dma_wait3A_275 = arith.constant 0 : i32
      %dma_wait3A_276 = tpu.memref_slice %arg7[%add3A_169, %dma_wait3A_275] : memref<10240x128xf32, #tpu.memory_space<vmem_shared>> -> memref<64x128xf32, #tpu.memory_space<vmem_shared>>
      %dma_wait3A_277 = arith.constant 0 : i32
      %dma_wait3A_278 = tpu.memref_slice %arg7[%add3A_169, %dma_wait3A_277] : memref<10240x128xf32, #tpu.memory_space<vmem_shared>> -> memref<64x128xf32, #tpu.memory_space<vmem_shared>>
      %dma_wait3A_279 = arith.constant 0 : i32
      %dma_wait3A_280 = arith.constant 0 : i32
      %dma_wait3A_281 = tpu.memref_slice %arg8[%dma_wait3A_279, %dma_wait3A_280] : memref<96x128xf32, #tpu.memory_space<vmem>> -> memref<64x128xf32, #tpu.memory_space<vmem>>
      tpu.wait_dma2 semaphore(%run_scoped3A : memref<!tpu.dma_semaphore, #tpu.memory_space<semaphore_mem>>) src(%dma_wait3A_281 : memref<64x128xf32, #tpu.memory_space<vmem>>) dst(%dma_wait3A_278 : memref<64x128xf32, #tpu.memory_space<vmem_shared>>)
      tpu.yield
    }) : () -> ()
    %mul3A_170 = arith.constant 640 : i32
    %mul3A_171 = arith.muli %arg1, %mul3A_170 : i32
    %add3A_172 = arith.constant 512 : i32
    %add3A_173 = arith.addi %mul3A_171, %add3A_172 : i32
    "tpu.region"() ({
      %run_scoped3A = tpu.sem_alloc : memref<!tpu.dma_semaphore, #tpu.memory_space<semaphore_mem>>
      %dma_start3A_262 = arith.constant 0 : i32
      %dma_start3A_263 = arith.constant 0 : i32
      %dma_start3A_264 = tpu.memref_slice %arg8[%dma_start3A_262, %dma_start3A_263] : memref<96x128xf32, #tpu.memory_space<vmem>> -> memref<64x128xf32, #tpu.memory_space<vmem>>
      %dma_start3A_265 = arith.constant 0 : i32
      %dma_start3A_266 = tpu.memref_slice %arg7[%add3A_173, %dma_start3A_265] : memref<10240x128xf32, #tpu.memory_space<vmem_shared>> -> memref<64x128xf32, #tpu.memory_space<vmem_shared>>
      %dma_start3A_267 = arith.constant 0 : i32
      %dma_start3A_268 = tpu.memref_slice %arg7[%add3A_173, %dma_start3A_267] : memref<10240x128xf32, #tpu.memory_space<vmem_shared>> -> memref<64x128xf32, #tpu.memory_space<vmem_shared>>
      %dma_start3A_269 = arith.constant 0 : i32
      %dma_start3A_270 = arith.constant 0 : i32
      %dma_start3A_271 = tpu.memref_slice %arg8[%dma_start3A_269, %dma_start3A_270] : memref<96x128xf32, #tpu.memory_space<vmem>> -> memref<64x128xf32, #tpu.memory_space<vmem>>
      tpu.enqueue_dma source(%dma_start3A_271 : memref<64x128xf32, #tpu.memory_space<vmem>>) target(%dma_start3A_268 : memref<64x128xf32, #tpu.memory_space<vmem_shared>>) target_semaphore(%run_scoped3A : memref<!tpu.dma_semaphore, #tpu.memory_space<semaphore_mem>>)
      %dma_wait3A_272 = arith.constant 0 : i32
      %dma_wait3A_273 = arith.constant 0 : i32
      %dma_wait3A_274 = tpu.memref_slice %arg8[%dma_wait3A_272, %dma_wait3A_273] : memref<96x128xf32, #tpu.memory_space<vmem>> -> memref<64x128xf32, #tpu.memory_space<vmem>>
      %dma_wait3A_275 = arith.constant 0 : i32
      %dma_wait3A_276 = tpu.memref_slice %arg7[%add3A_173, %dma_wait3A_275] : memref<10240x128xf32, #tpu.memory_space<vmem_shared>> -> memref<64x128xf32, #tpu.memory_space<vmem_shared>>
      %dma_wait3A_277 = arith.constant 0 : i32
      %dma_wait3A_278 = tpu.memref_slice %arg7[%add3A_173, %dma_wait3A_277] : memref<10240x128xf32, #tpu.memory_space<vmem_shared>> -> memref<64x128xf32, #tpu.memory_space<vmem_shared>>
      %dma_wait3A_279 = arith.constant 0 : i32
      %dma_wait3A_280 = arith.constant 0 : i32
      %dma_wait3A_281 = tpu.memref_slice %arg8[%dma_wait3A_279, %dma_wait3A_280] : memref<96x128xf32, #tpu.memory_space<vmem>> -> memref<64x128xf32, #tpu.memory_space<vmem>>
      tpu.wait_dma2 semaphore(%run_scoped3A : memref<!tpu.dma_semaphore, #tpu.memory_space<semaphore_mem>>) src(%dma_wait3A_281 : memref<64x128xf32, #tpu.memory_space<vmem>>) dst(%dma_wait3A_278 : memref<64x128xf32, #tpu.memory_space<vmem_shared>>)
      tpu.yield
    }) : () -> ()
    %mul3A_174 = arith.constant 640 : i32
    %mul3A_175 = arith.muli %arg1, %mul3A_174 : i32
    %add3A_176 = arith.constant 576 : i32
    %add3A_177 = arith.addi %mul3A_175, %add3A_176 : i32
    "tpu.region"() ({
      %run_scoped3A = tpu.sem_alloc : memref<!tpu.dma_semaphore, #tpu.memory_space<semaphore_mem>>
      %dma_start3A_262 = arith.constant 0 : i32
      %dma_start3A_263 = arith.constant 0 : i32
      %dma_start3A_264 = tpu.memref_slice %arg8[%dma_start3A_262, %dma_start3A_263] : memref<96x128xf32, #tpu.memory_space<vmem>> -> memref<64x128xf32, #tpu.memory_space<vmem>>
      %dma_start3A_265 = arith.constant 0 : i32
      %dma_start3A_266 = tpu.memref_slice %arg7[%add3A_177, %dma_start3A_265] : memref<10240x128xf32, #tpu.memory_space<vmem_shared>> -> memref<64x128xf32, #tpu.memory_space<vmem_shared>>
      %dma_start3A_267 = arith.constant 0 : i32
      %dma_start3A_268 = tpu.memref_slice %arg7[%add3A_177, %dma_start3A_267] : memref<10240x128xf32, #tpu.memory_space<vmem_shared>> -> memref<64x128xf32, #tpu.memory_space<vmem_shared>>
      %dma_start3A_269 = arith.constant 0 : i32
      %dma_start3A_270 = arith.constant 0 : i32
      %dma_start3A_271 = tpu.memref_slice %arg8[%dma_start3A_269, %dma_start3A_270] : memref<96x128xf32, #tpu.memory_space<vmem>> -> memref<64x128xf32, #tpu.memory_space<vmem>>
      tpu.enqueue_dma source(%dma_start3A_271 : memref<64x128xf32, #tpu.memory_space<vmem>>) target(%dma_start3A_268 : memref<64x128xf32, #tpu.memory_space<vmem_shared>>) target_semaphore(%run_scoped3A : memref<!tpu.dma_semaphore, #tpu.memory_space<semaphore_mem>>)
      %dma_wait3A_272 = arith.constant 0 : i32
      %dma_wait3A_273 = arith.constant 0 : i32
      %dma_wait3A_274 = tpu.memref_slice %arg8[%dma_wait3A_272, %dma_wait3A_273] : memref<96x128xf32, #tpu.memory_space<vmem>> -> memref<64x128xf32, #tpu.memory_space<vmem>>
      %dma_wait3A_275 = arith.constant 0 : i32
      %dma_wait3A_276 = tpu.memref_slice %arg7[%add3A_177, %dma_wait3A_275] : memref<10240x128xf32, #tpu.memory_space<vmem_shared>> -> memref<64x128xf32, #tpu.memory_space<vmem_shared>>
      %dma_wait3A_277 = arith.constant 0 : i32
      %dma_wait3A_278 = tpu.memref_slice %arg7[%add3A_177, %dma_wait3A_277] : memref<10240x128xf32, #tpu.memory_space<vmem_shared>> -> memref<64x128xf32, #tpu.memory_space<vmem_shared>>
      %dma_wait3A_279 = arith.constant 0 : i32
      %dma_wait3A_280 = arith.constant 0 : i32
      %dma_wait3A_281 = tpu.memref_slice %arg8[%dma_wait3A_279, %dma_wait3A_280] : memref<96x128xf32, #tpu.memory_space<vmem>> -> memref<64x128xf32, #tpu.memory_space<vmem>>
      tpu.wait_dma2 semaphore(%run_scoped3A : memref<!tpu.dma_semaphore, #tpu.memory_space<semaphore_mem>>) src(%dma_wait3A_281 : memref<64x128xf32, #tpu.memory_space<vmem>>) dst(%dma_wait3A_278 : memref<64x128xf32, #tpu.memory_space<vmem_shared>>)
      tpu.yield
    }) : () -> ()
    %barrier3A_178 = arith.constant 0 : index
    tpu.barrier barrier_id(%barrier3A_178)
    %add3A_179 = arith.constant 0 : i32
    %add3A_180 = arith.addi %mul3A_0, %add3A_179 : i32
    %dma_start3A_181 = tpu.memref_slice %arg3[%add3A_180] : memref<320000xi32, #tpu.memory_space<hbm>> -> memref<96xi32, #tpu.memory_space<hbm>>
    %dma_start3A_182 = tpu.memref_slice %arg3[%add3A_180] : memref<320000xi32, #tpu.memory_space<hbm>> -> memref<96xi32, #tpu.memory_space<hbm>>
    tpu.enqueue_dma source(%dma_start3A_182 : memref<96xi32, #tpu.memory_space<hbm>>) target(%arg9 : memref<96xi32, #tpu.memory_space<vmem>>) target_semaphore(%arg12 : memref<!tpu.dma_semaphore, #tpu.memory_space<semaphore_mem>>)
    %dma_start3A_183 = tpu.memref_slice %arg4[%add3A_180] : memref<320000xi32, #tpu.memory_space<hbm>> -> memref<96xi32, #tpu.memory_space<hbm>>
    %dma_start3A_184 = tpu.memref_slice %arg4[%add3A_180] : memref<320000xi32, #tpu.memory_space<hbm>> -> memref<96xi32, #tpu.memory_space<hbm>>
    tpu.enqueue_dma source(%dma_start3A_184 : memref<96xi32, #tpu.memory_space<hbm>>) target(%arg10 : memref<96xi32, #tpu.memory_space<vmem>>) target_semaphore(%arg12 : memref<!tpu.dma_semaphore, #tpu.memory_space<semaphore_mem>>)
    %dma_start3A_185 = arith.constant 0 : i32
    %dma_start3A_186 = tpu.memref_slice %arg5[%add3A_180, %dma_start3A_185] : memref<320000x16xf32, #tpu.memory_space<hbm>> -> memref<96x16xf32, #tpu.memory_space<hbm>>
    %dma_start3A_187 = arith.constant 0 : i32
    %dma_start3A_188 = tpu.memref_slice %arg5[%add3A_180, %dma_start3A_187] : memref<320000x16xf32, #tpu.memory_space<hbm>> -> memref<96x16xf32, #tpu.memory_space<hbm>>
    tpu.enqueue_dma source(%dma_start3A_188 : memref<96x16xf32, #tpu.memory_space<hbm>>) target(%arg11 : memref<96x16xf32, #tpu.memory_space<vmem>>) target_semaphore(%arg12 : memref<!tpu.dma_semaphore, #tpu.memory_space<semaphore_mem>>)
    %scan3A_189 = arith.constant 0 : i32
    %scan3A_190 = arith.constant 104 : i32
    %scan3A_191 = arith.addi %scan3A_189, %scan3A_190 : i32
    %scan3A_192 = arith.constant 1 : i32
    scf.for %scan3A_262 = %scan3A_189 to %scan3A_191 step %scan3A_192  : i32 {
      %mul3A_263 = arith.constant 1 : i32
      %mul3A_264 = arith.muli %scan3A_262, %mul3A_263 : i32
      %add3A_265 = arith.constant 0 : i32
      %add3A_266 = arith.addi %add3A_265, %mul3A_264 : i32
      %mul3A_267 = arith.constant 2 : i32
      %mul3A_268 = arith.muli %add3A_266, %mul3A_267 : i32
      %add3A_269 = arith.constant 0 : i32
      %add3A_270 = arith.addi %add3A_269, %mul3A_268 : i32
      %add3A_271 = arith.constant 0 : i32
      %add3A_272 = arith.addi %add3A_270, %add3A_271 : i32
      %dma_wait3A_273 = arith.constant 0 : i32
      %dma_wait3A_274 = tpu.memref_slice %arg3[%dma_wait3A_273] : memref<320000xi32, #tpu.memory_space<hbm>> -> memref<96xi32, #tpu.memory_space<hbm>>
      %dma_wait3A_275 = arith.constant 0 : i32
      %dma_wait3A_276 = tpu.memref_slice %arg3[%dma_wait3A_275] : memref<320000xi32, #tpu.memory_space<hbm>> -> memref<96xi32, #tpu.memory_space<hbm>>
      tpu.wait_dma2 semaphore(%arg12 : memref<!tpu.dma_semaphore, #tpu.memory_space<semaphore_mem>>) src(%dma_wait3A_276 : memref<96xi32, #tpu.memory_space<hbm>>) dst(%arg9 : memref<96xi32, #tpu.memory_space<vmem>>)
      %dma_wait3A_277 = arith.constant 0 : i32
      %dma_wait3A_278 = tpu.memref_slice %arg4[%dma_wait3A_277] : memref<320000xi32, #tpu.memory_space<hbm>> -> memref<96xi32, #tpu.memory_space<hbm>>
      %dma_wait3A_279 = arith.constant 0 : i32
      %dma_wait3A_280 = tpu.memref_slice %arg4[%dma_wait3A_279] : memref<320000xi32, #tpu.memory_space<hbm>> -> memref<96xi32, #tpu.memory_space<hbm>>
      tpu.wait_dma2 semaphore(%arg12 : memref<!tpu.dma_semaphore, #tpu.memory_space<semaphore_mem>>) src(%dma_wait3A_280 : memref<96xi32, #tpu.memory_space<hbm>>) dst(%arg10 : memref<96xi32, #tpu.memory_space<vmem>>)
      %dma_wait3A_281 = arith.constant 0 : i32
      %dma_wait3A_282 = arith.constant 0 : i32
      %dma_wait3A_283 = tpu.memref_slice %arg5[%dma_wait3A_281, %dma_wait3A_282] : memref<320000x16xf32, #tpu.memory_space<hbm>> -> memref<96x16xf32, #tpu.memory_space<hbm>>
      %dma_wait3A_284 = arith.constant 0 : i32
      %dma_wait3A_285 = arith.constant 0 : i32
      %dma_wait3A_286 = tpu.memref_slice %arg5[%dma_wait3A_284, %dma_wait3A_285] : memref<320000x16xf32, #tpu.memory_space<hbm>> -> memref<96x16xf32, #tpu.memory_space<hbm>>
      tpu.wait_dma2 semaphore(%arg12 : memref<!tpu.dma_semaphore, #tpu.memory_space<semaphore_mem>>) src(%dma_wait3A_286 : memref<96x16xf32, #tpu.memory_space<hbm>>) dst(%arg11 : memref<96x16xf32, #tpu.memory_space<vmem>>)
      %add3A_287 = arith.constant 1 : i32
      %add3A_288 = arith.addi %add3A_272, %add3A_287 : i32
      %min3A = arith.constant 207 : i32
      %min3A_289 = arith.minsi %add3A_288, %min3A : i32
      %mul3A_290 = arith.constant 96 : i32
      %mul3A_291 = arith.muli %min3A_289, %mul3A_290 : i32
      %add3A_292 = arith.addi %mul3A_0, %mul3A_291 : i32
      %dma_start3A_293 = tpu.memref_slice %arg3[%add3A_292] : memref<320000xi32, #tpu.memory_space<hbm>> -> memref<96xi32, #tpu.memory_space<hbm>>
      %dma_start3A_294 = tpu.memref_slice %arg3[%add3A_292] : memref<320000xi32, #tpu.memory_space<hbm>> -> memref<96xi32, #tpu.memory_space<hbm>>
      tpu.enqueue_dma source(%dma_start3A_294 : memref<96xi32, #tpu.memory_space<hbm>>) target(%arg13 : memref<96xi32, #tpu.memory_space<vmem>>) target_semaphore(%arg12 : memref<!tpu.dma_semaphore, #tpu.memory_space<semaphore_mem>>)
      %dma_start3A_295 = tpu.memref_slice %arg4[%add3A_292] : memref<320000xi32, #tpu.memory_space<hbm>> -> memref<96xi32, #tpu.memory_space<hbm>>
      %dma_start3A_296 = tpu.memref_slice %arg4[%add3A_292] : memref<320000xi32, #tpu.memory_space<hbm>> -> memref<96xi32, #tpu.memory_space<hbm>>
      tpu.enqueue_dma source(%dma_start3A_296 : memref<96xi32, #tpu.memory_space<hbm>>) target(%arg14 : memref<96xi32, #tpu.memory_space<vmem>>) target_semaphore(%arg12 : memref<!tpu.dma_semaphore, #tpu.memory_space<semaphore_mem>>)
      %dma_start3A_297 = arith.constant 0 : i32
      %dma_start3A_298 = tpu.memref_slice %arg5[%add3A_292, %dma_start3A_297] : memref<320000x16xf32, #tpu.memory_space<hbm>> -> memref<96x16xf32, #tpu.memory_space<hbm>>
      %dma_start3A_299 = arith.constant 0 : i32
      %dma_start3A_300 = tpu.memref_slice %arg5[%add3A_292, %dma_start3A_299] : memref<320000x16xf32, #tpu.memory_space<hbm>> -> memref<96x16xf32, #tpu.memory_space<hbm>>
      tpu.enqueue_dma source(%dma_start3A_300 : memref<96x16xf32, #tpu.memory_space<hbm>>) target(%arg15 : memref<96x16xf32, #tpu.memory_space<vmem>>) target_semaphore(%arg12 : memref<!tpu.dma_semaphore, #tpu.memory_space<semaphore_mem>>)
      %scan3A_301 = arith.constant 0 : i32
      %scan3A_302 = arith.constant 6 : i32
      %scan3A_303 = arith.addi %scan3A_301, %scan3A_302 : i32
      %scan3A_304 = arith.constant 1 : i32
      scf.for %scan3A_356 = %scan3A_301 to %scan3A_303 step %scan3A_304  : i32 {
        %mul3A_357 = arith.constant 1 : i32
        %mul3A_358 = arith.muli %scan3A_356, %mul3A_357 : i32
        %add3A_359 = arith.constant 0 : i32
        %add3A_360 = arith.addi %add3A_359, %mul3A_358 : i32
        %mul3A_361 = arith.constant 16 : i32
        %mul3A_362 = arith.muli %add3A_360, %mul3A_361 : i32
        %get3A = arith.index_cast %mul3A_362 : i32 to index
        %get3A_363 = tpu.vector_load %arg10[%get3A] {strides = array<i32>} : memref<96xi32, #tpu.memory_space<vmem>>, vector<16xi32>,
        %mul3A_364 = arith.constant 10000 : i32
        %mul3A_365 = arith.muli %add3A_132, %mul3A_364 : i32
        %broadcast_in_dim3A = vector.broadcast %mul3A_365 : i32 to vector<16xi32>
        %add3A_366 = arith.addi %get3A_363, %broadcast_in_dim3A : vector<16xi32>
        %swap3A = arith.index_cast %mul3A_362 : i32 to index
        %swap3A_367 = tpu.vector_load %arg10[%swap3A] {strides = array<i32>} : memref<96xi32, #tpu.memory_space<vmem>>, vector<16xi32>,
        tpu.vector_store %arg10[%swap3A], %add3A_366 {strides = array<i32>} : memref<96xi32, #tpu.memory_space<vmem>>, vector<16xi32>,
      }
      %scan3A_305 = arith.constant 6 : i32
      "tpu.region"() ({
        %run_scoped3A = tpu.sem_alloc : memref<!tpu.dma_semaphore, #tpu.memory_space<semaphore_mem>>
        %dma_start3A_356 = arith.constant 0 : i32
        %dma_start3A_357 = arith.constant 0 : i32
        %dma_start3A_358 = tpu.memref_slice %arg2[%dma_start3A_356, %dma_start3A_357] : memref<40000x128xf32, #tpu.memory_space<hbm>> -> memref<40000x128xf32, #tpu.memory_space<hbm>>
        tpu.enqueue_indirect_dma source(%dma_start3A_358 : memref<40000x128xf32, #tpu.memory_space<hbm>>) target(%arg8 : memref<96x128xf32, #tpu.memory_space<vmem>>) offsets(%arg10 : memref<96xi32, #tpu.memory_space<vmem>>) semaphore(%run_scoped3A : memref<!tpu.dma_semaphore, #tpu.memory_space<semaphore_mem>>)
        %dma_wait3A_359 = arith.constant 0 : i32
        %dma_wait3A_360 = arith.constant 0 : i32
        %dma_wait3A_361 = tpu.memref_slice %arg2[%dma_wait3A_359, %dma_wait3A_360] : memref<40000x128xf32, #tpu.memory_space<hbm>> -> memref<40000x128xf32, #tpu.memory_space<hbm>>
        tpu.wait_indirect_dma semaphore(%run_scoped3A : memref<!tpu.dma_semaphore, #tpu.memory_space<semaphore_mem>>) src(%dma_wait3A_361 : memref<40000x128xf32, #tpu.memory_space<hbm>>) dst(%arg8 : memref<96x128xf32, #tpu.memory_space<vmem>>)
        tpu.yield
      }) : () -> ()
      %scan3A_306 = arith.constant 0 : i32
      %scan3A_307 = arith.constant 96 : i32
      %scan3A_308 = arith.addi %scan3A_306, %scan3A_307 : i32
      %scan3A_309 = arith.constant 1 : i32
      scf.for %scan3A_356 = %scan3A_306 to %scan3A_308 step %scan3A_309  : i32 {
        %mul3A_357 = arith.constant 1 : i32
        %mul3A_358 = arith.muli %scan3A_356, %mul3A_357 : i32
        %add3A_359 = arith.constant 0 : i32
        %add3A_360 = arith.addi %add3A_359, %mul3A_358 : i32
        %get3A = arith.index_cast %add3A_360 : i32 to index
        %get3A_361 = arith.constant 0 : index
        %get3A_362 = tpu.vector_load %arg11[%get3A, %get3A_361] {strides = array<i32>} : memref<96x16xf32, #tpu.memory_space<vmem>>, vector<16xf32>,
        %get3A_363 = arith.index_cast %add3A_360 : i32 to index
        %get3A_364 = arith.constant 0 : index
        %get3A_365 = tpu.vector_load %arg8[%get3A_363, %get3A_364] {strides = array<i32>} : memref<96x128xf32, #tpu.memory_space<vmem>>, vector<16xf32>,
        %mul3A_366 = arith.mulf %get3A_365, %get3A_362 : vector<16xf32>
        %swap3A = arith.index_cast %add3A_360 : i32 to index
        %swap3A_367 = arith.constant 0 : index
        %swap3A_368 = tpu.vector_load %arg8[%swap3A, %swap3A_367] {strides = array<i32>} : memref<96x128xf32, #tpu.memory_space<vmem>>, vector<16xf32>,
        tpu.vector_store %arg8[%swap3A, %swap3A_367], %mul3A_366 {strides = array<i32>} : memref<96x128xf32, #tpu.memory_space<vmem>>, vector<16xf32>,
        %get3A_369 = arith.index_cast %add3A_360 : i32 to index
        %get3A_370 = arith.constant 16 : index
        %get3A_371 = tpu.vector_load %arg8[%get3A_369, %get3A_370] {strides = array<i32>} : memref<96x128xf32, #tpu.memory_space<vmem>>, vector<16xf32>,
        %mul3A_372 = arith.mulf %get3A_371, %get3A_362 : vector<16xf32>
        %swap3A_373 = arith.index_cast %add3A_360 : i32 to index
        %swap3A_374 = arith.constant 16 : index
        %swap3A_375 = tpu.vector_load %arg8[%swap3A_373, %swap3A_374] {strides = array<i32>} : memref<96x128xf32, #tpu.memory_space<vmem>>, vector<16xf32>,
        tpu.vector_store %arg8[%swap3A_373, %swap3A_374], %mul3A_372 {strides = array<i32>} : memref<96x128xf32, #tpu.memory_space<vmem>>, vector<16xf32>,
        %get3A_376 = arith.index_cast %add3A_360 : i32 to index
        %get3A_377 = arith.constant 32 : index
        %get3A_378 = tpu.vector_load %arg8[%get3A_376, %get3A_377] {strides = array<i32>} : memref<96x128xf32, #tpu.memory_space<vmem>>, vector<16xf32>,
        %mul3A_379 = arith.mulf %get3A_378, %get3A_362 : vector<16xf32>
        %swap3A_380 = arith.index_cast %add3A_360 : i32 to index
        %swap3A_381 = arith.constant 32 : index
        %swap3A_382 = tpu.vector_load %arg8[%swap3A_380, %swap3A_381] {strides = array<i32>} : memref<96x128xf32, #tpu.memory_space<vmem>>, vector<16xf32>,
        tpu.vector_store %arg8[%swap3A_380, %swap3A_381], %mul3A_379 {strides = array<i32>} : memref<96x128xf32, #tpu.memory_space<vmem>>, vector<16xf32>,
        %get3A_383 = arith.index_cast %add3A_360 : i32 to index
        %get3A_384 = arith.constant 48 : index
        %get3A_385 = tpu.vector_load %arg8[%get3A_383, %get3A_384] {strides = array<i32>} : memref<96x128xf32, #tpu.memory_space<vmem>>, vector<16xf32>,
        %mul3A_386 = arith.mulf %get3A_385, %get3A_362 : vector<16xf32>
        %swap3A_387 = arith.index_cast %add3A_360 : i32 to index
        %swap3A_388 = arith.constant 48 : index
        %swap3A_389 = tpu.vector_load %arg8[%swap3A_387, %swap3A_388] {strides = array<i32>} : memref<96x128xf32, #tpu.memory_space<vmem>>, vector<16xf32>,
        tpu.vector_store %arg8[%swap3A_387, %swap3A_388], %mul3A_386 {strides = array<i32>} : memref<96x128xf32, #tpu.memory_space<vmem>>, vector<16xf32>,
        %get3A_390 = arith.index_cast %add3A_360 : i32 to index
        %get3A_391 = arith.constant 64 : index
        %get3A_392 = tpu.vector_load %arg8[%get3A_390, %get3A_391] {strides = array<i32>} : memref<96x128xf32, #tpu.memory_space<vmem>>, vector<16xf32>,
        %mul3A_393 = arith.mulf %get3A_392, %get3A_362 : vector<16xf32>
        %swap3A_394 = arith.index_cast %add3A_360 : i32 to index
        %swap3A_395 = arith.constant 64 : index
        %swap3A_396 = tpu.vector_load %arg8[%swap3A_394, %swap3A_395] {strides = array<i32>} : memref<96x128xf32, #tpu.memory_space<vmem>>, vector<16xf32>,
        tpu.vector_store %arg8[%swap3A_394, %swap3A_395], %mul3A_393 {strides = array<i32>} : memref<96x128xf32, #tpu.memory_space<vmem>>, vector<16xf32>,
        %get3A_397 = arith.index_cast %add3A_360 : i32 to index
        %get3A_398 = arith.constant 80 : index
        %get3A_399 = tpu.vector_load %arg8[%get3A_397, %get3A_398] {strides = array<i32>} : memref<96x128xf32, #tpu.memory_space<vmem>>, vector<16xf32>,
        %mul3A_400 = arith.mulf %get3A_399, %get3A_362 : vector<16xf32>
        %swap3A_401 = arith.index_cast %add3A_360 : i32 to index
        %swap3A_402 = arith.constant 80 : index
        %swap3A_403 = tpu.vector_load %arg8[%swap3A_401, %swap3A_402] {strides = array<i32>} : memref<96x128xf32, #tpu.memory_space<vmem>>, vector<16xf32>,
        tpu.vector_store %arg8[%swap3A_401, %swap3A_402], %mul3A_400 {strides = array<i32>} : memref<96x128xf32, #tpu.memory_space<vmem>>, vector<16xf32>,
        %get3A_404 = arith.index_cast %add3A_360 : i32 to index
        %get3A_405 = arith.constant 96 : index
        %get3A_406 = tpu.vector_load %arg8[%get3A_404, %get3A_405] {strides = array<i32>} : memref<96x128xf32, #tpu.memory_space<vmem>>, vector<16xf32>,
        %mul3A_407 = arith.mulf %get3A_406, %get3A_362 : vector<16xf32>
        %swap3A_408 = arith.index_cast %add3A_360 : i32 to index
        %swap3A_409 = arith.constant 96 : index
        %swap3A_410 = tpu.vector_load %arg8[%swap3A_408, %swap3A_409] {strides = array<i32>} : memref<96x128xf32, #tpu.memory_space<vmem>>, vector<16xf32>,
        tpu.vector_store %arg8[%swap3A_408, %swap3A_409], %mul3A_407 {strides = array<i32>} : memref<96x128xf32, #tpu.memory_space<vmem>>, vector<16xf32>,
        %get3A_411 = arith.index_cast %add3A_360 : i32 to index
        %get3A_412 = arith.constant 112 : index
        %get3A_413 = tpu.vector_load %arg8[%get3A_411, %get3A_412] {strides = array<i32>} : memref<96x128xf32, #tpu.memory_space<vmem>>, vector<16xf32>,
        %mul3A_414 = arith.mulf %get3A_413, %get3A_362 : vector<16xf32>
        %swap3A_415 = arith.index_cast %add3A_360 : i32 to index
        %swap3A_416 = arith.constant 112 : index
        %swap3A_417 = tpu.vector_load %arg8[%swap3A_415, %swap3A_416] {strides = array<i32>} : memref<96x128xf32, #tpu.memory_space<vmem>>, vector<16xf32>,
        tpu.vector_store %arg8[%swap3A_415, %swap3A_416], %mul3A_414 {strides = array<i32>} : memref<96x128xf32, #tpu.memory_space<vmem>>, vector<16xf32>,
      }
      %scan3A_310 = arith.constant 96 : i32
      "tpu.region"() ({
        %run_scoped3A = tpu.sem_alloc : memref<!tpu.dma_semaphore, #tpu.memory_space<semaphore_mem>>
        %dma_start3A_356 = arith.constant 0 : i32
        %dma_start3A_357 = arith.constant 0 : i32
        %dma_start3A_358 = tpu.memref_slice %arg7[%dma_start3A_356, %dma_start3A_357] : memref<10240x128xf32, #tpu.memory_space<vmem_shared>> -> memref<10240x128xf32, #tpu.memory_space<vmem_shared>>
        tpu.enqueue_indirect_dma source(%arg8 : memref<96x128xf32, #tpu.memory_space<vmem>>) target(%dma_start3A_358 : memref<10240x128xf32, #tpu.memory_space<vmem_shared>>) offsets(%arg9 : memref<96xi32, #tpu.memory_space<vmem>>) semaphore(%run_scoped3A : memref<!tpu.dma_semaphore, #tpu.memory_space<semaphore_mem>>) {add = true}
        %dma_wait3A_359 = arith.constant 0 : i32
        %dma_wait3A_360 = arith.constant 0 : i32
        %dma_wait3A_361 = tpu.memref_slice %arg7[%dma_wait3A_359, %dma_wait3A_360] : memref<10240x128xf32, #tpu.memory_space<vmem_shared>> -> memref<10240x128xf32, #tpu.memory_space<vmem_shared>>
        tpu.wait_indirect_dma semaphore(%run_scoped3A : memref<!tpu.dma_semaphore, #tpu.memory_space<semaphore_mem>>) src(%arg8 : memref<96x128xf32, #tpu.memory_space<vmem>>) dst(%dma_wait3A_361 : memref<10240x128xf32, #tpu.memory_space<vmem_shared>>)
        tpu.yield
      }) : () -> ()
      %mul3A_311 = arith.constant 2 : i32
      %mul3A_312 = arith.muli %add3A_266, %mul3A_311 : i32
      %add3A_313 = arith.constant 0 : i32
      %add3A_314 = arith.addi %add3A_313, %mul3A_312 : i32
      %add3A_315 = arith.constant 1 : i32
      %add3A_316 = arith.addi %add3A_314, %add3A_315 : i32
      %dma_wait3A_317 = arith.constant 0 : i32
      %dma_wait3A_318 = tpu.memref_slice %arg3[%dma_wait3A_317] : memref<320000xi32, #tpu.memory_space<hbm>> -> memref<96xi32, #tpu.memory_space<hbm>>
      %dma_wait3A_319 = arith.constant 0 : i32
      %dma_wait3A_320 = tpu.memref_slice %arg3[%dma_wait3A_319] : memref<320000xi32, #tpu.memory_space<hbm>> -> memref<96xi32, #tpu.memory_space<hbm>>
      tpu.wait_dma2 semaphore(%arg12 : memref<!tpu.dma_semaphore, #tpu.memory_space<semaphore_mem>>) src(%dma_wait3A_320 : memref<96xi32, #tpu.memory_space<hbm>>) dst(%arg13 : memref<96xi32, #tpu.memory_space<vmem>>)
      %dma_wait3A_321 = arith.constant 0 : i32
      %dma_wait3A_322 = tpu.memref_slice %arg4[%dma_wait3A_321] : memref<320000xi32, #tpu.memory_space<hbm>> -> memref<96xi32, #tpu.memory_space<hbm>>
      %dma_wait3A_323 = arith.constant 0 : i32
      %dma_wait3A_324 = tpu.memref_slice %arg4[%dma_wait3A_323] : memref<320000xi32, #tpu.memory_space<hbm>> -> memref<96xi32, #tpu.memory_space<hbm>>
      tpu.wait_dma2 semaphore(%arg12 : memref<!tpu.dma_semaphore, #tpu.memory_space<semaphore_mem>>) src(%dma_wait3A_324 : memref<96xi32, #tpu.memory_space<hbm>>) dst(%arg14 : memref<96xi32, #tpu.memory_space<vmem>>)
      %dma_wait3A_325 = arith.constant 0 : i32
      %dma_wait3A_326 = arith.constant 0 : i32
      %dma_wait3A_327 = tpu.memref_slice %arg5[%dma_wait3A_325, %dma_wait3A_326] : memref<320000x16xf32, #tpu.memory_space<hbm>> -> memref<96x16xf32, #tpu.memory_space<hbm>>
      %dma_wait3A_328 = arith.constant 0 : i32
      %dma_wait3A_329 = arith.constant 0 : i32
      %dma_wait3A_330 = tpu.memref_slice %arg5[%dma_wait3A_328, %dma_wait3A_329] : memref<320000x16xf32, #tpu.memory_space<hbm>> -> memref<96x16xf32, #tpu.memory_space<hbm>>
      tpu.wait_dma2 semaphore(%arg12 : memref<!tpu.dma_semaphore, #tpu.memory_space<semaphore_mem>>) src(%dma_wait3A_330 : memref<96x16xf32, #tpu.memory_space<hbm>>) dst(%arg15 : memref<96x16xf32, #tpu.memory_space<vmem>>)
      %add3A_331 = arith.constant 1 : i32
      %add3A_332 = arith.addi %add3A_316, %add3A_331 : i32
      %min3A_333 = arith.constant 207 : i32
      %min3A_334 = arith.minsi %add3A_332, %min3A_333 : i32
      %mul3A_335 = arith.constant 96 : i32
      %mul3A_336 = arith.muli %min3A_334, %mul3A_335 : i32
      %add3A_337 = arith.addi %mul3A_0, %mul3A_336 : i32
      %dma_start3A_338 = tpu.memref_slice %arg3[%add3A_337] : memref<320000xi32, #tpu.memory_space<hbm>> -> memref<96xi32, #tpu.memory_space<hbm>>
      %dma_start3A_339 = tpu.memref_slice %arg3[%add3A_337] : memref<320000xi32, #tpu.memory_space<hbm>> -> memref<96xi32, #tpu.memory_space<hbm>>
      tpu.enqueue_dma source(%dma_start3A_339 : memref<96xi32, #tpu.memory_space<hbm>>) target(%arg9 : memref<96xi32, #tpu.memory_space<vmem>>) target_semaphore(%arg12 : memref<!tpu.dma_semaphore, #tpu.memory_space<semaphore_mem>>)
      %dma_start3A_340 = tpu.memref_slice %arg4[%add3A_337] : memref<320000xi32, #tpu.memory_space<hbm>> -> memref<96xi32, #tpu.memory_space<hbm>>
      %dma_start3A_341 = tpu.memref_slice %arg4[%add3A_337] : memref<320000xi32, #tpu.memory_space<hbm>> -> memref<96xi32, #tpu.memory_space<hbm>>
      tpu.enqueue_dma source(%dma_start3A_341 : memref<96xi32, #tpu.memory_space<hbm>>) target(%arg10 : memref<96xi32, #tpu.memory_space<vmem>>) target_semaphore(%arg12 : memref<!tpu.dma_semaphore, #tpu.memory_space<semaphore_mem>>)
      %dma_start3A_342 = arith.constant 0 : i32
      %dma_start3A_343 = tpu.memref_slice %arg5[%add3A_337, %dma_start3A_342] : memref<320000x16xf32, #tpu.memory_space<hbm>> -> memref<96x16xf32, #tpu.memory_space<hbm>>
      %dma_start3A_344 = arith.constant 0 : i32
      %dma_start3A_345 = tpu.memref_slice %arg5[%add3A_337, %dma_start3A_344] : memref<320000x16xf32, #tpu.memory_space<hbm>> -> memref<96x16xf32, #tpu.memory_space<hbm>>
      tpu.enqueue_dma source(%dma_start3A_345 : memref<96x16xf32, #tpu.memory_space<hbm>>) target(%arg11 : memref<96x16xf32, #tpu.memory_space<vmem>>) target_semaphore(%arg12 : memref<!tpu.dma_semaphore, #tpu.memory_space<semaphore_mem>>)
      %scan3A_346 = arith.constant 0 : i32
      %scan3A_347 = arith.constant 6 : i32
      %scan3A_348 = arith.addi %scan3A_346, %scan3A_347 : i32
      %scan3A_349 = arith.constant 1 : i32
      scf.for %scan3A_356 = %scan3A_346 to %scan3A_348 step %scan3A_349  : i32 {
        %mul3A_357 = arith.constant 1 : i32
        %mul3A_358 = arith.muli %scan3A_356, %mul3A_357 : i32
        %add3A_359 = arith.constant 0 : i32
        %add3A_360 = arith.addi %add3A_359, %mul3A_358 : i32
        %mul3A_361 = arith.constant 16 : i32
        %mul3A_362 = arith.muli %add3A_360, %mul3A_361 : i32
        %get3A = arith.index_cast %mul3A_362 : i32 to index
        %get3A_363 = tpu.vector_load %arg14[%get3A] {strides = array<i32>} : memref<96xi32, #tpu.memory_space<vmem>>, vector<16xi32>,
        %mul3A_364 = arith.constant 10000 : i32
        %mul3A_365 = arith.muli %add3A_132, %mul3A_364 : i32
        %broadcast_in_dim3A = vector.broadcast %mul3A_365 : i32 to vector<16xi32>
        %add3A_366 = arith.addi %get3A_363, %broadcast_in_dim3A : vector<16xi32>
        %swap3A = arith.index_cast %mul3A_362 : i32 to index
        %swap3A_367 = tpu.vector_load %arg14[%swap3A] {strides = array<i32>} : memref<96xi32, #tpu.memory_space<vmem>>, vector<16xi32>,
        tpu.vector_store %arg14[%swap3A], %add3A_366 {strides = array<i32>} : memref<96xi32, #tpu.memory_space<vmem>>, vector<16xi32>,
      }
      %scan3A_350 = arith.constant 6 : i32
      "tpu.region"() ({
        %run_scoped3A = tpu.sem_alloc : memref<!tpu.dma_semaphore, #tpu.memory_space<semaphore_mem>>
        %dma_start3A_356 = arith.constant 0 : i32
        %dma_start3A_357 = arith.constant 0 : i32
        %dma_start3A_358 = tpu.memref_slice %arg2[%dma_start3A_356, %dma_start3A_357] : memref<40000x128xf32, #tpu.memory_space<hbm>> -> memref<40000x128xf32, #tpu.memory_space<hbm>>
        tpu.enqueue_indirect_dma source(%dma_start3A_358 : memref<40000x128xf32, #tpu.memory_space<hbm>>) target(%arg8 : memref<96x128xf32, #tpu.memory_space<vmem>>) offsets(%arg14 : memref<96xi32, #tpu.memory_space<vmem>>) semaphore(%run_scoped3A : memref<!tpu.dma_semaphore, #tpu.memory_space<semaphore_mem>>)
        %dma_wait3A_359 = arith.constant 0 : i32
        %dma_wait3A_360 = arith.constant 0 : i32
        %dma_wait3A_361 = tpu.memref_slice %arg2[%dma_wait3A_359, %dma_wait3A_360] : memref<40000x128xf32, #tpu.memory_space<hbm>> -> memref<40000x128xf32, #tpu.memory_space<hbm>>
        tpu.wait_indirect_dma semaphore(%run_scoped3A : memref<!tpu.dma_semaphore, #tpu.memory_space<semaphore_mem>>) src(%dma_wait3A_361 : memref<40000x128xf32, #tpu.memory_space<hbm>>) dst(%arg8 : memref<96x128xf32, #tpu.memory_space<vmem>>)
        tpu.yield
      }) : () -> ()
      %scan3A_351 = arith.constant 0 : i32
      %scan3A_352 = arith.constant 96 : i32
      %scan3A_353 = arith.addi %scan3A_351, %scan3A_352 : i32
      %scan3A_354 = arith.constant 1 : i32
      scf.for %scan3A_356 = %scan3A_351 to %scan3A_353 step %scan3A_354  : i32 {
        %mul3A_357 = arith.constant 1 : i32
        %mul3A_358 = arith.muli %scan3A_356, %mul3A_357 : i32
        %add3A_359 = arith.constant 0 : i32
        %add3A_360 = arith.addi %add3A_359, %mul3A_358 : i32
        %get3A = arith.index_cast %add3A_360 : i32 to index
        %get3A_361 = arith.constant 0 : index
        %get3A_362 = tpu.vector_load %arg15[%get3A, %get3A_361] {strides = array<i32>} : memref<96x16xf32, #tpu.memory_space<vmem>>, vector<16xf32>,
        %get3A_363 = arith.index_cast %add3A_360 : i32 to index
        %get3A_364 = arith.constant 0 : index
        %get3A_365 = tpu.vector_load %arg8[%get3A_363, %get3A_364] {strides = array<i32>} : memref<96x128xf32, #tpu.memory_space<vmem>>, vector<16xf32>,
        %mul3A_366 = arith.mulf %get3A_365, %get3A_362 : vector<16xf32>
        %swap3A = arith.index_cast %add3A_360 : i32 to index
        %swap3A_367 = arith.constant 0 : index
        %swap3A_368 = tpu.vector_load %arg8[%swap3A, %swap3A_367] {strides = array<i32>} : memref<96x128xf32, #tpu.memory_space<vmem>>, vector<16xf32>,
        tpu.vector_store %arg8[%swap3A, %swap3A_367], %mul3A_366 {strides = array<i32>} : memref<96x128xf32, #tpu.memory_space<vmem>>, vector<16xf32>,
        %get3A_369 = arith.index_cast %add3A_360 : i32 to index
        %get3A_370 = arith.constant 16 : index
        %get3A_371 = tpu.vector_load %arg8[%get3A_369, %get3A_370] {strides = array<i32>} : memref<96x128xf32, #tpu.memory_space<vmem>>, vector<16xf32>,
        %mul3A_372 = arith.mulf %get3A_371, %get3A_362 : vector<16xf32>
        %swap3A_373 = arith.index_cast %add3A_360 : i32 to index
        %swap3A_374 = arith.constant 16 : index
        %swap3A_375 = tpu.vector_load %arg8[%swap3A_373, %swap3A_374] {strides = array<i32>} : memref<96x128xf32, #tpu.memory_space<vmem>>, vector<16xf32>,
        tpu.vector_store %arg8[%swap3A_373, %swap3A_374], %mul3A_372 {strides = array<i32>} : memref<96x128xf32, #tpu.memory_space<vmem>>, vector<16xf32>,
        %get3A_376 = arith.index_cast %add3A_360 : i32 to index
        %get3A_377 = arith.constant 32 : index
        %get3A_378 = tpu.vector_load %arg8[%get3A_376, %get3A_377] {strides = array<i32>} : memref<96x128xf32, #tpu.memory_space<vmem>>, vector<16xf32>,
        %mul3A_379 = arith.mulf %get3A_378, %get3A_362 : vector<16xf32>
        %swap3A_380 = arith.index_cast %add3A_360 : i32 to index
        %swap3A_381 = arith.constant 32 : index
        %swap3A_382 = tpu.vector_load %arg8[%swap3A_380, %swap3A_381] {strides = array<i32>} : memref<96x128xf32, #tpu.memory_space<vmem>>, vector<16xf32>,
        tpu.vector_store %arg8[%swap3A_380, %swap3A_381], %mul3A_379 {strides = array<i32>} : memref<96x128xf32, #tpu.memory_space<vmem>>, vector<16xf32>,
        %get3A_383 = arith.index_cast %add3A_360 : i32 to index
        %get3A_384 = arith.constant 48 : index
        %get3A_385 = tpu.vector_load %arg8[%get3A_383, %get3A_384] {strides = array<i32>} : memref<96x128xf32, #tpu.memory_space<vmem>>, vector<16xf32>,
        %mul3A_386 = arith.mulf %get3A_385, %get3A_362 : vector<16xf32>
        %swap3A_387 = arith.index_cast %add3A_360 : i32 to index
        %swap3A_388 = arith.constant 48 : index
        %swap3A_389 = tpu.vector_load %arg8[%swap3A_387, %swap3A_388] {strides = array<i32>} : memref<96x128xf32, #tpu.memory_space<vmem>>, vector<16xf32>,
        tpu.vector_store %arg8[%swap3A_387, %swap3A_388], %mul3A_386 {strides = array<i32>} : memref<96x128xf32, #tpu.memory_space<vmem>>, vector<16xf32>,
        %get3A_390 = arith.index_cast %add3A_360 : i32 to index
        %get3A_391 = arith.constant 64 : index
        %get3A_392 = tpu.vector_load %arg8[%get3A_390, %get3A_391] {strides = array<i32>} : memref<96x128xf32, #tpu.memory_space<vmem>>, vector<16xf32>,
        %mul3A_393 = arith.mulf %get3A_392, %get3A_362 : vector<16xf32>
        %swap3A_394 = arith.index_cast %add3A_360 : i32 to index
        %swap3A_395 = arith.constant 64 : index
        %swap3A_396 = tpu.vector_load %arg8[%swap3A_394, %swap3A_395] {strides = array<i32>} : memref<96x128xf32, #tpu.memory_space<vmem>>, vector<16xf32>,
        tpu.vector_store %arg8[%swap3A_394, %swap3A_395], %mul3A_393 {strides = array<i32>} : memref<96x128xf32, #tpu.memory_space<vmem>>, vector<16xf32>,
        %get3A_397 = arith.index_cast %add3A_360 : i32 to index
        %get3A_398 = arith.constant 80 : index
        %get3A_399 = tpu.vector_load %arg8[%get3A_397, %get3A_398] {strides = array<i32>} : memref<96x128xf32, #tpu.memory_space<vmem>>, vector<16xf32>,
        %mul3A_400 = arith.mulf %get3A_399, %get3A_362 : vector<16xf32>
        %swap3A_401 = arith.index_cast %add3A_360 : i32 to index
        %swap3A_402 = arith.constant 80 : index
        %swap3A_403 = tpu.vector_load %arg8[%swap3A_401, %swap3A_402] {strides = array<i32>} : memref<96x128xf32, #tpu.memory_space<vmem>>, vector<16xf32>,
        tpu.vector_store %arg8[%swap3A_401, %swap3A_402], %mul3A_400 {strides = array<i32>} : memref<96x128xf32, #tpu.memory_space<vmem>>, vector<16xf32>,
        %get3A_404 = arith.index_cast %add3A_360 : i32 to index
        %get3A_405 = arith.constant 96 : index
        %get3A_406 = tpu.vector_load %arg8[%get3A_404, %get3A_405] {strides = array<i32>} : memref<96x128xf32, #tpu.memory_space<vmem>>, vector<16xf32>,
        %mul3A_407 = arith.mulf %get3A_406, %get3A_362 : vector<16xf32>
        %swap3A_408 = arith.index_cast %add3A_360 : i32 to index
        %swap3A_409 = arith.constant 96 : index
        %swap3A_410 = tpu.vector_load %arg8[%swap3A_408, %swap3A_409] {strides = array<i32>} : memref<96x128xf32, #tpu.memory_space<vmem>>, vector<16xf32>,
        tpu.vector_store %arg8[%swap3A_408, %swap3A_409], %mul3A_407 {strides = array<i32>} : memref<96x128xf32, #tpu.memory_space<vmem>>, vector<16xf32>,
        %get3A_411 = arith.index_cast %add3A_360 : i32 to index
        %get3A_412 = arith.constant 112 : index
        %get3A_413 = tpu.vector_load %arg8[%get3A_411, %get3A_412] {strides = array<i32>} : memref<96x128xf32, #tpu.memory_space<vmem>>, vector<16xf32>,
        %mul3A_414 = arith.mulf %get3A_413, %get3A_362 : vector<16xf32>
        %swap3A_415 = arith.index_cast %add3A_360 : i32 to index
        %swap3A_416 = arith.constant 112 : index
        %swap3A_417 = tpu.vector_load %arg8[%swap3A_415, %swap3A_416] {strides = array<i32>} : memref<96x128xf32, #tpu.memory_space<vmem>>, vector<16xf32>,
        tpu.vector_store %arg8[%swap3A_415, %swap3A_416], %mul3A_414 {strides = array<i32>} : memref<96x128xf32, #tpu.memory_space<vmem>>, vector<16xf32>,
      }
      %scan3A_355 = arith.constant 96 : i32
      "tpu.region"() ({
        %run_scoped3A = tpu.sem_alloc : memref<!tpu.dma_semaphore, #tpu.memory_space<semaphore_mem>>
        %dma_start3A_356 = arith.constant 0 : i32
        %dma_start3A_357 = arith.constant 0 : i32
        %dma_start3A_358 = tpu.memref_slice %arg7[%dma_start3A_356, %dma_start3A_357] : memref<10240x128xf32, #tpu.memory_space<vmem_shared>> -> memref<10240x128xf32, #tpu.memory_space<vmem_shared>>
        tpu.enqueue_indirect_dma source(%arg8 : memref<96x128xf32, #tpu.memory_space<vmem>>) target(%dma_start3A_358 : memref<10240x128xf32, #tpu.memory_space<vmem_shared>>) offsets(%arg13 : memref<96xi32, #tpu.memory_space<vmem>>) semaphore(%run_scoped3A : memref<!tpu.dma_semaphore, #tpu.memory_space<semaphore_mem>>) {add = true}
        %dma_wait3A_359 = arith.constant 0 : i32
        %dma_wait3A_360 = arith.constant 0 : i32
        %dma_wait3A_361 = tpu.memref_slice %arg7[%dma_wait3A_359, %dma_wait3A_360] : memref<10240x128xf32, #tpu.memory_space<vmem_shared>> -> memref<10240x128xf32, #tpu.memory_space<vmem_shared>>
        tpu.wait_indirect_dma semaphore(%run_scoped3A : memref<!tpu.dma_semaphore, #tpu.memory_space<semaphore_mem>>) src(%arg8 : memref<96x128xf32, #tpu.memory_space<vmem>>) dst(%dma_wait3A_361 : memref<10240x128xf32, #tpu.memory_space<vmem_shared>>)
        tpu.yield
      }) : () -> ()
    }
    %scan3A_193 = arith.constant 104 : i32
    %dma_wait3A_194 = arith.constant 0 : i32
    %dma_wait3A_195 = tpu.memref_slice %arg3[%dma_wait3A_194] : memref<320000xi32, #tpu.memory_space<hbm>> -> memref<96xi32, #tpu.memory_space<hbm>>
    %dma_wait3A_196 = arith.constant 0 : i32
    %dma_wait3A_197 = tpu.memref_slice %arg3[%dma_wait3A_196] : memref<320000xi32, #tpu.memory_space<hbm>> -> memref<96xi32, #tpu.memory_space<hbm>>
    tpu.wait_dma2 semaphore(%arg12 : memref<!tpu.dma_semaphore, #tpu.memory_space<semaphore_mem>>) src(%dma_wait3A_197 : memref<96xi32, #tpu.memory_space<hbm>>) dst(%arg9 : memref<96xi32, #tpu.memory_space<vmem>>)
    %dma_wait3A_198 = arith.constant 0 : i32
    %dma_wait3A_199 = tpu.memref_slice %arg4[%dma_wait3A_198] : memref<320000xi32, #tpu.memory_space<hbm>> -> memref<96xi32, #tpu.memory_space<hbm>>
    %dma_wait3A_200 = arith.constant 0 : i32
    %dma_wait3A_201 = tpu.memref_slice %arg4[%dma_wait3A_200] : memref<320000xi32, #tpu.memory_space<hbm>> -> memref<96xi32, #tpu.memory_space<hbm>>
    tpu.wait_dma2 semaphore(%arg12 : memref<!tpu.dma_semaphore, #tpu.memory_space<semaphore_mem>>) src(%dma_wait3A_201 : memref<96xi32, #tpu.memory_space<hbm>>) dst(%arg10 : memref<96xi32, #tpu.memory_space<vmem>>)
    %dma_wait3A_202 = arith.constant 0 : i32
    %dma_wait3A_203 = arith.constant 0 : i32
    %dma_wait3A_204 = tpu.memref_slice %arg5[%dma_wait3A_202, %dma_wait3A_203] : memref<320000x16xf32, #tpu.memory_space<hbm>> -> memref<96x16xf32, #tpu.memory_space<hbm>>
    %dma_wait3A_205 = arith.constant 0 : i32
    %dma_wait3A_206 = arith.constant 0 : i32
    %dma_wait3A_207 = tpu.memref_slice %arg5[%dma_wait3A_205, %dma_wait3A_206] : memref<320000x16xf32, #tpu.memory_space<hbm>> -> memref<96x16xf32, #tpu.memory_space<hbm>>
    tpu.wait_dma2 semaphore(%arg12 : memref<!tpu.dma_semaphore, #tpu.memory_space<semaphore_mem>>) src(%dma_wait3A_207 : memref<96x16xf32, #tpu.memory_space<hbm>>) dst(%arg11 : memref<96x16xf32, #tpu.memory_space<vmem>>)
    %add3A_208 = arith.constant 19968 : i32
    %add3A_209 = arith.addi %mul3A_0, %add3A_208 : i32
    "tpu.region"() ({
      %run_scoped3A = tpu.sem_alloc : memref<!tpu.dma_semaphore, #tpu.memory_space<semaphore_mem>>
      %dma_start3A_262 = tpu.memref_slice %arg3[%add3A_209] : memref<320000xi32, #tpu.memory_space<hbm>> -> memref<32xi32, #tpu.memory_space<hbm>>
      %dma_start3A_263 = tpu.memref_slice %arg3[%add3A_209] : memref<320000xi32, #tpu.memory_space<hbm>> -> memref<32xi32, #tpu.memory_space<hbm>>
      tpu.enqueue_dma source(%dma_start3A_263 : memref<32xi32, #tpu.memory_space<hbm>>) target(%arg17 : memref<32xi32, #tpu.memory_space<vmem>>) target_semaphore(%run_scoped3A : memref<!tpu.dma_semaphore, #tpu.memory_space<semaphore_mem>>)
      %dma_wait3A_264 = tpu.memref_slice %arg3[%add3A_209] : memref<320000xi32, #tpu.memory_space<hbm>> -> memref<32xi32, #tpu.memory_space<hbm>>
      %dma_wait3A_265 = tpu.memref_slice %arg3[%add3A_209] : memref<320000xi32, #tpu.memory_space<hbm>> -> memref<32xi32, #tpu.memory_space<hbm>>
      tpu.wait_dma2 semaphore(%run_scoped3A : memref<!tpu.dma_semaphore, #tpu.memory_space<semaphore_mem>>) src(%dma_wait3A_265 : memref<32xi32, #tpu.memory_space<hbm>>) dst(%arg17 : memref<32xi32, #tpu.memory_space<vmem>>)
      tpu.yield
    }) : () -> ()
    "tpu.region"() ({
      %run_scoped3A = tpu.sem_alloc : memref<!tpu.dma_semaphore, #tpu.memory_space<semaphore_mem>>
      %dma_start3A_262 = tpu.memref_slice %arg4[%add3A_209] : memref<320000xi32, #tpu.memory_space<hbm>> -> memref<32xi32, #tpu.memory_space<hbm>>
      %dma_start3A_263 = tpu.memref_slice %arg4[%add3A_209] : memref<320000xi32, #tpu.memory_space<hbm>> -> memref<32xi32, #tpu.memory_space<hbm>>
      tpu.enqueue_dma source(%dma_start3A_263 : memref<32xi32, #tpu.memory_space<hbm>>) target(%arg18 : memref<32xi32, #tpu.memory_space<vmem>>) target_semaphore(%run_scoped3A : memref<!tpu.dma_semaphore, #tpu.memory_space<semaphore_mem>>)
      %dma_wait3A_264 = tpu.memref_slice %arg4[%add3A_209] : memref<320000xi32, #tpu.memory_space<hbm>> -> memref<32xi32, #tpu.memory_space<hbm>>
      %dma_wait3A_265 = tpu.memref_slice %arg4[%add3A_209] : memref<320000xi32, #tpu.memory_space<hbm>> -> memref<32xi32, #tpu.memory_space<hbm>>
      tpu.wait_dma2 semaphore(%run_scoped3A : memref<!tpu.dma_semaphore, #tpu.memory_space<semaphore_mem>>) src(%dma_wait3A_265 : memref<32xi32, #tpu.memory_space<hbm>>) dst(%arg18 : memref<32xi32, #tpu.memory_space<vmem>>)
      tpu.yield
    }) : () -> ()
    "tpu.region"() ({
      %run_scoped3A = tpu.sem_alloc : memref<!tpu.dma_semaphore, #tpu.memory_space<semaphore_mem>>
      %dma_start3A_262 = arith.constant 0 : i32
      %dma_start3A_263 = tpu.memref_slice %arg5[%add3A_209, %dma_start3A_262] : memref<320000x16xf32, #tpu.memory_space<hbm>> -> memref<32x16xf32, #tpu.memory_space<hbm>>
      %dma_start3A_264 = arith.constant 0 : i32
      %dma_start3A_265 = tpu.memref_slice %arg5[%add3A_209, %dma_start3A_264] : memref<320000x16xf32, #tpu.memory_space<hbm>> -> memref<32x16xf32, #tpu.memory_space<hbm>>
      tpu.enqueue_dma source(%dma_start3A_265 : memref<32x16xf32, #tpu.memory_space<hbm>>) target(%arg19 : memref<32x16xf32, #tpu.memory_space<vmem>>) target_semaphore(%run_scoped3A : memref<!tpu.dma_semaphore, #tpu.memory_space<semaphore_mem>>)
      %dma_wait3A_266 = arith.constant 0 : i32
      %dma_wait3A_267 = tpu.memref_slice %arg5[%add3A_209, %dma_wait3A_266] : memref<320000x16xf32, #tpu.memory_space<hbm>> -> memref<32x16xf32, #tpu.memory_space<hbm>>
      %dma_wait3A_268 = arith.constant 0 : i32
      %dma_wait3A_269 = tpu.memref_slice %arg5[%add3A_209, %dma_wait3A_268] : memref<320000x16xf32, #tpu.memory_space<hbm>> -> memref<32x16xf32, #tpu.memory_space<hbm>>
      tpu.wait_dma2 semaphore(%run_scoped3A : memref<!tpu.dma_semaphore, #tpu.memory_space<semaphore_mem>>) src(%dma_wait3A_269 : memref<32x16xf32, #tpu.memory_space<hbm>>) dst(%arg19 : memref<32x16xf32, #tpu.memory_space<vmem>>)
      tpu.yield
    }) : () -> ()
    %scan3A_210 = arith.constant 0 : i32
    %scan3A_211 = arith.constant 2 : i32
    %scan3A_212 = arith.addi %scan3A_210, %scan3A_211 : i32
    %scan3A_213 = arith.constant 1 : i32
    scf.for %scan3A_262 = %scan3A_210 to %scan3A_212 step %scan3A_213  : i32 {
      %mul3A_263 = arith.constant 1 : i32
      %mul3A_264 = arith.muli %scan3A_262, %mul3A_263 : i32
      %add3A_265 = arith.constant 0 : i32
      %add3A_266 = arith.addi %add3A_265, %mul3A_264 : i32
      %mul3A_267 = arith.constant 16 : i32
      %mul3A_268 = arith.muli %add3A_266, %mul3A_267 : i32
      %get3A = arith.index_cast %mul3A_268 : i32 to index
      %get3A_269 = tpu.vector_load %arg18[%get3A] {strides = array<i32>} : memref<32xi32, #tpu.memory_space<vmem>>, vector<16xi32>,
      %mul3A_270 = arith.constant 10000 : i32
      %mul3A_271 = arith.muli %add3A_132, %mul3A_270 : i32
      %broadcast_in_dim3A = vector.broadcast %mul3A_271 : i32 to vector<16xi32>
      %add3A_272 = arith.addi %get3A_269, %broadcast_in_dim3A : vector<16xi32>
      %swap3A = arith.index_cast %mul3A_268 : i32 to index
      %swap3A_273 = tpu.vector_load %arg18[%swap3A] {strides = array<i32>} : memref<32xi32, #tpu.memory_space<vmem>>, vector<16xi32>,
      tpu.vector_store %arg18[%swap3A], %add3A_272 {strides = array<i32>} : memref<32xi32, #tpu.memory_space<vmem>>, vector<16xi32>,
    }
    %scan3A_214 = arith.constant 2 : i32
    "tpu.region"() ({
      %run_scoped3A = tpu.sem_alloc : memref<!tpu.dma_semaphore, #tpu.memory_space<semaphore_mem>>
      %dma_start3A_262 = arith.constant 0 : i32
      %dma_start3A_263 = arith.constant 0 : i32
      %dma_start3A_264 = tpu.memref_slice %arg2[%dma_start3A_262, %dma_start3A_263] : memref<40000x128xf32, #tpu.memory_space<hbm>> -> memref<40000x128xf32, #tpu.memory_space<hbm>>
      tpu.enqueue_indirect_dma source(%dma_start3A_264 : memref<40000x128xf32, #tpu.memory_space<hbm>>) target(%arg16 : memref<32x128xf32, #tpu.memory_space<vmem>>) offsets(%arg18 : memref<32xi32, #tpu.memory_space<vmem>>) semaphore(%run_scoped3A : memref<!tpu.dma_semaphore, #tpu.memory_space<semaphore_mem>>)
      %dma_wait3A_265 = arith.constant 0 : i32
      %dma_wait3A_266 = arith.constant 0 : i32
      %dma_wait3A_267 = tpu.memref_slice %arg2[%dma_wait3A_265, %dma_wait3A_266] : memref<40000x128xf32, #tpu.memory_space<hbm>> -> memref<40000x128xf32, #tpu.memory_space<hbm>>
      tpu.wait_indirect_dma semaphore(%run_scoped3A : memref<!tpu.dma_semaphore, #tpu.memory_space<semaphore_mem>>) src(%dma_wait3A_267 : memref<40000x128xf32, #tpu.memory_space<hbm>>) dst(%arg16 : memref<32x128xf32, #tpu.memory_space<vmem>>)
      tpu.yield
    }) : () -> ()
    %scan3A_215 = arith.constant 0 : i32
    %scan3A_216 = arith.constant 32 : i32
    %scan3A_217 = arith.addi %scan3A_215, %scan3A_216 : i32
    %scan3A_218 = arith.constant 1 : i32
    scf.for %scan3A_262 = %scan3A_215 to %scan3A_217 step %scan3A_218  : i32 {
      %mul3A_263 = arith.constant 1 : i32
      %mul3A_264 = arith.muli %scan3A_262, %mul3A_263 : i32
      %add3A_265 = arith.constant 0 : i32
      %add3A_266 = arith.addi %add3A_265, %mul3A_264 : i32
      %get3A = arith.index_cast %add3A_266 : i32 to index
      %get3A_267 = arith.constant 0 : index
      %get3A_268 = tpu.vector_load %arg19[%get3A, %get3A_267] {strides = array<i32>} : memref<32x16xf32, #tpu.memory_space<vmem>>, vector<16xf32>,
      %get3A_269 = arith.index_cast %add3A_266 : i32 to index
      %get3A_270 = arith.constant 0 : index
      %get3A_271 = tpu.vector_load %arg16[%get3A_269, %get3A_270] {strides = array<i32>} : memref<32x128xf32, #tpu.memory_space<vmem>>, vector<16xf32>,
      %mul3A_272 = arith.mulf %get3A_271, %get3A_268 : vector<16xf32>
      %swap3A = arith.index_cast %add3A_266 : i32 to index
      %swap3A_273 = arith.constant 0 : index
      %swap3A_274 = tpu.vector_load %arg16[%swap3A, %swap3A_273] {strides = array<i32>} : memref<32x128xf32, #tpu.memory_space<vmem>>, vector<16xf32>,
      tpu.vector_store %arg16[%swap3A, %swap3A_273], %mul3A_272 {strides = array<i32>} : memref<32x128xf32, #tpu.memory_space<vmem>>, vector<16xf32>,
      %get3A_275 = arith.index_cast %add3A_266 : i32 to index
      %get3A_276 = arith.constant 16 : index
      %get3A_277 = tpu.vector_load %arg16[%get3A_275, %get3A_276] {strides = array<i32>} : memref<32x128xf32, #tpu.memory_space<vmem>>, vector<16xf32>,
      %mul3A_278 = arith.mulf %get3A_277, %get3A_268 : vector<16xf32>
      %swap3A_279 = arith.index_cast %add3A_266 : i32 to index
      %swap3A_280 = arith.constant 16 : index
      %swap3A_281 = tpu.vector_load %arg16[%swap3A_279, %swap3A_280] {strides = array<i32>} : memref<32x128xf32, #tpu.memory_space<vmem>>, vector<16xf32>,
      tpu.vector_store %arg16[%swap3A_279, %swap3A_280], %mul3A_278 {strides = array<i32>} : memref<32x128xf32, #tpu.memory_space<vmem>>, vector<16xf32>,
      %get3A_282 = arith.index_cast %add3A_266 : i32 to index
      %get3A_283 = arith.constant 32 : index
      %get3A_284 = tpu.vector_load %arg16[%get3A_282, %get3A_283] {strides = array<i32>} : memref<32x128xf32, #tpu.memory_space<vmem>>, vector<16xf32>,
      %mul3A_285 = arith.mulf %get3A_284, %get3A_268 : vector<16xf32>
      %swap3A_286 = arith.index_cast %add3A_266 : i32 to index
      %swap3A_287 = arith.constant 32 : index
      %swap3A_288 = tpu.vector_load %arg16[%swap3A_286, %swap3A_287] {strides = array<i32>} : memref<32x128xf32, #tpu.memory_space<vmem>>, vector<16xf32>,
      tpu.vector_store %arg16[%swap3A_286, %swap3A_287], %mul3A_285 {strides = array<i32>} : memref<32x128xf32, #tpu.memory_space<vmem>>, vector<16xf32>,
      %get3A_289 = arith.index_cast %add3A_266 : i32 to index
      %get3A_290 = arith.constant 48 : index
      %get3A_291 = tpu.vector_load %arg16[%get3A_289, %get3A_290] {strides = array<i32>} : memref<32x128xf32, #tpu.memory_space<vmem>>, vector<16xf32>,
      %mul3A_292 = arith.mulf %get3A_291, %get3A_268 : vector<16xf32>
      %swap3A_293 = arith.index_cast %add3A_266 : i32 to index
      %swap3A_294 = arith.constant 48 : index
      %swap3A_295 = tpu.vector_load %arg16[%swap3A_293, %swap3A_294] {strides = array<i32>} : memref<32x128xf32, #tpu.memory_space<vmem>>, vector<16xf32>,
      tpu.vector_store %arg16[%swap3A_293, %swap3A_294], %mul3A_292 {strides = array<i32>} : memref<32x128xf32, #tpu.memory_space<vmem>>, vector<16xf32>,
      %get3A_296 = arith.index_cast %add3A_266 : i32 to index
      %get3A_297 = arith.constant 64 : index
      %get3A_298 = tpu.vector_load %arg16[%get3A_296, %get3A_297] {strides = array<i32>} : memref<32x128xf32, #tpu.memory_space<vmem>>, vector<16xf32>,
      %mul3A_299 = arith.mulf %get3A_298, %get3A_268 : vector<16xf32>
      %swap3A_300 = arith.index_cast %add3A_266 : i32 to index
      %swap3A_301 = arith.constant 64 : index
      %swap3A_302 = tpu.vector_load %arg16[%swap3A_300, %swap3A_301] {strides = array<i32>} : memref<32x128xf32, #tpu.memory_space<vmem>>, vector<16xf32>,
      tpu.vector_store %arg16[%swap3A_300, %swap3A_301], %mul3A_299 {strides = array<i32>} : memref<32x128xf32, #tpu.memory_space<vmem>>, vector<16xf32>,
      %get3A_303 = arith.index_cast %add3A_266 : i32 to index
      %get3A_304 = arith.constant 80 : index
      %get3A_305 = tpu.vector_load %arg16[%get3A_303, %get3A_304] {strides = array<i32>} : memref<32x128xf32, #tpu.memory_space<vmem>>, vector<16xf32>,
      %mul3A_306 = arith.mulf %get3A_305, %get3A_268 : vector<16xf32>
      %swap3A_307 = arith.index_cast %add3A_266 : i32 to index
      %swap3A_308 = arith.constant 80 : index
      %swap3A_309 = tpu.vector_load %arg16[%swap3A_307, %swap3A_308] {strides = array<i32>} : memref<32x128xf32, #tpu.memory_space<vmem>>, vector<16xf32>,
      tpu.vector_store %arg16[%swap3A_307, %swap3A_308], %mul3A_306 {strides = array<i32>} : memref<32x128xf32, #tpu.memory_space<vmem>>, vector<16xf32>,
      %get3A_310 = arith.index_cast %add3A_266 : i32 to index
      %get3A_311 = arith.constant 96 : index
      %get3A_312 = tpu.vector_load %arg16[%get3A_310, %get3A_311] {strides = array<i32>} : memref<32x128xf32, #tpu.memory_space<vmem>>, vector<16xf32>,
      %mul3A_313 = arith.mulf %get3A_312, %get3A_268 : vector<16xf32>
      %swap3A_314 = arith.index_cast %add3A_266 : i32 to index
      %swap3A_315 = arith.constant 96 : index
      %swap3A_316 = tpu.vector_load %arg16[%swap3A_314, %swap3A_315] {strides = array<i32>} : memref<32x128xf32, #tpu.memory_space<vmem>>, vector<16xf32>,
      tpu.vector_store %arg16[%swap3A_314, %swap3A_315], %mul3A_313 {strides = array<i32>} : memref<32x128xf32, #tpu.memory_space<vmem>>, vector<16xf32>,
      %get3A_317 = arith.index_cast %add3A_266 : i32 to index
      %get3A_318 = arith.constant 112 : index
      %get3A_319 = tpu.vector_load %arg16[%get3A_317, %get3A_318] {strides = array<i32>} : memref<32x128xf32, #tpu.memory_space<vmem>>, vector<16xf32>,
      %mul3A_320 = arith.mulf %get3A_319, %get3A_268 : vector<16xf32>
      %swap3A_321 = arith.index_cast %add3A_266 : i32 to index
      %swap3A_322 = arith.constant 112 : index
      %swap3A_323 = tpu.vector_load %arg16[%swap3A_321, %swap3A_322] {strides = array<i32>} : memref<32x128xf32, #tpu.memory_space<vmem>>, vector<16xf32>,
      tpu.vector_store %arg16[%swap3A_321, %swap3A_322], %mul3A_320 {strides = array<i32>} : memref<32x128xf32, #tpu.memory_space<vmem>>, vector<16xf32>,
    }
    %scan3A_219 = arith.constant 32 : i32
    "tpu.region"() ({
      %run_scoped3A = tpu.sem_alloc : memref<!tpu.dma_semaphore, #tpu.memory_space<semaphore_mem>>
      %dma_start3A_262 = arith.constant 0 : i32
      %dma_start3A_263 = arith.constant 0 : i32
      %dma_start3A_264 = tpu.memref_slice %arg7[%dma_start3A_262, %dma_start3A_263] : memref<10240x128xf32, #tpu.memory_space<vmem_shared>> -> memref<10240x128xf32, #tpu.memory_space<vmem_shared>>
      tpu.enqueue_indirect_dma source(%arg16 : memref<32x128xf32, #tpu.memory_space<vmem>>) target(%dma_start3A_264 : memref<10240x128xf32, #tpu.memory_space<vmem_shared>>) offsets(%arg17 : memref<32xi32, #tpu.memory_space<vmem>>) semaphore(%run_scoped3A : memref<!tpu.dma_semaphore, #tpu.memory_space<semaphore_mem>>) {add = true}
      %dma_wait3A_265 = arith.constant 0 : i32
      %dma_wait3A_266 = arith.constant 0 : i32
      %dma_wait3A_267 = tpu.memref_slice %arg7[%dma_wait3A_265, %dma_wait3A_266] : memref<10240x128xf32, #tpu.memory_space<vmem_shared>> -> memref<10240x128xf32, #tpu.memory_space<vmem_shared>>
      tpu.wait_indirect_dma semaphore(%run_scoped3A : memref<!tpu.dma_semaphore, #tpu.memory_space<semaphore_mem>>) src(%arg16 : memref<32x128xf32, #tpu.memory_space<vmem>>) dst(%dma_wait3A_267 : memref<10240x128xf32, #tpu.memory_space<vmem_shared>>)
      tpu.yield
    }) : () -> ()
    %barrier3A_220 = arith.constant 0 : index
    tpu.barrier barrier_id(%barrier3A_220)
    %mul3A_221 = arith.constant 640 : i32
    %mul3A_222 = arith.muli %arg1, %mul3A_221 : i32
    %add3A_223 = arith.constant 0 : i32
    %add3A_224 = arith.addi %mul3A_222, %add3A_223 : i32
    "tpu.region"() ({
      %run_scoped3A = tpu.sem_alloc : memref<!tpu.dma_semaphore, #tpu.memory_space<semaphore_mem>>
      %dma_start3A_262 = arith.constant 0 : i32
      %dma_start3A_263 = tpu.memref_slice %arg6[%add3A_132, %add3A_224, %dma_start3A_262] : memref<4x10240x128xf32, #tpu.memory_space<hbm>> -> memref<1x64x128xf32, #tpu.memory_space<hbm>>
      %dma_start3A_264 = tpu.memref_squeeze %dma_start3A_263 : memref<1x64x128xf32, #tpu.memory_space<hbm>> -> memref<64x128xf32, #tpu.memory_space<hbm>>
      %dma_start3A_265 = arith.constant 0 : i32
      %dma_start3A_266 = tpu.memref_slice %arg7[%add3A_224, %dma_start3A_265] : memref<10240x128xf32, #tpu.memory_space<vmem_shared>> -> memref<64x128xf32, #tpu.memory_space<vmem_shared>>
      tpu.enqueue_dma source(%dma_start3A_266 : memref<64x128xf32, #tpu.memory_space<vmem_shared>>) target(%dma_start3A_264 : memref<64x128xf32, #tpu.memory_space<hbm>>) target_semaphore(%run_scoped3A : memref<!tpu.dma_semaphore, #tpu.memory_space<semaphore_mem>>)
      %dma_wait3A_267 = arith.constant 0 : i32
      %dma_wait3A_268 = tpu.memref_slice %arg6[%add3A_132, %add3A_224, %dma_wait3A_267] : memref<4x10240x128xf32, #tpu.memory_space<hbm>> -> memref<1x64x128xf32, #tpu.memory_space<hbm>>
      %dma_wait3A_269 = tpu.memref_squeeze %dma_wait3A_268 : memref<1x64x128xf32, #tpu.memory_space<hbm>> -> memref<64x128xf32, #tpu.memory_space<hbm>>
      %dma_wait3A_270 = arith.constant 0 : i32
      %dma_wait3A_271 = tpu.memref_slice %arg7[%add3A_224, %dma_wait3A_270] : memref<10240x128xf32, #tpu.memory_space<vmem_shared>> -> memref<64x128xf32, #tpu.memory_space<vmem_shared>>
      tpu.wait_dma2 semaphore(%run_scoped3A : memref<!tpu.dma_semaphore, #tpu.memory_space<semaphore_mem>>) src(%dma_wait3A_271 : memref<64x128xf32, #tpu.memory_space<vmem_shared>>) dst(%dma_wait3A_269 : memref<64x128xf32, #tpu.memory_space<hbm>>)
      tpu.yield
    }) : () -> ()
    %mul3A_225 = arith.constant 640 : i32
    %mul3A_226 = arith.muli %arg1, %mul3A_225 : i32
    %add3A_227 = arith.constant 64 : i32
    %add3A_228 = arith.addi %mul3A_226, %add3A_227 : i32
    "tpu.region"() ({
      %run_scoped3A = tpu.sem_alloc : memref<!tpu.dma_semaphore, #tpu.memory_space<semaphore_mem>>
      %dma_start3A_262 = arith.constant 0 : i32
      %dma_start3A_263 = tpu.memref_slice %arg6[%add3A_132, %add3A_228, %dma_start3A_262] : memref<4x10240x128xf32, #tpu.memory_space<hbm>> -> memref<1x64x128xf32, #tpu.memory_space<hbm>>
      %dma_start3A_264 = tpu.memref_squeeze %dma_start3A_263 : memref<1x64x128xf32, #tpu.memory_space<hbm>> -> memref<64x128xf32, #tpu.memory_space<hbm>>
      %dma_start3A_265 = arith.constant 0 : i32
      %dma_start3A_266 = tpu.memref_slice %arg7[%add3A_228, %dma_start3A_265] : memref<10240x128xf32, #tpu.memory_space<vmem_shared>> -> memref<64x128xf32, #tpu.memory_space<vmem_shared>>
      tpu.enqueue_dma source(%dma_start3A_266 : memref<64x128xf32, #tpu.memory_space<vmem_shared>>) target(%dma_start3A_264 : memref<64x128xf32, #tpu.memory_space<hbm>>) target_semaphore(%run_scoped3A : memref<!tpu.dma_semaphore, #tpu.memory_space<semaphore_mem>>)
      %dma_wait3A_267 = arith.constant 0 : i32
      %dma_wait3A_268 = tpu.memref_slice %arg6[%add3A_132, %add3A_228, %dma_wait3A_267] : memref<4x10240x128xf32, #tpu.memory_space<hbm>> -> memref<1x64x128xf32, #tpu.memory_space<hbm>>
      %dma_wait3A_269 = tpu.memref_squeeze %dma_wait3A_268 : memref<1x64x128xf32, #tpu.memory_space<hbm>> -> memref<64x128xf32, #tpu.memory_space<hbm>>
      %dma_wait3A_270 = arith.constant 0 : i32
      %dma_wait3A_271 = tpu.memref_slice %arg7[%add3A_228, %dma_wait3A_270] : memref<10240x128xf32, #tpu.memory_space<vmem_shared>> -> memref<64x128xf32, #tpu.memory_space<vmem_shared>>
      tpu.wait_dma2 semaphore(%run_scoped3A : memref<!tpu.dma_semaphore, #tpu.memory_space<semaphore_mem>>) src(%dma_wait3A_271 : memref<64x128xf32, #tpu.memory_space<vmem_shared>>) dst(%dma_wait3A_269 : memref<64x128xf32, #tpu.memory_space<hbm>>)
      tpu.yield
    }) : () -> ()
    %mul3A_229 = arith.constant 640 : i32
    %mul3A_230 = arith.muli %arg1, %mul3A_229 : i32
    %add3A_231 = arith.constant 128 : i32
    %add3A_232 = arith.addi %mul3A_230, %add3A_231 : i32
    "tpu.region"() ({
      %run_scoped3A = tpu.sem_alloc : memref<!tpu.dma_semaphore, #tpu.memory_space<semaphore_mem>>
      %dma_start3A_262 = arith.constant 0 : i32
      %dma_start3A_263 = tpu.memref_slice %arg6[%add3A_132, %add3A_232, %dma_start3A_262] : memref<4x10240x128xf32, #tpu.memory_space<hbm>> -> memref<1x64x128xf32, #tpu.memory_space<hbm>>
      %dma_start3A_264 = tpu.memref_squeeze %dma_start3A_263 : memref<1x64x128xf32, #tpu.memory_space<hbm>> -> memref<64x128xf32, #tpu.memory_space<hbm>>
      %dma_start3A_265 = arith.constant 0 : i32
      %dma_start3A_266 = tpu.memref_slice %arg7[%add3A_232, %dma_start3A_265] : memref<10240x128xf32, #tpu.memory_space<vmem_shared>> -> memref<64x128xf32, #tpu.memory_space<vmem_shared>>
      tpu.enqueue_dma source(%dma_start3A_266 : memref<64x128xf32, #tpu.memory_space<vmem_shared>>) target(%dma_start3A_264 : memref<64x128xf32, #tpu.memory_space<hbm>>) target_semaphore(%run_scoped3A : memref<!tpu.dma_semaphore, #tpu.memory_space<semaphore_mem>>)
      %dma_wait3A_267 = arith.constant 0 : i32
      %dma_wait3A_268 = tpu.memref_slice %arg6[%add3A_132, %add3A_232, %dma_wait3A_267] : memref<4x10240x128xf32, #tpu.memory_space<hbm>> -> memref<1x64x128xf32, #tpu.memory_space<hbm>>
      %dma_wait3A_269 = tpu.memref_squeeze %dma_wait3A_268 : memref<1x64x128xf32, #tpu.memory_space<hbm>> -> memref<64x128xf32, #tpu.memory_space<hbm>>
      %dma_wait3A_270 = arith.constant 0 : i32
      %dma_wait3A_271 = tpu.memref_slice %arg7[%add3A_232, %dma_wait3A_270] : memref<10240x128xf32, #tpu.memory_space<vmem_shared>> -> memref<64x128xf32, #tpu.memory_space<vmem_shared>>
      tpu.wait_dma2 semaphore(%run_scoped3A : memref<!tpu.dma_semaphore, #tpu.memory_space<semaphore_mem>>) src(%dma_wait3A_271 : memref<64x128xf32, #tpu.memory_space<vmem_shared>>) dst(%dma_wait3A_269 : memref<64x128xf32, #tpu.memory_space<hbm>>)
      tpu.yield
    }) : () -> ()
    %mul3A_233 = arith.constant 640 : i32
    %mul3A_234 = arith.muli %arg1, %mul3A_233 : i32
    %add3A_235 = arith.constant 192 : i32
    %add3A_236 = arith.addi %mul3A_234, %add3A_235 : i32
    "tpu.region"() ({
      %run_scoped3A = tpu.sem_alloc : memref<!tpu.dma_semaphore, #tpu.memory_space<semaphore_mem>>
      %dma_start3A_262 = arith.constant 0 : i32
      %dma_start3A_263 = tpu.memref_slice %arg6[%add3A_132, %add3A_236, %dma_start3A_262] : memref<4x10240x128xf32, #tpu.memory_space<hbm>> -> memref<1x64x128xf32, #tpu.memory_space<hbm>>
      %dma_start3A_264 = tpu.memref_squeeze %dma_start3A_263 : memref<1x64x128xf32, #tpu.memory_space<hbm>> -> memref<64x128xf32, #tpu.memory_space<hbm>>
      %dma_start3A_265 = arith.constant 0 : i32
      %dma_start3A_266 = tpu.memref_slice %arg7[%add3A_236, %dma_start3A_265] : memref<10240x128xf32, #tpu.memory_space<vmem_shared>> -> memref<64x128xf32, #tpu.memory_space<vmem_shared>>
      tpu.enqueue_dma source(%dma_start3A_266 : memref<64x128xf32, #tpu.memory_space<vmem_shared>>) target(%dma_start3A_264 : memref<64x128xf32, #tpu.memory_space<hbm>>) target_semaphore(%run_scoped3A : memref<!tpu.dma_semaphore, #tpu.memory_space<semaphore_mem>>)
      %dma_wait3A_267 = arith.constant 0 : i32
      %dma_wait3A_268 = tpu.memref_slice %arg6[%add3A_132, %add3A_236, %dma_wait3A_267] : memref<4x10240x128xf32, #tpu.memory_space<hbm>> -> memref<1x64x128xf32, #tpu.memory_space<hbm>>
      %dma_wait3A_269 = tpu.memref_squeeze %dma_wait3A_268 : memref<1x64x128xf32, #tpu.memory_space<hbm>> -> memref<64x128xf32, #tpu.memory_space<hbm>>
      %dma_wait3A_270 = arith.constant 0 : i32
      %dma_wait3A_271 = tpu.memref_slice %arg7[%add3A_236, %dma_wait3A_270] : memref<10240x128xf32, #tpu.memory_space<vmem_shared>> -> memref<64x128xf32, #tpu.memory_space<vmem_shared>>
      tpu.wait_dma2 semaphore(%run_scoped3A : memref<!tpu.dma_semaphore, #tpu.memory_space<semaphore_mem>>) src(%dma_wait3A_271 : memref<64x128xf32, #tpu.memory_space<vmem_shared>>) dst(%dma_wait3A_269 : memref<64x128xf32, #tpu.memory_space<hbm>>)
      tpu.yield
    }) : () -> ()
    %mul3A_237 = arith.constant 640 : i32
    %mul3A_238 = arith.muli %arg1, %mul3A_237 : i32
    %add3A_239 = arith.constant 256 : i32
    %add3A_240 = arith.addi %mul3A_238, %add3A_239 : i32
    "tpu.region"() ({
      %run_scoped3A = tpu.sem_alloc : memref<!tpu.dma_semaphore, #tpu.memory_space<semaphore_mem>>
      %dma_start3A_262 = arith.constant 0 : i32
      %dma_start3A_263 = tpu.memref_slice %arg6[%add3A_132, %add3A_240, %dma_start3A_262] : memref<4x10240x128xf32, #tpu.memory_space<hbm>> -> memref<1x64x128xf32, #tpu.memory_space<hbm>>
      %dma_start3A_264 = tpu.memref_squeeze %dma_start3A_263 : memref<1x64x128xf32, #tpu.memory_space<hbm>> -> memref<64x128xf32, #tpu.memory_space<hbm>>
      %dma_start3A_265 = arith.constant 0 : i32
      %dma_start3A_266 = tpu.memref_slice %arg7[%add3A_240, %dma_start3A_265] : memref<10240x128xf32, #tpu.memory_space<vmem_shared>> -> memref<64x128xf32, #tpu.memory_space<vmem_shared>>
      tpu.enqueue_dma source(%dma_start3A_266 : memref<64x128xf32, #tpu.memory_space<vmem_shared>>) target(%dma_start3A_264 : memref<64x128xf32, #tpu.memory_space<hbm>>) target_semaphore(%run_scoped3A : memref<!tpu.dma_semaphore, #tpu.memory_space<semaphore_mem>>)
      %dma_wait3A_267 = arith.constant 0 : i32
      %dma_wait3A_268 = tpu.memref_slice %arg6[%add3A_132, %add3A_240, %dma_wait3A_267] : memref<4x10240x128xf32, #tpu.memory_space<hbm>> -> memref<1x64x128xf32, #tpu.memory_space<hbm>>
      %dma_wait3A_269 = tpu.memref_squeeze %dma_wait3A_268 : memref<1x64x128xf32, #tpu.memory_space<hbm>> -> memref<64x128xf32, #tpu.memory_space<hbm>>
      %dma_wait3A_270 = arith.constant 0 : i32
      %dma_wait3A_271 = tpu.memref_slice %arg7[%add3A_240, %dma_wait3A_270] : memref<10240x128xf32, #tpu.memory_space<vmem_shared>> -> memref<64x128xf32, #tpu.memory_space<vmem_shared>>
      tpu.wait_dma2 semaphore(%run_scoped3A : memref<!tpu.dma_semaphore, #tpu.memory_space<semaphore_mem>>) src(%dma_wait3A_271 : memref<64x128xf32, #tpu.memory_space<vmem_shared>>) dst(%dma_wait3A_269 : memref<64x128xf32, #tpu.memory_space<hbm>>)
      tpu.yield
    }) : () -> ()
    %mul3A_241 = arith.constant 640 : i32
    %mul3A_242 = arith.muli %arg1, %mul3A_241 : i32
    %add3A_243 = arith.constant 320 : i32
    %add3A_244 = arith.addi %mul3A_242, %add3A_243 : i32
    "tpu.region"() ({
      %run_scoped3A = tpu.sem_alloc : memref<!tpu.dma_semaphore, #tpu.memory_space<semaphore_mem>>
      %dma_start3A_262 = arith.constant 0 : i32
      %dma_start3A_263 = tpu.memref_slice %arg6[%add3A_132, %add3A_244, %dma_start3A_262] : memref<4x10240x128xf32, #tpu.memory_space<hbm>> -> memref<1x64x128xf32, #tpu.memory_space<hbm>>
      %dma_start3A_264 = tpu.memref_squeeze %dma_start3A_263 : memref<1x64x128xf32, #tpu.memory_space<hbm>> -> memref<64x128xf32, #tpu.memory_space<hbm>>
      %dma_start3A_265 = arith.constant 0 : i32
      %dma_start3A_266 = tpu.memref_slice %arg7[%add3A_244, %dma_start3A_265] : memref<10240x128xf32, #tpu.memory_space<vmem_shared>> -> memref<64x128xf32, #tpu.memory_space<vmem_shared>>
      tpu.enqueue_dma source(%dma_start3A_266 : memref<64x128xf32, #tpu.memory_space<vmem_shared>>) target(%dma_start3A_264 : memref<64x128xf32, #tpu.memory_space<hbm>>) target_semaphore(%run_scoped3A : memref<!tpu.dma_semaphore, #tpu.memory_space<semaphore_mem>>)
      %dma_wait3A_267 = arith.constant 0 : i32
      %dma_wait3A_268 = tpu.memref_slice %arg6[%add3A_132, %add3A_244, %dma_wait3A_267] : memref<4x10240x128xf32, #tpu.memory_space<hbm>> -> memref<1x64x128xf32, #tpu.memory_space<hbm>>
      %dma_wait3A_269 = tpu.memref_squeeze %dma_wait3A_268 : memref<1x64x128xf32, #tpu.memory_space<hbm>> -> memref<64x128xf32, #tpu.memory_space<hbm>>
      %dma_wait3A_270 = arith.constant 0 : i32
      %dma_wait3A_271 = tpu.memref_slice %arg7[%add3A_244, %dma_wait3A_270] : memref<10240x128xf32, #tpu.memory_space<vmem_shared>> -> memref<64x128xf32, #tpu.memory_space<vmem_shared>>
      tpu.wait_dma2 semaphore(%run_scoped3A : memref<!tpu.dma_semaphore, #tpu.memory_space<semaphore_mem>>) src(%dma_wait3A_271 : memref<64x128xf32, #tpu.memory_space<vmem_shared>>) dst(%dma_wait3A_269 : memref<64x128xf32, #tpu.memory_space<hbm>>)
      tpu.yield
    }) : () -> ()
    %mul3A_245 = arith.constant 640 : i32
    %mul3A_246 = arith.muli %arg1, %mul3A_245 : i32
    %add3A_247 = arith.constant 384 : i32
    %add3A_248 = arith.addi %mul3A_246, %add3A_247 : i32
    "tpu.region"() ({
      %run_scoped3A = tpu.sem_alloc : memref<!tpu.dma_semaphore, #tpu.memory_space<semaphore_mem>>
      %dma_start3A_262 = arith.constant 0 : i32
      %dma_start3A_263 = tpu.memref_slice %arg6[%add3A_132, %add3A_248, %dma_start3A_262] : memref<4x10240x128xf32, #tpu.memory_space<hbm>> -> memref<1x64x128xf32, #tpu.memory_space<hbm>>
      %dma_start3A_264 = tpu.memref_squeeze %dma_start3A_263 : memref<1x64x128xf32, #tpu.memory_space<hbm>> -> memref<64x128xf32, #tpu.memory_space<hbm>>
      %dma_start3A_265 = arith.constant 0 : i32
      %dma_start3A_266 = tpu.memref_slice %arg7[%add3A_248, %dma_start3A_265] : memref<10240x128xf32, #tpu.memory_space<vmem_shared>> -> memref<64x128xf32, #tpu.memory_space<vmem_shared>>
      tpu.enqueue_dma source(%dma_start3A_266 : memref<64x128xf32, #tpu.memory_space<vmem_shared>>) target(%dma_start3A_264 : memref<64x128xf32, #tpu.memory_space<hbm>>) target_semaphore(%run_scoped3A : memref<!tpu.dma_semaphore, #tpu.memory_space<semaphore_mem>>)
      %dma_wait3A_267 = arith.constant 0 : i32
      %dma_wait3A_268 = tpu.memref_slice %arg6[%add3A_132, %add3A_248, %dma_wait3A_267] : memref<4x10240x128xf32, #tpu.memory_space<hbm>> -> memref<1x64x128xf32, #tpu.memory_space<hbm>>
      %dma_wait3A_269 = tpu.memref_squeeze %dma_wait3A_268 : memref<1x64x128xf32, #tpu.memory_space<hbm>> -> memref<64x128xf32, #tpu.memory_space<hbm>>
      %dma_wait3A_270 = arith.constant 0 : i32
      %dma_wait3A_271 = tpu.memref_slice %arg7[%add3A_248, %dma_wait3A_270] : memref<10240x128xf32, #tpu.memory_space<vmem_shared>> -> memref<64x128xf32, #tpu.memory_space<vmem_shared>>
      tpu.wait_dma2 semaphore(%run_scoped3A : memref<!tpu.dma_semaphore, #tpu.memory_space<semaphore_mem>>) src(%dma_wait3A_271 : memref<64x128xf32, #tpu.memory_space<vmem_shared>>) dst(%dma_wait3A_269 : memref<64x128xf32, #tpu.memory_space<hbm>>)
      tpu.yield
    }) : () -> ()
    %mul3A_249 = arith.constant 640 : i32
    %mul3A_250 = arith.muli %arg1, %mul3A_249 : i32
    %add3A_251 = arith.constant 448 : i32
    %add3A_252 = arith.addi %mul3A_250, %add3A_251 : i32
    "tpu.region"() ({
      %run_scoped3A = tpu.sem_alloc : memref<!tpu.dma_semaphore, #tpu.memory_space<semaphore_mem>>
      %dma_start3A_262 = arith.constant 0 : i32
      %dma_start3A_263 = tpu.memref_slice %arg6[%add3A_132, %add3A_252, %dma_start3A_262] : memref<4x10240x128xf32, #tpu.memory_space<hbm>> -> memref<1x64x128xf32, #tpu.memory_space<hbm>>
      %dma_start3A_264 = tpu.memref_squeeze %dma_start3A_263 : memref<1x64x128xf32, #tpu.memory_space<hbm>> -> memref<64x128xf32, #tpu.memory_space<hbm>>
      %dma_start3A_265 = arith.constant 0 : i32
      %dma_start3A_266 = tpu.memref_slice %arg7[%add3A_252, %dma_start3A_265] : memref<10240x128xf32, #tpu.memory_space<vmem_shared>> -> memref<64x128xf32, #tpu.memory_space<vmem_shared>>
      tpu.enqueue_dma source(%dma_start3A_266 : memref<64x128xf32, #tpu.memory_space<vmem_shared>>) target(%dma_start3A_264 : memref<64x128xf32, #tpu.memory_space<hbm>>) target_semaphore(%run_scoped3A : memref<!tpu.dma_semaphore, #tpu.memory_space<semaphore_mem>>)
      %dma_wait3A_267 = arith.constant 0 : i32
      %dma_wait3A_268 = tpu.memref_slice %arg6[%add3A_132, %add3A_252, %dma_wait3A_267] : memref<4x10240x128xf32, #tpu.memory_space<hbm>> -> memref<1x64x128xf32, #tpu.memory_space<hbm>>
      %dma_wait3A_269 = tpu.memref_squeeze %dma_wait3A_268 : memref<1x64x128xf32, #tpu.memory_space<hbm>> -> memref<64x128xf32, #tpu.memory_space<hbm>>
      %dma_wait3A_270 = arith.constant 0 : i32
      %dma_wait3A_271 = tpu.memref_slice %arg7[%add3A_252, %dma_wait3A_270] : memref<10240x128xf32, #tpu.memory_space<vmem_shared>> -> memref<64x128xf32, #tpu.memory_space<vmem_shared>>
      tpu.wait_dma2 semaphore(%run_scoped3A : memref<!tpu.dma_semaphore, #tpu.memory_space<semaphore_mem>>) src(%dma_wait3A_271 : memref<64x128xf32, #tpu.memory_space<vmem_shared>>) dst(%dma_wait3A_269 : memref<64x128xf32, #tpu.memory_space<hbm>>)
      tpu.yield
    }) : () -> ()
    %mul3A_253 = arith.constant 640 : i32
    %mul3A_254 = arith.muli %arg1, %mul3A_253 : i32
    %add3A_255 = arith.constant 512 : i32
    %add3A_256 = arith.addi %mul3A_254, %add3A_255 : i32
    "tpu.region"() ({
      %run_scoped3A = tpu.sem_alloc : memref<!tpu.dma_semaphore, #tpu.memory_space<semaphore_mem>>
      %dma_start3A_262 = arith.constant 0 : i32
      %dma_start3A_263 = tpu.memref_slice %arg6[%add3A_132, %add3A_256, %dma_start3A_262] : memref<4x10240x128xf32, #tpu.memory_space<hbm>> -> memref<1x64x128xf32, #tpu.memory_space<hbm>>
      %dma_start3A_264 = tpu.memref_squeeze %dma_start3A_263 : memref<1x64x128xf32, #tpu.memory_space<hbm>> -> memref<64x128xf32, #tpu.memory_space<hbm>>
      %dma_start3A_265 = arith.constant 0 : i32
      %dma_start3A_266 = tpu.memref_slice %arg7[%add3A_256, %dma_start3A_265] : memref<10240x128xf32, #tpu.memory_space<vmem_shared>> -> memref<64x128xf32, #tpu.memory_space<vmem_shared>>
      tpu.enqueue_dma source(%dma_start3A_266 : memref<64x128xf32, #tpu.memory_space<vmem_shared>>) target(%dma_start3A_264 : memref<64x128xf32, #tpu.memory_space<hbm>>) target_semaphore(%run_scoped3A : memref<!tpu.dma_semaphore, #tpu.memory_space<semaphore_mem>>)
      %dma_wait3A_267 = arith.constant 0 : i32
      %dma_wait3A_268 = tpu.memref_slice %arg6[%add3A_132, %add3A_256, %dma_wait3A_267] : memref<4x10240x128xf32, #tpu.memory_space<hbm>> -> memref<1x64x128xf32, #tpu.memory_space<hbm>>
      %dma_wait3A_269 = tpu.memref_squeeze %dma_wait3A_268 : memref<1x64x128xf32, #tpu.memory_space<hbm>> -> memref<64x128xf32, #tpu.memory_space<hbm>>
      %dma_wait3A_270 = arith.constant 0 : i32
      %dma_wait3A_271 = tpu.memref_slice %arg7[%add3A_256, %dma_wait3A_270] : memref<10240x128xf32, #tpu.memory_space<vmem_shared>> -> memref<64x128xf32, #tpu.memory_space<vmem_shared>>
      tpu.wait_dma2 semaphore(%run_scoped3A : memref<!tpu.dma_semaphore, #tpu.memory_space<semaphore_mem>>) src(%dma_wait3A_271 : memref<64x128xf32, #tpu.memory_space<vmem_shared>>) dst(%dma_wait3A_269 : memref<64x128xf32, #tpu.memory_space<hbm>>)
      tpu.yield
    }) : () -> ()
    %mul3A_257 = arith.constant 640 : i32
    %mul3A_258 = arith.muli %arg1, %mul3A_257 : i32
    %add3A_259 = arith.constant 576 : i32
    %add3A_260 = arith.addi %mul3A_258, %add3A_259 : i32
    "tpu.region"() ({
      %run_scoped3A = tpu.sem_alloc : memref<!tpu.dma_semaphore, #tpu.memory_space<semaphore_mem>>
      %dma_start3A_262 = arith.constant 0 : i32
      %dma_start3A_263 = tpu.memref_slice %arg6[%add3A_132, %add3A_260, %dma_start3A_262] : memref<4x10240x128xf32, #tpu.memory_space<hbm>> -> memref<1x64x128xf32, #tpu.memory_space<hbm>>
      %dma_start3A_264 = tpu.memref_squeeze %dma_start3A_263 : memref<1x64x128xf32, #tpu.memory_space<hbm>> -> memref<64x128xf32, #tpu.memory_space<hbm>>
      %dma_start3A_265 = arith.constant 0 : i32
      %dma_start3A_266 = tpu.memref_slice %arg7[%add3A_260, %dma_start3A_265] : memref<10240x128xf32, #tpu.memory_space<vmem_shared>> -> memref<64x128xf32, #tpu.memory_space<vmem_shared>>
      tpu.enqueue_dma source(%dma_start3A_266 : memref<64x128xf32, #tpu.memory_space<vmem_shared>>) target(%dma_start3A_264 : memref<64x128xf32, #tpu.memory_space<hbm>>) target_semaphore(%run_scoped3A : memref<!tpu.dma_semaphore, #tpu.memory_space<semaphore_mem>>)
      %dma_wait3A_267 = arith.constant 0 : i32
      %dma_wait3A_268 = tpu.memref_slice %arg6[%add3A_132, %add3A_260, %dma_wait3A_267] : memref<4x10240x128xf32, #tpu.memory_space<hbm>> -> memref<1x64x128xf32, #tpu.memory_space<hbm>>
      %dma_wait3A_269 = tpu.memref_squeeze %dma_wait3A_268 : memref<1x64x128xf32, #tpu.memory_space<hbm>> -> memref<64x128xf32, #tpu.memory_space<hbm>>
      %dma_wait3A_270 = arith.constant 0 : i32
      %dma_wait3A_271 = tpu.memref_slice %arg7[%add3A_260, %dma_wait3A_270] : memref<10240x128xf32, #tpu.memory_space<vmem_shared>> -> memref<64x128xf32, #tpu.memory_space<vmem_shared>>
      tpu.wait_dma2 semaphore(%run_scoped3A : memref<!tpu.dma_semaphore, #tpu.memory_space<semaphore_mem>>) src(%dma_wait3A_271 : memref<64x128xf32, #tpu.memory_space<vmem_shared>>) dst(%dma_wait3A_269 : memref<64x128xf32, #tpu.memory_space<hbm>>)
      tpu.yield
    }) : () -> ()
    %barrier3A_261 = arith.constant 0 : index
    tpu.barrier barrier_id(%barrier3A_261)
    return
  }
}

module attributes {stable_mosaic.version = 14 : i64} {
  func.func @body(%arg0: i32, %arg1: memref<1000x128xf32, #tpu.memory_space<vmem>>, %arg2: memref<1000x128xf32, #tpu.memory_space<vmem>>, %arg3: memref<1000x1xf32, #tpu.memory_space<vmem>>, %arg4: memref<4x5x128xf32, #tpu.memory_space<vmem>>, %arg5: memref<4x1000x128xf32, #tpu.memory_space<vmem>>) attributes {dimension_semantics = [#tpu.dimension_semantics<arbitrary>], iteration_bounds = array<i64: 10>, scalar_prefetch = 0 : i64, scratch_operands = 0 : i64, tpu.core_type = #tpu.core_type<tc>, window_params = [{transform_indices = @transform_0, window_bounds = array<i64: 1000, 128>}, {transform_indices = @transform_1, window_bounds = array<i64: 1000, 128>}, {transform_indices = @transform_2, window_bounds = array<i64: 1000, 1>}, {pipeline_mode = #tpu.pipeline_mode<synchronous>, transform_indices = @transform_3, window_bounds = array<i64: 4, 5, 128>}, {transform_indices = @transform_4, window_bounds = array<i64: 4, 1000, 128>}]} {
    %get3A = arith.constant 0 : index
    %get3A_0 = arith.constant 0 : index
    %get3A_1 = vector.load %arg1[%get3A, %get3A_0] : memref<1000x128xf32, #tpu.memory_space<vmem>>, vector<1000x128xf32>
    %get3A_2 = arith.constant 0 : index
    %get3A_3 = arith.constant 0 : index
    %get3A_4 = vector.load %arg2[%get3A_2, %get3A_3] : memref<1000x128xf32, #tpu.memory_space<vmem>>, vector<1000x128xf32>
    %add3A = arith.addf %get3A_1, %get3A_4 : vector<1000x128xf32>
    %get3A_5 = arith.constant 0 : index
    %get3A_6 = arith.constant 0 : index
    %get3A_7 = vector.load %arg3[%get3A_5, %get3A_6] : memref<1000x1xf32, #tpu.memory_space<vmem>>, vector<1000x1xf32>
    %neg3A = arith.constant 0.000000e+00 : f32
    %neg3A_8 = vector.broadcast %neg3A : f32 to vector<1000x1xf32>
    %neg3A_9 = arith.subf %neg3A_8, %get3A_7 : vector<1000x1xf32>
    %exp3A = math.exp %neg3A_9 : vector<1000x1xf32>
    %broadcast_in_dim3A = arith.constant 1.000000e+00 : f32
    %broadcast_in_dim3A_10 = vector.broadcast %broadcast_in_dim3A : f32 to vector<1000x1xf32>
    %get3A_11 = arith.constant 0 : index
    %get3A_12 = arith.constant 0 : index
    %get3A_13 = arith.constant 0 : index
    %get3A_14 = vector.load %arg4[%get3A_11, %get3A_12, %get3A_13] : memref<4x5x128xf32, #tpu.memory_space<vmem>>, vector<1x1x128xf32>
    %get3A_15 = vector.shape_cast %get3A_14 : vector<1x1x128xf32> to vector<128xf32>
    %broadcast_in_dim3A_16 = vector.shape_cast %get3A_15 : vector<128xf32> to vector<1x128xf32>
    %mul3A = vector.broadcast %broadcast_in_dim3A_10 : vector<1000x1xf32> to vector<1000x128xf32>
    %mul3A_17 = vector.broadcast %broadcast_in_dim3A_16 : vector<1x128xf32> to vector<1000x128xf32>
    %mul3A_18 = arith.mulf %mul3A, %mul3A_17 : vector<1000x128xf32>
    %get3A_19 = arith.constant 1 : index
    %get3A_20 = arith.constant 0 : index
    %get3A_21 = arith.constant 0 : index
    %get3A_22 = vector.load %arg4[%get3A_19, %get3A_20, %get3A_21] : memref<4x5x128xf32, #tpu.memory_space<vmem>>, vector<1x1x128xf32>
    %get3A_23 = vector.shape_cast %get3A_22 : vector<1x1x128xf32> to vector<128xf32>
    %broadcast_in_dim3A_24 = vector.shape_cast %get3A_23 : vector<128xf32> to vector<1x128xf32>
    %mul3A_25 = vector.broadcast %broadcast_in_dim3A_10 : vector<1000x1xf32> to vector<1000x128xf32>
    %mul3A_26 = vector.broadcast %broadcast_in_dim3A_24 : vector<1x128xf32> to vector<1000x128xf32>
    %mul3A_27 = arith.mulf %mul3A_25, %mul3A_26 : vector<1000x128xf32>
    %get3A_28 = arith.constant 2 : index
    %get3A_29 = arith.constant 0 : index
    %get3A_30 = arith.constant 0 : index
    %get3A_31 = vector.load %arg4[%get3A_28, %get3A_29, %get3A_30] : memref<4x5x128xf32, #tpu.memory_space<vmem>>, vector<1x1x128xf32>
    %get3A_32 = vector.shape_cast %get3A_31 : vector<1x1x128xf32> to vector<128xf32>
    %broadcast_in_dim3A_33 = vector.shape_cast %get3A_32 : vector<128xf32> to vector<1x128xf32>
    %mul3A_34 = vector.broadcast %broadcast_in_dim3A_10 : vector<1000x1xf32> to vector<1000x128xf32>
    %mul3A_35 = vector.broadcast %broadcast_in_dim3A_33 : vector<1x128xf32> to vector<1000x128xf32>
    %mul3A_36 = arith.mulf %mul3A_34, %mul3A_35 : vector<1000x128xf32>
    %get3A_37 = arith.constant 3 : index
    %get3A_38 = arith.constant 0 : index
    %get3A_39 = arith.constant 0 : index
    %get3A_40 = vector.load %arg4[%get3A_37, %get3A_38, %get3A_39] : memref<4x5x128xf32, #tpu.memory_space<vmem>>, vector<1x1x128xf32>
    %get3A_41 = vector.shape_cast %get3A_40 : vector<1x1x128xf32> to vector<128xf32>
    %broadcast_in_dim3A_42 = vector.shape_cast %get3A_41 : vector<128xf32> to vector<1x128xf32>
    %mul3A_43 = vector.broadcast %broadcast_in_dim3A_10 : vector<1000x1xf32> to vector<1000x128xf32>
    %mul3A_44 = vector.broadcast %broadcast_in_dim3A_42 : vector<1x128xf32> to vector<1000x128xf32>
    %mul3A_45 = arith.mulf %mul3A_43, %mul3A_44 : vector<1000x128xf32>
    %mul3A_46 = arith.mulf %broadcast_in_dim3A_10, %exp3A : vector<1000x1xf32>
    %get3A_47 = arith.constant 0 : index
    %get3A_48 = arith.constant 1 : index
    %get3A_49 = arith.constant 0 : index
    %get3A_50 = vector.load %arg4[%get3A_47, %get3A_48, %get3A_49] : memref<4x5x128xf32, #tpu.memory_space<vmem>>, vector<1x1x128xf32>
    %get3A_51 = vector.shape_cast %get3A_50 : vector<1x1x128xf32> to vector<128xf32>
    %broadcast_in_dim3A_52 = vector.shape_cast %get3A_51 : vector<128xf32> to vector<1x128xf32>
    %mul3A_53 = vector.broadcast %mul3A_46 : vector<1000x1xf32> to vector<1000x128xf32>
    %mul3A_54 = vector.broadcast %broadcast_in_dim3A_52 : vector<1x128xf32> to vector<1000x128xf32>
    %mul3A_55 = arith.mulf %mul3A_53, %mul3A_54 : vector<1000x128xf32>
    %add3A_56 = arith.addf %mul3A_18, %mul3A_55 : vector<1000x128xf32>
    %get3A_57 = arith.constant 1 : index
    %get3A_58 = arith.constant 1 : index
    %get3A_59 = arith.constant 0 : index
    %get3A_60 = vector.load %arg4[%get3A_57, %get3A_58, %get3A_59] : memref<4x5x128xf32, #tpu.memory_space<vmem>>, vector<1x1x128xf32>
    %get3A_61 = vector.shape_cast %get3A_60 : vector<1x1x128xf32> to vector<128xf32>
    %broadcast_in_dim3A_62 = vector.shape_cast %get3A_61 : vector<128xf32> to vector<1x128xf32>
    %mul3A_63 = vector.broadcast %mul3A_46 : vector<1000x1xf32> to vector<1000x128xf32>
    %mul3A_64 = vector.broadcast %broadcast_in_dim3A_62 : vector<1x128xf32> to vector<1000x128xf32>
    %mul3A_65 = arith.mulf %mul3A_63, %mul3A_64 : vector<1000x128xf32>
    %add3A_66 = arith.addf %mul3A_27, %mul3A_65 : vector<1000x128xf32>
    %get3A_67 = arith.constant 2 : index
    %get3A_68 = arith.constant 1 : index
    %get3A_69 = arith.constant 0 : index
    %get3A_70 = vector.load %arg4[%get3A_67, %get3A_68, %get3A_69] : memref<4x5x128xf32, #tpu.memory_space<vmem>>, vector<1x1x128xf32>
    %get3A_71 = vector.shape_cast %get3A_70 : vector<1x1x128xf32> to vector<128xf32>
    %broadcast_in_dim3A_72 = vector.shape_cast %get3A_71 : vector<128xf32> to vector<1x128xf32>
    %mul3A_73 = vector.broadcast %mul3A_46 : vector<1000x1xf32> to vector<1000x128xf32>
    %mul3A_74 = vector.broadcast %broadcast_in_dim3A_72 : vector<1x128xf32> to vector<1000x128xf32>
    %mul3A_75 = arith.mulf %mul3A_73, %mul3A_74 : vector<1000x128xf32>
    %add3A_76 = arith.addf %mul3A_36, %mul3A_75 : vector<1000x128xf32>
    %get3A_77 = arith.constant 3 : index
    %get3A_78 = arith.constant 1 : index
    %get3A_79 = arith.constant 0 : index
    %get3A_80 = vector.load %arg4[%get3A_77, %get3A_78, %get3A_79] : memref<4x5x128xf32, #tpu.memory_space<vmem>>, vector<1x1x128xf32>
    %get3A_81 = vector.shape_cast %get3A_80 : vector<1x1x128xf32> to vector<128xf32>
    %broadcast_in_dim3A_82 = vector.shape_cast %get3A_81 : vector<128xf32> to vector<1x128xf32>
    %mul3A_83 = vector.broadcast %mul3A_46 : vector<1000x1xf32> to vector<1000x128xf32>
    %mul3A_84 = vector.broadcast %broadcast_in_dim3A_82 : vector<1x128xf32> to vector<1000x128xf32>
    %mul3A_85 = arith.mulf %mul3A_83, %mul3A_84 : vector<1000x128xf32>
    %add3A_86 = arith.addf %mul3A_45, %mul3A_85 : vector<1000x128xf32>
    %mul3A_87 = arith.mulf %mul3A_46, %exp3A : vector<1000x1xf32>
    %get3A_88 = arith.constant 0 : index
    %get3A_89 = arith.constant 2 : index
    %get3A_90 = arith.constant 0 : index
    %get3A_91 = vector.load %arg4[%get3A_88, %get3A_89, %get3A_90] : memref<4x5x128xf32, #tpu.memory_space<vmem>>, vector<1x1x128xf32>
    %get3A_92 = vector.shape_cast %get3A_91 : vector<1x1x128xf32> to vector<128xf32>
    %broadcast_in_dim3A_93 = vector.shape_cast %get3A_92 : vector<128xf32> to vector<1x128xf32>
    %mul3A_94 = vector.broadcast %mul3A_87 : vector<1000x1xf32> to vector<1000x128xf32>
    %mul3A_95 = vector.broadcast %broadcast_in_dim3A_93 : vector<1x128xf32> to vector<1000x128xf32>
    %mul3A_96 = arith.mulf %mul3A_94, %mul3A_95 : vector<1000x128xf32>
    %add3A_97 = arith.addf %add3A_56, %mul3A_96 : vector<1000x128xf32>
    %get3A_98 = arith.constant 1 : index
    %get3A_99 = arith.constant 2 : index
    %get3A_100 = arith.constant 0 : index
    %get3A_101 = vector.load %arg4[%get3A_98, %get3A_99, %get3A_100] : memref<4x5x128xf32, #tpu.memory_space<vmem>>, vector<1x1x128xf32>
    %get3A_102 = vector.shape_cast %get3A_101 : vector<1x1x128xf32> to vector<128xf32>
    %broadcast_in_dim3A_103 = vector.shape_cast %get3A_102 : vector<128xf32> to vector<1x128xf32>
    %mul3A_104 = vector.broadcast %mul3A_87 : vector<1000x1xf32> to vector<1000x128xf32>
    %mul3A_105 = vector.broadcast %broadcast_in_dim3A_103 : vector<1x128xf32> to vector<1000x128xf32>
    %mul3A_106 = arith.mulf %mul3A_104, %mul3A_105 : vector<1000x128xf32>
    %add3A_107 = arith.addf %add3A_66, %mul3A_106 : vector<1000x128xf32>
    %get3A_108 = arith.constant 2 : index
    %get3A_109 = arith.constant 2 : index
    %get3A_110 = arith.constant 0 : index
    %get3A_111 = vector.load %arg4[%get3A_108, %get3A_109, %get3A_110] : memref<4x5x128xf32, #tpu.memory_space<vmem>>, vector<1x1x128xf32>
    %get3A_112 = vector.shape_cast %get3A_111 : vector<1x1x128xf32> to vector<128xf32>
    %broadcast_in_dim3A_113 = vector.shape_cast %get3A_112 : vector<128xf32> to vector<1x128xf32>
    %mul3A_114 = vector.broadcast %mul3A_87 : vector<1000x1xf32> to vector<1000x128xf32>
    %mul3A_115 = vector.broadcast %broadcast_in_dim3A_113 : vector<1x128xf32> to vector<1000x128xf32>
    %mul3A_116 = arith.mulf %mul3A_114, %mul3A_115 : vector<1000x128xf32>
    %add3A_117 = arith.addf %add3A_76, %mul3A_116 : vector<1000x128xf32>
    %get3A_118 = arith.constant 3 : index
    %get3A_119 = arith.constant 2 : index
    %get3A_120 = arith.constant 0 : index
    %get3A_121 = vector.load %arg4[%get3A_118, %get3A_119, %get3A_120] : memref<4x5x128xf32, #tpu.memory_space<vmem>>, vector<1x1x128xf32>
    %get3A_122 = vector.shape_cast %get3A_121 : vector<1x1x128xf32> to vector<128xf32>
    %broadcast_in_dim3A_123 = vector.shape_cast %get3A_122 : vector<128xf32> to vector<1x128xf32>
    %mul3A_124 = vector.broadcast %mul3A_87 : vector<1000x1xf32> to vector<1000x128xf32>
    %mul3A_125 = vector.broadcast %broadcast_in_dim3A_123 : vector<1x128xf32> to vector<1000x128xf32>
    %mul3A_126 = arith.mulf %mul3A_124, %mul3A_125 : vector<1000x128xf32>
    %add3A_127 = arith.addf %add3A_86, %mul3A_126 : vector<1000x128xf32>
    %mul3A_128 = arith.mulf %mul3A_87, %exp3A : vector<1000x1xf32>
    %get3A_129 = arith.constant 0 : index
    %get3A_130 = arith.constant 3 : index
    %get3A_131 = arith.constant 0 : index
    %get3A_132 = vector.load %arg4[%get3A_129, %get3A_130, %get3A_131] : memref<4x5x128xf32, #tpu.memory_space<vmem>>, vector<1x1x128xf32>
    %get3A_133 = vector.shape_cast %get3A_132 : vector<1x1x128xf32> to vector<128xf32>
    %broadcast_in_dim3A_134 = vector.shape_cast %get3A_133 : vector<128xf32> to vector<1x128xf32>
    %mul3A_135 = vector.broadcast %mul3A_128 : vector<1000x1xf32> to vector<1000x128xf32>
    %mul3A_136 = vector.broadcast %broadcast_in_dim3A_134 : vector<1x128xf32> to vector<1000x128xf32>
    %mul3A_137 = arith.mulf %mul3A_135, %mul3A_136 : vector<1000x128xf32>
    %add3A_138 = arith.addf %add3A_97, %mul3A_137 : vector<1000x128xf32>
    %get3A_139 = arith.constant 1 : index
    %get3A_140 = arith.constant 3 : index
    %get3A_141 = arith.constant 0 : index
    %get3A_142 = vector.load %arg4[%get3A_139, %get3A_140, %get3A_141] : memref<4x5x128xf32, #tpu.memory_space<vmem>>, vector<1x1x128xf32>
    %get3A_143 = vector.shape_cast %get3A_142 : vector<1x1x128xf32> to vector<128xf32>
    %broadcast_in_dim3A_144 = vector.shape_cast %get3A_143 : vector<128xf32> to vector<1x128xf32>
    %mul3A_145 = vector.broadcast %mul3A_128 : vector<1000x1xf32> to vector<1000x128xf32>
    %mul3A_146 = vector.broadcast %broadcast_in_dim3A_144 : vector<1x128xf32> to vector<1000x128xf32>
    %mul3A_147 = arith.mulf %mul3A_145, %mul3A_146 : vector<1000x128xf32>
    %add3A_148 = arith.addf %add3A_107, %mul3A_147 : vector<1000x128xf32>
    %get3A_149 = arith.constant 2 : index
    %get3A_150 = arith.constant 3 : index
    %get3A_151 = arith.constant 0 : index
    %get3A_152 = vector.load %arg4[%get3A_149, %get3A_150, %get3A_151] : memref<4x5x128xf32, #tpu.memory_space<vmem>>, vector<1x1x128xf32>
    %get3A_153 = vector.shape_cast %get3A_152 : vector<1x1x128xf32> to vector<128xf32>
    %broadcast_in_dim3A_154 = vector.shape_cast %get3A_153 : vector<128xf32> to vector<1x128xf32>
    %mul3A_155 = vector.broadcast %mul3A_128 : vector<1000x1xf32> to vector<1000x128xf32>
    %mul3A_156 = vector.broadcast %broadcast_in_dim3A_154 : vector<1x128xf32> to vector<1000x128xf32>
    %mul3A_157 = arith.mulf %mul3A_155, %mul3A_156 : vector<1000x128xf32>
    %add3A_158 = arith.addf %add3A_117, %mul3A_157 : vector<1000x128xf32>
    %get3A_159 = arith.constant 3 : index
    %get3A_160 = arith.constant 3 : index
    %get3A_161 = arith.constant 0 : index
    %get3A_162 = vector.load %arg4[%get3A_159, %get3A_160, %get3A_161] : memref<4x5x128xf32, #tpu.memory_space<vmem>>, vector<1x1x128xf32>
    %get3A_163 = vector.shape_cast %get3A_162 : vector<1x1x128xf32> to vector<128xf32>
    %broadcast_in_dim3A_164 = vector.shape_cast %get3A_163 : vector<128xf32> to vector<1x128xf32>
    %mul3A_165 = vector.broadcast %mul3A_128 : vector<1000x1xf32> to vector<1000x128xf32>
    %mul3A_166 = vector.broadcast %broadcast_in_dim3A_164 : vector<1x128xf32> to vector<1000x128xf32>
    %mul3A_167 = arith.mulf %mul3A_165, %mul3A_166 : vector<1000x128xf32>
    %add3A_168 = arith.addf %add3A_127, %mul3A_167 : vector<1000x128xf32>
    %mul3A_169 = arith.mulf %mul3A_128, %exp3A : vector<1000x1xf32>
    %get3A_170 = arith.constant 0 : index
    %get3A_171 = arith.constant 4 : index
    %get3A_172 = arith.constant 0 : index
    %get3A_173 = vector.load %arg4[%get3A_170, %get3A_171, %get3A_172] : memref<4x5x128xf32, #tpu.memory_space<vmem>>, vector<1x1x128xf32>
    %get3A_174 = vector.shape_cast %get3A_173 : vector<1x1x128xf32> to vector<128xf32>
    %broadcast_in_dim3A_175 = vector.shape_cast %get3A_174 : vector<128xf32> to vector<1x128xf32>
    %mul3A_176 = vector.broadcast %mul3A_169 : vector<1000x1xf32> to vector<1000x128xf32>
    %mul3A_177 = vector.broadcast %broadcast_in_dim3A_175 : vector<1x128xf32> to vector<1000x128xf32>
    %mul3A_178 = arith.mulf %mul3A_176, %mul3A_177 : vector<1000x128xf32>
    %add3A_179 = arith.addf %add3A_138, %mul3A_178 : vector<1000x128xf32>
    %get3A_180 = arith.constant 1 : index
    %get3A_181 = arith.constant 4 : index
    %get3A_182 = arith.constant 0 : index
    %get3A_183 = vector.load %arg4[%get3A_180, %get3A_181, %get3A_182] : memref<4x5x128xf32, #tpu.memory_space<vmem>>, vector<1x1x128xf32>
    %get3A_184 = vector.shape_cast %get3A_183 : vector<1x1x128xf32> to vector<128xf32>
    %broadcast_in_dim3A_185 = vector.shape_cast %get3A_184 : vector<128xf32> to vector<1x128xf32>
    %mul3A_186 = vector.broadcast %mul3A_169 : vector<1000x1xf32> to vector<1000x128xf32>
    %mul3A_187 = vector.broadcast %broadcast_in_dim3A_185 : vector<1x128xf32> to vector<1000x128xf32>
    %mul3A_188 = arith.mulf %mul3A_186, %mul3A_187 : vector<1000x128xf32>
    %add3A_189 = arith.addf %add3A_148, %mul3A_188 : vector<1000x128xf32>
    %get3A_190 = arith.constant 2 : index
    %get3A_191 = arith.constant 4 : index
    %get3A_192 = arith.constant 0 : index
    %get3A_193 = vector.load %arg4[%get3A_190, %get3A_191, %get3A_192] : memref<4x5x128xf32, #tpu.memory_space<vmem>>, vector<1x1x128xf32>
    %get3A_194 = vector.shape_cast %get3A_193 : vector<1x1x128xf32> to vector<128xf32>
    %broadcast_in_dim3A_195 = vector.shape_cast %get3A_194 : vector<128xf32> to vector<1x128xf32>
    %mul3A_196 = vector.broadcast %mul3A_169 : vector<1000x1xf32> to vector<1000x128xf32>
    %mul3A_197 = vector.broadcast %broadcast_in_dim3A_195 : vector<1x128xf32> to vector<1000x128xf32>
    %mul3A_198 = arith.mulf %mul3A_196, %mul3A_197 : vector<1000x128xf32>
    %add3A_199 = arith.addf %add3A_158, %mul3A_198 : vector<1000x128xf32>
    %get3A_200 = arith.constant 3 : index
    %get3A_201 = arith.constant 4 : index
    %get3A_202 = arith.constant 0 : index
    %get3A_203 = vector.load %arg4[%get3A_200, %get3A_201, %get3A_202] : memref<4x5x128xf32, #tpu.memory_space<vmem>>, vector<1x1x128xf32>
    %get3A_204 = vector.shape_cast %get3A_203 : vector<1x1x128xf32> to vector<128xf32>
    %broadcast_in_dim3A_205 = vector.shape_cast %get3A_204 : vector<128xf32> to vector<1x128xf32>
    %mul3A_206 = vector.broadcast %mul3A_169 : vector<1000x1xf32> to vector<1000x128xf32>
    %mul3A_207 = vector.broadcast %broadcast_in_dim3A_205 : vector<1x128xf32> to vector<1000x128xf32>
    %mul3A_208 = arith.mulf %mul3A_206, %mul3A_207 : vector<1000x128xf32>
    %add3A_209 = arith.addf %add3A_168, %mul3A_208 : vector<1000x128xf32>
    %mul3A_210 = arith.mulf %add3A, %add3A_179 : vector<1000x128xf32>
    %swap3A = arith.constant 0 : index
    %swap3A_211 = arith.constant 0 : index
    %swap3A_212 = arith.constant 0 : index
    %swap3A_213 = vector.load %arg5[%swap3A, %swap3A_211, %swap3A_212] : memref<4x1000x128xf32, #tpu.memory_space<vmem>>, vector<1x1000x128xf32>
    %swap3A_214 = vector.shape_cast %swap3A_213 : vector<1x1000x128xf32> to vector<1000x128xf32>
    %swap3A_215 = vector.shape_cast %mul3A_210 : vector<1000x128xf32> to vector<1x1000x128xf32>
    tpu.vector_store %arg5[%swap3A, %swap3A_211, %swap3A_212], %swap3A_215 {strides = array<i32>} : memref<4x1000x128xf32, #tpu.memory_space<vmem>>, vector<1x1000x128xf32>,
    %mul3A_216 = arith.mulf %add3A, %add3A_189 : vector<1000x128xf32>
    %swap3A_217 = arith.constant 1 : index
    %swap3A_218 = arith.constant 0 : index
    %swap3A_219 = arith.constant 0 : index
    %swap3A_220 = vector.load %arg5[%swap3A_217, %swap3A_218, %swap3A_219] : memref<4x1000x128xf32, #tpu.memory_space<vmem>>, vector<1x1000x128xf32>
    %swap3A_221 = vector.shape_cast %swap3A_220 : vector<1x1000x128xf32> to vector<1000x128xf32>
    %swap3A_222 = vector.shape_cast %mul3A_216 : vector<1000x128xf32> to vector<1x1000x128xf32>
    tpu.vector_store %arg5[%swap3A_217, %swap3A_218, %swap3A_219], %swap3A_222 {strides = array<i32>} : memref<4x1000x128xf32, #tpu.memory_space<vmem>>, vector<1x1000x128xf32>,
    %mul3A_223 = arith.mulf %add3A, %add3A_199 : vector<1000x128xf32>
    %swap3A_224 = arith.constant 2 : index
    %swap3A_225 = arith.constant 0 : index
    %swap3A_226 = arith.constant 0 : index
    %swap3A_227 = vector.load %arg5[%swap3A_224, %swap3A_225, %swap3A_226] : memref<4x1000x128xf32, #tpu.memory_space<vmem>>, vector<1x1000x128xf32>
    %swap3A_228 = vector.shape_cast %swap3A_227 : vector<1x1000x128xf32> to vector<1000x128xf32>
    %swap3A_229 = vector.shape_cast %mul3A_223 : vector<1000x128xf32> to vector<1x1000x128xf32>
    tpu.vector_store %arg5[%swap3A_224, %swap3A_225, %swap3A_226], %swap3A_229 {strides = array<i32>} : memref<4x1000x128xf32, #tpu.memory_space<vmem>>, vector<1x1000x128xf32>,
    %mul3A_230 = arith.mulf %add3A, %add3A_209 : vector<1000x128xf32>
    %swap3A_231 = arith.constant 3 : index
    %swap3A_232 = arith.constant 0 : index
    %swap3A_233 = arith.constant 0 : index
    %swap3A_234 = vector.load %arg5[%swap3A_231, %swap3A_232, %swap3A_233] : memref<4x1000x128xf32, #tpu.memory_space<vmem>>, vector<1x1000x128xf32>
    %swap3A_235 = vector.shape_cast %swap3A_234 : vector<1x1000x128xf32> to vector<1000x128xf32>
    %swap3A_236 = vector.shape_cast %mul3A_230 : vector<1000x128xf32> to vector<1x1000x128xf32>
    tpu.vector_store %arg5[%swap3A_231, %swap3A_232, %swap3A_233], %swap3A_236 {strides = array<i32>} : memref<4x1000x128xf32, #tpu.memory_space<vmem>>, vector<1x1000x128xf32>,
    return
  }
  func.func @transform_0(%arg0: i32) -> (i32, i32) {
    %c0_i32 = arith.constant 0 : i32
    %c0_i32_0 = arith.constant 0 : i32
    return %arg0, %c0_i32 : i32, i32
  }
  func.func @transform_1(%arg0: i32) -> (i32, i32) {
    %c0_i32 = arith.constant 0 : i32
    %c0_i32_0 = arith.constant 0 : i32
    return %arg0, %c0_i32 : i32, i32
  }
  func.func @transform_2(%arg0: i32) -> (i32, i32) {
    %c0_i32 = arith.constant 0 : i32
    %c0_i32_0 = arith.constant 0 : i32
    return %arg0, %c0_i32 : i32, i32
  }
  func.func @transform_3(%arg0: i32) -> (i32, i32, i32) {
    %c0_i32 = arith.constant 0 : i32
    %c0_i32_0 = arith.constant 0 : i32
    %c0_i32_1 = arith.constant 0 : i32
    %c0_i32_2 = arith.constant 0 : i32
    return %c0_i32, %c0_i32_0, %c0_i32_1 : i32, i32, i32
  }
  func.func @transform_4(%arg0: i32) -> (i32, i32, i32) {
    %c0_i32 = arith.constant 0 : i32
    %c0_i32_0 = arith.constant 0 : i32
    %c0_i32_1 = arith.constant 0 : i32
    return %c0_i32, %arg0, %c0_i32_0 : i32, i32, i32
  }
}

</mosaic_0001>

<sc_bundles>
// kernel: kernel.5.cloned.1.call-start
scs
__scs_entry_jumppad:
0x0: {  	(pc) =	sbr.rel $0x88, $3  }
0x1: {  	(tag) =	ssettag $0x0;
	lr =	simm.s32 $0x1  }
0x2: {  	[smem:$0x3F9C] =	sst lr;
	_ =	strace $0xD0000000  }
0x3: {  	_ = 	snop  }
0x4: {  	_ = 	snop  }
0x5: {  	_ = 	snop  }
0x6: {  	_ = 	snop  }
0x7: {  	_ = 	snop  }
__scs_overlays_trampoline_lowered:
0x8: {  	[smem:$0x3FAB] =	sst s0  }
0x9: {  	[smem:$0x3FAC] =	sst s1  }
0xa: {  	[smem:$0x3FAD] =	sst s2  }
0xb: {  	[smem:$0x3FAE] =	sst s3  }
0xc: {  	[smem:$0x3FAF] =	sst s4  }
0xd: {  	[smem:$0x3FB0] =	sst s5  }
0xe: {  	[smem:$0x3FB1] =	sst s6  }
0xf: {  	[smem:$0x3FB2] =	sst s7  }
0x10: {  	[smem:$0x3FB3] =	sst s8  }
0x11: {  	[smem:$0x3FB4] =	sst s9;
	s0 =	simm.s32 @!p0 $0x0  }
0x12: {  	s1 =	sld [smem:$0x3F9A];
	s0 =	simm.s32 @p0 $0x1  }
0x13: {  	[smem:$0x3FB5] =	sst s0;
	s0 =	simm.s32 @!p1 $0x0  }
0x14: {  	s2 =	sld [smem:$0x3F99];
	s0 =	simm.s32 @p1 $0x1  }
0x15: {  	[smem:$0x3FB6] =	sst s0;
	s0 =	simm.s32 @!p2 $0x0  }
0x16: {  	s3 =	sld [smem:$0x3FDB];
	s0 =	simm.s32 @p2 $0x1  }
0x17: {  	s4 =	simm.s32 $0x1BF5;
	[smem:$0x3FB8] =	sst s0  }
0x18: {  	s0 =	sld [smem:$0x3F9B];
	_ =	swait.ge [sflag:s4], $0x0  }
0x19: {  	s7 =	sld [smem:$0x3F9C]  }
0x1a: {  	s8 =	sadd.s32 $0xFFFFE003, lr  }
0x1b: {  	s9 =	sadd.s32 $0xFFFFFEF7, lr;
	s5 =	simm.s32 $0xFFFFFFFF;
	p2 =	slt.u32 s8, $0xFFFFF086  }
0x1c: {  	p1 =	slt.u32 s9, $0xF7A;
	s5 =	simm.s32 @!p2 $0x0  }
0x1d: {  	s5 =	simm.s32 @p1 $0x1;
	p0 =	seq.s32 s7, s2  }
0x1e: {  	s7 =	smul.u32 @!p0 $0xF7A, s2;
	p2 =	seq.s32 @!p0 s5, $0x0  }
0x1f: {  	s9 =	smul.u32 $0xF7A, s1;
	s8 =	simm.s32 @!p0 $0x1BF5;
	p2 =	por !p2, p0  }
0x20: {  	[sflag:s8] =	ssyncset.s32 @!p0 $0xFFFFF086;
	s6 =	sadd.s32 @!p0 s3, s7;
	s7 =	simm.s32 @!p0 $0x108  }
0x21: {  	s3 =	sadd.s32 s3, s9;
	s6 =	sadd.s32 @!p0 $0x88, s6;
	s7 =	simm.s32 @p2 $0x1082  }
0x22: {  	[simem:s7], [sflag:s8] =	dma.local @!p0 [hbm:s6], $0xF7A  }
0x23: {  	s9 =	sor.u32 $0xD0000000, s2;
	s6 =	simm.s32 $0x108;
	_ =	swait.ge @!p0 [sflag:s8], $0x0  }
0x24: {  	s3 =	sadd.s32 $0x88, s3;
	s6 =	simm.s32 @!p1 $0x1082;
	[sflag:s4] =	ssyncset.s32 $0xFFFFF086  }
0x25: {  	[simem:s6], [sflag:s4] =	dma.local [hbm:s3], $0xF7A  }
0x26: {  	[smem:$0x3F9C] =	sst s1;
	(tag) =	ssettag s2;
	_ =	strace s9  }
0x27: {  	s1 =	sld [smem:$0x3FAC]  }
0x28: {  	s2 =	sld [smem:$0x3FAD]  }
0x29: {  	s4 =	sld [smem:$0x3FAF]  }
0x2a: {  	p0 =	seq.s32 s5, $0x0;
	s5 =	sld [smem:$0x3FB0]  }
0x2b: {  	s6 =	sld [smem:$0x3FB1]  }
0x2c: {  	s7 =	sld [smem:$0x3FB2]  }
0x2d: {  	s3 =	simm.s32 $0x108;
	s8 =	sld [smem:$0x3FB3]  }
0x2e: {  	s3 =	simm.s32 @!p0 $0x1082;
	s9 =	sld [smem:$0x3FB4]  }
0x2f: {  	lr =	sadd.s32 s0, s3;
	s0 =	sld [smem:$0x3FAB]  }
0x30: {  	s3 =	sld [smem:$0x3FAE]  }
0x31: {  	[smem:$0x3FB7] =	sst s10  }
0x32: {  	s10 =	sld [smem:$0x3FB5];
	_ =	sdelay $0x3  }
0x33: {  	p0 =	seq.s32 s10, $0x1;
	s10 =	sld [smem:$0x3FB7];
	_ =	sdelay $0x3  }
0x34: {  	[smem:$0x3FB7] =	sst s10  }
0x35: {  	s10 =	sld [smem:$0x3FB6];
	_ =	sdelay $0x3  }
0x36: {  	p1 =	seq.s32 s10, $0x1;
	s10 =	sld [smem:$0x3FB7];
	_ =	sdelay $0x3  }
0x37: {  	[smem:$0x3FB7] =	sst s10  }
0x38: {  	s10 =	sld [smem:$0x3FB8]  }
0x39: {  	_ = 	snop;
	(pc) =	sbr.ind lr, $3  }
0x3a: {  	_ = 	snop  }
0x3b: {  	_ = 	snop  }
0x3c: {  	p2 =	seq.s32 s10, $0x1;
	s10 =	sld [smem:$0x3FB7]  }
0x3d: {  	_ =	shalt  }
0x3e: {  	_ =	shalt  }
0x3f: {  	_ =	shalt  }
0x40: {  	_ =	shalt  }
0x41: {  	_ =	shalt  }
0x42: {  	_ =	shalt  }
0x43: {  	_ =	shalt  }
0x44: {  	_ =	shalt  }
0x45: {  	_ =	shalt  }
0x46: {  	_ =	shalt  }
0x47: {  	_ =	shalt  }
0x48: {  	_ =	shalt  }
0x49: {  	_ =	shalt  }
0x4a: {  	_ =	shalt  }
0x4b: {  	_ =	shalt  }
0x4c: {  	_ =	shalt  }
0x4d: {  	_ =	shalt  }
0x4e: {  	_ =	shalt  }
0x4f: {  	_ =	shalt  }
0x50: {  	_ =	shalt  }
0x51: {  	_ =	shalt  }
0x52: {  	_ =	shalt  }
0x53: {  	_ =	shalt  }
0x54: {  	_ =	shalt  }
0x55: {  	_ =	shalt  }
0x56: {  	_ =	shalt  }
0x57: {  	_ =	shalt  }
0x58: {  	_ =	shalt  }
0x59: {  	_ =	shalt  }
0x5a: {  	_ =	shalt  }
0x5b: {  	_ =	shalt  }
0x5c: {  	_ =	shalt  }
0x5d: {  	_ =	shalt  }
0x5e: {  	_ =	shalt  }
0x5f: {  	_ =	shalt  }
0x60: {  	_ =	shalt  }
0x61: {  	_ =	shalt  }
0x62: {  	_ =	shalt  }
0x63: {  	_ =	shalt  }
0x64: {  	_ =	shalt  }
0x65: {  	_ =	shalt  }
0x66: {  	_ =	shalt  }
0x67: {  	_ =	shalt  }
0x68: {  	_ =	shalt  }
0x69: {  	_ =	shalt  }
0x6a: {  	_ =	shalt  }
0x6b: {  	_ =	shalt  }
0x6c: {  	_ =	shalt  }
0x6d: {  	_ =	shalt  }
0x6e: {  	_ =	shalt  }
0x6f: {  	_ =	shalt  }
0x70: {  	_ =	shalt  }
0x71: {  	_ =	shalt  }
0x72: {  	_ =	shalt  }
0x73: {  	_ =	shalt  }
0x74: {  	_ =	shalt  }
0x75: {  	_ =	shalt  }
0x76: {  	_ =	shalt  }
0x77: {  	_ =	shalt  }
0x78: {  	_ =	shalt  }
0x79: {  	_ =	shalt  }
0x7a: {  	_ =	shalt  }
0x7b: {  	_ =	shalt  }
0x7c: {  	_ =	shalt  }
0x7d: {  	_ =	shalt  }
0x7e: {  	_ =	shalt  }
0x7f: {  	_ =	shalt  }
0x80: {  	_ =	shalt  }
0x81: {  	_ =	shalt  }
0x82: {  	_ =	shalt  }
0x83: {  	_ =	shalt  }
0x84: {  	_ =	shalt  }
0x85: {  	_ =	shalt  }
0x86: {  	_ =	shalt  }
0x87: {  	_ =	shalt  }
.Lfunc_end0:
.L_simem_size_0:
called_computation_lowered:
.L_overlay_start_0:
0x88: {  	s2 =	sld [smem:$0x3FD9]  }
0x89: {  	s3 =	sld [smem:$0x3FFE];
	_ =	sdelay $0x1  }
0x8a: {  	s1 =	srdreg.scid  }
0x8b: {  	s0 =	sand.u32 $0x1, s1  }
0x8c: {  	s17 =	sshll.u32 s0, $0xA;
	s2 =	sadd.s32 s3, s2  }
0x8d: {  	s2 =	sadd.s32 s2, s17  }
0x8e: {  	[smem:$0x3FC3] =	sst s2  }
0x8f: {  	_ = 	snop  }
0x90: {  	s2 =	sld [smem:$0x3FC9]  }
0x91: {  	s18 =	sld [smem:$0x3FD0];
	(tm) =	ssettm $0x1  }
0x92: {  	s4 =	sld [smem:$0x3FFB];
	_ =	sdelay $0x3  }
0x93: {  	_ =	strace s4  }
0x94: {  	s4 =	sld [smem:$0x3FFC];
	_ =	sdelay $0x3  }
0x95: {  	_ =	strace s4  }
0x96: {  	s4 =	sld [smem:$0x3FFD];
	_ =	sdelay $0x3  }
0x97: {  	_ =	strace s4  }
0x98: {  	_ =	strace $0x8FFFFFFF  }
0x99: {  	s19 =	sld [smem:$0x3FDB];
	_ =	sdelay $0x1  }
0x9a: {  	s5 =	simm.s32 $_scs_section_size  }
0x9b: {  	s6 =	simm.s32 $_size__tile_overlayer_lowered;
	s7 =	simm.s32 $_tile_overlayer_lowered  }
0x9c: {  	s22 =	simm.s32 $0x1BFF;
	s21 =	sshll.u32 s7, $0x1;
	s4 =	sadd.s32 s5, s19  }
0x9d: {  	s8 =	simm.s32 $0x0;
	s20 =	sshll.u32 s6, $0x1;
	s6 =	sadd.s32 s21, s4  }
0x9e: {  	[timem:s8], [sflag:s22] =	dma.local [hbm:s6], s20  }
0x9f: {  	_ =	swait.ge [sflag:s22], s20  }
0xa0: {  	s5 =	ssub.s32 $0x0, s20;
	[sflag:s22] =	ssyncset.done $0x0  }
0xa1: {  	[sflag:s22] =	ssyncadd.s32 s5;
	_ =	sdelay $0x1  }
0xa2: {  	s23 =	simm.s32 $0x1B8B  }
0xa3: {  	_ =	swait.ge [sflag:s23], $0x1  }
0xa4: {  	[sflag:s23] =	ssyncset.done $0x0  }
0xa5: {  	s25 =	simm.s32 $0x1B8E;
	s24 =	sld [smem:$0x3FFE];
	[sflag:s23] =	ssyncadd.s32 $0xFFFFFFFF  }
0xa6: {  	s26 =	simm.s32 $execute0_lowered;
	[smem:$0x3FD2] =	sst s25  }
0xa7: {  	s6 =	sshll.u32 s26, $0x1;
	_ =	strace $0x80000046;
	[dreg:$0x1] =	wrdreg $0xFFFFFFFF  }
0xa8: {  	s28 =	simm.s32 $_size_execute0_lowered;
	s4 =	sadd.s32 s4, s6;
	[dreg:$0x0] =	wrdreg $0x0  }
0xa9: {  	s6 =	sshll.u32 s28, $0x1;
	[dreg:$0x2] =	wrdreg s4  }
0xaa: {  	[dreg:$0x3] =	wrdreg s6  }
0xab: {  	[dreg:$0x4] =	wrdreg $0xC0  }
0xac: {  	_ =	task [dreg:s8], $0x5FFFF  }
0xad: {  	[dreg:$0x1] =	wrdreg $0xFFFFFFFF  }
0xae: {  	[dreg:$0x0] =	wrdreg $0x60  }
0xaf: {  	[dreg:$0x2] =	wrdreg s2  }
0xb0: {  	[dreg:$0x3] =	wrdreg s24  }
0xb1: {  	[dreg:$0x4] =	wrdreg s18  }
0xb2: {  	[dreg:$0x5] =	wrdreg $0x0  }
0xb3: {  	[dreg:$0x6] =	wrdreg $0x9  }
0xb4: {  	_ =	task.clear_ibuf [dreg:s8], $0x7FFFF;
	_ =	strace $0x90000046  }
0xb5: {  	s29 =	simm.s32 $0x9;
	_ =	strace $0x80000048  }
0xb6: {  	_ =	swait.ge [sflag:s29], $0x1  }
0xb7: {  	[sflag:s29] =	ssyncadd.s32 $0xFFFFFFFF  }
0xb8: {  	_ =	strace $0x90000048  }
0xb9: {  	_ =	sfence  }
0xba: {  	s30 =	sld [smem:$0x0];
	_ =	sdelay $0x2  }
0xbb: {  	s31 =	sshll.u32 s1, $0xD;
	s1 =	sshrl.u32 s1, $0x2  }
0xbc: {  	s3 =	sand.u32 $0x4000, s31;
	s1 =	sadd.s32 s1, s30  }
0xbd: {  	s0 =	sor.u32 s3, s0;
	s1 =	sshll.u32 s1, $0x11  }
0xbe: {  	s0 =	sor.u32 s1, s0  }
0xbf: {  	s0 =	sadd.s32 $0x8F2B, s0  }
0xc0: {  	[sflag:s0] =	ssyncadd.remote.s32 $0x1  }
0xc1: {  	_ =	sfence.sel $0xFFFF  }
0xc2: {  	[dreg:$0x0] =	wrdreg $0xFFFFFFFF;
	(pc) =	sbr.abs _section_cstart, $3  }
0xc3: {  	[dreg:$0x1] =	wrdreg $0xFFFFFFFF  }
0xc4: {  	_ =	task.clear_ibuf [dreg:s8], $0x2FFFF;
	_ =	strace $0x9FFFFFFF  }
0xc5: {  	(tm) =	ssettm $0x7FFFFFFF  }
tec
execute0_lowered:
.L_overlay_start_1:
0x0: {  	(tag) =	ssettag $0x1  }
0x1: {  	s1 =	rddreg [dreg:$0x0]  }
0x2: {  	s0 =	rddreg [dreg:$0x1];
	s2 =	srdreg.scid  }
0x3: {  	s4 =	rddreg [dreg:$0x2];
	s16 =	stileid.u32;
	s29 =	simm.s32 $0x1A100  }
0x4: {  	s30 =	simm.s32 $0x1A180;
	s31 =	simm.s32 $0x1A200;
	s5 =	sand.u32 $0x1, s2  }
0x5: {  	s2 =	simm.s32 $0x0;
	s6 =	smul.u32 $0x14000, s16;
	s8 =	sshll.u32 s16, $0x1  }
0x6: {  	s16 =	smul.u32 $0x50000, s16;
	s3 =	ssub.s32 $0x2, s5;
	[smem:$0x7FF] =	sst s2  }
0x7: {  	s7 =	sshrl.u32 s3, $0x1;
	s9 =	sadd.s32 $0x4000, s6;
	s10 =	sadd.s32 $0x6000, s6  }
0x8: {  	s11 =	sadd.s32 $0x8000, s6;
	s13 =	sadd.s32 $0xA000, s6;
	s14 =	sadd.s32 $0xC000, s6  }
0x9: {  	s3 =	ssub.s32 s3, s7;
	s7 =	sor.u32 s5, s8;
	s5 =	smul.u32 $0x140000, s5  }
0xa: {  	s18 =	sadd.s32 $0xE000, s6;
	s26 =	sadd.s32 $0x10000, s6;
	s8 =	sor.u32 $0x2000, s6  }
0xb: {  	s3 =	smax.u32 s3, $0x1;
	s12 =	sadd.s32 s6, s5;
	s6 =	sadd.s32 $0x12000, s6  }
0xc: {  	s15 =	sadd.s32 s5, s8;
	s21 =	sadd.s32 s5, s9;
	s23 =	sadd.s32 s5, s10  }
0xd: {  	s25 =	sadd.s32 s5, s11;
	s17 =	sadd.s32 s5, s13;
	s12 =	sshrl.u32 s12, $0x3  }
0xe: {  	s20 =	sshrl.u32 s15, $0x3;
	s22 =	sshrl.u32 s21, $0x3;
	s24 =	sshrl.u32 s23, $0x3  }
0xf: {  	s15 =	sshrl.u32 s25, $0x3;
	s19 =	sshrl.u32 s17, $0x3;
	s12 =	sadd.s32 s4, s12  }
0x10: {  	[dreg:$0x5] =	wrdreg s12;
	s12 =	sadd.s32 s4, s20;
	s20 =	sadd.s32 s5, s14  }
0x11: {  	[dreg:$0x6] =	wrdreg s12;
	s12 =	sadd.s32 s4, s22;
	s21 =	sshrl.u32 s20, $0x3  }
0x12: {  	s22 =	sadd.s32 s5, s18;
	[dreg:$0x7] =	wrdreg s12;
	s12 =	sadd.s32 s4, s24  }
0x13: {  	s24 =	sadd.s32 s5, s26;
	[dreg:$0x8] =	wrdreg s12;
	s12 =	sadd.s32 s4, s15  }
0x14: {  	s15 =	sshrl.u32 s24, $0x3;
	[dreg:$0x9] =	wrdreg s12;
	s12 =	sadd.s32 s4, s19  }
0x15: {  	s23 =	sshrl.u32 s22, $0x3;
	s15 =	sadd.s32 s4, s15;
	[dreg:$0xa] =	wrdreg s12  }
0x16: {  	s5 =	sadd.s32 s5, s6;
	s12 =	sadd.s32 s4, s21;
	[dreg:$0xd] =	wrdreg s15  }
0x17: {  	s5 =	sshrl.u32 s5, $0x3;
	[dreg:$0xb] =	wrdreg s12;
	s12 =	sadd.s32 s4, s23  }
0x18: {  	s25 =	sshrl.u32 s16, $0x2;
	s4 =	sadd.s32 s4, s5;
	[dreg:$0xc] =	wrdreg s12  }
0x19: {  	s16 =	sadd.s32 $0x800, s0;
	s17 =	sadd.s32 $0x14400, s0;
	[dreg:$0xe] =	wrdreg s4  }
0x1a: {  	s15 =	sadd.s32 $0xA600, s0;
	s12 =	rddreg [dreg:$0x3];
	_ =	strace $0x80000047  }
0x1b: {  	s19 =	sadd.s32 s25, s12;
	s4 =	sadd.s32 s8, s12;
	s5 =	sadd.s32 s9, s12  }
0x1c: {  	s8 =	sadd.s32 s10, s12;
	s22 =	sadd.s32 s11, s12;
	s23 =	sadd.s32 s13, s12  }
0x1d: {  	s9 =	smul.u32 $0x2710, s7;
	s24 =	sadd.s32 s14, s12;
	[dreg:$0x18] =	wrdreg s3  }
0x1e: {  	s25 =	sadd.s32 s18, s12;
	s26 =	sadd.s32 s26, s12;
	[dreg:$0xf] =	wrdreg s4  }
0x1f: {  	s28 =	sadd.s32 s6, s12;
	s10 =	smul.u32 $0x27100, s7;
	[dreg:$0x10] =	wrdreg s5  }
0x20: {  	s7 =	simm.s32 $0x14000;
	s3 =	simm.s32 $0x60;
	[dreg:$0x11] =	wrdreg s8  }
0x21: {  	s8 =	simm.s32 $0x2;
	s11 =	sshrl.u32 s9, $0x3;
	s14 =	sadd.s32 $0x2700, s9  }
0x22: {  	s4 =	sadd.s32 s17, s10;
	s0 =	sadd.s32 $0xC0, s9;
	s10 =	simm.s32 $0x17080  }
0x23: {  	s13 =	sadd.s32 s15, s11;
	s5 =	sadd.s32 s16, s11;
	[dreg:$0x14] =	wrdreg s4  }
0x24: {  	s11 =	sadd.s32 $0x60, s9;
	s18 =	sshrl.u32 s14, $0x3;
	[dreg:$0x12] =	wrdreg s13  }
0x25: {  	s9 =	simm.s32 $0x17000;
	[dreg:$0x13] =	wrdreg s5;
	s20 =	sadd.s32 s15, s18  }
0x26: {  	s5 =	sshll.u32 s14, $0x4;
	s4 =	sadd.s32 s16, s18;
	[dreg:$0x15] =	wrdreg s20  }
0x27: {  	s13 =	simm.s32 $0x17100;
	[dreg:$0x16] =	wrdreg s4;
	s21 =	sadd.s32 s17, s5  }
0x28: {  	v0 =	vimm.f32 $0.0e+00;
	s14 =	simm.s32 $0x1;
	s20 =	simm.s32 $0x0;
	[dreg:$0x17] =	wrdreg s21  }
.LBB2_1:
0x29: {  	s4 =	simm.s32 $0x0;
	s5 =	simm.s32 $0x200  }
.LBB2_2:
0x2a: {  	p0 =	sne.s32 s5, $0x7E00;
	[tilespmem:s4+$0x14070] =	vst v0  }
0x2b: {  	[tilespmem:s4+$0x14000] =	vst v0  }
0x2c: {  	[tilespmem:s4+$0x14010] =	vst v0  }
.Ltmp0:
0x2d: {  	[tilespmem:s4+$0x14020] =	vst v0;
	(pc) =	sbr.rel @p0 .LBB2_2-.Ltmp0, $4  }
0x2e: {  	[tilespmem:s4+$0x14030] =	vst v0  }
0x2f: {  	[tilespmem:s4+$0x14040] =	vst v0  }
0x30: {  	[tilespmem:s4+$0x14050] =	vst v0  }
0x31: {  	[tilespmem:s4+$0x14060] =	vst v0;
	s4 =	sshra.s32 s5, $0x2;
	s5 =	sadd.s32 $0x200, s5  }
0x32: {  	[tilespmem:s4+$0x14070] =	vst v0  }
0x33: {  	[tilespmem:s4+$0x14000] =	vst v0  }
0x34: {  	[tilespmem:s4+$0x14010] =	vst v0  }
0x35: {  	[tilespmem:s4+$0x14020] =	vst v0  }
0x36: {  	[tilespmem:s4+$0x14030] =	vst v0  }
0x37: {  	[tilespmem:s4+$0x14040] =	vst v0  }
0x38: {  	[tilespmem:s4+$0x14050] =	vst v0  }
0x39: {  	[tilespmem:s4+$0x14060] =	vst v0  }
0x3a: {  	[spmem:s19] =	stream.linear.scatter [tilespmem:s7], [sflag:$0x2], $0x2000, $0x38;
	[tilespmem:$0x1E300] =	vst v63  }
0x3b: {  	_ =	swait.ge [sflag:s8], $0x2000  }
0x3c: {  	[sflag:s8] =	ssyncset.done $0x0  }
0x3d: {  	s18 =	rddreg [dreg:$0xf];
	[sflag:s8] =	ssyncadd.s32 $0xFFFFE000  }
0x3e: {  	[spmem:s18] =	stream.linear.scatter [tilespmem:s7], [sflag:$0x2], $0x2000, $0x38;
	[tilespmem:$0x1E300] =	vst v63  }
0x3f: {  	_ =	swait.ge [sflag:s8], $0x2000  }
0x40: {  	[sflag:s8] =	ssyncset.done $0x0  }
0x41: {  	s21 =	smov.u32 s19;
	s19 =	rddreg [dreg:$0x10];
	[sflag:s8] =	ssyncadd.s32 $0xFFFFE000  }
0x42: {  	[spmem:s19] =	stream.linear.scatter [tilespmem:s7], [sflag:$0x2], $0x2000, $0x38;
	[tilespmem:$0x1E300] =	vst v63  }
0x43: {  	_ =	swait.ge [sflag:s8], $0x2000  }
0x44: {  	[sflag:s8] =	ssyncset.done $0x0  }
0x45: {  	s5 =	rddreg [dreg:$0x11];
	[sflag:s8] =	ssyncadd.s32 $0xFFFFE000  }
0x46: {  	[spmem:s5] =	stream.linear.scatter [tilespmem:s7], [sflag:$0x2], $0x2000, $0x38;
	[tilespmem:$0x1E300] =	vst v63  }
0x47: {  	_ =	swait.ge [sflag:s8], $0x2000  }
0x48: {  	[sflag:s8] =	ssyncset.done $0x0  }
0x49: {  	[sflag:s8] =	ssyncadd.s32 $0xFFFFE000  }
0x4a: {  	[spmem:s22] =	stream.linear.scatter [tilespmem:s7], [sflag:$0x2], $0x2000, $0x38;
	[tilespmem:$0x1E300] =	vst v63  }
0x4b: {  	_ =	swait.ge [sflag:s8], $0x2000  }
0x4c: {  	[sflag:s8] =	ssyncset.done $0x0  }
0x4d: {  	[sflag:s8] =	ssyncadd.s32 $0xFFFFE000  }
0x4e: {  	[spmem:s23] =	stream.linear.scatter [tilespmem:s7], [sflag:$0x2], $0x2000, $0x38;
	[tilespmem:$0x1E300] =	vst v63  }
0x4f: {  	_ =	swait.ge [sflag:s8], $0x2000  }
0x50: {  	[sflag:s8] =	ssyncset.done $0x0  }
0x51: {  	[sflag:s8] =	ssyncadd.s32 $0xFFFFE000  }
0x52: {  	[spmem:s24] =	stream.linear.scatter [tilespmem:s7], [sflag:$0x2], $0x2000, $0x38;
	[tilespmem:$0x1E300] =	vst v63  }
0x53: {  	_ =	swait.ge [sflag:s8], $0x2000  }
0x54: {  	[sflag:s8] =	ssyncset.done $0x0  }
0x55: {  	[sflag:s8] =	ssyncadd.s32 $0xFFFFE000  }
0x56: {  	[spmem:s25] =	stream.linear.scatter [tilespmem:s7], [sflag:$0x2], $0x2000, $0x38;
	[tilespmem:$0x1E300] =	vst v63  }
0x57: {  	_ =	swait.ge [sflag:s8], $0x2000  }
0x58: {  	[sflag:s8] =	ssyncset.done $0x0  }
0x59: {  	[sflag:s8] =	ssyncadd.s32 $0xFFFFE000  }
0x5a: {  	[spmem:s26] =	stream.linear.scatter [tilespmem:s7], [sflag:$0x2], $0x2000, $0x38;
	[tilespmem:$0x1E300] =	vst v63  }
0x5b: {  	_ =	swait.ge [sflag:s8], $0x2000  }
0x5c: {  	[sflag:s8] =	ssyncset.done $0x0  }
0x5d: {  	[sflag:s8] =	ssyncadd.s32 $0xFFFFE000  }
0x5e: {  	[spmem:s28] =	stream.linear.scatter [tilespmem:s7], [sflag:$0x2], $0x2000, $0x38;
	[tilespmem:$0x1E300] =	vst v63  }
0x5f: {  	_ =	swait.ge [sflag:s8], $0x2000  }
0x60: {  	[sflag:s8] =	ssyncset.done $0x0  }
0x61: {  	[sflag:s8] =	ssyncadd.s32 $0xFFFFE000  }
0x62: {  	[bflag:$0x0] =	sbarrier.arrive $0xFFFF  }
0x63: {  	s5 =	simm.s32 $0x0;
	s6 =	rddreg [dreg:$0x12]  }
0x64: {  	[tilespmem:s9], [sflag:$0x1] =	stream.linear.gather [hbm4b:s6+s5], $0x60, $0x38;
	[tilespmem:$0x1E300] =	vst v63  }
0x65: {  	s18 =	rddreg [dreg:$0x13]  }
0x66: {  	[tilespmem:s10], [sflag:$0x1] =	stream.linear.gather [hbm4b:s18+s5], $0x60, $0x38;
	[tilespmem:$0x1E300] =	vst v63  }
0x67: {  	s19 =	rddreg [dreg:$0x14];
	s6 =	simm.s32 $0x0  }
0x68: {  	[tilespmem:s13], [sflag:$0x1] =	stream.linear.gather [hbm4b:s19+s5], $0x3000, $0x38;
	[tilespmem:$0x1E300] =	vst v63  }
.LBB2_4:
0x69: {  	_ =	swait.ge [sflag:s14], $0x60  }
0x6a: {  	[sflag:s14] =	ssyncset.done $0x0  }
0x6b: {  	[sflag:s14] =	ssyncadd.s32 $0xFFFFFFA0  }
0x6c: {  	_ =	swait.ge [sflag:s14], $0x60  }
0x6d: {  	s4 =	smul.u32 $0xC0, s6;
	[sflag:s14] =	ssyncset.done $0x0  }
0x6e: {  	[sflag:s14] =	ssyncadd.s32 $0xFFFFFFA0  }
0x6f: {  	s4 =	sadd.s32 s4, s11;
	_ =	swait.ge [sflag:s14], $0x3000  }
0x70: {  	s18 =	sshrl.u32 s4, $0x3;
	[sflag:s14] =	ssyncset.done $0x0  }
0x71: {  	s19 =	sadd.s32 s15, s18;
	[sflag:s14] =	ssyncadd.s32 $0xFFFFD000  }
0x72: {  	[tilespmem:s29], [sflag:$0x1] =	stream.linear.gather [hbm4b:s19+s5], $0x60, $0x38;
	[tilespmem:$0x1E300] =	vst v63  }
0x73: {  	s4 =	sshll.u32 s4, $0x4;
	s18 =	sadd.s32 s16, s18  }
0x74: {  	[tilespmem:s30], [sflag:$0x1] =	stream.linear.gather [hbm4b:s18+s5], $0x60, $0x38;
	[tilespmem:$0x1E300] =	vst v63  }
0x75: {  	s4 =	sadd.s32 s17, s4  }
0x76: {  	[tilespmem:s31], [sflag:$0x1] =	stream.linear.gather [hbm4b:s4+s5], $0x3000, $0x38;
	[tilespmem:$0x1E300] =	vst v63  }
0x77: {  	_ = 	snop  }
0x78: {  	[tilespmem:s7], [sflag:$0x2] =	stream.indirect.gather [hbm4b:s1+s3], $0x80, s9, s3, $0xb8;
	[tilespmem:$0x1E300] =	vst v63  }
0x79: {  	_ =	swait.ge [sflag:s8], $0x3000  }
0x7a: {  	[sflag:s8] =	ssyncset.done $0x0  }
0x7b: {  	s4 =	simm.s32 $0x0;
	[sflag:s8] =	ssyncadd.s32 $0xFFFFD000  }
0x7c: {  	v1 =	vld [tilespmem:s4+$0x17100]  }
0x7d: {  	v5 =	vld [tilespmem:s4+$0x14000]  }
0x7e: {  	v7 =	vld [tilespmem:s4+$0x14010]  }
0x7f: {  	v6 =	vld [tilespmem:s4+$0x14020]  }
0x80: {  	v4 =	vld [tilespmem:s4+$0x14030]  }
0x81: {  	v2 =	vld [tilespmem:s4+$0x14040]  }
0x82: {  	v3 =	vld [tilespmem:s4+$0x14050];
	v8 =	vmul.f32 v5, v1  }
0x83: {  	s18 =	simm.s32 $0x200;
	v7 =	vmul.f32 v7, v1;
	v5 =	vld [tilespmem:s4+$0x14060]  }
.LBB2_5:
0x84: {  	s19 =	sshra.s32 s18, $0x2;
	p0 =	sne.s32 s18, $0xBE00;
	[tilespmem:s4+$0x14000] =	vst v8;
	v6 =	vmul.f32 v6, v1;
	v8 =	vld [tilespmem:s4+$0x14070]  }
0x85: {  	v9 =	vld [tilespmem:s19+$0x17100];
	[tilespmem:s4+$0x14010] =	vst v7;
	v4 =	vmul.f32 v4, v1  }
0x86: {  	v7 =	vld [tilespmem:s19+$0x14000];
	[tilespmem:s4+$0x14020] =	vst v6;
	v2 =	vmul.f32 v2, v1  }
0x87: {  	v10 =	vld [tilespmem:s19+$0x14010];
	[tilespmem:s4+$0x14030] =	vst v4;
	v3 =	vmul.f32 v3, v1  }
.Ltmp1:
0x88: {  	v6 =	vld [tilespmem:s19+$0x14020];
	[tilespmem:s4+$0x14040] =	vst v2;
	v5 =	vmul.f32 v5, v1;
	(pc) =	sbr.rel @p0 .LBB2_5-.Ltmp1, $4  }
0x89: {  	v4 =	vld [tilespmem:s19+$0x14030];
	[tilespmem:s4+$0x14050] =	vst v3;
	v11 =	vmul.f32 v8, v1  }
0x8a: {  	v2 =	vld [tilespmem:s19+$0x14040];
	[tilespmem:s4+$0x14060] =	vst v5;
	v1 =	vmov v9  }
0x8b: {  	v8 =	vmul.f32 v7, v1;
	v3 =	vld [tilespmem:s19+$0x14050];
	[tilespmem:s4+$0x14070] =	vst v11;
	s4 =	smov.u32 s19  }
0x8c: {  	s18 =	sadd.s32 $0x200, s18;
	v7 =	vmul.f32 v10, v1;
	v5 =	vld [tilespmem:s4+$0x14060]  }
0x8d: {  	[tilespmem:s4+$0x14000] =	vst v8;
	v6 =	vmul.f32 v6, v1;
	v8 =	vld [tilespmem:s4+$0x14070]  }
0x8e: {  	[tilespmem:s4+$0x14010] =	vst v7;
	v4 =	vmul.f32 v4, v1  }
0x8f: {  	[tilespmem:s4+$0x14020] =	vst v6;
	v2 =	vmul.f32 v2, v1  }
0x90: {  	[tilespmem:s4+$0x14030] =	vst v4;
	v3 =	vmul.f32 v3, v1  }
0x91: {  	[tilespmem:s4+$0x14040] =	vst v2;
	v2 =	vmul.f32 v5, v1  }
0x92: {  	[tilespmem:s4+$0x14050] =	vst v3;
	v1 =	vmul.f32 v8, v1  }
0x93: {  	[tilespmem:s4+$0x14060] =	vst v2  }
0x94: {  	[tilespmem:s4+$0x14070] =	vst v1  }
0x95: {  	[spmem:s12] =	stream.indirect.scatter.add.f32 [tilespmem:s7], [sflag:$0x2], $0x80, s10, s3, $0xb8;
	[tilespmem:$0x1E300] =	vst v63  }
0x96: {  	_ =	swait.ge [sflag:s8], $0x3000  }
0x97: {  	[sflag:s8] =	ssyncset.done $0x0  }
0x98: {  	[sflag:s8] =	ssyncadd.s32 $0xFFFFD000  }
0x99: {  	_ =	swait.ge [sflag:s14], $0x60  }
0x9a: {  	[sflag:s14] =	ssyncset.done $0x0  }
0x9b: {  	s19 =	sshll.u32 s6, $0x1;
	[sflag:s14] =	ssyncadd.s32 $0xFFFFFFA0  }
0x9c: {  	s4 =	smin.u32 s19, $0x65;
	_ =	swait.ge [sflag:s14], $0x60  }
0x9d: {  	s4 =	smul.u32 $0x60, s4;
	[sflag:s14] =	ssyncset.done $0x0  }
0x9e: {  	[sflag:s14] =	ssyncadd.s32 $0xFFFFFFA0  }
0x9f: {  	s4 =	sadd.s32 s4, s0;
	_ =	swait.ge [sflag:s14], $0x3000  }
0xa0: {  	s18 =	sshrl.u32 s4, $0x3;
	[sflag:s14] =	ssyncset.done $0x0  }
0xa1: {  	s19 =	sadd.s32 s15, s18;
	[sflag:s14] =	ssyncadd.s32 $0xFFFFD000  }
0xa2: {  	[tilespmem:s9], [sflag:$0x1] =	stream.linear.gather [hbm4b:s19+s20], $0x60, $0x38;
	[tilespmem:$0x1E300] =	vst v63  }
0xa3: {  	s4 =	sshll.u32 s4, $0x4;
	s18 =	sadd.s32 s16, s18  }
0xa4: {  	[tilespmem:s10], [sflag:$0x1] =	stream.linear.gather [hbm4b:s18+s20], $0x60, $0x38;
	[tilespmem:$0x1E300] =	vst v63  }
0xa5: {  	s4 =	sadd.s32 s17, s4  }
0xa6: {  	[tilespmem:s13], [sflag:$0x1] =	stream.linear.gather [hbm4b:s4+s20], $0x3000, $0x38;
	[tilespmem:$0x1E300] =	vst v63  }
0xa7: {  	_ = 	snop  }
0xa8: {  	[tilespmem:s7], [sflag:$0x2] =	stream.indirect.gather [hbm4b:s1+s3], $0x80, s29, s3, $0xb8;
	[tilespmem:$0x1E300] =	vst v63  }
0xa9: {  	_ =	swait.ge [sflag:s8], $0x3000  }
0xaa: {  	[sflag:s8] =	ssyncset.done $0x0  }
0xab: {  	s4 =	simm.s32 $0x0;
	[sflag:s8] =	ssyncadd.s32 $0xFFFFD000  }
0xac: {  	v1 =	vld [tilespmem:s4+$0x1A200]  }
0xad: {  	v5 =	vld [tilespmem:s4+$0x14000]  }
0xae: {  	v7 =	vld [tilespmem:s4+$0x14010]  }
0xaf: {  	v6 =	vld [tilespmem:s4+$0x14020]  }
0xb0: {  	v4 =	vld [tilespmem:s4+$0x14030]  }
0xb1: {  	v2 =	vld [tilespmem:s4+$0x14040]  }
0xb2: {  	v3 =	vld [tilespmem:s4+$0x14050];
	v8 =	vmul.f32 v5, v1  }
0xb3: {  	s18 =	simm.s32 $0x200;
	v7 =	vmul.f32 v7, v1;
	v5 =	vld [tilespmem:s4+$0x14060]  }
.LBB2_7:
0xb4: {  	s19 =	sshra.s32 s18, $0x2;
	p0 =	sne.s32 s18, $0xBE00;
	[tilespmem:s4+$0x14000] =	vst v8;
	v6 =	vmul.f32 v6, v1;
	v8 =	vld [tilespmem:s4+$0x14070]  }
0xb5: {  	v9 =	vld [tilespmem:s19+$0x1A200];
	[tilespmem:s4+$0x14010] =	vst v7;
	v4 =	vmul.f32 v4, v1  }
0xb6: {  	v7 =	vld [tilespmem:s19+$0x14000];
	[tilespmem:s4+$0x14020] =	vst v6;
	v2 =	vmul.f32 v2, v1  }
0xb7: {  	v10 =	vld [tilespmem:s19+$0x14010];
	[tilespmem:s4+$0x14030] =	vst v4;
	v3 =	vmul.f32 v3, v1  }
.Ltmp2:
0xb8: {  	v6 =	vld [tilespmem:s19+$0x14020];
	[tilespmem:s4+$0x14040] =	vst v2;
	v5 =	vmul.f32 v5, v1;
	(pc) =	sbr.rel @p0 .LBB2_7-.Ltmp2, $4  }
0xb9: {  	v4 =	vld [tilespmem:s19+$0x14030];
	[tilespmem:s4+$0x14050] =	vst v3;
	v11 =	vmul.f32 v8, v1  }
0xba: {  	v2 =	vld [tilespmem:s19+$0x14040];
	[tilespmem:s4+$0x14060] =	vst v5;
	v1 =	vmov v9  }
0xbb: {  	v8 =	vmul.f32 v7, v1;
	v3 =	vld [tilespmem:s19+$0x14050];
	[tilespmem:s4+$0x14070] =	vst v11;
	s4 =	smov.u32 s19  }
0xbc: {  	s18 =	sadd.s32 $0x200, s18;
	v7 =	vmul.f32 v10, v1;
	v5 =	vld [tilespmem:s4+$0x14060]  }
0xbd: {  	[tilespmem:s4+$0x14000] =	vst v8;
	v6 =	vmul.f32 v6, v1;
	v63 =	vld [tilespmem:s4+$0x14070]  }
0xbe: {  	[tilespmem:s4+$0x14010] =	vst v7;
	v4 =	vmul.f32 v4, v1  }
0xbf: {  	[tilespmem:s4+$0x14020] =	vst v6;
	v2 =	vmul.f32 v2, v1  }
0xc0: {  	[tilespmem:s4+$0x14030] =	vst v4;
	v3 =	vmul.f32 v3, v1  }
0xc1: {  	[tilespmem:s4+$0x14040] =	vst v2;
	v2 =	vmul.f32 v5, v1  }
0xc2: {  	s6 =	sadd.s32 $0x1, s6;
	[tilespmem:s4+$0x14050] =	vst v3;
	v1 =	vmul.f32 v63, v1  }
0xc3: {  	p0 =	sne.s32 s6, $0x34;
	[tilespmem:s4+$0x14060] =	vst v2  }
.Ltmp3:
0xc4: {  	[tilespmem:s4+$0x14070] =	vst v1;
	(pc) =	sbr.rel @p0 .LBB2_4-.Ltmp3, $4  }
0xc5: {  	[spmem:s12] =	stream.indirect.scatter.add.f32 [tilespmem:s7], [sflag:$0x2], $0x80, s30, s3, $0xb8;
	[tilespmem:$0x1E300] =	vst v63  }
0xc6: {  	_ =	swait.ge [sflag:s8], $0x3000  }
0xc7: {  	[sflag:s8] =	ssyncset.done $0x0  }
0xc8: {  	[sflag:s8] =	ssyncadd.s32 $0xFFFFD000  }
0xc9: {  	_ =	swait.ge [sflag:s14], $0x60  }
0xca: {  	[sflag:s14] =	ssyncset.done $0x0  }
0xcb: {  	[sflag:s14] =	ssyncadd.s32 $0xFFFFFFA0  }
0xcc: {  	_ =	swait.ge [sflag:s14], $0x60  }
0xcd: {  	[sflag:s14] =	ssyncset.done $0x0  }
0xce: {  	[sflag:s14] =	ssyncadd.s32 $0xFFFFFFA0  }
0xcf: {  	_ =	swait.ge [sflag:s14], $0x3000  }
0xd0: {  	s4 =	simm.s32 $0x0;
	[sflag:s14] =	ssyncset.done $0x0  }
0xd1: {  	s6 =	simm.s32 $0x1DA00;
	s5 =	rddreg [dreg:$0x15];
	[sflag:s14] =	ssyncadd.s32 $0xFFFFD000  }
0xd2: {  	[tilespmem:s6], [sflag:$0x2] =	stream.linear.gather [hbm4b:s5+s4], $0x10, $0x38;
	[tilespmem:$0x1E300] =	vst v63  }
0xd3: {  	_ =	swait.ge [sflag:s8], $0x10  }
0xd4: {  	[sflag:s8] =	ssyncset.done $0x0  }
0xd5: {  	s18 =	simm.s32 $0x1DA80;
	s19 =	rddreg [dreg:$0x16];
	[sflag:s8] =	ssyncadd.s32 $0xFFFFFFF0  }
0xd6: {  	[tilespmem:s18], [sflag:$0x2] =	stream.linear.gather [hbm4b:s19+s4], $0x10, $0x38;
	[tilespmem:$0x1E300] =	vst v63  }
0xd7: {  	_ =	swait.ge [sflag:s8], $0x10  }
0xd8: {  	[sflag:s8] =	ssyncset.done $0x0  }
0xd9: {  	s19 =	simm.s32 $0x1DB00;
	s5 =	rddreg [dreg:$0x17];
	[sflag:s8] =	ssyncadd.s32 $0xFFFFFFF0  }
0xda: {  	[tilespmem:s19], [sflag:$0x2] =	stream.linear.gather [hbm4b:s5+s4], $0x800, $0x38;
	[tilespmem:$0x1E300] =	vst v63  }
0xdb: {  	_ =	swait.ge [sflag:s8], $0x800  }
0xdc: {  	[sflag:s8] =	ssyncset.done $0x0  }
0xdd: {  	s5 =	simm.s32 $0x10;
	s19 =	simm.s32 $0x1D200;
	[sflag:s8] =	ssyncadd.s32 $0xFFFFF800  }
0xde: {  	[tilespmem:s19], [sflag:$0x2] =	stream.indirect.gather [hbm4b:s1+s5], $0x80, s6, s5, $0xb8;
	[tilespmem:$0x1E300] =	vst v63  }
0xdf: {  	_ =	swait.ge [sflag:s8], $0x800  }
0xe0: {  	[sflag:s8] =	ssyncset.done $0x0  }
0xe1: {  	s4 =	simm.s32 $0x0;
	[sflag:s8] =	ssyncadd.s32 $0xFFFFF800  }
0xe2: {  	v1 =	vld [tilespmem:s4+$0x1DB00]  }
0xe3: {  	v5 =	vld [tilespmem:s4+$0x1D200]  }
0xe4: {  	v7 =	vld [tilespmem:s4+$0x1D210]  }
0xe5: {  	v6 =	vld [tilespmem:s4+$0x1D220]  }
0xe6: {  	v4 =	vld [tilespmem:s4+$0x1D230]  }
0xe7: {  	v2 =	vld [tilespmem:s4+$0x1D240]  }
0xe8: {  	v3 =	vld [tilespmem:s4+$0x1D250];
	v8 =	vmul.f32 v5, v1  }
0xe9: {  	s5 =	simm.s32 $0x200;
	v7 =	vmul.f32 v7, v1;
	v5 =	vld [tilespmem:s4+$0x1D260]  }
.LBB2_10:
0xea: {  	s6 =	sshra.s32 s5, $0x2;
	p0 =	sne.s32 s5, $0x1E00;
	[tilespmem:s4+$0x1D200] =	vst v8;
	v6 =	vmul.f32 v6, v1;
	v8 =	vld [tilespmem:s4+$0x1D270]  }
0xeb: {  	v9 =	vld [tilespmem:s6+$0x1DB00];
	[tilespmem:s4+$0x1D210] =	vst v7;
	v4 =	vmul.f32 v4, v1  }
0xec: {  	v7 =	vld [tilespmem:s6+$0x1D200];
	[tilespmem:s4+$0x1D220] =	vst v6;
	v2 =	vmul.f32 v2, v1  }
0xed: {  	v10 =	vld [tilespmem:s6+$0x1D210];
	[tilespmem:s4+$0x1D230] =	vst v4;
	v3 =	vmul.f32 v3, v1  }
.Ltmp4:
0xee: {  	v6 =	vld [tilespmem:s6+$0x1D220];
	[tilespmem:s4+$0x1D240] =	vst v2;
	v5 =	vmul.f32 v5, v1;
	(pc) =	sbr.rel @p0 .LBB2_10-.Ltmp4, $4  }
0xef: {  	v4 =	vld [tilespmem:s6+$0x1D230];
	[tilespmem:s4+$0x1D250] =	vst v3;
	v11 =	vmul.f32 v8, v1  }
0xf0: {  	v2 =	vld [tilespmem:s6+$0x1D240];
	[tilespmem:s4+$0x1D260] =	vst v5;
	v1 =	vmov v9  }
0xf1: {  	v8 =	vmul.f32 v7, v1;
	v3 =	vld [tilespmem:s6+$0x1D250];
	[tilespmem:s4+$0x1D270] =	vst v11;
	s4 =	smov.u32 s6  }
0xf2: {  	s5 =	sadd.s32 $0x200, s5;
	v7 =	vmul.f32 v10, v1;
	v5 =	vld [tilespmem:s4+$0x1D260]  }
0xf3: {  	[tilespmem:s4+$0x1D200] =	vst v8;
	v6 =	vmul.f32 v6, v1;
	v63 =	vld [tilespmem:s4+$0x1D270]  }
0xf4: {  	[tilespmem:s4+$0x1D210] =	vst v7;
	v4 =	vmul.f32 v4, v1  }
0xf5: {  	[tilespmem:s4+$0x1D220] =	vst v6;
	v2 =	vmul.f32 v2, v1  }
0xf6: {  	[tilespmem:s4+$0x1D230] =	vst v4;
	v3 =	vmul.f32 v3, v1  }
0xf7: {  	[tilespmem:s4+$0x1D240] =	vst v2;
	v2 =	vmul.f32 v5, v1  }
0xf8: {  	[tilespmem:s4+$0x1D250] =	vst v3;
	v1 =	vmul.f32 v63, v1  }
0xf9: {  	[tilespmem:s4+$0x1D260] =	vst v2  }
0xfa: {  	s6 =	simm.s32 $0x10;
	s5 =	simm.s32 $0x1D200;
	[tilespmem:s4+$0x1D270] =	vst v1  }
0xfb: {  	[spmem:s12] =	stream.indirect.scatter.add.f32 [tilespmem:s5], [sflag:$0x2], $0x80, s18, s6, $0xb8;
	[tilespmem:$0x1E300] =	vst v63  }
0xfc: {  	_ =	swait.ge [sflag:s8], $0x800  }
0xfd: {  	[sflag:s8] =	ssyncset.done $0x0  }
0xfe: {  	s19 =	stileid.u32;
	[sflag:s8] =	ssyncadd.s32 $0xFFFFF800  }
0xff: {  	s4 =	sshll.u32 s19, $0x6;
	s19 =	smov.u32 s21;
	[bflag:$0x0] =	sbarrier.arrive $0xFFFF  }
0x100: {  	s21 =	sshrl.u32 s21, $0x3;
	s4 =	sor.u32 $0x1C02, s4;
	s6 =	rddreg [dreg:$0x5]  }
0x101: {  	[hbm:s6], [sflag:s4] =	dma.local [spmem:s21], $0x400  }
0x102: {  	_ =	swait.ge [sflag:s8], $0x400  }
0x103: {  	[sflag:s8] =	ssyncset.done $0x0;
	s18 =	rddreg [dreg:$0xf]  }
0x104: {  	s21 =	rddreg [dreg:$0x6];
	[sflag:s8] =	ssyncadd.s32 $0xFFFFFC00;
	s5 =	sshrl.u32 s18, $0x3  }
0x105: {  	[hbm:s21], [sflag:s4] =	dma.local [spmem:s5], $0x400  }
0x106: {  	_ =	swait.ge [sflag:s8], $0x400  }
0x107: {  	[sflag:s8] =	ssyncset.done $0x0;
	s18 =	rddreg [dreg:$0x10]  }
0x108: {  	s21 =	rddreg [dreg:$0x7];
	[sflag:s8] =	ssyncadd.s32 $0xFFFFFC00;
	s5 =	sshrl.u32 s18, $0x3  }
0x109: {  	[hbm:s21], [sflag:s4] =	dma.local [spmem:s5], $0x400  }
0x10a: {  	_ =	swait.ge [sflag:s8], $0x400  }
0x10b: {  	[sflag:s8] =	ssyncset.done $0x0;
	s18 =	rddreg [dreg:$0x11]  }
0x10c: {  	s21 =	rddreg [dreg:$0x8];
	[sflag:s8] =	ssyncadd.s32 $0xFFFFFC00;
	s5 =	sshrl.u32 s18, $0x3  }
0x10d: {  	[hbm:s21], [sflag:s4] =	dma.local [spmem:s5], $0x400  }
0x10e: {  	_ =	swait.ge [sflag:s8], $0x400  }
0x10f: {  	[sflag:s8] =	ssyncset.done $0x0  }
0x110: {  	s18 =	sshrl.u32 s22, $0x3;
	s21 =	rddreg [dreg:$0x9];
	[sflag:s8] =	ssyncadd.s32 $0xFFFFFC00  }
0x111: {  	[hbm:s21], [sflag:s4] =	dma.local [spmem:s18], $0x400  }
0x112: {  	_ =	swait.ge [sflag:s8], $0x400  }
0x113: {  	[sflag:s8] =	ssyncset.done $0x0  }
0x114: {  	s18 =	sshrl.u32 s23, $0x3;
	s21 =	rddreg [dreg:$0xa];
	[sflag:s8] =	ssyncadd.s32 $0xFFFFFC00  }
0x115: {  	[hbm:s21], [sflag:s4] =	dma.local [spmem:s18], $0x400  }
0x116: {  	_ =	swait.ge [sflag:s8], $0x400  }
0x117: {  	[sflag:s8] =	ssyncset.done $0x0  }
0x118: {  	s18 =	sshrl.u32 s24, $0x3;
	s21 =	rddreg [dreg:$0xb];
	[sflag:s8] =	ssyncadd.s32 $0xFFFFFC00  }
0x119: {  	[hbm:s21], [sflag:s4] =	dma.local [spmem:s18], $0x400  }
0x11a: {  	_ =	swait.ge [sflag:s8], $0x400  }
0x11b: {  	[sflag:s8] =	ssyncset.done $0x0  }
0x11c: {  	s18 =	sshrl.u32 s25, $0x3;
	s21 =	rddreg [dreg:$0xc];
	[sflag:s8] =	ssyncadd.s32 $0xFFFFFC00  }
0x11d: {  	[hbm:s21], [sflag:s4] =	dma.local [spmem:s18], $0x400  }
0x11e: {  	_ =	swait.ge [sflag:s8], $0x400  }
0x11f: {  	[sflag:s8] =	ssyncset.done $0x0  }
0x120: {  	s18 =	sshrl.u32 s26, $0x3;
	s21 =	rddreg [dreg:$0xd];
	[sflag:s8] =	ssyncadd.s32 $0xFFFFFC00  }
0x121: {  	[hbm:s21], [sflag:s4] =	dma.local [spmem:s18], $0x400  }
0x122: {  	_ =	swait.ge [sflag:s8], $0x400  }
0x123: {  	[sflag:s8] =	ssyncset.done $0x0  }
0x124: {  	s6 =	sshrl.u32 s28, $0x3;
	s18 =	rddreg [dreg:$0xe];
	[sflag:s8] =	ssyncadd.s32 $0xFFFFFC00  }
0x125: {  	[hbm:s18], [sflag:s4] =	dma.local [spmem:s6], $0x400  }
0x126: {  	_ =	swait.ge [sflag:s8], $0x400  }
0x127: {  	s2 =	sadd.s32 $0x1, s2;
	s21 =	rddreg [dreg:$0x18]  }
0x128: {  	p0 =	sne.s32 s2, s21  }
.Ltmp5:
0x129: {  	_ = 	snop;
	(pc) =	sbr.rel @p0 .LBB2_1-.Ltmp5, $3  }
0x12a: {  	_ =	sdelay $0x1  }
0x12b: {  	[sflag:s8] =	ssyncset.done $0x0  }
0x12c: {  	[sflag:s8] =	ssyncadd.s32 $0xFFFFFC00  }
0x12d: {  	_ =	sfence.sel $0x180000  }
0x12e: {  	[bflag:$0x0] =	sbarrier.arrive $0xFFFF  }
0x12f: {  	_ =	strace $0x90000047  }
0x130: {  	s0 =	stileid.u32;
	[bflag:$0x2] =	sbarrier.arrive $0xFFFF  }
0x131: {  	p0 =	sne.s32 s0, $0x0;
	s0 =	rddreg [dreg:$0x4]  }
0x132: {  	s0 =	sadd.s32 @!p0 $0x100000, s0  }
0x133: {  	[sflag:s0] =	ssyncadd.tile.s32 @!p0 $0x1;
	_ =	shalt  }
.Lfunc_end2:
_tile_overlayer_lowered:
.L_overlay_start_2:
0x134: {  	(tag) =	ssettag $0x2  }
0x135: {  	s0 =	rddreg [dreg:$0x0];
	s2 =	stileid.u32  }
0x136: {  	s1 =	rddreg [dreg:$0x1];
	p0 =	sne.s32 s2, $0x0  }
0x137: {  	s3 =	rddreg [dreg:$0x2];
	[bflag:$0x3] =	sbarrier.arrive $0xFFFF;
	s2 =	simm.s32 @!p0 $0x1C02  }
0x138: {  	[timem:s3], [sflag:s2] =	dma.local @!p0 [hbm:s0], s1  }
0x139: {  	s0 =	simm.s32 @!p0 $0x2  }
0x13a: {  	_ =	swait.ge @!p0 [sflag:s0], s1  }
0x13b: {  	s1 =	ssub.s32 @!p0 $0x0, s1;
	[sflag:s0] =	ssyncset.done @!p0 $0x0  }
0x13c: {  	[sflag:s0] =	ssyncadd.s32 @!p0 s1  }
0x13d: {  	[bflag:$0x3] =	sbarrier.arrive $0xFFFF  }
0x13e: {  	_ =	shalt  }

// kernel: kernel.8.cloned.1.call-start
scs
__scs_entry_jumppad:
0x0: {  	(pc) =	sbr.rel $0x88, $3  }
0x1: {  	(tag) =	ssettag $0x0;
	lr =	simm.s32 $0x1  }
0x2: {  	[smem:$0x3F9C] =	sst lr;
	_ =	strace $0xD0000000  }
0x3: {  	_ = 	snop  }
0x4: {  	_ = 	snop  }
0x5: {  	_ = 	snop  }
0x6: {  	_ = 	snop  }
0x7: {  	_ = 	snop  }
__scs_overlays_trampoline_lowered:
0x8: {  	[smem:$0x3FAB] =	sst s0  }
0x9: {  	[smem:$0x3FAC] =	sst s1  }
0xa: {  	[smem:$0x3FAD] =	sst s2  }
0xb: {  	[smem:$0x3FAE] =	sst s3  }
0xc: {  	[smem:$0x3FAF] =	sst s4  }
0xd: {  	[smem:$0x3FB0] =	sst s5  }
0xe: {  	[smem:$0x3FB1] =	sst s6  }
0xf: {  	[smem:$0x3FB2] =	sst s7  }
0x10: {  	[smem:$0x3FB3] =	sst s8  }
0x11: {  	[smem:$0x3FB4] =	sst s9;
	s0 =	simm.s32 @!p0 $0x0  }
0x12: {  	s1 =	sld [smem:$0x3F9A];
	s0 =	simm.s32 @p0 $0x1  }
0x13: {  	[smem:$0x3FB5] =	sst s0;
	s0 =	simm.s32 @!p1 $0x0  }
0x14: {  	s2 =	sld [smem:$0x3F99];
	s0 =	simm.s32 @p1 $0x1  }
0x15: {  	[smem:$0x3FB6] =	sst s0;
	s0 =	simm.s32 @!p2 $0x0  }
0x16: {  	s3 =	sld [smem:$0x3FDB];
	s0 =	simm.s32 @p2 $0x1  }
0x17: {  	s4 =	simm.s32 $0x1BF5;
	[smem:$0x3FB8] =	sst s0  }
0x18: {  	s0 =	sld [smem:$0x3F9B];
	_ =	swait.ge [sflag:s4], $0x0  }
0x19: {  	s7 =	sld [smem:$0x3F9C]  }
0x1a: {  	s8 =	sadd.s32 $0xFFFFE003, lr  }
0x1b: {  	s9 =	sadd.s32 $0xFFFFFEF7, lr;
	s5 =	simm.s32 $0xFFFFFFFF;
	p2 =	slt.u32 s8, $0xFFFFF086  }
0x1c: {  	p1 =	slt.u32 s9, $0xF7A;
	s5 =	simm.s32 @!p2 $0x0  }
0x1d: {  	s5 =	simm.s32 @p1 $0x1;
	p0 =	seq.s32 s7, s2  }
0x1e: {  	s7 =	smul.u32 @!p0 $0xF7A, s2;
	p2 =	seq.s32 @!p0 s5, $0x0  }
0x1f: {  	s9 =	smul.u32 $0xF7A, s1;
	s8 =	simm.s32 @!p0 $0x1BF5;
	p2 =	por !p2, p0  }
0x20: {  	[sflag:s8] =	ssyncset.s32 @!p0 $0xFFFFF086;
	s6 =	sadd.s32 @!p0 s3, s7;
	s7 =	simm.s32 @!p0 $0x108  }
0x21: {  	s3 =	sadd.s32 s3, s9;
	s6 =	sadd.s32 @!p0 $0x88, s6;
	s7 =	simm.s32 @p2 $0x1082  }
0x22: {  	[simem:s7], [sflag:s8] =	dma.local @!p0 [hbm:s6], $0xF7A  }
0x23: {  	s9 =	sor.u32 $0xD0000000, s2;
	s6 =	simm.s32 $0x108;
	_ =	swait.ge @!p0 [sflag:s8], $0x0  }
0x24: {  	s3 =	sadd.s32 $0x88, s3;
	s6 =	simm.s32 @!p1 $0x1082;
	[sflag:s4] =	ssyncset.s32 $0xFFFFF086  }
0x25: {  	[simem:s6], [sflag:s4] =	dma.local [hbm:s3], $0xF7A  }
0x26: {  	[smem:$0x3F9C] =	sst s1;
	(tag) =	ssettag s2;
	_ =	strace s9  }
0x27: {  	s1 =	sld [smem:$0x3FAC]  }
0x28: {  	s2 =	sld [smem:$0x3FAD]  }
0x29: {  	s4 =	sld [smem:$0x3FAF]  }
0x2a: {  	p0 =	seq.s32 s5, $0x0;
	s5 =	sld [smem:$0x3FB0]  }
0x2b: {  	s6 =	sld [smem:$0x3FB1]  }
0x2c: {  	s7 =	sld [smem:$0x3FB2]  }
0x2d: {  	s3 =	simm.s32 $0x108;
	s8 =	sld [smem:$0x3FB3]  }
0x2e: {  	s3 =	simm.s32 @!p0 $0x1082;
	s9 =	sld [smem:$0x3FB4]  }
0x2f: {  	lr =	sadd.s32 s0, s3;
	s0 =	sld [smem:$0x3FAB]  }
0x30: {  	s3 =	sld [smem:$0x3FAE]  }
0x31: {  	[smem:$0x3FB7] =	sst s10  }
0x32: {  	s10 =	sld [smem:$0x3FB5];
	_ =	sdelay $0x3  }
0x33: {  	p0 =	seq.s32 s10, $0x1;
	s10 =	sld [smem:$0x3FB7];
	_ =	sdelay $0x3  }
0x34: {  	[smem:$0x3FB7] =	sst s10  }
0x35: {  	s10 =	sld [smem:$0x3FB6];
	_ =	sdelay $0x3  }
0x36: {  	p1 =	seq.s32 s10, $0x1;
	s10 =	sld [smem:$0x3FB7];
	_ =	sdelay $0x3  }
0x37: {  	[smem:$0x3FB7] =	sst s10  }
0x38: {  	s10 =	sld [smem:$0x3FB8]  }
0x39: {  	_ = 	snop;
	(pc) =	sbr.ind lr, $3  }
0x3a: {  	_ = 	snop  }
0x3b: {  	_ = 	snop  }
0x3c: {  	p2 =	seq.s32 s10, $0x1;
	s10 =	sld [smem:$0x3FB7]  }
0x3d: {  	_ =	shalt  }
0x3e: {  	_ =	shalt  }
0x3f: {  	_ =	shalt  }
0x40: {  	_ =	shalt  }
0x41: {  	_ =	shalt  }
0x42: {  	_ =	shalt  }
0x43: {  	_ =	shalt  }
0x44: {  	_ =	shalt  }
0x45: {  	_ =	shalt  }
0x46: {  	_ =	shalt  }
0x47: {  	_ =	shalt  }
0x48: {  	_ =	shalt  }
0x49: {  	_ =	shalt  }
0x4a: {  	_ =	shalt  }
0x4b: {  	_ =	shalt  }
0x4c: {  	_ =	shalt  }
0x4d: {  	_ =	shalt  }
0x4e: {  	_ =	shalt  }
0x4f: {  	_ =	shalt  }
0x50: {  	_ =	shalt  }
0x51: {  	_ =	shalt  }
0x52: {  	_ =	shalt  }
0x53: {  	_ =	shalt  }
0x54: {  	_ =	shalt  }
0x55: {  	_ =	shalt  }
0x56: {  	_ =	shalt  }
0x57: {  	_ =	shalt  }
0x58: {  	_ =	shalt  }
0x59: {  	_ =	shalt  }
0x5a: {  	_ =	shalt  }
0x5b: {  	_ =	shalt  }
0x5c: {  	_ =	shalt  }
0x5d: {  	_ =	shalt  }
0x5e: {  	_ =	shalt  }
0x5f: {  	_ =	shalt  }
0x60: {  	_ =	shalt  }
0x61: {  	_ =	shalt  }
0x62: {  	_ =	shalt  }
0x63: {  	_ =	shalt  }
0x64: {  	_ =	shalt  }
0x65: {  	_ =	shalt  }
0x66: {  	_ =	shalt  }
0x67: {  	_ =	shalt  }
0x68: {  	_ =	shalt  }
0x69: {  	_ =	shalt  }
0x6a: {  	_ =	shalt  }
0x6b: {  	_ =	shalt  }
0x6c: {  	_ =	shalt  }
0x6d: {  	_ =	shalt  }
0x6e: {  	_ =	shalt  }
0x6f: {  	_ =	shalt  }
0x70: {  	_ =	shalt  }
0x71: {  	_ =	shalt  }
0x72: {  	_ =	shalt  }
0x73: {  	_ =	shalt  }
0x74: {  	_ =	shalt  }
0x75: {  	_ =	shalt  }
0x76: {  	_ =	shalt  }
0x77: {  	_ =	shalt  }
0x78: {  	_ =	shalt  }
0x79: {  	_ =	shalt  }
0x7a: {  	_ =	shalt  }
0x7b: {  	_ =	shalt  }
0x7c: {  	_ =	shalt  }
0x7d: {  	_ =	shalt  }
0x7e: {  	_ =	shalt  }
0x7f: {  	_ =	shalt  }
0x80: {  	_ =	shalt  }
0x81: {  	_ =	shalt  }
0x82: {  	_ =	shalt  }
0x83: {  	_ =	shalt  }
0x84: {  	_ =	shalt  }
0x85: {  	_ =	shalt  }
0x86: {  	_ =	shalt  }
0x87: {  	_ =	shalt  }
.Lfunc_end0:
.L_simem_size_0:
called_computation.1_lowered:
.L_overlay_start_0:
0x88: {  	s2 =	sld [smem:$0x3FD9]  }
0x89: {  	s3 =	sld [smem:$0x3FFE];
	_ =	sdelay $0x1  }
0x8a: {  	s1 =	srdreg.scid  }
0x8b: {  	s0 =	sand.u32 $0x1, s1  }
0x8c: {  	s17 =	sshll.u32 s0, $0xA;
	s2 =	sadd.s32 s3, s2  }
0x8d: {  	s2 =	sadd.s32 s2, s17  }
0x8e: {  	[smem:$0x3FC3] =	sst s2  }
0x8f: {  	_ = 	snop  }
0x90: {  	s2 =	sld [smem:$0x3FD0];
	(tm) =	ssettm $0x1  }
0x91: {  	s18 =	sld [smem:$0x3FFB];
	_ =	sdelay $0x3  }
0x92: {  	_ =	strace s18  }
0x93: {  	s3 =	sld [smem:$0x3FFC];
	_ =	sdelay $0x3  }
0x94: {  	_ =	strace s3  }
0x95: {  	s3 =	sld [smem:$0x3FFD];
	_ =	sdelay $0x3  }
0x96: {  	_ =	strace s3  }
0x97: {  	_ =	strace $0x8FFFFFFF  }
0x98: {  	s19 =	sld [smem:$0x3FDB];
	_ =	sdelay $0x1  }
0x99: {  	s4 =	simm.s32 $_scs_section_size  }
0x9a: {  	s5 =	simm.s32 $_size__tile_overlayer_lowered;
	s6 =	simm.s32 $_tile_overlayer_lowered  }
0x9b: {  	s22 =	simm.s32 $0x1BFF;
	s21 =	sshll.u32 s6, $0x1;
	s3 =	sadd.s32 s4, s19  }
0x9c: {  	s7 =	simm.s32 $0x0;
	s20 =	sshll.u32 s5, $0x1;
	s5 =	sadd.s32 s21, s3  }
0x9d: {  	[timem:s7], [sflag:s22] =	dma.local [hbm:s5], s20  }
0x9e: {  	_ =	swait.ge [sflag:s22], s20  }
0x9f: {  	s4 =	ssub.s32 $0x0, s20;
	[sflag:s22] =	ssyncset.done $0x0  }
0xa0: {  	[sflag:s22] =	ssyncadd.s32 s4;
	_ =	sdelay $0x1  }
0xa1: {  	s23 =	simm.s32 $0x1B8B  }
0xa2: {  	_ =	swait.ge [sflag:s23], $0x1  }
0xa3: {  	[sflag:s23] =	ssyncset.done $0x0  }
0xa4: {  	s25 =	simm.s32 $0x1B8E;
	s24 =	sld [smem:$0x3FFE];
	[sflag:s23] =	ssyncadd.s32 $0xFFFFFFFF  }
0xa5: {  	s26 =	simm.s32 $execute0_lowered;
	[smem:$0x3FD2] =	sst s25  }
0xa6: {  	s5 =	sshll.u32 s26, $0x1;
	_ =	strace $0x80000049;
	[dreg:$0x1] =	wrdreg $0xFFFFFFFF  }
0xa7: {  	s28 =	simm.s32 $_size_execute0_lowered;
	s3 =	sadd.s32 s3, s5;
	[dreg:$0x0] =	wrdreg $0x0  }
0xa8: {  	s5 =	sshll.u32 s28, $0x1;
	[dreg:$0x2] =	wrdreg s3  }
0xa9: {  	[dreg:$0x3] =	wrdreg s5  }
0xaa: {  	[dreg:$0x4] =	wrdreg $0xC0  }
0xab: {  	_ =	task [dreg:s7], $0x5FFFF  }
0xac: {  	[dreg:$0x1] =	wrdreg $0xFFFFFFFF  }
0xad: {  	[dreg:$0x0] =	wrdreg $0x60  }
0xae: {  	[dreg:$0x2] =	wrdreg s2  }
0xaf: {  	[dreg:$0x3] =	wrdreg s24  }
0xb0: {  	[dreg:$0x4] =	wrdreg $0x0  }
0xb1: {  	[dreg:$0x5] =	wrdreg $0x9  }
0xb2: {  	_ =	task.clear_ibuf [dreg:s7], $0x6FFFF;
	_ =	strace $0x90000049  }
0xb3: {  	s29 =	simm.s32 $0x9;
	_ =	strace $0x8000004B  }
0xb4: {  	_ =	swait.ge [sflag:s29], $0x1  }
0xb5: {  	[sflag:s29] =	ssyncadd.s32 $0xFFFFFFFF  }
0xb6: {  	_ =	strace $0x9000004B  }
0xb7: {  	_ =	sfence  }
0xb8: {  	s30 =	sld [smem:$0x0];
	_ =	sdelay $0x2  }
0xb9: {  	s31 =	sshll.u32 s1, $0xD;
	s1 =	sshrl.u32 s1, $0x2  }
0xba: {  	s3 =	sand.u32 $0x4000, s31;
	s1 =	sadd.s32 s1, s30  }
0xbb: {  	s0 =	sor.u32 s3, s0;
	s1 =	sshll.u32 s1, $0x11  }
0xbc: {  	s0 =	sor.u32 s1, s0  }
0xbd: {  	s0 =	sadd.s32 $0x8F2B, s0  }
0xbe: {  	[sflag:s0] =	ssyncadd.remote.s32 $0x1  }
0xbf: {  	_ =	sfence.sel $0xFFFF  }
0xc0: {  	[dreg:$0x0] =	wrdreg $0xFFFFFFFF;
	(pc) =	sbr.abs _section_cstart, $3  }
0xc1: {  	[dreg:$0x1] =	wrdreg $0xFFFFFFFF  }
0xc2: {  	_ =	task.clear_ibuf [dreg:s7], $0x2FFFF;
	_ =	strace $0x9FFFFFFF  }
0xc3: {  	(tm) =	ssettm $0x7FFFFFFF  }
tec
execute0_lowered:
.L_overlay_start_1:
0x0: {  	(tag) =	ssettag $0x1  }
0x1: {  	s0 =	srdreg.scid  }
0x2: {  	s3 =	rddreg [dreg:$0x1];
	s20 =	stileid.u32;
	s1 =	simm.s32 $0x0  }
0x3: {  	s30 =	simm.s32 $0x0;
	s2 =	sand.u32 $0x1, s0;
	s15 =	smul.u32 $0x14000, s20  }
0x4: {  	[smem:$0x7FF] =	sst s1;
	s13 =	sadd.s32 $0x4F6400, s3;
	s0 =	ssub.s32 $0x2, s2  }
0x5: {  	s16 =	smul.u32 $0x280000, s2;
	s4 =	sshrl.u32 s0, $0x1;
	s5 =	sor.u32 $0x2000, s15  }
0x6: {  	s6 =	sadd.s32 $0x4000, s15;
	s10 =	sadd.s32 $0x6000, s15;
	s11 =	sadd.s32 $0x8000, s15  }
0x7: {  	s7 =	sadd.s32 $0xA000, s15;
	s8 =	sadd.s32 $0xC000, s15;
	s9 =	sadd.s32 $0xE000, s15  }
0x8: {  	s12 =	sadd.s32 $0x10000, s15;
	s0 =	ssub.s32 s0, s4;
	s14 =	sadd.s32 s15, s16  }
0x9: {  	s4 =	sadd.s32 $0x12000, s15;
	s31 =	sadd.s32 s16, s5;
	s17 =	sadd.s32 s16, s6  }
0xa: {  	s18 =	sadd.s32 s16, s10;
	s19 =	sadd.s32 s16, s11;
	s21 =	sadd.s32 s16, s7  }
0xb: {  	s22 =	sadd.s32 s16, s8;
	s25 =	sadd.s32 s16, s9;
	s26 =	sadd.s32 s16, s12  }
0xc: {  	s14 =	sshrl.u32 s14, $0x3;
	s17 =	sshrl.u32 s17, $0x3;
	s18 =	sshrl.u32 s18, $0x3  }
0xd: {  	s24 =	sshrl.u32 s22, $0x3;
	s16 =	sadd.s32 s16, s4;
	s14 =	sadd.s32 s13, s14  }
0xe: {  	s17 =	sadd.s32 s13, s17;
	[dreg:$0x4] =	wrdreg s14;
	s14 =	sshrl.u32 s31, $0x3  }
0xf: {  	s16 =	sshrl.u32 s16, $0x3;
	[dreg:$0x6] =	wrdreg s17;
	s14 =	sadd.s32 s13, s14  }
0x10: {  	s17 =	sshrl.u32 s21, $0x3;
	[dreg:$0x5] =	wrdreg s14;
	s14 =	sadd.s32 s13, s18  }
0x11: {  	s16 =	sadd.s32 s13, s16;
	[dreg:$0x7] =	wrdreg s14;
	s14 =	sshrl.u32 s19, $0x3  }
0x12: {  	s31 =	sshrl.u32 s26, $0x3;
	[dreg:$0xd] =	wrdreg s16;
	s14 =	sadd.s32 s13, s14  }
0x13: {  	s23 =	sadd.s32 s13, s17;
	[dreg:$0x8] =	wrdreg s14;
	s14 =	sadd.s32 s13, s24  }
0x14: {  	s17 =	sshrl.u32 s25, $0x3;
	[dreg:$0xa] =	wrdreg s14;
	s14 =	sshllo.u32 s2, $0x1  }
0x15: {  	[dreg:$0x9] =	wrdreg s23;
	s17 =	sadd.s32 s13, s17;
	s19 =	smul.u32 $0x140000, s14  }
0x16: {  	s28 =	sadd.s32 $0x14400, s3;
	[dreg:$0xb] =	wrdreg s17;
	s17 =	sadd.s32 s13, s31  }
0x17: {  	s0 =	smax.u32 s0, $0x1;
	[dreg:$0xc] =	wrdreg s17;
	s15 =	sadd.s32 s15, s19  }
0x18: {  	s17 =	sadd.s32 s5, s19;
	s21 =	sadd.s32 s6, s19;
	s23 =	sadd.s32 s10, s19  }
0x19: {  	s25 =	sadd.s32 s11, s19;
	s31 =	sadd.s32 s7, s19;
	s15 =	sshrl.u32 s15, $0x3  }
0x1a: {  	s18 =	sshrl.u32 s17, $0x3;
	s22 =	sshrl.u32 s21, $0x3;
	s15 =	sadd.s32 s13, s15  }
0x1b: {  	s24 =	sshrl.u32 s23, $0x3;
	[dreg:$0xe] =	wrdreg s15;
	s15 =	sadd.s32 s13, s18  }
0x1c: {  	s26 =	sshrl.u32 s25, $0x3;
	[dreg:$0xf] =	wrdreg s15;
	s15 =	sadd.s32 s13, s22  }
0x1d: {  	s17 =	sshrl.u32 s31, $0x3;
	[dreg:$0x10] =	wrdreg s15;
	s15 =	sadd.s32 s13, s24  }
0x1e: {  	s18 =	sadd.s32 s8, s19;
	[dreg:$0x11] =	wrdreg s15;
	s15 =	sadd.s32 s13, s26  }
0x1f: {  	s22 =	sadd.s32 s9, s19;
	[dreg:$0x12] =	wrdreg s15;
	s15 =	sadd.s32 s13, s17  }
0x20: {  	s21 =	sshrl.u32 s18, $0x3;
	s23 =	sshrl.u32 s22, $0x3;
	[dreg:$0x13] =	wrdreg s15  }
0x21: {  	s24 =	sadd.s32 s12, s19;
	s15 =	sadd.s32 s13, s21;
	s21 =	rddreg [dreg:$0x0]  }
0x22: {  	s25 =	sshrl.u32 s24, $0x3;
	[dreg:$0x14] =	wrdreg s15;
	s15 =	sadd.s32 s13, s23  }
0x23: {  	s26 =	sadd.s32 s4, s19;
	[dreg:$0x15] =	wrdreg s15;
	s15 =	sadd.s32 s13, s25  }
0x24: {  	s31 =	smul.u32 $0x50000, s20;
	[dreg:$0x16] =	wrdreg s15;
	s15 =	sshrl.u32 s26, $0x3  }
0x25: {  	s2 =	smul.u32 $0x4E20, s2;
	s23 =	rddreg [dreg:$0x2];
	s13 =	sadd.s32 s13, s15  }
0x26: {  	s17 =	sshrl.u32 s31, $0x2;
	s18 =	sadd.s32 s5, s23;
	[dreg:$0x17] =	wrdreg s13  }
0x27: {  	s19 =	sadd.s32 s6, s23;
	_ =	strace $0x8000004A;
	[dreg:$0x19] =	wrdreg s18  }
0x28: {  	s31 =	smul.u32 $0x4E20, s20;
	s22 =	sadd.s32 s10, s23;
	[dreg:$0x1a] =	wrdreg s19  }
0x29: {  	s25 =	sadd.s32 $0xA600, s3;
	s24 =	sadd.s32 s11, s23;
	[dreg:$0x1b] =	wrdreg s22  }
0x2a: {  	s29 =	sadd.s32 s17, s23;
	s7 =	sadd.s32 s7, s23;
	[dreg:$0x1c] =	wrdreg s24  }
0x2b: {  	s10 =	sadd.s32 s8, s23;
	s11 =	sadd.s32 s9, s23;
	[dreg:$0x1d] =	wrdreg s7  }
0x2c: {  	s12 =	sadd.s32 s12, s23;
	s4 =	sadd.s32 s4, s23;
	[dreg:$0x1e] =	wrdreg s10  }
0x2d: {  	s8 =	simm.s32 $0x1A200;
	s9 =	simm.s32 $0x60;
	[dreg:$0x1f] =	wrdreg s11  }
0x2e: {  	s15 =	smul.u32 $0x4E200, s20;
	s13 =	sshrl.u32 s31, $0x3;
	[smem:$0x7F5] =	sst s12  }
0x2f: {  	s26 =	sadd.s32 $0x800, s3;
	[smem:$0x7F6] =	sst s4;
	s16 =	sadd.s32 s25, s13  }
0x30: {  	s17 =	sadd.s32 s26, s13;
	s18 =	sadd.s32 s28, s15;
	[smem:$0x7FD] =	sst s0  }
0x31: {  	s19 =	sadd.s32 $0x4E00, s31;
	s10 =	sadd.s32 $0x60, s31;
	[dreg:$0x18] =	wrdreg s29  }
0x32: {  	s11 =	sadd.s32 $0xC0, s31;
	s31 =	smul.u32 $0x2710, s14;
	[smem:$0x7F7] =	sst s16  }
0x33: {  	s15 =	simm.s32 $0x1A100;
	s7 =	simm.s32 $0x1A180;
	[smem:$0x7F8] =	sst s17  }
0x34: {  	[smem:$0x7F9] =	sst s18;
	s20 =	sshrl.u32 s19, $0x3;
	s24 =	sshll.u32 s19, $0x4  }
0x35: {  	s16 =	simm.s32 $0x14000;
	s17 =	simm.s32 $0x2;
	s22 =	sadd.s32 s25, s20  }
0x36: {  	s18 =	simm.s32 $0x17000;
	s3 =	sadd.s32 s26, s20;
	[smem:$0x7FA] =	sst s22  }
0x37: {  	s19 =	simm.s32 $0x17080;
	[smem:$0x7FB] =	sst s3;
	s3 =	sadd.s32 s28, s24  }
0x38: {  	v2 =	vimm.f32 $0.0e+00;
	v0 =	vmov s2;
	v1 =	vmov s31;
	s22 =	simm.s32 $0x17100;
	s24 =	simm.s32 $0x1;
	[smem:$0x7FC] =	sst s3  }
.LBB2_1:
0x39: {  	s0 =	simm.s32 $0x0;
	s2 =	simm.s32 $0x200  }
.LBB2_2:
0x3a: {  	p0 =	sne.s32 s2, $0x7E00;
	[tilespmem:s0+$0x14070] =	vst v2  }
0x3b: {  	[tilespmem:s0+$0x14000] =	vst v2  }
0x3c: {  	[tilespmem:s0+$0x14010] =	vst v2  }
.Ltmp0:
0x3d: {  	[tilespmem:s0+$0x14020] =	vst v2;
	(pc) =	sbr.rel @p0 .LBB2_2-.Ltmp0, $4  }
0x3e: {  	[tilespmem:s0+$0x14030] =	vst v2  }
0x3f: {  	[tilespmem:s0+$0x14040] =	vst v2  }
0x40: {  	[tilespmem:s0+$0x14050] =	vst v2  }
0x41: {  	[tilespmem:s0+$0x14060] =	vst v2;
	s0 =	sshra.s32 s2, $0x2;
	s2 =	sadd.s32 $0x200, s2  }
0x42: {  	[tilespmem:s0+$0x14070] =	vst v2  }
0x43: {  	[tilespmem:s0+$0x14000] =	vst v2  }
0x44: {  	[tilespmem:s0+$0x14010] =	vst v2  }
0x45: {  	[tilespmem:s0+$0x14020] =	vst v2  }
0x46: {  	[tilespmem:s0+$0x14030] =	vst v2  }
0x47: {  	[tilespmem:s0+$0x14040] =	vst v2  }
0x48: {  	[tilespmem:s0+$0x14050] =	vst v2  }
0x49: {  	[tilespmem:s0+$0x14060] =	vst v2  }
0x4a: {  	[spmem:s29] =	stream.linear.scatter [tilespmem:s16], [sflag:$0x2], $0x2000, $0x38;
	[tilespmem:$0x1F300] =	vst v63  }
0x4b: {  	_ =	swait.ge [sflag:s17], $0x2000  }
0x4c: {  	[sflag:s17] =	ssyncset.done $0x0  }
0x4d: {  	s12 =	rddreg [dreg:$0x19];
	[sflag:s17] =	ssyncadd.s32 $0xFFFFE000  }
0x4e: {  	[spmem:s12] =	stream.linear.scatter [tilespmem:s16], [sflag:$0x2], $0x2000, $0x38;
	[tilespmem:$0x1F300] =	vst v63  }
0x4f: {  	_ =	swait.ge [sflag:s17], $0x2000  }
0x50: {  	[sflag:s17] =	ssyncset.done $0x0  }
0x51: {  	s14 =	rddreg [dreg:$0x1a];
	[sflag:s17] =	ssyncadd.s32 $0xFFFFE000  }
0x52: {  	[spmem:s14] =	stream.linear.scatter [tilespmem:s16], [sflag:$0x2], $0x2000, $0x38;
	[tilespmem:$0x1F300] =	vst v63  }
0x53: {  	_ =	swait.ge [sflag:s17], $0x2000  }
0x54: {  	[sflag:s17] =	ssyncset.done $0x0  }
0x55: {  	s31 =	rddreg [dreg:$0x1b];
	[sflag:s17] =	ssyncadd.s32 $0xFFFFE000  }
0x56: {  	[spmem:s31] =	stream.linear.scatter [tilespmem:s16], [sflag:$0x2], $0x2000, $0x38;
	[tilespmem:$0x1F300] =	vst v63  }
0x57: {  	_ =	swait.ge [sflag:s17], $0x2000  }
0x58: {  	[sflag:s17] =	ssyncset.done $0x0  }
0x59: {  	s2 =	rddreg [dreg:$0x1c];
	[sflag:s17] =	ssyncadd.s32 $0xFFFFE000  }
0x5a: {  	[spmem:s2] =	stream.linear.scatter [tilespmem:s16], [sflag:$0x2], $0x2000, $0x38;
	[tilespmem:$0x1F300] =	vst v63  }
0x5b: {  	_ =	swait.ge [sflag:s17], $0x2000  }
0x5c: {  	[sflag:s17] =	ssyncset.done $0x0  }
0x5d: {  	s3 =	rddreg [dreg:$0x1d];
	[sflag:s17] =	ssyncadd.s32 $0xFFFFE000  }
0x5e: {  	[spmem:s3] =	stream.linear.scatter [tilespmem:s16], [sflag:$0x2], $0x2000, $0x38;
	[tilespmem:$0x1F300] =	vst v63  }
0x5f: {  	_ =	swait.ge [sflag:s17], $0x2000  }
0x60: {  	[sflag:s17] =	ssyncset.done $0x0  }
0x61: {  	s4 =	rddreg [dreg:$0x1e];
	[sflag:s17] =	ssyncadd.s32 $0xFFFFE000  }
0x62: {  	[spmem:s4] =	stream.linear.scatter [tilespmem:s16], [sflag:$0x2], $0x2000, $0x38;
	[tilespmem:$0x1F300] =	vst v63  }
0x63: {  	_ =	swait.ge [sflag:s17], $0x2000  }
0x64: {  	[sflag:s17] =	ssyncset.done $0x0  }
0x65: {  	s5 =	rddreg [dreg:$0x1f];
	[sflag:s17] =	ssyncadd.s32 $0xFFFFE000  }
0x66: {  	[spmem:s5] =	stream.linear.scatter [tilespmem:s16], [sflag:$0x2], $0x2000, $0x38;
	[tilespmem:$0x1F300] =	vst v63  }
0x67: {  	_ =	swait.ge [sflag:s17], $0x2000  }
0x68: {  	s6 =	sld [smem:$0x7F5]  }
0x69: {  	[sflag:s17] =	ssyncset.done $0x0  }
0x6a: {  	[sflag:s17] =	ssyncadd.s32 $0xFFFFE000  }
0x6b: {  	[spmem:s6] =	stream.linear.scatter [tilespmem:s16], [sflag:$0x2], $0x2000, $0x38;
	[tilespmem:$0x1F300] =	vst v63  }
0x6c: {  	_ =	swait.ge [sflag:s17], $0x2000  }
0x6d: {  	s13 =	sld [smem:$0x7F6]  }
0x6e: {  	[sflag:s17] =	ssyncset.done $0x0  }
0x6f: {  	[sflag:s17] =	ssyncadd.s32 $0xFFFFE000  }
0x70: {  	[spmem:s13] =	stream.linear.scatter [tilespmem:s16], [sflag:$0x2], $0x2000, $0x38;
	[tilespmem:$0x1F300] =	vst v63  }
0x71: {  	_ =	swait.ge [sflag:s17], $0x2000  }
0x72: {  	[sflag:s17] =	ssyncset.done $0x0  }
0x73: {  	[sflag:s17] =	ssyncadd.s32 $0xFFFFE000  }
0x74: {  	[bflag:$0x0] =	sbarrier.arrive $0xFFFF  }
0x75: {  	s2 =	sld [smem:$0x7F7];
	_ =	sdelay $0x1  }
0x76: {  	s0 =	simm.s32 $0x0;
	s20 =	sld [smem:$0x7F8]  }
0x77: {  	[tilespmem:s18], [sflag:$0x1] =	stream.linear.gather [hbm4b:s2+s0], $0x60, $0x38;
	[tilespmem:$0x1F300] =	vst v63  }
0x78: {  	s31 =	sld [smem:$0x7F9]  }
0x79: {  	[tilespmem:s19], [sflag:$0x1] =	stream.linear.gather [hbm4b:s20+s0], $0x60, $0x38;
	[tilespmem:$0x1F300] =	vst v63  }
0x7a: {  	s2 =	simm.s32 $0x0  }
0x7b: {  	[tilespmem:s22], [sflag:$0x1] =	stream.linear.gather [hbm4b:s31+s0], $0x3000, $0x38;
	[tilespmem:$0x1F300] =	vst v63  }
.LBB2_4:
0x7c: {  	_ =	swait.ge [sflag:s24], $0x60  }
0x7d: {  	[sflag:s24] =	ssyncset.done $0x0  }
0x7e: {  	[sflag:s24] =	ssyncadd.s32 $0xFFFFFFA0  }
0x7f: {  	_ =	swait.ge [sflag:s24], $0x60  }
0x80: {  	s3 =	smul.u32 $0xC0, s2;
	[sflag:s24] =	ssyncset.done $0x0  }
0x81: {  	[sflag:s24] =	ssyncadd.s32 $0xFFFFFFA0  }
0x82: {  	s3 =	sadd.s32 s3, s10;
	_ =	swait.ge [sflag:s24], $0x3000  }
0x83: {  	s4 =	sshrl.u32 s3, $0x3;
	[sflag:s24] =	ssyncset.done $0x0  }
0x84: {  	s5 =	sadd.s32 s25, s4;
	[sflag:s24] =	ssyncadd.s32 $0xFFFFD000  }
0x85: {  	[tilespmem:s15], [sflag:$0x1] =	stream.linear.gather [hbm4b:s5+s0], $0x60, $0x38;
	[tilespmem:$0x1F300] =	vst v63  }
0x86: {  	s3 =	sshll.u32 s3, $0x4;
	s4 =	sadd.s32 s26, s4  }
0x87: {  	[tilespmem:s7], [sflag:$0x1] =	stream.linear.gather [hbm4b:s4+s0], $0x60, $0x38;
	[tilespmem:$0x1F300] =	vst v63  }
0x88: {  	s3 =	sadd.s32 s28, s3  }
0x89: {  	[tilespmem:s8], [sflag:$0x1] =	stream.linear.gather [hbm4b:s3+s0], $0x3000, $0x38;
	[tilespmem:$0x1F300] =	vst v63  }
0x8a: {  	v3 =	vld [tilespmem:$0x17080]  }
0x8b: {  	v4 =	vld [tilespmem:$0x17090]  }
0x8c: {  	v5 =	vld [tilespmem:$0x170A0]  }
0x8d: {  	v6 =	vld [tilespmem:$0x170B0]  }
0x8e: {  	v7 =	vld [tilespmem:$0x170C0]  }
0x8f: {  	v8 =	vld [tilespmem:$0x170D0];
	v3 =	vadd.s32 v0, v3  }
0x90: {  	[tilespmem:$0x17080] =	vst v3;
	v3 =	vadd.s32 v0, v4  }
0x91: {  	[tilespmem:$0x17090] =	vst v3;
	v3 =	vadd.s32 v0, v5  }
0x92: {  	[tilespmem:$0x170A0] =	vst v3;
	v3 =	vadd.s32 v0, v6  }
0x93: {  	[tilespmem:$0x170B0] =	vst v3;
	v3 =	vadd.s32 v0, v7  }
0x94: {  	[tilespmem:$0x170C0] =	vst v3;
	v3 =	vadd.s32 v0, v8  }
0x95: {  	[tilespmem:$0x170D0] =	vst v3  }
0x96: {  	[tilespmem:s16], [sflag:$0x2] =	stream.indirect.gather [hbm4b:s21+s9], $0x80, s19, s9, $0xb8;
	[tilespmem:$0x1F300] =	vst v63  }
0x97: {  	_ =	swait.ge [sflag:s17], $0x3000  }
0x98: {  	[sflag:s17] =	ssyncset.done $0x0  }
0x99: {  	s3 =	simm.s32 $0x0;
	[sflag:s17] =	ssyncadd.s32 $0xFFFFD000  }
0x9a: {  	v3 =	vld [tilespmem:s3+$0x17100]  }
0x9b: {  	v7 =	vld [tilespmem:s3+$0x14000]  }
0x9c: {  	v9 =	vld [tilespmem:s3+$0x14010]  }
0x9d: {  	v8 =	vld [tilespmem:s3+$0x14020]  }
0x9e: {  	v6 =	vld [tilespmem:s3+$0x14030]  }
0x9f: {  	v4 =	vld [tilespmem:s3+$0x14040]  }
0xa0: {  	v5 =	vld [tilespmem:s3+$0x14050];
	v10 =	vmul.f32 v7, v3  }
0xa1: {  	s4 =	simm.s32 $0x200;
	v9 =	vmul.f32 v9, v3;
	v7 =	vld [tilespmem:s3+$0x14060]  }
.LBB2_5:
0xa2: {  	s5 =	sshra.s32 s4, $0x2;
	p0 =	sne.s32 s4, $0xBE00;
	[tilespmem:s3+$0x14000] =	vst v10;
	v8 =	vmul.f32 v8, v3;
	v10 =	vld [tilespmem:s3+$0x14070]  }
0xa3: {  	v11 =	vld [tilespmem:s5+$0x17100];
	[tilespmem:s3+$0x14010] =	vst v9;
	v6 =	vmul.f32 v6, v3  }
0xa4: {  	v9 =	vld [tilespmem:s5+$0x14000];
	[tilespmem:s3+$0x14020] =	vst v8;
	v4 =	vmul.f32 v4, v3  }
0xa5: {  	v12 =	vld [tilespmem:s5+$0x14010];
	[tilespmem:s3+$0x14030] =	vst v6;
	v5 =	vmul.f32 v5, v3  }
.Ltmp1:
0xa6: {  	v8 =	vld [tilespmem:s5+$0x14020];
	[tilespmem:s3+$0x14040] =	vst v4;
	v7 =	vmul.f32 v7, v3;
	(pc) =	sbr.rel @p0 .LBB2_5-.Ltmp1, $4  }
0xa7: {  	v6 =	vld [tilespmem:s5+$0x14030];
	[tilespmem:s3+$0x14050] =	vst v5;
	v13 =	vmul.f32 v10, v3  }
0xa8: {  	v4 =	vld [tilespmem:s5+$0x14040];
	[tilespmem:s3+$0x14060] =	vst v7;
	v3 =	vmov v11  }
0xa9: {  	v10 =	vmul.f32 v9, v3;
	v5 =	vld [tilespmem:s5+$0x14050];
	[tilespmem:s3+$0x14070] =	vst v13;
	s3 =	smov.u32 s5  }
0xaa: {  	s4 =	sadd.s32 $0x200, s4;
	v9 =	vmul.f32 v12, v3;
	v7 =	vld [tilespmem:s3+$0x14060]  }
0xab: {  	[tilespmem:s3+$0x14000] =	vst v10;
	v8 =	vmul.f32 v8, v3;
	v10 =	vld [tilespmem:s3+$0x14070]  }
0xac: {  	[tilespmem:s3+$0x14010] =	vst v9;
	v6 =	vmul.f32 v6, v3  }
0xad: {  	[tilespmem:s3+$0x14020] =	vst v8;
	v4 =	vmul.f32 v4, v3  }
0xae: {  	[tilespmem:s3+$0x14030] =	vst v6;
	v5 =	vmul.f32 v5, v3  }
0xaf: {  	[tilespmem:s3+$0x14040] =	vst v4;
	v4 =	vmul.f32 v7, v3  }
0xb0: {  	[tilespmem:s3+$0x14050] =	vst v5;
	v3 =	vmul.f32 v10, v3  }
0xb1: {  	[tilespmem:s3+$0x14060] =	vst v4  }
0xb2: {  	[tilespmem:s3+$0x14070] =	vst v3  }
0xb3: {  	[spmem:s23] =	stream.indirect.scatter.add.f32 [tilespmem:s16], [sflag:$0x2], $0x80, s18, s9, $0xb8;
	[tilespmem:$0x1F300] =	vst v63  }
0xb4: {  	_ =	swait.ge [sflag:s17], $0x3000  }
0xb5: {  	[sflag:s17] =	ssyncset.done $0x0  }
0xb6: {  	[sflag:s17] =	ssyncadd.s32 $0xFFFFD000  }
0xb7: {  	_ =	swait.ge [sflag:s24], $0x60  }
0xb8: {  	[sflag:s24] =	ssyncset.done $0x0  }
0xb9: {  	s31 =	sshll.u32 s2, $0x1;
	[sflag:s24] =	ssyncadd.s32 $0xFFFFFFA0  }
0xba: {  	s3 =	smin.u32 s31, $0xCD;
	_ =	swait.ge [sflag:s24], $0x60  }
0xbb: {  	s3 =	smul.u32 $0x60, s3;
	[sflag:s24] =	ssyncset.done $0x0  }
0xbc: {  	[sflag:s24] =	ssyncadd.s32 $0xFFFFFFA0  }
0xbd: {  	s3 =	sadd.s32 s3, s11;
	_ =	swait.ge [sflag:s24], $0x3000  }
0xbe: {  	s4 =	sshrl.u32 s3, $0x3;
	[sflag:s24] =	ssyncset.done $0x0  }
0xbf: {  	s6 =	simm.s32 $0x0;
	s5 =	sadd.s32 s25, s4;
	[sflag:s24] =	ssyncadd.s32 $0xFFFFD000  }
0xc0: {  	[tilespmem:s18], [sflag:$0x1] =	stream.linear.gather [hbm4b:s5+s6], $0x60, $0x38;
	[tilespmem:$0x1F300] =	vst v63  }
0xc1: {  	s3 =	sshll.u32 s3, $0x4;
	s4 =	sadd.s32 s26, s4  }
0xc2: {  	[tilespmem:s19], [sflag:$0x1] =	stream.linear.gather [hbm4b:s4+s6], $0x60, $0x38;
	[tilespmem:$0x1F300] =	vst v63  }
0xc3: {  	s3 =	sadd.s32 s28, s3  }
0xc4: {  	[tilespmem:s22], [sflag:$0x1] =	stream.linear.gather [hbm4b:s3+s6], $0x3000, $0x38;
	[tilespmem:$0x1F300] =	vst v63  }
0xc5: {  	v3 =	vld [tilespmem:$0x1A180]  }
0xc6: {  	v4 =	vld [tilespmem:$0x1A190]  }
0xc7: {  	v5 =	vld [tilespmem:$0x1A1A0]  }
0xc8: {  	v6 =	vld [tilespmem:$0x1A1B0]  }
0xc9: {  	v7 =	vld [tilespmem:$0x1A1C0]  }
0xca: {  	v8 =	vld [tilespmem:$0x1A1D0];
	v3 =	vadd.s32 v0, v3  }
0xcb: {  	[tilespmem:$0x1A180] =	vst v3;
	v3 =	vadd.s32 v0, v4  }
0xcc: {  	[tilespmem:$0x1A190] =	vst v3;
	v3 =	vadd.s32 v0, v5  }
0xcd: {  	[tilespmem:$0x1A1A0] =	vst v3;
	v3 =	vadd.s32 v0, v6  }
0xce: {  	[tilespmem:$0x1A1B0] =	vst v3;
	v3 =	vadd.s32 v0, v7  }
0xcf: {  	[tilespmem:$0x1A1C0] =	vst v3;
	v3 =	vadd.s32 v0, v8  }
0xd0: {  	[tilespmem:$0x1A1D0] =	vst v3  }
0xd1: {  	[tilespmem:s16], [sflag:$0x2] =	stream.indirect.gather [hbm4b:s21+s9], $0x80, s7, s9, $0xb8;
	[tilespmem:$0x1F300] =	vst v63  }
0xd2: {  	_ =	swait.ge [sflag:s17], $0x3000  }
0xd3: {  	[sflag:s17] =	ssyncset.done $0x0  }
0xd4: {  	s3 =	simm.s32 $0x0;
	[sflag:s17] =	ssyncadd.s32 $0xFFFFD000  }
0xd5: {  	v3 =	vld [tilespmem:s3+$0x1A200]  }
0xd6: {  	v7 =	vld [tilespmem:s3+$0x14000]  }
0xd7: {  	v9 =	vld [tilespmem:s3+$0x14010]  }
0xd8: {  	v8 =	vld [tilespmem:s3+$0x14020]  }
0xd9: {  	v6 =	vld [tilespmem:s3+$0x14030]  }
0xda: {  	v4 =	vld [tilespmem:s3+$0x14040]  }
0xdb: {  	v5 =	vld [tilespmem:s3+$0x14050];
	v10 =	vmul.f32 v7, v3  }
0xdc: {  	s4 =	simm.s32 $0x200;
	v9 =	vmul.f32 v9, v3;
	v7 =	vld [tilespmem:s3+$0x14060]  }
.LBB2_7:
0xdd: {  	s5 =	sshra.s32 s4, $0x2;
	p0 =	sne.s32 s4, $0xBE00;
	[tilespmem:s3+$0x14000] =	vst v10;
	v8 =	vmul.f32 v8, v3;
	v10 =	vld [tilespmem:s3+$0x14070]  }
0xde: {  	v11 =	vld [tilespmem:s5+$0x1A200];
	[tilespmem:s3+$0x14010] =	vst v9;
	v6 =	vmul.f32 v6, v3  }
0xdf: {  	v9 =	vld [tilespmem:s5+$0x14000];
	[tilespmem:s3+$0x14020] =	vst v8;
	v4 =	vmul.f32 v4, v3  }
0xe0: {  	v12 =	vld [tilespmem:s5+$0x14010];
	[tilespmem:s3+$0x14030] =	vst v6;
	v5 =	vmul.f32 v5, v3  }
.Ltmp2:
0xe1: {  	v8 =	vld [tilespmem:s5+$0x14020];
	[tilespmem:s3+$0x14040] =	vst v4;
	v7 =	vmul.f32 v7, v3;
	(pc) =	sbr.rel @p0 .LBB2_7-.Ltmp2, $4  }
0xe2: {  	v6 =	vld [tilespmem:s5+$0x14030];
	[tilespmem:s3+$0x14050] =	vst v5;
	v13 =	vmul.f32 v10, v3  }
0xe3: {  	v4 =	vld [tilespmem:s5+$0x14040];
	[tilespmem:s3+$0x14060] =	vst v7;
	v3 =	vmov v11  }
0xe4: {  	v10 =	vmul.f32 v9, v3;
	v5 =	vld [tilespmem:s5+$0x14050];
	[tilespmem:s3+$0x14070] =	vst v13;
	s3 =	smov.u32 s5  }
0xe5: {  	s4 =	sadd.s32 $0x200, s4;
	v9 =	vmul.f32 v12, v3;
	v7 =	vld [tilespmem:s3+$0x14060]  }
0xe6: {  	[tilespmem:s3+$0x14000] =	vst v10;
	v8 =	vmul.f32 v8, v3;
	v62 =	vld [tilespmem:s3+$0x14070]  }
0xe7: {  	[tilespmem:s3+$0x14010] =	vst v9;
	v6 =	vmul.f32 v6, v3  }
0xe8: {  	[tilespmem:s3+$0x14020] =	vst v8;
	v4 =	vmul.f32 v4, v3  }
0xe9: {  	[tilespmem:s3+$0x14030] =	vst v6;
	v5 =	vmul.f32 v5, v3  }
0xea: {  	[tilespmem:s3+$0x14040] =	vst v4;
	v63 =	vmul.f32 v7, v3  }
0xeb: {  	s2 =	sadd.s32 $0x1, s2;
	[tilespmem:s3+$0x14050] =	vst v5;
	v3 =	vmul.f32 v62, v3  }
0xec: {  	p0 =	sne.s32 s2, $0x68;
	[tilespmem:s3+$0x14060] =	vst v63  }
.Ltmp3:
0xed: {  	[tilespmem:s3+$0x14070] =	vst v3;
	(pc) =	sbr.rel @p0 .LBB2_4-.Ltmp3, $4  }
0xee: {  	[spmem:s23] =	stream.indirect.scatter.add.f32 [tilespmem:s16], [sflag:$0x2], $0x80, s15, s9, $0xb8;
	[tilespmem:$0x1F300] =	vst v63  }
0xef: {  	_ =	swait.ge [sflag:s17], $0x3000  }
0xf0: {  	[sflag:s17] =	ssyncset.done $0x0  }
0xf1: {  	[sflag:s17] =	ssyncadd.s32 $0xFFFFD000  }
0xf2: {  	_ =	swait.ge [sflag:s24], $0x60  }
0xf3: {  	[sflag:s24] =	ssyncset.done $0x0  }
0xf4: {  	[sflag:s24] =	ssyncadd.s32 $0xFFFFFFA0  }
0xf5: {  	_ =	swait.ge [sflag:s24], $0x60  }
0xf6: {  	[sflag:s24] =	ssyncset.done $0x0  }
0xf7: {  	[sflag:s24] =	ssyncadd.s32 $0xFFFFFFA0  }
0xf8: {  	_ =	swait.ge [sflag:s24], $0x3000  }
0xf9: {  	s2 =	sld [smem:$0x7FA]  }
0xfa: {  	[sflag:s24] =	ssyncset.done $0x0  }
0xfb: {  	s0 =	simm.s32 $0x0;
	s3 =	simm.s32 $0x1E200;
	[sflag:s24] =	ssyncadd.s32 $0xFFFFD000  }
0xfc: {  	[tilespmem:s3], [sflag:$0x2] =	stream.linear.gather [hbm4b:s2+s0], $0x20, $0x38;
	[tilespmem:$0x1F300] =	vst v63  }
0xfd: {  	_ =	swait.ge [sflag:s17], $0x20  }
0xfe: {  	s5 =	sld [smem:$0x7FB]  }
0xff: {  	[sflag:s17] =	ssyncset.done $0x0  }
0x100: {  	s6 =	simm.s32 $0x1E280;
	[sflag:s17] =	ssyncadd.s32 $0xFFFFFFE0  }
0x101: {  	[tilespmem:s6], [sflag:$0x2] =	stream.linear.gather [hbm4b:s5+s0], $0x20, $0x38;
	[tilespmem:$0x1F300] =	vst v63  }
0x102: {  	_ =	swait.ge [sflag:s17], $0x20  }
0x103: {  	s13 =	sld [smem:$0x7FC]  }
0x104: {  	[sflag:s17] =	ssyncset.done $0x0  }
0x105: {  	s4 =	simm.s32 $0x1E300;
	[sflag:s17] =	ssyncadd.s32 $0xFFFFFFE0  }
0x106: {  	[tilespmem:s4], [sflag:$0x2] =	stream.linear.gather [hbm4b:s13+s0], $0x1000, $0x38;
	[tilespmem:$0x1F300] =	vst v63  }
0x107: {  	_ =	swait.ge [sflag:s17], $0x1000  }
0x108: {  	[sflag:s17] =	ssyncset.done $0x0  }
0x109: {  	[sflag:s17] =	ssyncadd.s32 $0xFFFFF000  }
0x10a: {  	v3 =	vld [tilespmem:$0x1E280]  }
0x10b: {  	v4 =	vld [tilespmem:$0x1E290];
	_ =	sdelay $0x3  }
0x10c: {  	v3 =	vadd.s32 v0, v3  }
0x10d: {  	[tilespmem:$0x1E280] =	vst v3;
	v3 =	vadd.s32 v0, v4  }
0x10e: {  	s20 =	simm.s32 $0x20;
	s31 =	simm.s32 $0x1D200;
	[tilespmem:$0x1E290] =	vst v3  }
0x10f: {  	[tilespmem:s31], [sflag:$0x2] =	stream.indirect.gather [hbm4b:s21+s20], $0x80, s6, s20, $0xb8;
	[tilespmem:$0x1F300] =	vst v63  }
0x110: {  	_ =	swait.ge [sflag:s17], $0x1000  }
0x111: {  	[sflag:s17] =	ssyncset.done $0x0  }
0x112: {  	s0 =	simm.s32 $0x0;
	[sflag:s17] =	ssyncadd.s32 $0xFFFFF000  }
0x113: {  	v3 =	vld [tilespmem:s0+$0x1E300]  }
0x114: {  	v7 =	vld [tilespmem:s0+$0x1D200]  }
0x115: {  	v9 =	vld [tilespmem:s0+$0x1D210]  }
0x116: {  	v8 =	vld [tilespmem:s0+$0x1D220]  }
0x117: {  	v6 =	vld [tilespmem:s0+$0x1D230]  }
0x118: {  	v4 =	vld [tilespmem:s0+$0x1D240]  }
0x119: {  	v5 =	vld [tilespmem:s0+$0x1D250];
	v10 =	vmul.f32 v7, v3  }
0x11a: {  	s2 =	simm.s32 $0x200;
	v9 =	vmul.f32 v9, v3;
	v7 =	vld [tilespmem:s0+$0x1D260]  }
.LBB2_10:
0x11b: {  	s3 =	sshra.s32 s2, $0x2;
	p0 =	sne.s32 s2, $0x3E00;
	[tilespmem:s0+$0x1D200] =	vst v10;
	v8 =	vmul.f32 v8, v3;
	v10 =	vld [tilespmem:s0+$0x1D270]  }
0x11c: {  	v11 =	vld [tilespmem:s3+$0x1E300];
	[tilespmem:s0+$0x1D210] =	vst v9;
	v6 =	vmul.f32 v6, v3  }
0x11d: {  	v9 =	vld [tilespmem:s3+$0x1D200];
	[tilespmem:s0+$0x1D220] =	vst v8;
	v4 =	vmul.f32 v4, v3  }
0x11e: {  	v12 =	vld [tilespmem:s3+$0x1D210];
	[tilespmem:s0+$0x1D230] =	vst v6;
	v5 =	vmul.f32 v5, v3  }
.Ltmp4:
0x11f: {  	v8 =	vld [tilespmem:s3+$0x1D220];
	[tilespmem:s0+$0x1D240] =	vst v4;
	v7 =	vmul.f32 v7, v3;
	(pc) =	sbr.rel @p0 .LBB2_10-.Ltmp4, $4  }
0x120: {  	v6 =	vld [tilespmem:s3+$0x1D230];
	[tilespmem:s0+$0x1D250] =	vst v5;
	v13 =	vmul.f32 v10, v3  }
0x121: {  	v4 =	vld [tilespmem:s3+$0x1D240];
	[tilespmem:s0+$0x1D260] =	vst v7;
	v3 =	vmov v11  }
0x122: {  	v10 =	vmul.f32 v9, v3;
	v5 =	vld [tilespmem:s3+$0x1D250];
	[tilespmem:s0+$0x1D270] =	vst v13;
	s0 =	smov.u32 s3  }
0x123: {  	s2 =	sadd.s32 $0x200, s2;
	v9 =	vmul.f32 v12, v3;
	v7 =	vld [tilespmem:s0+$0x1D260]  }
0x124: {  	[tilespmem:s0+$0x1D200] =	vst v10;
	v8 =	vmul.f32 v8, v3;
	v62 =	vld [tilespmem:s0+$0x1D270]  }
0x125: {  	[tilespmem:s0+$0x1D210] =	vst v9;
	v6 =	vmul.f32 v6, v3  }
0x126: {  	[tilespmem:s0+$0x1D220] =	vst v8;
	v4 =	vmul.f32 v4, v3  }
0x127: {  	[tilespmem:s0+$0x1D230] =	vst v6;
	v5 =	vmul.f32 v5, v3  }
0x128: {  	[tilespmem:s0+$0x1D240] =	vst v4;
	v63 =	vmul.f32 v7, v3  }
0x129: {  	[tilespmem:s0+$0x1D250] =	vst v5;
	v3 =	vmul.f32 v62, v3  }
0x12a: {  	[tilespmem:s0+$0x1D260] =	vst v63  }
0x12b: {  	s20 =	simm.s32 $0x1E200;
	s2 =	simm.s32 $0x20;
	s3 =	simm.s32 $0x1D200;
	[tilespmem:s0+$0x1D270] =	vst v3  }
0x12c: {  	[spmem:s23] =	stream.indirect.scatter.add.f32 [tilespmem:s3], [sflag:$0x2], $0x80, s20, s2, $0xb8;
	[tilespmem:$0x1F300] =	vst v63  }
0x12d: {  	_ =	swait.ge [sflag:s17], $0x1000  }
0x12e: {  	[sflag:s17] =	ssyncset.done $0x0  }
0x12f: {  	[sflag:s17] =	ssyncadd.s32 $0xFFFFF000  }
0x130: {  	s3 =	stileid.u32;
	[bflag:$0x0] =	sbarrier.arrive $0xFFFF  }
0x131: {  	s4 =	sshrl.u32 s29, $0x3;
	s0 =	sshll.u32 s3, $0x6;
	s5 =	rddreg [dreg:$0x4]  }
0x132: {  	s13 =	sor.u32 $0x1C02, s0;
	[smem:$0x7F1] =	sst s4  }
0x133: {  	[hbm:s5], [sflag:s13] =	dma.local [spmem:s4], $0x400  }
0x134: {  	_ =	swait.ge [sflag:s17], $0x400  }
0x135: {  	s6 =	sshrl.u32 s12, $0x3;
	[sflag:s17] =	ssyncset.done $0x0;
	s20 =	rddreg [dreg:$0x5]  }
0x136: {  	[smem:$0x7F2] =	sst s6;
	[sflag:s17] =	ssyncadd.s32 $0xFFFFFC00  }
0x137: {  	[hbm:s20], [sflag:s13] =	dma.local [spmem:s6], $0x400  }
0x138: {  	_ =	swait.ge [sflag:s17], $0x400  }
0x139: {  	s0 =	sshrl.u32 s14, $0x3;
	[sflag:s17] =	ssyncset.done $0x0;
	s3 =	rddreg [dreg:$0x6]  }
0x13a: {  	[smem:$0x7F3] =	sst s0;
	[sflag:s17] =	ssyncadd.s32 $0xFFFFFC00  }
0x13b: {  	[hbm:s3], [sflag:s13] =	dma.local [spmem:s0], $0x400  }
0x13c: {  	_ =	swait.ge [sflag:s17], $0x400  }
0x13d: {  	s4 =	rddreg [dreg:$0x1b]  }
0x13e: {  	[sflag:s17] =	ssyncset.done $0x0;
	s6 =	rddreg [dreg:$0x7];
	s5 =	sshrl.u32 s4, $0x3  }
0x13f: {  	[sflag:s17] =	ssyncadd.s32 $0xFFFFFC00;
	[smem:$0x7F4] =	sst s5  }
0x140: {  	[hbm:s6], [sflag:s13] =	dma.local [spmem:s5], $0x400  }
0x141: {  	_ =	swait.ge [sflag:s17], $0x400  }
0x142: {  	[sflag:s17] =	ssyncset.done $0x0;
	s20 =	rddreg [dreg:$0x1c]  }
0x143: {  	s2 =	rddreg [dreg:$0x8];
	[sflag:s17] =	ssyncadd.s32 $0xFFFFFC00;
	s31 =	sshrl.u32 s20, $0x3  }
0x144: {  	[hbm:s2], [sflag:s13] =	dma.local [spmem:s31], $0x400  }
0x145: {  	_ =	swait.ge [sflag:s17], $0x400  }
0x146: {  	[sflag:s17] =	ssyncset.done $0x0;
	s3 =	rddreg [dreg:$0x1d]  }
0x147: {  	s4 =	rddreg [dreg:$0x9];
	[sflag:s17] =	ssyncadd.s32 $0xFFFFFC00;
	s20 =	sshrl.u32 s3, $0x3  }
0x148: {  	[hbm:s4], [sflag:s13] =	dma.local [spmem:s20], $0x400  }
0x149: {  	_ =	swait.ge [sflag:s17], $0x400  }
0x14a: {  	[sflag:s17] =	ssyncset.done $0x0;
	s5 =	rddreg [dreg:$0x1e]  }
0x14b: {  	s6 =	rddreg [dreg:$0xa];
	[sflag:s17] =	ssyncadd.s32 $0xFFFFFC00;
	s0 =	sshrl.u32 s5, $0x3  }
0x14c: {  	[hbm:s6], [sflag:s13] =	dma.local [spmem:s0], $0x400  }
0x14d: {  	_ =	swait.ge [sflag:s17], $0x400  }
0x14e: {  	[sflag:s17] =	ssyncset.done $0x0;
	s3 =	rddreg [dreg:$0x1f]  }
0x14f: {  	s4 =	rddreg [dreg:$0xb];
	[sflag:s17] =	ssyncadd.s32 $0xFFFFFC00;
	s2 =	sshrl.u32 s3, $0x3  }
0x150: {  	[hbm:s4], [sflag:s13] =	dma.local [spmem:s2], $0x400  }
0x151: {  	_ =	swait.ge [sflag:s17], $0x400  }
0x152: {  	s5 =	sld [smem:$0x7F5];
	_ =	sdelay $0x1  }
0x153: {  	[sflag:s17] =	ssyncset.done $0x0  }
0x154: {  	s4 =	rddreg [dreg:$0xc];
	[sflag:s17] =	ssyncadd.s32 $0xFFFFFC00;
	s3 =	sshrl.u32 s5, $0x3  }
0x155: {  	[hbm:s4], [sflag:s13] =	dma.local [spmem:s3], $0x400  }
0x156: {  	_ =	swait.ge [sflag:s17], $0x400  }
0x157: {  	s6 =	sld [smem:$0x7F6];
	_ =	sdelay $0x1  }
0x158: {  	[sflag:s17] =	ssyncset.done $0x0  }
0x159: {  	s5 =	rddreg [dreg:$0xd];
	[sflag:s17] =	ssyncadd.s32 $0xFFFFFC00;
	s4 =	sshrl.u32 s6, $0x3  }
0x15a: {  	[hbm:s5], [sflag:s13] =	dma.local [spmem:s4], $0x400  }
0x15b: {  	_ =	swait.ge [sflag:s17], $0x400  }
0x15c: {  	[sflag:s17] =	ssyncset.done $0x0  }
0x15d: {  	[sflag:s17] =	ssyncadd.s32 $0xFFFFFC00  }
0x15e: {  	s6 =	simm.s32 $0x200;
	s5 =	simm.s32 $0x0;
	[bflag:$0x0] =	sbarrier.arrive $0xFFFF  }
.LBB2_12:
0x15f: {  	p0 =	sne.s32 s6, $0x7E00;
	[tilespmem:s5+$0x14070] =	vst v2  }
0x160: {  	[tilespmem:s5+$0x14000] =	vst v2  }
0x161: {  	[tilespmem:s5+$0x14010] =	vst v2  }
.Ltmp5:
0x162: {  	[tilespmem:s5+$0x14020] =	vst v2;
	(pc) =	sbr.rel @p0 .LBB2_12-.Ltmp5, $4  }
0x163: {  	[tilespmem:s5+$0x14030] =	vst v2  }
0x164: {  	[tilespmem:s5+$0x14040] =	vst v2  }
0x165: {  	[tilespmem:s5+$0x14050] =	vst v2  }
0x166: {  	[tilespmem:s5+$0x14060] =	vst v2;
	s5 =	sshra.s32 s6, $0x2;
	s6 =	sadd.s32 $0x200, s6  }
0x167: {  	[tilespmem:s5+$0x14070] =	vst v2  }
0x168: {  	[tilespmem:s5+$0x14000] =	vst v2  }
0x169: {  	[tilespmem:s5+$0x14010] =	vst v2  }
0x16a: {  	[tilespmem:s5+$0x14020] =	vst v2  }
0x16b: {  	[tilespmem:s5+$0x14030] =	vst v2  }
0x16c: {  	[tilespmem:s5+$0x14040] =	vst v2  }
0x16d: {  	[tilespmem:s5+$0x14050] =	vst v2  }
0x16e: {  	[tilespmem:s5+$0x14060] =	vst v2  }
0x16f: {  	[spmem:s29] =	stream.linear.scatter [tilespmem:s16], [sflag:$0x2], $0x2000, $0x38;
	[tilespmem:$0x1F300] =	vst v63  }
0x170: {  	_ =	swait.ge [sflag:s17], $0x2000  }
0x171: {  	[sflag:s17] =	ssyncset.done $0x0  }
0x172: {  	[sflag:s17] =	ssyncadd.s32 $0xFFFFE000  }
0x173: {  	[spmem:s12] =	stream.linear.scatter [tilespmem:s16], [sflag:$0x2], $0x2000, $0x38;
	[tilespmem:$0x1F300] =	vst v63  }
0x174: {  	_ =	swait.ge [sflag:s17], $0x2000  }
0x175: {  	[sflag:s17] =	ssyncset.done $0x0  }
0x176: {  	[sflag:s17] =	ssyncadd.s32 $0xFFFFE000  }
0x177: {  	[spmem:s14] =	stream.linear.scatter [tilespmem:s16], [sflag:$0x2], $0x2000, $0x38;
	[tilespmem:$0x1F300] =	vst v63  }
0x178: {  	_ =	swait.ge [sflag:s17], $0x2000  }
0x179: {  	[sflag:s17] =	ssyncset.done $0x0  }
0x17a: {  	s29 =	rddreg [dreg:$0x1b];
	[sflag:s17] =	ssyncadd.s32 $0xFFFFE000  }
0x17b: {  	[spmem:s29] =	stream.linear.scatter [tilespmem:s16], [sflag:$0x2], $0x2000, $0x38;
	[tilespmem:$0x1F300] =	vst v63  }
0x17c: {  	_ =	swait.ge [sflag:s17], $0x2000  }
0x17d: {  	[sflag:s17] =	ssyncset.done $0x0  }
0x17e: {  	s6 =	rddreg [dreg:$0x1c];
	[sflag:s17] =	ssyncadd.s32 $0xFFFFE000  }
0x17f: {  	[spmem:s6] =	stream.linear.scatter [tilespmem:s16], [sflag:$0x2], $0x2000, $0x38;
	[tilespmem:$0x1F300] =	vst v63  }
0x180: {  	_ =	swait.ge [sflag:s17], $0x2000  }
0x181: {  	[sflag:s17] =	ssyncset.done $0x0  }
0x182: {  	s12 =	rddreg [dreg:$0x1d];
	[sflag:s17] =	ssyncadd.s32 $0xFFFFE000  }
0x183: {  	[spmem:s12] =	stream.linear.scatter [tilespmem:s16], [sflag:$0x2], $0x2000, $0x38;
	[tilespmem:$0x1F300] =	vst v63  }
0x184: {  	_ =	swait.ge [sflag:s17], $0x2000  }
0x185: {  	[sflag:s17] =	ssyncset.done $0x0  }
0x186: {  	s14 =	rddreg [dreg:$0x1e];
	[sflag:s17] =	ssyncadd.s32 $0xFFFFE000  }
0x187: {  	[spmem:s14] =	stream.linear.scatter [tilespmem:s16], [sflag:$0x2], $0x2000, $0x38;
	[tilespmem:$0x1F300] =	vst v63  }
0x188: {  	_ =	swait.ge [sflag:s17], $0x2000  }
0x189: {  	[sflag:s17] =	ssyncset.done $0x0  }
0x18a: {  	s29 =	rddreg [dreg:$0x1f];
	[sflag:s17] =	ssyncadd.s32 $0xFFFFE000  }
0x18b: {  	[spmem:s29] =	stream.linear.scatter [tilespmem:s16], [sflag:$0x2], $0x2000, $0x38;
	[tilespmem:$0x1F300] =	vst v63  }
0x18c: {  	_ =	swait.ge [sflag:s17], $0x2000  }
0x18d: {  	s6 =	sld [smem:$0x7F5]  }
0x18e: {  	[sflag:s17] =	ssyncset.done $0x0  }
0x18f: {  	[sflag:s17] =	ssyncadd.s32 $0xFFFFE000  }
0x190: {  	[spmem:s6] =	stream.linear.scatter [tilespmem:s16], [sflag:$0x2], $0x2000, $0x38;
	[tilespmem:$0x1F300] =	vst v63  }
0x191: {  	_ =	swait.ge [sflag:s17], $0x2000  }
0x192: {  	s12 =	sld [smem:$0x7F6]  }
0x193: {  	[sflag:s17] =	ssyncset.done $0x0  }
0x194: {  	[sflag:s17] =	ssyncadd.s32 $0xFFFFE000  }
0x195: {  	[spmem:s12] =	stream.linear.scatter [tilespmem:s16], [sflag:$0x2], $0x2000, $0x38;
	[tilespmem:$0x1F300] =	vst v63  }
0x196: {  	_ =	swait.ge [sflag:s17], $0x2000  }
0x197: {  	[sflag:s17] =	ssyncset.done $0x0  }
0x198: {  	[sflag:s17] =	ssyncadd.s32 $0xFFFFE000  }
0x199: {  	[bflag:$0x0] =	sbarrier.arrive $0xFFFF  }
0x19a: {  	s6 =	sld [smem:$0x7F7];
	_ =	sdelay $0x1  }
0x19b: {  	s5 =	simm.s32 $0x0;
	s14 =	sld [smem:$0x7F8]  }
0x19c: {  	[tilespmem:s18], [sflag:$0x1] =	stream.linear.gather [hbm4b:s6+s5], $0x60, $0x38;
	[tilespmem:$0x1F300] =	vst v63  }
0x19d: {  	s29 =	sld [smem:$0x7F9]  }
0x19e: {  	[tilespmem:s19], [sflag:$0x1] =	stream.linear.gather [hbm4b:s14+s5], $0x60, $0x38;
	[tilespmem:$0x1F300] =	vst v63  }
0x19f: {  	s6 =	simm.s32 $0x0  }
0x1a0: {  	[tilespmem:s22], [sflag:$0x1] =	stream.linear.gather [hbm4b:s29+s5], $0x3000, $0x38;
	[tilespmem:$0x1F300] =	vst v63  }
.LBB2_14:
0x1a1: {  	_ =	swait.ge [sflag:s24], $0x60  }
0x1a2: {  	[sflag:s24] =	ssyncset.done $0x0  }
0x1a3: {  	[sflag:s24] =	ssyncadd.s32 $0xFFFFFFA0  }
0x1a4: {  	_ =	swait.ge [sflag:s24], $0x60  }
0x1a5: {  	s12 =	smul.u32 $0xC0, s6;
	[sflag:s24] =	ssyncset.done $0x0  }
0x1a6: {  	[sflag:s24] =	ssyncadd.s32 $0xFFFFFFA0  }
0x1a7: {  	s12 =	sadd.s32 s12, s10;
	_ =	swait.ge [sflag:s24], $0x3000  }
0x1a8: {  	s14 =	sshrl.u32 s12, $0x3;
	[sflag:s24] =	ssyncset.done $0x0  }
0x1a9: {  	s29 =	sadd.s32 s25, s14;
	[sflag:s24] =	ssyncadd.s32 $0xFFFFD000  }
0x1aa: {  	[tilespmem:s15], [sflag:$0x1] =	stream.linear.gather [hbm4b:s29+s5], $0x60, $0x38;
	[tilespmem:$0x1F300] =	vst v63  }
0x1ab: {  	s12 =	sshll.u32 s12, $0x4;
	s14 =	sadd.s32 s26, s14  }
0x1ac: {  	[tilespmem:s7], [sflag:$0x1] =	stream.linear.gather [hbm4b:s14+s5], $0x60, $0x38;
	[tilespmem:$0x1F300] =	vst v63  }
0x1ad: {  	s12 =	sadd.s32 s28, s12  }
0x1ae: {  	[tilespmem:s8], [sflag:$0x1] =	stream.linear.gather [hbm4b:s12+s5], $0x3000, $0x38;
	[tilespmem:$0x1F300] =	vst v63  }
0x1af: {  	v3 =	vld [tilespmem:$0x17080]  }
0x1b0: {  	v4 =	vld [tilespmem:$0x17090]  }
0x1b1: {  	v5 =	vld [tilespmem:$0x170A0]  }
0x1b2: {  	v6 =	vld [tilespmem:$0x170B0]  }
0x1b3: {  	v7 =	vld [tilespmem:$0x170C0]  }
0x1b4: {  	v8 =	vld [tilespmem:$0x170D0];
	v3 =	vadd.s32 v1, v3  }
0x1b5: {  	[tilespmem:$0x17080] =	vst v3;
	v3 =	vadd.s32 v1, v4  }
0x1b6: {  	[tilespmem:$0x17090] =	vst v3;
	v3 =	vadd.s32 v1, v5  }
0x1b7: {  	[tilespmem:$0x170A0] =	vst v3;
	v3 =	vadd.s32 v1, v6  }
0x1b8: {  	[tilespmem:$0x170B0] =	vst v3;
	v3 =	vadd.s32 v1, v7  }
0x1b9: {  	[tilespmem:$0x170C0] =	vst v3;
	v3 =	vadd.s32 v1, v8  }
0x1ba: {  	[tilespmem:$0x170D0] =	vst v3  }
0x1bb: {  	[tilespmem:s16], [sflag:$0x2] =	stream.indirect.gather [hbm4b:s21+s9], $0x80, s19, s9, $0xb8;
	[tilespmem:$0x1F300] =	vst v63  }
0x1bc: {  	_ =	swait.ge [sflag:s17], $0x3000  }
0x1bd: {  	[sflag:s17] =	ssyncset.done $0x0  }
0x1be: {  	s14 =	simm.s32 $0x0;
	[sflag:s17] =	ssyncadd.s32 $0xFFFFD000  }
0x1bf: {  	v3 =	vld [tilespmem:s14+$0x17100]  }
0x1c0: {  	v7 =	vld [tilespmem:s14+$0x14000]  }
0x1c1: {  	v9 =	vld [tilespmem:s14+$0x14010]  }
0x1c2: {  	v8 =	vld [tilespmem:s14+$0x14020]  }
0x1c3: {  	v6 =	vld [tilespmem:s14+$0x14030]  }
0x1c4: {  	v4 =	vld [tilespmem:s14+$0x14040]  }
0x1c5: {  	v5 =	vld [tilespmem:s14+$0x14050];
	v10 =	vmul.f32 v7, v3  }
0x1c6: {  	s12 =	simm.s32 $0x200;
	v9 =	vmul.f32 v9, v3;
	v7 =	vld [tilespmem:s14+$0x14060]  }
.LBB2_15:
0x1c7: {  	s29 =	sshra.s32 s12, $0x2;
	p0 =	sne.s32 s12, $0xBE00;
	[tilespmem:s14+$0x14000] =	vst v10;
	v8 =	vmul.f32 v8, v3;
	v10 =	vld [tilespmem:s14+$0x14070]  }
0x1c8: {  	v11 =	vld [tilespmem:s29+$0x17100];
	[tilespmem:s14+$0x14010] =	vst v9;
	v6 =	vmul.f32 v6, v3  }
0x1c9: {  	v9 =	vld [tilespmem:s29+$0x14000];
	[tilespmem:s14+$0x14020] =	vst v8;
	v4 =	vmul.f32 v4, v3  }
0x1ca: {  	v12 =	vld [tilespmem:s29+$0x14010];
	[tilespmem:s14+$0x14030] =	vst v6;
	v5 =	vmul.f32 v5, v3  }
.Ltmp6:
0x1cb: {  	v8 =	vld [tilespmem:s29+$0x14020];
	[tilespmem:s14+$0x14040] =	vst v4;
	v7 =	vmul.f32 v7, v3;
	(pc) =	sbr.rel @p0 .LBB2_15-.Ltmp6, $4  }
0x1cc: {  	v6 =	vld [tilespmem:s29+$0x14030];
	[tilespmem:s14+$0x14050] =	vst v5;
	v13 =	vmul.f32 v10, v3  }
0x1cd: {  	v4 =	vld [tilespmem:s29+$0x14040];
	[tilespmem:s14+$0x14060] =	vst v7;
	v3 =	vmov v11  }
0x1ce: {  	v10 =	vmul.f32 v9, v3;
	v5 =	vld [tilespmem:s29+$0x14050];
	[tilespmem:s14+$0x14070] =	vst v13;
	s14 =	smov.u32 s29  }
0x1cf: {  	s12 =	sadd.s32 $0x200, s12;
	v9 =	vmul.f32 v12, v3;
	v7 =	vld [tilespmem:s14+$0x14060]  }
0x1d0: {  	[tilespmem:s14+$0x14000] =	vst v10;
	v8 =	vmul.f32 v8, v3;
	v10 =	vld [tilespmem:s14+$0x14070]  }
0x1d1: {  	[tilespmem:s14+$0x14010] =	vst v9;
	v6 =	vmul.f32 v6, v3  }
0x1d2: {  	[tilespmem:s14+$0x14020] =	vst v8;
	v4 =	vmul.f32 v4, v3  }
0x1d3: {  	[tilespmem:s14+$0x14030] =	vst v6;
	v5 =	vmul.f32 v5, v3  }
0x1d4: {  	[tilespmem:s14+$0x14040] =	vst v4;
	v4 =	vmul.f32 v7, v3  }
0x1d5: {  	[tilespmem:s14+$0x14050] =	vst v5;
	v3 =	vmul.f32 v10, v3  }
0x1d6: {  	[tilespmem:s14+$0x14060] =	vst v4  }
0x1d7: {  	[tilespmem:s14+$0x14070] =	vst v3  }
0x1d8: {  	[spmem:s23] =	stream.indirect.scatter.add.f32 [tilespmem:s16], [sflag:$0x2], $0x80, s18, s9, $0xb8;
	[tilespmem:$0x1F300] =	vst v63  }
0x1d9: {  	_ =	swait.ge [sflag:s17], $0x3000  }
0x1da: {  	[sflag:s17] =	ssyncset.done $0x0  }
0x1db: {  	[sflag:s17] =	ssyncadd.s32 $0xFFFFD000  }
0x1dc: {  	_ =	swait.ge [sflag:s24], $0x60  }
0x1dd: {  	[sflag:s24] =	ssyncset.done $0x0  }
0x1de: {  	s12 =	sshll.u32 s6, $0x1;
	[sflag:s24] =	ssyncadd.s32 $0xFFFFFFA0  }
0x1df: {  	s12 =	smin.u32 s12, $0xCD;
	_ =	swait.ge [sflag:s24], $0x60  }
0x1e0: {  	s12 =	smul.u32 $0x60, s12;
	[sflag:s24] =	ssyncset.done $0x0  }
0x1e1: {  	[sflag:s24] =	ssyncadd.s32 $0xFFFFFFA0  }
0x1e2: {  	s12 =	sadd.s32 s12, s11;
	_ =	swait.ge [sflag:s24], $0x3000  }
0x1e3: {  	s14 =	sshrl.u32 s12, $0x3;
	[sflag:s24] =	ssyncset.done $0x0  }
0x1e4: {  	s29 =	sadd.s32 s25, s14;
	[sflag:s24] =	ssyncadd.s32 $0xFFFFD000  }
0x1e5: {  	[tilespmem:s18], [sflag:$0x1] =	stream.linear.gather [hbm4b:s29+s30], $0x60, $0x38;
	[tilespmem:$0x1F300] =	vst v63  }
0x1e6: {  	s12 =	sshll.u32 s12, $0x4;
	s14 =	sadd.s32 s26, s14  }
0x1e7: {  	[tilespmem:s19], [sflag:$0x1] =	stream.linear.gather [hbm4b:s14+s30], $0x60, $0x38;
	[tilespmem:$0x1F300] =	vst v63  }
0x1e8: {  	s12 =	sadd.s32 s28, s12  }
0x1e9: {  	[tilespmem:s22], [sflag:$0x1] =	stream.linear.gather [hbm4b:s12+s30], $0x3000, $0x38;
	[tilespmem:$0x1F300] =	vst v63  }
0x1ea: {  	v3 =	vld [tilespmem:$0x1A180]  }
0x1eb: {  	v4 =	vld [tilespmem:$0x1A190]  }
0x1ec: {  	v5 =	vld [tilespmem:$0x1A1A0]  }
0x1ed: {  	v6 =	vld [tilespmem:$0x1A1B0]  }
0x1ee: {  	v7 =	vld [tilespmem:$0x1A1C0]  }
0x1ef: {  	v8 =	vld [tilespmem:$0x1A1D0];
	v3 =	vadd.s32 v1, v3  }
0x1f0: {  	[tilespmem:$0x1A180] =	vst v3;
	v3 =	vadd.s32 v1, v4  }
0x1f1: {  	[tilespmem:$0x1A190] =	vst v3;
	v3 =	vadd.s32 v1, v5  }
0x1f2: {  	[tilespmem:$0x1A1A0] =	vst v3;
	v3 =	vadd.s32 v1, v6  }
0x1f3: {  	[tilespmem:$0x1A1B0] =	vst v3;
	v3 =	vadd.s32 v1, v7  }
0x1f4: {  	[tilespmem:$0x1A1C0] =	vst v3;
	v3 =	vadd.s32 v1, v8  }
0x1f5: {  	[tilespmem:$0x1A1D0] =	vst v3  }
0x1f6: {  	[tilespmem:s16], [sflag:$0x2] =	stream.indirect.gather [hbm4b:s21+s9], $0x80, s7, s9, $0xb8;
	[tilespmem:$0x1F300] =	vst v63  }
0x1f7: {  	_ =	swait.ge [sflag:s17], $0x3000  }
0x1f8: {  	[sflag:s17] =	ssyncset.done $0x0  }
0x1f9: {  	s14 =	simm.s32 $0x0;
	[sflag:s17] =	ssyncadd.s32 $0xFFFFD000  }
0x1fa: {  	v3 =	vld [tilespmem:s14+$0x1A200]  }
0x1fb: {  	v7 =	vld [tilespmem:s14+$0x14000]  }
0x1fc: {  	v9 =	vld [tilespmem:s14+$0x14010]  }
0x1fd: {  	v8 =	vld [tilespmem:s14+$0x14020]  }
0x1fe: {  	v6 =	vld [tilespmem:s14+$0x14030]  }
0x1ff: {  	v4 =	vld [tilespmem:s14+$0x14040]  }
0x200: {  	v5 =	vld [tilespmem:s14+$0x14050];
	v10 =	vmul.f32 v7, v3  }
0x201: {  	s12 =	simm.s32 $0x200;
	v9 =	vmul.f32 v9, v3;
	v7 =	vld [tilespmem:s14+$0x14060]  }
.LBB2_17:
0x202: {  	s29 =	sshra.s32 s12, $0x2;
	p0 =	sne.s32 s12, $0xBE00;
	[tilespmem:s14+$0x14000] =	vst v10;
	v8 =	vmul.f32 v8, v3;
	v10 =	vld [tilespmem:s14+$0x14070]  }
0x203: {  	v11 =	vld [tilespmem:s29+$0x1A200];
	[tilespmem:s14+$0x14010] =	vst v9;
	v6 =	vmul.f32 v6, v3  }
0x204: {  	v9 =	vld [tilespmem:s29+$0x14000];
	[tilespmem:s14+$0x14020] =	vst v8;
	v4 =	vmul.f32 v4, v3  }
0x205: {  	v12 =	vld [tilespmem:s29+$0x14010];
	[tilespmem:s14+$0x14030] =	vst v6;
	v5 =	vmul.f32 v5, v3  }
.Ltmp7:
0x206: {  	v8 =	vld [tilespmem:s29+$0x14020];
	[tilespmem:s14+$0x14040] =	vst v4;
	v7 =	vmul.f32 v7, v3;
	(pc) =	sbr.rel @p0 .LBB2_17-.Ltmp7, $4  }
0x207: {  	v6 =	vld [tilespmem:s29+$0x14030];
	[tilespmem:s14+$0x14050] =	vst v5;
	v13 =	vmul.f32 v10, v3  }
0x208: {  	v4 =	vld [tilespmem:s29+$0x14040];
	[tilespmem:s14+$0x14060] =	vst v7;
	v3 =	vmov v11  }
0x209: {  	v10 =	vmul.f32 v9, v3;
	v5 =	vld [tilespmem:s29+$0x14050];
	[tilespmem:s14+$0x14070] =	vst v13;
	s14 =	smov.u32 s29  }
0x20a: {  	s12 =	sadd.s32 $0x200, s12;
	v9 =	vmul.f32 v12, v3;
	v7 =	vld [tilespmem:s14+$0x14060]  }
0x20b: {  	[tilespmem:s14+$0x14000] =	vst v10;
	v8 =	vmul.f32 v8, v3;
	v62 =	vld [tilespmem:s14+$0x14070]  }
0x20c: {  	[tilespmem:s14+$0x14010] =	vst v9;
	v6 =	vmul.f32 v6, v3  }
0x20d: {  	[tilespmem:s14+$0x14020] =	vst v8;
	v4 =	vmul.f32 v4, v3  }
0x20e: {  	[tilespmem:s14+$0x14030] =	vst v6;
	v5 =	vmul.f32 v5, v3  }
0x20f: {  	[tilespmem:s14+$0x14040] =	vst v4;
	v63 =	vmul.f32 v7, v3  }
0x210: {  	s6 =	sadd.s32 $0x1, s6;
	[tilespmem:s14+$0x14050] =	vst v5;
	v3 =	vmul.f32 v62, v3  }
0x211: {  	p0 =	sne.s32 s6, $0x68;
	[tilespmem:s14+$0x14060] =	vst v63  }
.Ltmp8:
0x212: {  	[tilespmem:s14+$0x14070] =	vst v3;
	(pc) =	sbr.rel @p0 .LBB2_14-.Ltmp8, $4  }
0x213: {  	[spmem:s23] =	stream.indirect.scatter.add.f32 [tilespmem:s16], [sflag:$0x2], $0x80, s15, s9, $0xb8;
	[tilespmem:$0x1F300] =	vst v63  }
0x214: {  	_ =	swait.ge [sflag:s17], $0x3000  }
0x215: {  	[sflag:s17] =	ssyncset.done $0x0  }
0x216: {  	[sflag:s17] =	ssyncadd.s32 $0xFFFFD000  }
0x217: {  	_ =	swait.ge [sflag:s24], $0x60  }
0x218: {  	[sflag:s24] =	ssyncset.done $0x0  }
0x219: {  	[sflag:s24] =	ssyncadd.s32 $0xFFFFFFA0  }
0x21a: {  	_ =	swait.ge [sflag:s24], $0x60  }
0x21b: {  	[sflag:s24] =	ssyncset.done $0x0  }
0x21c: {  	[sflag:s24] =	ssyncadd.s32 $0xFFFFFFA0  }
0x21d: {  	_ =	swait.ge [sflag:s24], $0x3000  }
0x21e: {  	s6 =	sld [smem:$0x7FA]  }
0x21f: {  	[sflag:s24] =	ssyncset.done $0x0  }
0x220: {  	s5 =	simm.s32 $0x0;
	s12 =	simm.s32 $0x1E200;
	[sflag:s24] =	ssyncadd.s32 $0xFFFFD000  }
0x221: {  	[tilespmem:s12], [sflag:$0x2] =	stream.linear.gather [hbm4b:s6+s5], $0x20, $0x38;
	[tilespmem:$0x1F300] =	vst v63  }
0x222: {  	_ =	swait.ge [sflag:s17], $0x20  }
0x223: {  	s14 =	sld [smem:$0x7FB]  }
0x224: {  	[sflag:s17] =	ssyncset.done $0x0  }
0x225: {  	s12 =	simm.s32 $0x1E280;
	[sflag:s17] =	ssyncadd.s32 $0xFFFFFFE0  }
0x226: {  	[tilespmem:s12], [sflag:$0x2] =	stream.linear.gather [hbm4b:s14+s5], $0x20, $0x38;
	[tilespmem:$0x1F300] =	vst v63  }
0x227: {  	_ =	swait.ge [sflag:s17], $0x20  }
0x228: {  	s29 =	sld [smem:$0x7FC]  }
0x229: {  	[sflag:s17] =	ssyncset.done $0x0  }
0x22a: {  	s14 =	simm.s32 $0x1E300;
	[sflag:s17] =	ssyncadd.s32 $0xFFFFFFE0  }
0x22b: {  	[tilespmem:s14], [sflag:$0x2] =	stream.linear.gather [hbm4b:s29+s5], $0x1000, $0x38;
	[tilespmem:$0x1F300] =	vst v63  }
0x22c: {  	_ =	swait.ge [sflag:s17], $0x1000  }
0x22d: {  	[sflag:s17] =	ssyncset.done $0x0  }
0x22e: {  	[sflag:s17] =	ssyncadd.s32 $0xFFFFF000  }
0x22f: {  	v3 =	vld [tilespmem:$0x1E280]  }
0x230: {  	v4 =	vld [tilespmem:$0x1E290];
	_ =	sdelay $0x3  }
0x231: {  	v3 =	vadd.s32 v1, v3  }
0x232: {  	[tilespmem:$0x1E280] =	vst v3;
	v3 =	vadd.s32 v1, v4  }
0x233: {  	s14 =	simm.s32 $0x20;
	s29 =	simm.s32 $0x1D200;
	[tilespmem:$0x1E290] =	vst v3  }
0x234: {  	[tilespmem:s29], [sflag:$0x2] =	stream.indirect.gather [hbm4b:s21+s14], $0x80, s12, s14, $0xb8;
	[tilespmem:$0x1F300] =	vst v63  }
0x235: {  	_ =	swait.ge [sflag:s17], $0x1000  }
0x236: {  	[sflag:s17] =	ssyncset.done $0x0  }
0x237: {  	s5 =	simm.s32 $0x0;
	[sflag:s17] =	ssyncadd.s32 $0xFFFFF000  }
0x238: {  	v3 =	vld [tilespmem:s5+$0x1E300]  }
0x239: {  	v7 =	vld [tilespmem:s5+$0x1D200]  }
0x23a: {  	v9 =	vld [tilespmem:s5+$0x1D210]  }
0x23b: {  	v8 =	vld [tilespmem:s5+$0x1D220]  }
0x23c: {  	v6 =	vld [tilespmem:s5+$0x1D230]  }
0x23d: {  	v4 =	vld [tilespmem:s5+$0x1D240]  }
0x23e: {  	v5 =	vld [tilespmem:s5+$0x1D250];
	v10 =	vmul.f32 v7, v3  }
0x23f: {  	s6 =	simm.s32 $0x200;
	v9 =	vmul.f32 v9, v3;
	v7 =	vld [tilespmem:s5+$0x1D260]  }
.LBB2_20:
0x240: {  	s12 =	sshra.s32 s6, $0x2;
	p0 =	sne.s32 s6, $0x3E00;
	[tilespmem:s5+$0x1D200] =	vst v10;
	v8 =	vmul.f32 v8, v3;
	v10 =	vld [tilespmem:s5+$0x1D270]  }
0x241: {  	v11 =	vld [tilespmem:s12+$0x1E300];
	[tilespmem:s5+$0x1D210] =	vst v9;
	v6 =	vmul.f32 v6, v3  }
0x242: {  	v9 =	vld [tilespmem:s12+$0x1D200];
	[tilespmem:s5+$0x1D220] =	vst v8;
	v4 =	vmul.f32 v4, v3  }
0x243: {  	v12 =	vld [tilespmem:s12+$0x1D210];
	[tilespmem:s5+$0x1D230] =	vst v6;
	v5 =	vmul.f32 v5, v3  }
.Ltmp9:
0x244: {  	v8 =	vld [tilespmem:s12+$0x1D220];
	[tilespmem:s5+$0x1D240] =	vst v4;
	v7 =	vmul.f32 v7, v3;
	(pc) =	sbr.rel @p0 .LBB2_20-.Ltmp9, $4  }
0x245: {  	v6 =	vld [tilespmem:s12+$0x1D230];
	[tilespmem:s5+$0x1D250] =	vst v5;
	v13 =	vmul.f32 v10, v3  }
0x246: {  	v4 =	vld [tilespmem:s12+$0x1D240];
	[tilespmem:s5+$0x1D260] =	vst v7;
	v3 =	vmov v11  }
0x247: {  	v10 =	vmul.f32 v9, v3;
	v5 =	vld [tilespmem:s12+$0x1D250];
	[tilespmem:s5+$0x1D270] =	vst v13;
	s5 =	smov.u32 s12  }
0x248: {  	s6 =	sadd.s32 $0x200, s6;
	v9 =	vmul.f32 v12, v3;
	v7 =	vld [tilespmem:s5+$0x1D260]  }
0x249: {  	[tilespmem:s5+$0x1D200] =	vst v10;
	v8 =	vmul.f32 v8, v3;
	v62 =	vld [tilespmem:s5+$0x1D270]  }
0x24a: {  	[tilespmem:s5+$0x1D210] =	vst v9;
	v6 =	vmul.f32 v6, v3  }
0x24b: {  	[tilespmem:s5+$0x1D220] =	vst v8;
	v4 =	vmul.f32 v4, v3  }
0x24c: {  	[tilespmem:s5+$0x1D230] =	vst v6;
	v5 =	vmul.f32 v5, v3  }
0x24d: {  	[tilespmem:s5+$0x1D240] =	vst v4;
	v63 =	vmul.f32 v7, v3  }
0x24e: {  	[tilespmem:s5+$0x1D250] =	vst v5;
	v3 =	vmul.f32 v62, v3  }
0x24f: {  	[tilespmem:s5+$0x1D260] =	vst v63  }
0x250: {  	s14 =	simm.s32 $0x1E200;
	s6 =	simm.s32 $0x20;
	s12 =	simm.s32 $0x1D200;
	[tilespmem:s5+$0x1D270] =	vst v3  }
0x251: {  	[spmem:s23] =	stream.indirect.scatter.add.f32 [tilespmem:s12], [sflag:$0x2], $0x80, s14, s6, $0xb8;
	[tilespmem:$0x1F300] =	vst v63  }
0x252: {  	_ =	swait.ge [sflag:s17], $0x1000  }
0x253: {  	[sflag:s17] =	ssyncset.done $0x0  }
0x254: {  	[sflag:s17] =	ssyncadd.s32 $0xFFFFF000  }
0x255: {  	[bflag:$0x0] =	sbarrier.arrive $0xFFFF  }
0x256: {  	s14 =	sld [smem:$0x7F1];
	_ =	sdelay $0x1  }
0x257: {  	s12 =	rddreg [dreg:$0xe]  }
0x258: {  	[hbm:s12], [sflag:s13] =	dma.local [spmem:s14], $0x400  }
0x259: {  	_ =	swait.ge [sflag:s17], $0x400  }
0x25a: {  	s14 =	sld [smem:$0x7F2]  }
0x25b: {  	[sflag:s17] =	ssyncset.done $0x0  }
0x25c: {  	s12 =	rddreg [dreg:$0xf];
	[sflag:s17] =	ssyncadd.s32 $0xFFFFFC00  }
0x25d: {  	[hbm:s12], [sflag:s13] =	dma.local [spmem:s14], $0x400  }
0x25e: {  	_ =	swait.ge [sflag:s17], $0x400  }
0x25f: {  	s14 =	sld [smem:$0x7F3]  }
0x260: {  	[sflag:s17] =	ssyncset.done $0x0  }
0x261: {  	s12 =	rddreg [dreg:$0x10];
	[sflag:s17] =	ssyncadd.s32 $0xFFFFFC00  }
0x262: {  	[hbm:s12], [sflag:s13] =	dma.local [spmem:s14], $0x400  }
0x263: {  	_ =	swait.ge [sflag:s17], $0x400  }
0x264: {  	s12 =	sld [smem:$0x7F4]  }
0x265: {  	[sflag:s17] =	ssyncset.done $0x0  }
0x266: {  	s6 =	rddreg [dreg:$0x11];
	[sflag:s17] =	ssyncadd.s32 $0xFFFFFC00  }
0x267: {  	[hbm:s6], [sflag:s13] =	dma.local [spmem:s12], $0x400  }
0x268: {  	_ =	swait.ge [sflag:s17], $0x400  }
0x269: {  	[sflag:s17] =	ssyncset.done $0x0  }
0x26a: {  	s14 =	rddreg [dreg:$0x12];
	[sflag:s17] =	ssyncadd.s32 $0xFFFFFC00  }
0x26b: {  	[hbm:s14], [sflag:s13] =	dma.local [spmem:s31], $0x400  }
0x26c: {  	_ =	swait.ge [sflag:s17], $0x400  }
0x26d: {  	[sflag:s17] =	ssyncset.done $0x0  }
0x26e: {  	s31 =	rddreg [dreg:$0x13];
	[sflag:s17] =	ssyncadd.s32 $0xFFFFFC00  }
0x26f: {  	[hbm:s31], [sflag:s13] =	dma.local [spmem:s20], $0x400  }
0x270: {  	_ =	swait.ge [sflag:s17], $0x400  }
0x271: {  	[sflag:s17] =	ssyncset.done $0x0  }
0x272: {  	s6 =	rddreg [dreg:$0x14];
	[sflag:s17] =	ssyncadd.s32 $0xFFFFFC00  }
0x273: {  	[hbm:s6], [sflag:s13] =	dma.local [spmem:s0], $0x400  }
0x274: {  	_ =	swait.ge [sflag:s17], $0x400  }
0x275: {  	[sflag:s17] =	ssyncset.done $0x0  }
0x276: {  	s12 =	rddreg [dreg:$0x15];
	[sflag:s17] =	ssyncadd.s32 $0xFFFFFC00  }
0x277: {  	[hbm:s12], [sflag:s13] =	dma.local [spmem:s2], $0x400  }
0x278: {  	_ =	swait.ge [sflag:s17], $0x400  }
0x279: {  	[sflag:s17] =	ssyncset.done $0x0  }
0x27a: {  	s14 =	rddreg [dreg:$0x16];
	[sflag:s17] =	ssyncadd.s32 $0xFFFFFC00  }
0x27b: {  	[hbm:s14], [sflag:s13] =	dma.local [spmem:s3], $0x400  }
0x27c: {  	_ =	swait.ge [sflag:s17], $0x400  }
0x27d: {  	[sflag:s17] =	ssyncset.done $0x0  }
0x27e: {  	s20 =	rddreg [dreg:$0x17];
	[sflag:s17] =	ssyncadd.s32 $0xFFFFFC00  }
0x27f: {  	[hbm:s20], [sflag:s13] =	dma.local [spmem:s4], $0x400  }
0x280: {  	_ =	swait.ge [sflag:s17], $0x400  }
0x281: {  	s31 =	sld [smem:$0x7FD];
	_ =	sdelay $0x1  }
0x282: {  	s1 =	sadd.s32 $0x1, s1  }
0x283: {  	p0 =	sne.s32 s1, s31  }
.Ltmp10:
0x284: {  	_ = 	snop;
	(pc) =	sbr.rel @p0 .LBB2_1-.Ltmp10, $4  }
0x285: {  	[sflag:s17] =	ssyncset.done $0x0  }
0x286: {  	[sflag:s17] =	ssyncadd.s32 $0xFFFFFC00  }
0x287: {  	[bflag:$0x0] =	sbarrier.arrive $0xFFFF  }
0x288: {  	s29 =	rddreg [dreg:$0x18]  }
0x289: {  	_ =	sfence.sel $0x180000  }
0x28a: {  	[bflag:$0x0] =	sbarrier.arrive $0xFFFF  }
0x28b: {  	_ =	strace $0x9000004A  }
0x28c: {  	s0 =	stileid.u32;
	[bflag:$0x2] =	sbarrier.arrive $0xFFFF  }
0x28d: {  	p0 =	sne.s32 s0, $0x0;
	s0 =	rddreg [dreg:$0x3]  }
0x28e: {  	s0 =	sadd.s32 @!p0 $0x100000, s0  }
0x28f: {  	[sflag:s0] =	ssyncadd.tile.s32 @!p0 $0x1;
	_ =	shalt  }
.Lfunc_end2:
_tile_overlayer_lowered:
.L_overlay_start_2:
0x290: {  	(tag) =	ssettag $0x2  }
0x291: {  	s0 =	rddreg [dreg:$0x0];
	s2 =	stileid.u32  }
0x292: {  	s1 =	rddreg [dreg:$0x1];
	p0 =	sne.s32 s2, $0x0  }
0x293: {  	s3 =	rddreg [dreg:$0x2];
	[bflag:$0x3] =	sbarrier.arrive $0xFFFF;
	s2 =	simm.s32 @!p0 $0x1C02  }
0x294: {  	[timem:s3], [sflag:s2] =	dma.local @!p0 [hbm:s0], s1  }
0x295: {  	s0 =	simm.s32 @!p0 $0x2  }
0x296: {  	_ =	swait.ge @!p0 [sflag:s0], s1  }
0x297: {  	s1 =	ssub.s32 @!p0 $0x0, s1;
	[sflag:s0] =	ssyncset.done @!p0 $0x0  }
0x298: {  	[sflag:s0] =	ssyncadd.s32 @!p0 s1  }
0x299: {  	[bflag:$0x3] =	sbarrier.arrive $0xFFFF  }
0x29a: {  	_ =	shalt  }

</sc_bundles>
